<compile_context>
chip_gen: v7x
topology: tpu7x:2x2x1
jax: 0.10.2.dev20260603
libtpu: 0.0.44.dev20260713+nightly
codegen_flags: <defaults>
</compile_context>

<pallas_src>
import functools

import jax
import jax.numpy as jnp
from jax import lax
from jax.experimental import pallas as pl
from jax.experimental.pallas import tpu as pltpu
from jax.experimental.pallas import tpu_sc as plsc

N = 10000
E = 320000
M = 1000
D = 128

_NC = 2
_NS = 16
_NW = _NC * _NS
_CHUNK = 64
_NBUF = 4
_QCHUNKS = 40
_QEDGES = _QCHUNKS * _CHUNK
_NSEC = E // _QEDGES
_SEC_PER_W = -(-_NSEC // _NW)
_N_PAD = 10240
_ROWS_PER_SUB = _N_PAD // _NS

_BR = 400
_NB = N // _BR
_BR2 = 2000
_NB2 = N // _BR2


def _sc_segment_sum(feat_a, edge_index):
    mesh = plsc.VectorSubcoreMesh(core_axis_name="c", subcore_axis_name="s")

    @functools.partial(
        pl.kernel,
        out_type=jax.ShapeDtypeStruct((_NC, _N_PAD, D), jnp.float32),
        mesh=mesh,
        scratch_types=[
            pltpu.VMEM_SHARED((_N_PAD, D), jnp.float32),
        ]
        + [pltpu.VMEM((_QEDGES,), jnp.int32) for _ in range(4)]
        + [pltpu.VMEM((_CHUNK, D), jnp.float32) for _ in range(_NBUF)]
        + [pltpu.VMEM((_CHUNK,), jnp.int32) for _ in range(2 * _NBUF)]
        + [pltpu.SemaphoreType.DMA for _ in range(2 * _NBUF + 2)],
    )
    def seg_sum(feat_hbm, edge_hbm, out_hbm, acc_sh, *bufs):
        srcq = bufs[0:2]
        dstq = bufs[2:4]
        rows = bufs[4:4 + _NBUF]
        srcb = bufs[4 + _NBUF:4 + 2 * _NBUF]
        dstb = bufs[4 + 2 * _NBUF:4 + 3 * _NBUF]
        sems = bufs[4 + 3 * _NBUF:]
        gsem = sems[:_NBUF]
        ssem = sems[_NBUF:2 * _NBUF]
        isem = sems[2 * _NBUF:]
        c = lax.axis_index("c")
        s = lax.axis_index("s")
        w = s * _NC + c

        def load_idx(u, qs, sync):
            off = u * _QEDGES
            for row, vm in ((0, srcq[qs]), (1, dstq[qs])):
                cp = pltpu.make_async_copy(
                    edge_hbm.at[row].at[pl.ds(off, _QEDGES)], vm, isem[qs])
                cp.start()
                if sync:
                    cp.wait()

        def wait_idx(u, qs):
            off = u * _QEDGES
            for row, vm in ((0, srcq[qs]), (1, dstq[qs])):
                pltpu.make_async_copy(
                    edge_hbm.at[row].at[pl.ds(off, _QEDGES)], vm,
                    isem[qs]).wait()

        load_idx(w, 0, False)

        @pl.loop(0, _CHUNK)
        def _(r):
            @pl.loop(0, D // 16)
            def _(k):
                rows[0][r, pl.ds(k * 16, 16)] = jnp.zeros((16,), jnp.float32)

        @pl.loop(0, _ROWS_PER_SUB // _CHUNK)
        def _(k):
            pltpu.sync_copy(
                rows[0], acc_sh.at[pl.ds(s * _ROWS_PER_SUB + k * _CHUNK, _CHUNK)])

        wait_idx(w, 0)

        def stage_idx(slab, buf, j):
            for k in range(_CHUNK // 16):
                buf[pl.ds(k * 16, 16)] = slab[pl.ds(j * _CHUNK + k * 16, 16)]

        def start_gather(sq, j, b):
            stage_idx(sq, srcb[b], j)
            pltpu.async_copy(feat_hbm.at[srcb[b]], rows[b], gsem[b])

        def wait_gather(b):
            pltpu.make_async_copy(feat_hbm.at[srcb[b]], rows[b],
                                  gsem[b]).wait()

        def start_scatter(dq, j, b):
            stage_idx(dq, dstb[b], j)
            pltpu.async_copy(rows[b], acc_sh.at[dstb[b]], ssem[b], add=True)

        def wait_scatter(b):
            pltpu.make_async_copy(rows[b], acc_sh.at[dstb[b]], ssem[b]).wait()

        for b in range(_NBUF - 1):
            start_gather(srcq[0], b, b)

        plsc.subcore_barrier()

        for t in range(_SEC_PER_W):
            qs = t % 2
            sq, dq = srcq[qs], dstq[qs]
            u = w + _NW * t

            @pl.when(u < _NSEC)
            def _():
                if t > 0:
                    wait_idx(u, qs)
                if t + 1 < _SEC_PER_W:
                    nxt = w + _NW * (t + 1)

                    @pl.when(nxt < _NSEC)
                    def _():
                        load_idx(nxt, 1 - qs, False)

                if t > 0:
                    for b in range(_NBUF - 1):
                        start_gather(sq, b, b)

                @pl.loop(0, _QCHUNKS // _NBUF)
                def _(g):
                    for b in range(_NBUF):
                        j = g * _NBUF + b
                        prev_slot = (b - 1) % _NBUF
                        wait_gather(b)

                        @pl.when(j >= 1)
                        def _():
                            wait_scatter(prev_slot)

                        @pl.when(j + _NBUF - 1 < _QCHUNKS)
                        def _():
                            start_gather(sq, j + _NBUF - 1, prev_slot)

                        start_scatter(dq, j, b)

                wait_scatter((_QCHUNKS - 1) % _NBUF)

        plsc.subcore_barrier()

        pltpu.sync_copy(
            acc_sh.at[pl.ds(s * _ROWS_PER_SUB, _ROWS_PER_SUB)],
            out_hbm.at[c].at[pl.ds(s * _ROWS_PER_SUB, _ROWS_PER_SUB)],
        )

    return seg_sum(feat_a, edge_index)


def _tc_partial(feat_a, deg, pm_pd, feat_b, W_prev, W_deg, W_fuse):
    def body(fa, dg, pp, fb, wp, wd, wf, out, fb_proj):
        i = pl.program_id(0)

        @pl.when(i == 0)
        def _():
            fb_proj[...] = jnp.dot(fb[...], wf[...],
                                   preferred_element_type=jnp.float32)

        acc = jnp.dot(fa[...], wp[...], preferred_element_type=jnp.float32)
        acc += jnp.dot(dg[...] * fa[...], wd[...],
                       preferred_element_type=jnp.float32)
        acc += jnp.dot(pp[...], fb_proj[...], preferred_element_type=jnp.float32)
        out[...] = acc

    return pl.pallas_call(
        body,
        grid=(_NB,),
        in_specs=[
            pl.BlockSpec((_BR, D), lambda i: (i, 0)),
            pl.BlockSpec((_BR, 1), lambda i: (i, 0)),
            pl.BlockSpec((_BR, M), lambda i: (i, 0)),
            pl.BlockSpec((M, D), lambda i: (0, 0)),
            pl.BlockSpec((D, D), lambda i: (0, 0)),
            pl.BlockSpec((D, D), lambda i: (0, 0)),
            pl.BlockSpec((D, D), lambda i: (0, 0)),
        ],
        out_specs=pl.BlockSpec((_BR, D), lambda i: (i, 0)),
        out_shape=jax.ShapeDtypeStruct((N, D), jnp.float32),
        scratch_shapes=[pltpu.VMEM((M, D), jnp.float32)],
    )(feat_a, deg, pm_pd, feat_b, W_prev, W_deg, W_fuse)


def _tc_finish(partial, agg2, W_gcn, bias, gamma, beta):
    def body(pt, a01, wg, b, g, bt, out, acc):
        i = pl.program_id(0)
        a = a01[0] + a01[1]
        r = pt[...] + jnp.dot(a, wg[...], preferred_element_type=jnp.float32)
        r = r + b[...]
        out[pl.ds(i * _BR2, _BR2), :] = r

        @pl.when(i == 0)
        def _():
            acc[...] = jnp.zeros_like(acc)

        acc[0:1, :] += jnp.sum(r, axis=0, keepdims=True)
        acc[1:2, :] += jnp.sum(r * r, axis=0, keepdims=True)

        @pl.when(i == _NB2 - 1)
        def _():
            mean = acc[0:1, :] * (1.0 / N)
            var = acc[1:2, :] * (1.0 / N) - mean * mean
            scale = g[...] * lax.rsqrt(var + 1e-5)
            shift = bt[...] - mean * scale
            out[...] = out[...] * scale + shift

    return pl.pallas_call(
        body,
        grid=(_NB2,),
        in_specs=[
            pl.BlockSpec((_BR2, D), lambda i: (i, 0)),
            pl.BlockSpec((_NC, _BR2, D), lambda i: (0, i, 0)),
            pl.BlockSpec((D, D), lambda i: (0, 0)),
            pl.BlockSpec((1, D), lambda i: (0, 0)),
            pl.BlockSpec((1, D), lambda i: (0, 0)),
            pl.BlockSpec((1, D), lambda i: (0, 0)),
        ],
        out_specs=pl.BlockSpec((N, D), lambda i: (0, 0)),
        out_shape=jax.ShapeDtypeStruct((N, D), jnp.float32),
        scratch_shapes=[pltpu.VMEM((8, D), jnp.float32)],
    )(partial, agg2, W_gcn, bias, gamma, beta)


def kernel(feat_a, feat_b, deg, pm_pd, edge_index, W_prev, b_prev, W_deg,
           b_deg, W_gcn, b_gcn, W_fuse, b_fuse, bn_gamma, bn_beta):
    agg2 = _sc_segment_sum(feat_a, edge_index)
    partial = _tc_partial(feat_a, deg, pm_pd, feat_b, W_prev, W_deg, W_fuse)
    bias = (b_prev + b_deg + b_gcn + b_fuse).reshape(1, D)
    return _tc_finish(partial, agg2, W_gcn, bias,
                      bn_gamma.reshape(1, D), bn_beta.reshape(1, D))

# --- scband reference (transcript-rebuilt; emitter-appended) ---
"""Pipeline reference for scband-lgnncore-17291538334057 (READ-ONLY COPY).

The authoritative reference and input builder live on the scoring server;
editing this copy changes nothing except your own understanding.
"""

import jax, jax.numpy as jnp
import numpy as np

N = 10000
E = 320000
M = 1000
IN_FEATS = 128
OUT_FEATS = 128


def setup_inputs(seed: int = 0) -> dict:
    key = jax.random.key(seed)
    ks = jax.random.split(key, 16)
    s = 1.0 / np.sqrt(IN_FEATS)
    inp = {}
    inp["feat_a"] = jax.random.normal(ks[0], (N, IN_FEATS), dtype=jnp.float32)
    inp["feat_b"] = jax.random.normal(ks[1], (M, IN_FEATS), dtype=jnp.float32)
    inp["deg"] = jax.random.uniform(ks[2], (N, 1), dtype=jnp.float32)
    inp["pm_pd"] = jax.random.uniform(ks[3], (N, M), dtype=jnp.float32)
    inp["edge_index"] = jax.random.randint(ks[4], (2, E), 0, N, dtype=jnp.int32)
    inp["W_prev"] = jax.random.normal(ks[5], (IN_FEATS, OUT_FEATS), dtype=jnp.float32) * s
    inp["b_prev"] = jnp.zeros((OUT_FEATS,), dtype=jnp.float32)
    inp["W_deg"] = jax.random.normal(ks[6], (IN_FEATS, OUT_FEATS), dtype=jnp.float32) * s
    inp["b_deg"] = jnp.zeros((OUT_FEATS,), dtype=jnp.float32)
    inp["W_gcn"] = jax.random.normal(ks[7], (IN_FEATS, OUT_FEATS), dtype=jnp.float32) * s
    inp["b_gcn"] = jnp.zeros((OUT_FEATS,), dtype=jnp.float32)
    inp["W_fuse"] = jax.random.normal(ks[8], (IN_FEATS, OUT_FEATS), dtype=jnp.float32) * s
    inp["b_fuse"] = jnp.zeros((OUT_FEATS,), dtype=jnp.float32)
    inp["bn_gamma"] = jnp.ones((OUT_FEATS,), dtype=jnp.float32)
    inp["bn_beta"] = jnp.zeros((OUT_FEATS,), dtype=jnp.float32)
    return inp


def reference(feat_a, feat_b, deg, pm_pd, edge_index, W_prev, b_prev, W_deg, b_deg, W_gcn, b_gcn, W_fuse, b_fuse, bn_gamma, bn_beta):
    # linear_prev(feat_a)
    prev_proj = feat_a @ W_prev + b_prev
    # linear_deg(deg * feat_a)
    deg_proj = (deg * feat_a) @ W_deg + b_deg
    # GCNconv: 1-hop copy-src + sum reduce over graph g, then linear
    src = edge_index[0]
    dst = edge_index[1]
    agg = jax.ops.segment_sum(feat_a[src], dst, num_segments=N)
    radius_proj = agg @ W_gcn + b_gcn
    # linear_fuse(pm_pd @ feat_b)
    fuse = (pm_pd @ feat_b) @ W_fuse + b_fuse
    result = prev_proj + deg_proj + fuse + radius_proj
    n = OUT_FEATS
    # faithful to torch: second slice is empty since result has exactly n cols
    result = jnp.concatenate([result[:, :n], jax.nn.relu(result[:, n:])], axis=1)
    # BatchNorm1d in training mode (batch statistics)
    mean = jnp.mean(result, axis=0)
    var = jnp.var(result, axis=0)
    result = (result - mean) / jnp.sqrt(var + 1e-5) * bn_gamma + bn_beta
    return result

if __name__ == "__main__":
    import jax
    _d = setup_inputs()
    print(jax.jit(kernel)(*tuple(_d.values())))

</pallas_src>

<mosaic_0001>
#map = affine_map<(d0, d1) -> (0, 0)>
#map1 = affine_map<(d0, d1) -> (0, 0, 0)>
module attributes {stable_mosaic.version = 14 : i64} {
  func.func @seg_sum(%arg0: i32, %arg1: i32, %arg2: memref<10000x128xf32, #tpu.memory_space<hbm>>, %arg3: memref<2x320000xi32, #tpu.memory_space<hbm>>, %arg4: memref<2x10240x128xf32, #tpu.memory_space<hbm>>, %arg5: memref<10240x128xf32, #tpu.memory_space<vmem_shared>>, %arg6: memref<2560xi32, #tpu.memory_space<vmem>>, %arg7: memref<2560xi32, #tpu.memory_space<vmem>>, %arg8: memref<2560xi32, #tpu.memory_space<vmem>>, %arg9: memref<2560xi32, #tpu.memory_space<vmem>>, %arg10: memref<64x128xf32, #tpu.memory_space<vmem>>, %arg11: memref<64x128xf32, #tpu.memory_space<vmem>>, %arg12: memref<64x128xf32, #tpu.memory_space<vmem>>, %arg13: memref<64x128xf32, #tpu.memory_space<vmem>>, %arg14: memref<64xi32, #tpu.memory_space<vmem>>, %arg15: memref<64xi32, #tpu.memory_space<vmem>>, %arg16: memref<64xi32, #tpu.memory_space<vmem>>, %arg17: memref<64xi32, #tpu.memory_space<vmem>>, %arg18: memref<64xi32, #tpu.memory_space<vmem>>, %arg19: memref<64xi32, #tpu.memory_space<vmem>>, %arg20: memref<64xi32, #tpu.memory_space<vmem>>, %arg21: memref<64xi32, #tpu.memory_space<vmem>>, %arg22: memref<!tpu.dma_semaphore, #tpu.memory_space<semaphore_mem>>, %arg23: memref<!tpu.dma_semaphore, #tpu.memory_space<semaphore_mem>>, %arg24: memref<!tpu.dma_semaphore, #tpu.memory_space<semaphore_mem>>, %arg25: memref<!tpu.dma_semaphore, #tpu.memory_space<semaphore_mem>>, %arg26: memref<!tpu.dma_semaphore, #tpu.memory_space<semaphore_mem>>, %arg27: memref<!tpu.dma_semaphore, #tpu.memory_space<semaphore_mem>>, %arg28: memref<!tpu.dma_semaphore, #tpu.memory_space<semaphore_mem>>, %arg29: memref<!tpu.dma_semaphore, #tpu.memory_space<semaphore_mem>>, %arg30: memref<!tpu.dma_semaphore, #tpu.memory_space<semaphore_mem>>, %arg31: memref<!tpu.dma_semaphore, #tpu.memory_space<semaphore_mem>>) attributes {dimension_semantics = [#tpu.dimension_semantics<core_parallel>, #tpu.dimension_semantics<subcore_parallel>], iteration_bounds = array<i64: 2, 16>, scalar_prefetch = 0 : i64, scratch_operands = 27 : i64, tpu.core_type = #tpu.core_type<sc_vector_subcore>, window_params = [{transform_indices = #map}, {transform_indices = #map}, {transform_indices = #map1}]} {
    %mul3A = arith.constant 2 : i32
    %mul3A_0 = arith.muli %arg1, %mul3A : i32
    %add3A = arith.addi %mul3A_0, %arg0 : i32
    %mul3A_1 = arith.constant 2560 : i32
    %mul3A_2 = arith.muli %add3A, %mul3A_1 : i32
    %dma_start3A = arith.constant 0 : i32
    %dma_start3A_3 = arith.constant 0 : i32
    %dma_start3A_4 = tpu.memref_slice %arg3[%dma_start3A, %dma_start3A_3] : memref<2x320000xi32, #tpu.memory_space<hbm>> -> memref<1x320000xi32, #tpu.memory_space<hbm>>
    %dma_start3A_5 = tpu.memref_squeeze %dma_start3A_4 : memref<1x320000xi32, #tpu.memory_space<hbm>> -> memref<320000xi32, #tpu.memory_space<hbm>>
    %dma_start3A_6 = tpu.memref_slice %dma_start3A_5[%mul3A_2] : memref<320000xi32, #tpu.memory_space<hbm>> -> memref<2560xi32, #tpu.memory_space<hbm>>
    %dma_start3A_7 = arith.constant 0 : i32
    %dma_start3A_8 = tpu.memref_slice %arg3[%dma_start3A, %dma_start3A_7] : memref<2x320000xi32, #tpu.memory_space<hbm>> -> memref<1x320000xi32, #tpu.memory_space<hbm>>
    %dma_start3A_9 = tpu.memref_squeeze %dma_start3A_8 : memref<1x320000xi32, #tpu.memory_space<hbm>> -> memref<320000xi32, #tpu.memory_space<hbm>>
    %dma_start3A_10 = tpu.memref_slice %dma_start3A_9[%mul3A_2] : memref<320000xi32, #tpu.memory_space<hbm>> -> memref<2560xi32, #tpu.memory_space<hbm>>
    tpu.enqueue_dma source(%dma_start3A_10 : memref<2560xi32, #tpu.memory_space<hbm>>) target(%arg6 : memref<2560xi32, #tpu.memory_space<vmem>>) target_semaphore(%arg30 : memref<!tpu.dma_semaphore, #tpu.memory_space<semaphore_mem>>)
    %dma_start3A_11 = arith.constant 1 : i32
    %dma_start3A_12 = arith.constant 0 : i32
    %dma_start3A_13 = tpu.memref_slice %arg3[%dma_start3A_11, %dma_start3A_12] : memref<2x320000xi32, #tpu.memory_space<hbm>> -> memref<1x320000xi32, #tpu.memory_space<hbm>>
    %dma_start3A_14 = tpu.memref_squeeze %dma_start3A_13 : memref<1x320000xi32, #tpu.memory_space<hbm>> -> memref<320000xi32, #tpu.memory_space<hbm>>
    %dma_start3A_15 = tpu.memref_slice %dma_start3A_14[%mul3A_2] : memref<320000xi32, #tpu.memory_space<hbm>> -> memref<2560xi32, #tpu.memory_space<hbm>>
    %dma_start3A_16 = arith.constant 0 : i32
    %dma_start3A_17 = tpu.memref_slice %arg3[%dma_start3A_11, %dma_start3A_16] : memref<2x320000xi32, #tpu.memory_space<hbm>> -> memref<1x320000xi32, #tpu.memory_space<hbm>>
    %dma_start3A_18 = tpu.memref_squeeze %dma_start3A_17 : memref<1x320000xi32, #tpu.memory_space<hbm>> -> memref<320000xi32, #tpu.memory_space<hbm>>
    %dma_start3A_19 = tpu.memref_slice %dma_start3A_18[%mul3A_2] : memref<320000xi32, #tpu.memory_space<hbm>> -> memref<2560xi32, #tpu.memory_space<hbm>>
    tpu.enqueue_dma source(%dma_start3A_19 : memref<2560xi32, #tpu.memory_space<hbm>>) target(%arg8 : memref<2560xi32, #tpu.memory_space<vmem>>) target_semaphore(%arg30 : memref<!tpu.dma_semaphore, #tpu.memory_space<semaphore_mem>>)
    %scan3A = arith.constant 0 : i32
    %scan3A_20 = arith.constant 64 : i32
    %scan3A_21 = arith.addi %scan3A, %scan3A_20 : i32
    %scan3A_22 = arith.constant 1 : i32
    scf.for %scan3A_169 = %scan3A to %scan3A_21 step %scan3A_22  : i32 {
      %mul3A_170 = arith.constant 1 : i32
      %mul3A_171 = arith.muli %scan3A_169, %mul3A_170 : i32
      %add3A_172 = arith.constant 0 : i32
      %add3A_173 = arith.addi %add3A_172, %mul3A_171 : i32
      %scan3A_174 = arith.constant 0 : i32
      %scan3A_175 = arith.constant 8 : i32
      %scan3A_176 = arith.addi %scan3A_174, %scan3A_175 : i32
      %scan3A_177 = arith.constant 1 : i32
      scf.for %scan3A_179 = %scan3A_174 to %scan3A_176 step %scan3A_177  : i32 {
        %mul3A_180 = arith.constant 1 : i32
        %mul3A_181 = arith.muli %scan3A_179, %mul3A_180 : i32
        %add3A_182 = arith.constant 0 : i32
        %add3A_183 = arith.addi %add3A_182, %mul3A_181 : i32
        %broadcast_in_dim3A = arith.constant 0.000000e+00 : f32
        %broadcast_in_dim3A_184 = vector.broadcast %broadcast_in_dim3A : f32 to vector<16xf32>
        %mul3A_185 = arith.constant 16 : i32
        %mul3A_186 = arith.muli %add3A_183, %mul3A_185 : i32
        %swap3A_187 = arith.index_cast %add3A_173 : i32 to index
        %swap3A_188 = arith.index_cast %mul3A_186 : i32 to index
        %swap3A_189 = tpu.vector_load %arg10[%swap3A_187, %swap3A_188] {strides = array<i32>} : memref<64x128xf32, #tpu.memory_space<vmem>>, vector<1x16xf32>,
        %swap3A_190 = vector.shape_cast %swap3A_189 : vector<1x16xf32> to vector<16xf32>
        %swap3A_191 = vector.shape_cast %broadcast_in_dim3A_184 : vector<16xf32> to vector<1x16xf32>
        tpu.vector_store %arg10[%swap3A_187, %swap3A_188], %swap3A_191 {strides = array<i32>} : memref<64x128xf32, #tpu.memory_space<vmem>>, vector<1x16xf32>,
      }
      %scan3A_178 = arith.constant 8 : i32
    }
    %scan3A_23 = arith.constant 64 : i32
    %scan3A_24 = arith.constant 0 : i32
    %scan3A_25 = arith.constant 10 : i32
    %scan3A_26 = arith.addi %scan3A_24, %scan3A_25 : i32
    %scan3A_27 = arith.constant 1 : i32
    scf.for %scan3A_169 = %scan3A_24 to %scan3A_26 step %scan3A_27  : i32 {
      %mul3A_170 = arith.constant 1 : i32
      %mul3A_171 = arith.muli %scan3A_169, %mul3A_170 : i32
      %add3A_172 = arith.constant 0 : i32
      %add3A_173 = arith.addi %add3A_172, %mul3A_171 : i32
      %mul3A_174 = arith.constant 640 : i32
      %mul3A_175 = arith.muli %arg1, %mul3A_174 : i32
      %mul3A_176 = arith.constant 64 : i32
      %mul3A_177 = arith.muli %add3A_173, %mul3A_176 : i32
      %add3A_178 = arith.addi %mul3A_175, %mul3A_177 : i32
      "tpu.region"() ({
        %run_scoped3A = tpu.sem_alloc : memref<!tpu.dma_semaphore, #tpu.memory_space<semaphore_mem>>
        %dma_start3A_179 = arith.constant 0 : i32
        %dma_start3A_180 = tpu.memref_slice %arg5[%add3A_178, %dma_start3A_179] : memref<10240x128xf32, #tpu.memory_space<vmem_shared>> -> memref<64x128xf32, #tpu.memory_space<vmem_shared>>
        %dma_start3A_181 = arith.constant 0 : i32
        %dma_start3A_182 = tpu.memref_slice %arg5[%add3A_178, %dma_start3A_181] : memref<10240x128xf32, #tpu.memory_space<vmem_shared>> -> memref<64x128xf32, #tpu.memory_space<vmem_shared>>
        tpu.enqueue_dma source(%arg10 : memref<64x128xf32, #tpu.memory_space<vmem>>) target(%dma_start3A_182 : memref<64x128xf32, #tpu.memory_space<vmem_shared>>) target_semaphore(%run_scoped3A : memref<!tpu.dma_semaphore, #tpu.memory_space<semaphore_mem>>)
        %dma_wait3A_183 = arith.constant 0 : i32
        %dma_wait3A_184 = tpu.memref_slice %arg5[%add3A_178, %dma_wait3A_183] : memref<10240x128xf32, #tpu.memory_space<vmem_shared>> -> memref<64x128xf32, #tpu.memory_space<vmem_shared>>
        %dma_wait3A_185 = arith.constant 0 : i32
        %dma_wait3A_186 = tpu.memref_slice %arg5[%add3A_178, %dma_wait3A_185] : memref<10240x128xf32, #tpu.memory_space<vmem_shared>> -> memref<64x128xf32, #tpu.memory_space<vmem_shared>>
        tpu.wait_dma2 semaphore(%run_scoped3A : memref<!tpu.dma_semaphore, #tpu.memory_space<semaphore_mem>>) src(%arg10 : memref<64x128xf32, #tpu.memory_space<vmem>>) dst(%dma_wait3A_186 : memref<64x128xf32, #tpu.memory_space<vmem_shared>>)
        tpu.yield
      }) : () -> ()
    }
    %scan3A_28 = arith.constant 10 : i32
    %mul3A_29 = arith.constant 2560 : i32
    %mul3A_30 = arith.muli %add3A, %mul3A_29 : i32
    %dma_wait3A = arith.constant 0 : i32
    %dma_wait3A_31 = arith.constant 0 : i32
    %dma_wait3A_32 = tpu.memref_slice %arg3[%dma_wait3A, %dma_wait3A_31] : memref<2x320000xi32, #tpu.memory_space<hbm>> -> memref<1x320000xi32, #tpu.memory_space<hbm>>
    %dma_wait3A_33 = tpu.memref_squeeze %dma_wait3A_32 : memref<1x320000xi32, #tpu.memory_space<hbm>> -> memref<320000xi32, #tpu.memory_space<hbm>>
    %dma_wait3A_34 = tpu.memref_slice %dma_wait3A_33[%mul3A_30] : memref<320000xi32, #tpu.memory_space<hbm>> -> memref<2560xi32, #tpu.memory_space<hbm>>
    %dma_wait3A_35 = arith.constant 0 : i32
    %dma_wait3A_36 = tpu.memref_slice %arg3[%dma_wait3A, %dma_wait3A_35] : memref<2x320000xi32, #tpu.memory_space<hbm>> -> memref<1x320000xi32, #tpu.memory_space<hbm>>
    %dma_wait3A_37 = tpu.memref_squeeze %dma_wait3A_36 : memref<1x320000xi32, #tpu.memory_space<hbm>> -> memref<320000xi32, #tpu.memory_space<hbm>>
    %dma_wait3A_38 = tpu.memref_slice %dma_wait3A_37[%mul3A_30] : memref<320000xi32, #tpu.memory_space<hbm>> -> memref<2560xi32, #tpu.memory_space<hbm>>
    tpu.wait_dma2 semaphore(%arg30 : memref<!tpu.dma_semaphore, #tpu.memory_space<semaphore_mem>>) src(%dma_wait3A_38 : memref<2560xi32, #tpu.memory_space<hbm>>) dst(%arg6 : memref<2560xi32, #tpu.memory_space<vmem>>)
    %dma_wait3A_39 = arith.constant 1 : i32
    %dma_wait3A_40 = arith.constant 0 : i32
    %dma_wait3A_41 = tpu.memref_slice %arg3[%dma_wait3A_39, %dma_wait3A_40] : memref<2x320000xi32, #tpu.memory_space<hbm>> -> memref<1x320000xi32, #tpu.memory_space<hbm>>
    %dma_wait3A_42 = tpu.memref_squeeze %dma_wait3A_41 : memref<1x320000xi32, #tpu.memory_space<hbm>> -> memref<320000xi32, #tpu.memory_space<hbm>>
    %dma_wait3A_43 = tpu.memref_slice %dma_wait3A_42[%mul3A_30] : memref<320000xi32, #tpu.memory_space<hbm>> -> memref<2560xi32, #tpu.memory_space<hbm>>
    %dma_wait3A_44 = arith.constant 0 : i32
    %dma_wait3A_45 = tpu.memref_slice %arg3[%dma_wait3A_39, %dma_wait3A_44] : memref<2x320000xi32, #tpu.memory_space<hbm>> -> memref<1x320000xi32, #tpu.memory_space<hbm>>
    %dma_wait3A_46 = tpu.memref_squeeze %dma_wait3A_45 : memref<1x320000xi32, #tpu.memory_space<hbm>> -> memref<320000xi32, #tpu.memory_space<hbm>>
    %dma_wait3A_47 = tpu.memref_slice %dma_wait3A_46[%mul3A_30] : memref<320000xi32, #tpu.memory_space<hbm>> -> memref<2560xi32, #tpu.memory_space<hbm>>
    tpu.wait_dma2 semaphore(%arg30 : memref<!tpu.dma_semaphore, #tpu.memory_space<semaphore_mem>>) src(%dma_wait3A_47 : memref<2560xi32, #tpu.memory_space<hbm>>) dst(%arg8 : memref<2560xi32, #tpu.memory_space<vmem>>)
    %get3A = arith.constant 0 : index
    %get3A_48 = tpu.vector_load %arg6[%get3A] {strides = array<i32>} : memref<2560xi32, #tpu.memory_space<vmem>>, vector<16xi32>,
    %get3A_49 = vector.shape_cast %get3A_48 : vector<16xi32> to vector<16xi32>
    %swap3A = arith.constant 0 : index
    %swap3A_50 = tpu.vector_load %arg14[%swap3A] {strides = array<i32>} : memref<64xi32, #tpu.memory_space<vmem>>, vector<16xi32>,
    %swap3A_51 = vector.shape_cast %swap3A_50 : vector<16xi32> to vector<16xi32>
    %swap3A_52 = vector.shape_cast %get3A_49 : vector<16xi32> to vector<16xi32>
    tpu.vector_store %arg14[%swap3A], %swap3A_52 {strides = array<i32>} : memref<64xi32, #tpu.memory_space<vmem>>, vector<16xi32>,
    %get3A_53 = arith.constant 16 : index
    %get3A_54 = tpu.vector_load %arg6[%get3A_53] {strides = array<i32>} : memref<2560xi32, #tpu.memory_space<vmem>>, vector<16xi32>,
    %get3A_55 = vector.shape_cast %get3A_54 : vector<16xi32> to vector<16xi32>
    %swap3A_56 = arith.constant 16 : index
    %swap3A_57 = tpu.vector_load %arg14[%swap3A_56] {strides = array<i32>} : memref<64xi32, #tpu.memory_space<vmem>>, vector<16xi32>,
    %swap3A_58 = vector.shape_cast %swap3A_57 : vector<16xi32> to vector<16xi32>
    %swap3A_59 = vector.shape_cast %get3A_55 : vector<16xi32> to vector<16xi32>
    tpu.vector_store %arg14[%swap3A_56], %swap3A_59 {strides = array<i32>} : memref<64xi32, #tpu.memory_space<vmem>>, vector<16xi32>,
    %get3A_60 = arith.constant 32 : index
    %get3A_61 = tpu.vector_load %arg6[%get3A_60] {strides = array<i32>} : memref<2560xi32, #tpu.memory_space<vmem>>, vector<16xi32>,
    %get3A_62 = vector.shape_cast %get3A_61 : vector<16xi32> to vector<16xi32>
    %swap3A_63 = arith.constant 32 : index
    %swap3A_64 = tpu.vector_load %arg14[%swap3A_63] {strides = array<i32>} : memref<64xi32, #tpu.memory_space<vmem>>, vector<16xi32>,
    %swap3A_65 = vector.shape_cast %swap3A_64 : vector<16xi32> to vector<16xi32>
    %swap3A_66 = vector.shape_cast %get3A_62 : vector<16xi32> to vector<16xi32>
    tpu.vector_store %arg14[%swap3A_63], %swap3A_66 {strides = array<i32>} : memref<64xi32, #tpu.memory_space<vmem>>, vector<16xi32>,
    %get3A_67 = arith.constant 48 : index
    %get3A_68 = tpu.vector_load %arg6[%get3A_67] {strides = array<i32>} : memref<2560xi32, #tpu.memory_space<vmem>>, vector<16xi32>,
    %get3A_69 = vector.shape_cast %get3A_68 : vector<16xi32> to vector<16xi32>
    %swap3A_70 = arith.constant 48 : index
    %swap3A_71 = tpu.vector_load %arg14[%swap3A_70] {strides = array<i32>} : memref<64xi32, #tpu.memory_space<vmem>>, vector<16xi32>,
    %swap3A_72 = vector.shape_cast %swap3A_71 : vector<16xi32> to vector<16xi32>
    %swap3A_73 = vector.shape_cast %get3A_69 : vector<16xi32> to vector<16xi32>
    tpu.vector_store %arg14[%swap3A_70], %swap3A_73 {strides = array<i32>} : memref<64xi32, #tpu.memory_space<vmem>>, vector<16xi32>,
    %dma_start3A_74 = arith.constant 0 : i32
    %dma_start3A_75 = arith.constant 0 : i32
    %dma_start3A_76 = tpu.memref_slice %arg2[%dma_start3A_74, %dma_start3A_75] : memref<10000x128xf32, #tpu.memory_space<hbm>> -> memref<10000x128xf32, #tpu.memory_space<hbm>>
    tpu.enqueue_indirect_dma source(%dma_start3A_76 : memref<10000x128xf32, #tpu.memory_space<hbm>>) target(%arg10 : memref<64x128xf32, #tpu.memory_space<vmem>>) offsets(%arg14 : memref<64xi32, #tpu.memory_space<vmem>>) semaphore(%arg22 : memref<!tpu.dma_semaphore, #tpu.memory_space<semaphore_mem>>)
    %get3A_77 = arith.constant 64 : index
    %get3A_78 = tpu.vector_load %arg6[%get3A_77] {strides = array<i32>} : memref<2560xi32, #tpu.memory_space<vmem>>, vector<16xi32>,
    %get3A_79 = vector.shape_cast %get3A_78 : vector<16xi32> to vector<16xi32>
    %swap3A_80 = arith.constant 0 : index
    %swap3A_81 = tpu.vector_load %arg15[%swap3A_80] {strides = array<i32>} : memref<64xi32, #tpu.memory_space<vmem>>, vector<16xi32>,
    %swap3A_82 = vector.shape_cast %swap3A_81 : vector<16xi32> to vector<16xi32>
    %swap3A_83 = vector.shape_cast %get3A_79 : vector<16xi32> to vector<16xi32>
    tpu.vector_store %arg15[%swap3A_80], %swap3A_83 {strides = array<i32>} : memref<64xi32, #tpu.memory_space<vmem>>, vector<16xi32>,
    %get3A_84 = arith.constant 80 : index
    %get3A_85 = tpu.vector_load %arg6[%get3A_84] {strides = array<i32>} : memref<2560xi32, #tpu.memory_space<vmem>>, vector<16xi32>,
    %get3A_86 = vector.shape_cast %get3A_85 : vector<16xi32> to vector<16xi32>
    %swap3A_87 = arith.constant 16 : index
    %swap3A_88 = tpu.vector_load %arg15[%swap3A_87] {strides = array<i32>} : memref<64xi32, #tpu.memory_space<vmem>>, vector<16xi32>,
    %swap3A_89 = vector.shape_cast %swap3A_88 : vector<16xi32> to vector<16xi32>
    %swap3A_90 = vector.shape_cast %get3A_86 : vector<16xi32> to vector<16xi32>
    tpu.vector_store %arg15[%swap3A_87], %swap3A_90 {strides = array<i32>} : memref<64xi32, #tpu.memory_space<vmem>>, vector<16xi32>,
    %get3A_91 = arith.constant 96 : index
    %get3A_92 = tpu.vector_load %arg6[%get3A_91] {strides = array<i32>} : memref<2560xi32, #tpu.memory_space<vmem>>, vector<16xi32>,
    %get3A_93 = vector.shape_cast %get3A_92 : vector<16xi32> to vector<16xi32>
    %swap3A_94 = arith.constant 32 : index
    %swap3A_95 = tpu.vector_load %arg15[%swap3A_94] {strides = array<i32>} : memref<64xi32, #tpu.memory_space<vmem>>, vector<16xi32>,
    %swap3A_96 = vector.shape_cast %swap3A_95 : vector<16xi32> to vector<16xi32>
    %swap3A_97 = vector.shape_cast %get3A_93 : vector<16xi32> to vector<16xi32>
    tpu.vector_store %arg15[%swap3A_94], %swap3A_97 {strides = array<i32>} : memref<64xi32, #tpu.memory_space<vmem>>, vector<16xi32>,
    %get3A_98 = arith.constant 112 : index
    %get3A_99 = tpu.vector_load %arg6[%get3A_98] {strides = array<i32>} : memref<2560xi32, #tpu.memory_space<vmem>>, vector<16xi32>,
    %get3A_100 = vector.shape_cast %get3A_99 : vector<16xi32> to vector<16xi32>
    %swap3A_101 = arith.constant 48 : index
    %swap3A_102 = tpu.vector_load %arg15[%swap3A_101] {strides = array<i32>} : memref<64xi32, #tpu.memory_space<vmem>>, vector<16xi32>,
    %swap3A_103 = vector.shape_cast %swap3A_102 : vector<16xi32> to vector<16xi32>
    %swap3A_104 = vector.shape_cast %get3A_100 : vector<16xi32> to vector<16xi32>
    tpu.vector_store %arg15[%swap3A_101], %swap3A_104 {strides = array<i32>} : memref<64xi32, #tpu.memory_space<vmem>>, vector<16xi32>,
    %dma_start3A_105 = arith.constant 0 : i32
    %dma_start3A_106 = arith.constant 0 : i32
    %dma_start3A_107 = tpu.memref_slice %arg2[%dma_start3A_105, %dma_start3A_106] : memref<10000x128xf32, #tpu.memory_space<hbm>> -> memref<10000x128xf32, #tpu.memory_space<hbm>>
    tpu.enqueue_indirect_dma source(%dma_start3A_107 : memref<10000x128xf32, #tpu.memory_space<hbm>>) target(%arg11 : memref<64x128xf32, #tpu.memory_space<vmem>>) offsets(%arg15 : memref<64xi32, #tpu.memory_space<vmem>>) semaphore(%arg23 : memref<!tpu.dma_semaphore, #tpu.memory_space<semaphore_mem>>)
    %get3A_108 = arith.constant 128 : index
    %get3A_109 = tpu.vector_load %arg6[%get3A_108] {strides = array<i32>} : memref<2560xi32, #tpu.memory_space<vmem>>, vector<16xi32>,
    %get3A_110 = vector.shape_cast %get3A_109 : vector<16xi32> to vector<16xi32>
    %swap3A_111 = arith.constant 0 : index
    %swap3A_112 = tpu.vector_load %arg16[%swap3A_111] {strides = array<i32>} : memref<64xi32, #tpu.memory_space<vmem>>, vector<16xi32>,
    %swap3A_113 = vector.shape_cast %swap3A_112 : vector<16xi32> to vector<16xi32>
    %swap3A_114 = vector.shape_cast %get3A_110 : vector<16xi32> to vector<16xi32>
    tpu.vector_store %arg16[%swap3A_111], %swap3A_114 {strides = array<i32>} : memref<64xi32, #tpu.memory_space<vmem>>, vector<16xi32>,
    %get3A_115 = arith.constant 144 : index
    %get3A_116 = tpu.vector_load %arg6[%get3A_115] {strides = array<i32>} : memref<2560xi32, #tpu.memory_space<vmem>>, vector<16xi32>,
    %get3A_117 = vector.shape_cast %get3A_116 : vector<16xi32> to vector<16xi32>
    %swap3A_118 = arith.constant 16 : index
    %swap3A_119 = tpu.vector_load %arg16[%swap3A_118] {strides = array<i32>} : memref<64xi32, #tpu.memory_space<vmem>>, vector<16xi32>,
    %swap3A_120 = vector.shape_cast %swap3A_119 : vector<16xi32> to vector<16xi32>
    %swap3A_121 = vector.shape_cast %get3A_117 : vector<16xi32> to vector<16xi32>
    tpu.vector_store %arg16[%swap3A_118], %swap3A_121 {strides = array<i32>} : memref<64xi32, #tpu.memory_space<vmem>>, vector<16xi32>,
    %get3A_122 = arith.constant 160 : index
    %get3A_123 = tpu.vector_load %arg6[%get3A_122] {strides = array<i32>} : memref<2560xi32, #tpu.memory_space<vmem>>, vector<16xi32>,
    %get3A_124 = vector.shape_cast %get3A_123 : vector<16xi32> to vector<16xi32>
    %swap3A_125 = arith.constant 32 : index
    %swap3A_126 = tpu.vector_load %arg16[%swap3A_125] {strides = array<i32>} : memref<64xi32, #tpu.memory_space<vmem>>, vector<16xi32>,
    %swap3A_127 = vector.shape_cast %swap3A_126 : vector<16xi32> to vector<16xi32>
    %swap3A_128 = vector.shape_cast %get3A_124 : vector<16xi32> to vector<16xi32>
    tpu.vector_store %arg16[%swap3A_125], %swap3A_128 {strides = array<i32>} : memref<64xi32, #tpu.memory_space<vmem>>, vector<16xi32>,
    %get3A_129 = arith.constant 176 : index
    %get3A_130 = tpu.vector_load %arg6[%get3A_129] {strides = array<i32>} : memref<2560xi32, #tpu.memory_space<vmem>>, vector<16xi32>,
    %get3A_131 = vector.shape_cast %get3A_130 : vector<16xi32> to vector<16xi32>
    %swap3A_132 = arith.constant 48 : index
    %swap3A_133 = tpu.vector_load %arg16[%swap3A_132] {strides = array<i32>} : memref<64xi32, #tpu.memory_space<vmem>>, vector<16xi32>,
    %swap3A_134 = vector.shape_cast %swap3A_133 : vector<16xi32> to vector<16xi32>
    %swap3A_135 = vector.shape_cast %get3A_131 : vector<16xi32> to vector<16xi32>
    tpu.vector_store %arg16[%swap3A_132], %swap3A_135 {strides = array<i32>} : memref<64xi32, #tpu.memory_space<vmem>>, vector<16xi32>,
    %dma_start3A_136 = arith.constant 0 : i32
    %dma_start3A_137 = arith.constant 0 : i32
    %dma_start3A_138 = tpu.memref_slice %arg2[%dma_start3A_136, %dma_start3A_137] : memref<10000x128xf32, #tpu.memory_space<hbm>> -> memref<10000x128xf32, #tpu.memory_space<hbm>>
    tpu.enqueue_indirect_dma source(%dma_start3A_138 : memref<10000x128xf32, #tpu.memory_space<hbm>>) target(%arg12 : memref<64x128xf32, #tpu.memory_space<vmem>>) offsets(%arg16 : memref<64xi32, #tpu.memory_space<vmem>>) semaphore(%arg24 : memref<!tpu.dma_semaphore, #tpu.memory_space<semaphore_mem>>)
    %barrier3A = arith.constant 0 : index
    tpu.barrier barrier_id(%barrier3A)
    %add3A_139 = arith.constant 0 : i32
    %add3A_140 = arith.addi %add3A, %add3A_139 : i32
    %lt3A = arith.constant 125 : i32
    %lt3A_141 = arith.cmpi slt, %add3A_140, %lt3A : i32
    %convert_element_type3A = arith.extui %lt3A_141 : i1 to i32
    %cond3A = arith.constant 0 : i32
    %cond3A_142 = arith.cmpi ne, %convert_element_type3A, %cond3A : i32
    scf.if %cond3A_142 {
      %add3A_169 = arith.constant 32 : i32
      %add3A_170 = arith.addi %add3A, %add3A_169 : i32
      %lt3A_171 = arith.constant 125 : i32
      %lt3A_172 = arith.cmpi slt, %add3A_170, %lt3A_171 : i32
      %convert_element_type3A_173 = arith.extui %lt3A_172 : i1 to i32
      %cond3A_174 = arith.constant 0 : i32
      %cond3A_175 = arith.cmpi ne, %convert_element_type3A_173, %cond3A_174 : i32
      scf.if %cond3A_175 {
        %mul3A_184 = arith.constant 2560 : i32
        %mul3A_185 = arith.muli %add3A_170, %mul3A_184 : i32
        %dma_start3A_186 = arith.constant 0 : i32
        %dma_start3A_187 = arith.constant 0 : i32
        %dma_start3A_188 = tpu.memref_slice %arg3[%dma_start3A_186, %dma_start3A_187] : memref<2x320000xi32, #tpu.memory_space<hbm>> -> memref<1x320000xi32, #tpu.memory_space<hbm>>
        %dma_start3A_189 = tpu.memref_squeeze %dma_start3A_188 : memref<1x320000xi32, #tpu.memory_space<hbm>> -> memref<320000xi32, #tpu.memory_space<hbm>>
        %dma_start3A_190 = tpu.memref_slice %dma_start3A_189[%mul3A_185] : memref<320000xi32, #tpu.memory_space<hbm>> -> memref<2560xi32, #tpu.memory_space<hbm>>
        %dma_start3A_191 = arith.constant 0 : i32
        %dma_start3A_192 = tpu.memref_slice %arg3[%dma_start3A_186, %dma_start3A_191] : memref<2x320000xi32, #tpu.memory_space<hbm>> -> memref<1x320000xi32, #tpu.memory_space<hbm>>
        %dma_start3A_193 = tpu.memref_squeeze %dma_start3A_192 : memref<1x320000xi32, #tpu.memory_space<hbm>> -> memref<320000xi32, #tpu.memory_space<hbm>>
        %dma_start3A_194 = tpu.memref_slice %dma_start3A_193[%mul3A_185] : memref<320000xi32, #tpu.memory_space<hbm>> -> memref<2560xi32, #tpu.memory_space<hbm>>
        tpu.enqueue_dma source(%dma_start3A_194 : memref<2560xi32, #tpu.memory_space<hbm>>) target(%arg7 : memref<2560xi32, #tpu.memory_space<vmem>>) target_semaphore(%arg31 : memref<!tpu.dma_semaphore, #tpu.memory_space<semaphore_mem>>)
        %dma_start3A_195 = arith.constant 1 : i32
        %dma_start3A_196 = arith.constant 0 : i32
        %dma_start3A_197 = tpu.memref_slice %arg3[%dma_start3A_195, %dma_start3A_196] : memref<2x320000xi32, #tpu.memory_space<hbm>> -> memref<1x320000xi32, #tpu.memory_space<hbm>>
        %dma_start3A_198 = tpu.memref_squeeze %dma_start3A_197 : memref<1x320000xi32, #tpu.memory_space<hbm>> -> memref<320000xi32, #tpu.memory_space<hbm>>
        %dma_start3A_199 = tpu.memref_slice %dma_start3A_198[%mul3A_185] : memref<320000xi32, #tpu.memory_space<hbm>> -> memref<2560xi32, #tpu.memory_space<hbm>>
        %dma_start3A_200 = arith.constant 0 : i32
        %dma_start3A_201 = tpu.memref_slice %arg3[%dma_start3A_195, %dma_start3A_200] : memref<2x320000xi32, #tpu.memory_space<hbm>> -> memref<1x320000xi32, #tpu.memory_space<hbm>>
        %dma_start3A_202 = tpu.memref_squeeze %dma_start3A_201 : memref<1x320000xi32, #tpu.memory_space<hbm>> -> memref<320000xi32, #tpu.memory_space<hbm>>
        %dma_start3A_203 = tpu.memref_slice %dma_start3A_202[%mul3A_185] : memref<320000xi32, #tpu.memory_space<hbm>> -> memref<2560xi32, #tpu.memory_space<hbm>>
        tpu.enqueue_dma source(%dma_start3A_203 : memref<2560xi32, #tpu.memory_space<hbm>>) target(%arg9 : memref<2560xi32, #tpu.memory_space<vmem>>) target_semaphore(%arg31 : memref<!tpu.dma_semaphore, #tpu.memory_space<semaphore_mem>>)
      } else {
      }
      %scan3A_176 = arith.constant 0 : i32
      %scan3A_177 = arith.constant 10 : i32
      %scan3A_178 = arith.addi %scan3A_176, %scan3A_177 : i32
      %scan3A_179 = arith.constant 1 : i32
      scf.for %scan3A_184 = %scan3A_176 to %scan3A_178 step %scan3A_179  : i32 {
        %mul3A_185 = arith.constant 1 : i32
        %mul3A_186 = arith.muli %scan3A_184, %mul3A_185 : i32
        %add3A_187 = arith.constant 0 : i32
        %add3A_188 = arith.addi %add3A_187, %mul3A_186 : i32
        %mul3A_189 = arith.constant 4 : i32
        %mul3A_190 = arith.muli %add3A_188, %mul3A_189 : i32
        %add3A_191 = arith.constant 0 : i32
        %add3A_192 = arith.addi %mul3A_190, %add3A_191 : i32
        %dma_wait3A_193 = arith.constant 0 : i32
        %dma_wait3A_194 = arith.constant 0 : i32
        %dma_wait3A_195 = tpu.memref_slice %arg2[%dma_wait3A_193, %dma_wait3A_194] : memref<10000x128xf32, #tpu.memory_space<hbm>> -> memref<10000x128xf32, #tpu.memory_space<hbm>>
        tpu.wait_indirect_dma semaphore(%arg22 : memref<!tpu.dma_semaphore, #tpu.memory_space<semaphore_mem>>) src(%dma_wait3A_195 : memref<10000x128xf32, #tpu.memory_space<hbm>>) dst(%arg10 : memref<64x128xf32, #tpu.memory_space<vmem>>)
        %ge3A = arith.constant 1 : i32
        %ge3A_196 = arith.cmpi sge, %add3A_192, %ge3A : i32
        %convert_element_type3A_197 = arith.extui %ge3A_196 : i1 to i32
        %cond3A_198 = arith.constant 0 : i32
        %cond3A_199 = arith.cmpi ne, %convert_element_type3A_197, %cond3A_198 : i32
        scf.if %cond3A_199 {
          %dma_wait3A_459 = arith.constant 0 : i32
          %dma_wait3A_460 = arith.constant 0 : i32
          %dma_wait3A_461 = tpu.memref_slice %arg5[%dma_wait3A_459, %dma_wait3A_460] : memref<10240x128xf32, #tpu.memory_space<vmem_shared>> -> memref<10240x128xf32, #tpu.memory_space<vmem_shared>>
          tpu.wait_indirect_dma semaphore(%arg29 : memref<!tpu.dma_semaphore, #tpu.memory_space<semaphore_mem>>) src(%arg13 : memref<64x128xf32, #tpu.memory_space<vmem>>) dst(%dma_wait3A_461 : memref<10240x128xf32, #tpu.memory_space<vmem_shared>>)
        } else {
        }
        %add3A_200 = arith.constant 4 : i32
        %add3A_201 = arith.addi %add3A_192, %add3A_200 : i32
        %sub3A = arith.constant 1 : i32
        %sub3A_202 = arith.subi %add3A_201, %sub3A : i32
        %lt3A_203 = arith.constant 40 : i32
        %lt3A_204 = arith.cmpi slt, %sub3A_202, %lt3A_203 : i32
        %convert_element_type3A_205 = arith.extui %lt3A_204 : i1 to i32
        %cond3A_206 = arith.constant 0 : i32
        %cond3A_207 = arith.cmpi ne, %convert_element_type3A_205, %cond3A_206 : i32
        scf.if %cond3A_207 {
          %add3A_459 = arith.constant 4 : i32
          %add3A_460 = arith.addi %add3A_192, %add3A_459 : i32
          %sub3A_461 = arith.constant 1 : i32
          %sub3A_462 = arith.subi %add3A_460, %sub3A_461 : i32
          %mul3A_463 = arith.constant 64 : i32
          %mul3A_464 = arith.muli %sub3A_462, %mul3A_463 : i32
          %add3A_465 = arith.constant 0 : i32
          %add3A_466 = arith.addi %mul3A_464, %add3A_465 : i32
          %get3A_467 = arith.index_cast %add3A_466 : i32 to index
          %get3A_468 = tpu.vector_load %arg6[%get3A_467] {strides = array<i32>} : memref<2560xi32, #tpu.memory_space<vmem>>, vector<16xi32>,
          %get3A_469 = vector.shape_cast %get3A_468 : vector<16xi32> to vector<16xi32>
          %swap3A_470 = arith.constant 0 : index
          %swap3A_471 = tpu.vector_load %arg17[%swap3A_470] {strides = array<i32>} : memref<64xi32, #tpu.memory_space<vmem>>, vector<16xi32>,
          %swap3A_472 = vector.shape_cast %swap3A_471 : vector<16xi32> to vector<16xi32>
          %swap3A_473 = vector.shape_cast %get3A_469 : vector<16xi32> to vector<16xi32>
          tpu.vector_store %arg17[%swap3A_470], %swap3A_473 {strides = array<i32>} : memref<64xi32, #tpu.memory_space<vmem>>, vector<16xi32>,
          %mul3A_474 = arith.constant 64 : i32
          %mul3A_475 = arith.muli %sub3A_462, %mul3A_474 : i32
          %add3A_476 = arith.constant 16 : i32
          %add3A_477 = arith.addi %mul3A_475, %add3A_476 : i32
          %get3A_478 = arith.index_cast %add3A_477 : i32 to index
          %get3A_479 = tpu.vector_load %arg6[%get3A_478] {strides = array<i32>} : memref<2560xi32, #tpu.memory_space<vmem>>, vector<16xi32>,
          %get3A_480 = vector.shape_cast %get3A_479 : vector<16xi32> to vector<16xi32>
          %swap3A_481 = arith.constant 16 : index
          %swap3A_482 = tpu.vector_load %arg17[%swap3A_481] {strides = array<i32>} : memref<64xi32, #tpu.memory_space<vmem>>, vector<16xi32>,
          %swap3A_483 = vector.shape_cast %swap3A_482 : vector<16xi32> to vector<16xi32>
          %swap3A_484 = vector.shape_cast %get3A_480 : vector<16xi32> to vector<16xi32>
          tpu.vector_store %arg17[%swap3A_481], %swap3A_484 {strides = array<i32>} : memref<64xi32, #tpu.memory_space<vmem>>, vector<16xi32>,
          %mul3A_485 = arith.constant 64 : i32
          %mul3A_486 = arith.muli %sub3A_462, %mul3A_485 : i32
          %add3A_487 = arith.constant 32 : i32
          %add3A_488 = arith.addi %mul3A_486, %add3A_487 : i32
          %get3A_489 = arith.index_cast %add3A_488 : i32 to index
          %get3A_490 = tpu.vector_load %arg6[%get3A_489] {strides = array<i32>} : memref<2560xi32, #tpu.memory_space<vmem>>, vector<16xi32>,
          %get3A_491 = vector.shape_cast %get3A_490 : vector<16xi32> to vector<16xi32>
          %swap3A_492 = arith.constant 32 : index
          %swap3A_493 = tpu.vector_load %arg17[%swap3A_492] {strides = array<i32>} : memref<64xi32, #tpu.memory_space<vmem>>, vector<16xi32>,
          %swap3A_494 = vector.shape_cast %swap3A_493 : vector<16xi32> to vector<16xi32>
          %swap3A_495 = vector.shape_cast %get3A_491 : vector<16xi32> to vector<16xi32>
          tpu.vector_store %arg17[%swap3A_492], %swap3A_495 {strides = array<i32>} : memref<64xi32, #tpu.memory_space<vmem>>, vector<16xi32>,
          %mul3A_496 = arith.constant 64 : i32
          %mul3A_497 = arith.muli %sub3A_462, %mul3A_496 : i32
          %add3A_498 = arith.constant 48 : i32
          %add3A_499 = arith.addi %mul3A_497, %add3A_498 : i32
          %get3A_500 = arith.index_cast %add3A_499 : i32 to index
          %get3A_501 = tpu.vector_load %arg6[%get3A_500] {strides = array<i32>} : memref<2560xi32, #tpu.memory_space<vmem>>, vector<16xi32>,
          %get3A_502 = vector.shape_cast %get3A_501 : vector<16xi32> to vector<16xi32>
          %swap3A_503 = arith.constant 48 : index
          %swap3A_504 = tpu.vector_load %arg17[%swap3A_503] {strides = array<i32>} : memref<64xi32, #tpu.memory_space<vmem>>, vector<16xi32>,
          %swap3A_505 = vector.shape_cast %swap3A_504 : vector<16xi32> to vector<16xi32>
          %swap3A_506 = vector.shape_cast %get3A_502 : vector<16xi32> to vector<16xi32>
          tpu.vector_store %arg17[%swap3A_503], %swap3A_506 {strides = array<i32>} : memref<64xi32, #tpu.memory_space<vmem>>, vector<16xi32>,
          %dma_start3A_507 = arith.constant 0 : i32
          %dma_start3A_508 = arith.constant 0 : i32
          %dma_start3A_509 = tpu.memref_slice %arg2[%dma_start3A_507, %dma_start3A_508] : memref<10000x128xf32, #tpu.memory_space<hbm>> -> memref<10000x128xf32, #tpu.memory_space<hbm>>
          tpu.enqueue_indirect_dma source(%dma_start3A_509 : memref<10000x128xf32, #tpu.memory_space<hbm>>) target(%arg13 : memref<64x128xf32, #tpu.memory_space<vmem>>) offsets(%arg17 : memref<64xi32, #tpu.memory_space<vmem>>) semaphore(%arg25 : memref<!tpu.dma_semaphore, #tpu.memory_space<semaphore_mem>>)
        } else {
        }
        %mul3A_208 = arith.constant 64 : i32
        %mul3A_209 = arith.muli %add3A_192, %mul3A_208 : i32
        %add3A_210 = arith.constant 0 : i32
        %add3A_211 = arith.addi %mul3A_209, %add3A_210 : i32
        %get3A_212 = arith.index_cast %add3A_211 : i32 to index
        %get3A_213 = tpu.vector_load %arg8[%get3A_212] {strides = array<i32>} : memref<2560xi32, #tpu.memory_space<vmem>>, vector<16xi32>,
        %get3A_214 = vector.shape_cast %get3A_213 : vector<16xi32> to vector<16xi32>
        %swap3A_215 = arith.constant 0 : index
        %swap3A_216 = tpu.vector_load %arg18[%swap3A_215] {strides = array<i32>} : memref<64xi32, #tpu.memory_space<vmem>>, vector<16xi32>,
        %swap3A_217 = vector.shape_cast %swap3A_216 : vector<16xi32> to vector<16xi32>
        %swap3A_218 = vector.shape_cast %get3A_214 : vector<16xi32> to vector<16xi32>
        tpu.vector_store %arg18[%swap3A_215], %swap3A_218 {strides = array<i32>} : memref<64xi32, #tpu.memory_space<vmem>>, vector<16xi32>,
        %mul3A_219 = arith.constant 64 : i32
        %mul3A_220 = arith.muli %add3A_192, %mul3A_219 : i32
        %add3A_221 = arith.constant 16 : i32
        %add3A_222 = arith.addi %mul3A_220, %add3A_221 : i32
        %get3A_223 = arith.index_cast %add3A_222 : i32 to index
        %get3A_224 = tpu.vector_load %arg8[%get3A_223] {strides = array<i32>} : memref<2560xi32, #tpu.memory_space<vmem>>, vector<16xi32>,
        %get3A_225 = vector.shape_cast %get3A_224 : vector<16xi32> to vector<16xi32>
        %swap3A_226 = arith.constant 16 : index
        %swap3A_227 = tpu.vector_load %arg18[%swap3A_226] {strides = array<i32>} : memref<64xi32, #tpu.memory_space<vmem>>, vector<16xi32>,
        %swap3A_228 = vector.shape_cast %swap3A_227 : vector<16xi32> to vector<16xi32>
        %swap3A_229 = vector.shape_cast %get3A_225 : vector<16xi32> to vector<16xi32>
        tpu.vector_store %arg18[%swap3A_226], %swap3A_229 {strides = array<i32>} : memref<64xi32, #tpu.memory_space<vmem>>, vector<16xi32>,
        %mul3A_230 = arith.constant 64 : i32
        %mul3A_231 = arith.muli %add3A_192, %mul3A_230 : i32
        %add3A_232 = arith.constant 32 : i32
        %add3A_233 = arith.addi %mul3A_231, %add3A_232 : i32
        %get3A_234 = arith.index_cast %add3A_233 : i32 to index
        %get3A_235 = tpu.vector_load %arg8[%get3A_234] {strides = array<i32>} : memref<2560xi32, #tpu.memory_space<vmem>>, vector<16xi32>,
        %get3A_236 = vector.shape_cast %get3A_235 : vector<16xi32> to vector<16xi32>
        %swap3A_237 = arith.constant 32 : index
        %swap3A_238 = tpu.vector_load %arg18[%swap3A_237] {strides = array<i32>} : memref<64xi32, #tpu.memory_space<vmem>>, vector<16xi32>,
        %swap3A_239 = vector.shape_cast %swap3A_238 : vector<16xi32> to vector<16xi32>
        %swap3A_240 = vector.shape_cast %get3A_236 : vector<16xi32> to vector<16xi32>
        tpu.vector_store %arg18[%swap3A_237], %swap3A_240 {strides = array<i32>} : memref<64xi32, #tpu.memory_space<vmem>>, vector<16xi32>,
        %mul3A_241 = arith.constant 64 : i32
        %mul3A_242 = arith.muli %add3A_192, %mul3A_241 : i32
        %add3A_243 = arith.constant 48 : i32
        %add3A_244 = arith.addi %mul3A_242, %add3A_243 : i32
        %get3A_245 = arith.index_cast %add3A_244 : i32 to index
        %get3A_246 = tpu.vector_load %arg8[%get3A_245] {strides = array<i32>} : memref<2560xi32, #tpu.memory_space<vmem>>, vector<16xi32>,
        %get3A_247 = vector.shape_cast %get3A_246 : vector<16xi32> to vector<16xi32>
        %swap3A_248 = arith.constant 48 : index
        %swap3A_249 = tpu.vector_load %arg18[%swap3A_248] {strides = array<i32>} : memref<64xi32, #tpu.memory_space<vmem>>, vector<16xi32>,
        %swap3A_250 = vector.shape_cast %swap3A_249 : vector<16xi32> to vector<16xi32>
        %swap3A_251 = vector.shape_cast %get3A_247 : vector<16xi32> to vector<16xi32>
        tpu.vector_store %arg18[%swap3A_248], %swap3A_251 {strides = array<i32>} : memref<64xi32, #tpu.memory_space<vmem>>, vector<16xi32>,
        %dma_start3A_252 = arith.constant 0 : i32
        %dma_start3A_253 = arith.constant 0 : i32
        %dma_start3A_254 = tpu.memref_slice %arg5[%dma_start3A_252, %dma_start3A_253] : memref<10240x128xf32, #tpu.memory_space<vmem_shared>> -> memref<10240x128xf32, #tpu.memory_space<vmem_shared>>
        tpu.enqueue_indirect_dma source(%arg10 : memref<64x128xf32, #tpu.memory_space<vmem>>) target(%dma_start3A_254 : memref<10240x128xf32, #tpu.memory_space<vmem_shared>>) offsets(%arg18 : memref<64xi32, #tpu.memory_space<vmem>>) semaphore(%arg26 : memref<!tpu.dma_semaphore, #tpu.memory_space<semaphore_mem>>) {add = true}
        %mul3A_255 = arith.constant 4 : i32
        %mul3A_256 = arith.muli %add3A_188, %mul3A_255 : i32
        %add3A_257 = arith.constant 1 : i32
        %add3A_258 = arith.addi %mul3A_256, %add3A_257 : i32
        %dma_wait3A_259 = arith.constant 0 : i32
        %dma_wait3A_260 = arith.constant 0 : i32
        %dma_wait3A_261 = tpu.memref_slice %arg2[%dma_wait3A_259, %dma_wait3A_260] : memref<10000x128xf32, #tpu.memory_space<hbm>> -> memref<10000x128xf32, #tpu.memory_space<hbm>>
        tpu.wait_indirect_dma semaphore(%arg23 : memref<!tpu.dma_semaphore, #tpu.memory_space<semaphore_mem>>) src(%dma_wait3A_261 : memref<10000x128xf32, #tpu.memory_space<hbm>>) dst(%arg11 : memref<64x128xf32, #tpu.memory_space<vmem>>)
        %ge3A_262 = arith.constant 1 : i32
        %ge3A_263 = arith.cmpi sge, %add3A_258, %ge3A_262 : i32
        %convert_element_type3A_264 = arith.extui %ge3A_263 : i1 to i32
        %cond3A_265 = arith.constant 0 : i32
        %cond3A_266 = arith.cmpi ne, %convert_element_type3A_264, %cond3A_265 : i32
        scf.if %cond3A_266 {
          %dma_wait3A_459 = arith.constant 0 : i32
          %dma_wait3A_460 = arith.constant 0 : i32
          %dma_wait3A_461 = tpu.memref_slice %arg5[%dma_wait3A_459, %dma_wait3A_460] : memref<10240x128xf32, #tpu.memory_space<vmem_shared>> -> memref<10240x128xf32, #tpu.memory_space<vmem_shared>>
          tpu.wait_indirect_dma semaphore(%arg26 : memref<!tpu.dma_semaphore, #tpu.memory_space<semaphore_mem>>) src(%arg10 : memref<64x128xf32, #tpu.memory_space<vmem>>) dst(%dma_wait3A_461 : memref<10240x128xf32, #tpu.memory_space<vmem_shared>>)
        } else {
        }
        %add3A_267 = arith.constant 4 : i32
        %add3A_268 = arith.addi %add3A_258, %add3A_267 : i32
        %sub3A_269 = arith.constant 1 : i32
        %sub3A_270 = arith.subi %add3A_268, %sub3A_269 : i32
        %lt3A_271 = arith.constant 40 : i32
        %lt3A_272 = arith.cmpi slt, %sub3A_270, %lt3A_271 : i32
        %convert_element_type3A_273 = arith.extui %lt3A_272 : i1 to i32
        %cond3A_274 = arith.constant 0 : i32
        %cond3A_275 = arith.cmpi ne, %convert_element_type3A_273, %cond3A_274 : i32
        scf.if %cond3A_275 {
          %add3A_459 = arith.constant 4 : i32
          %add3A_460 = arith.addi %add3A_258, %add3A_459 : i32
          %sub3A_461 = arith.constant 1 : i32
          %sub3A_462 = arith.subi %add3A_460, %sub3A_461 : i32
          %mul3A_463 = arith.constant 64 : i32
          %mul3A_464 = arith.muli %sub3A_462, %mul3A_463 : i32
          %add3A_465 = arith.constant 0 : i32
          %add3A_466 = arith.addi %mul3A_464, %add3A_465 : i32
          %get3A_467 = arith.index_cast %add3A_466 : i32 to index
          %get3A_468 = tpu.vector_load %arg6[%get3A_467] {strides = array<i32>} : memref<2560xi32, #tpu.memory_space<vmem>>, vector<16xi32>,
          %get3A_469 = vector.shape_cast %get3A_468 : vector<16xi32> to vector<16xi32>
          %swap3A_470 = arith.constant 0 : index
          %swap3A_471 = tpu.vector_load %arg14[%swap3A_470] {strides = array<i32>} : memref<64xi32, #tpu.memory_space<vmem>>, vector<16xi32>,
          %swap3A_472 = vector.shape_cast %swap3A_471 : vector<16xi32> to vector<16xi32>
          %swap3A_473 = vector.shape_cast %get3A_469 : vector<16xi32> to vector<16xi32>
          tpu.vector_store %arg14[%swap3A_470], %swap3A_473 {strides = array<i32>} : memref<64xi32, #tpu.memory_space<vmem>>, vector<16xi32>,
          %mul3A_474 = arith.constant 64 : i32
          %mul3A_475 = arith.muli %sub3A_462, %mul3A_474 : i32
          %add3A_476 = arith.constant 16 : i32
          %add3A_477 = arith.addi %mul3A_475, %add3A_476 : i32
          %get3A_478 = arith.index_cast %add3A_477 : i32 to index
          %get3A_479 = tpu.vector_load %arg6[%get3A_478] {strides = array<i32>} : memref<2560xi32, #tpu.memory_space<vmem>>, vector<16xi32>,
          %get3A_480 = vector.shape_cast %get3A_479 : vector<16xi32> to vector<16xi32>
          %swap3A_481 = arith.constant 16 : index
          %swap3A_482 = tpu.vector_load %arg14[%swap3A_481] {strides = array<i32>} : memref<64xi32, #tpu.memory_space<vmem>>, vector<16xi32>,
          %swap3A_483 = vector.shape_cast %swap3A_482 : vector<16xi32> to vector<16xi32>
          %swap3A_484 = vector.shape_cast %get3A_480 : vector<16xi32> to vector<16xi32>
          tpu.vector_store %arg14[%swap3A_481], %swap3A_484 {strides = array<i32>} : memref<64xi32, #tpu.memory_space<vmem>>, vector<16xi32>,
          %mul3A_485 = arith.constant 64 : i32
          %mul3A_486 = arith.muli %sub3A_462, %mul3A_485 : i32
          %add3A_487 = arith.constant 32 : i32
          %add3A_488 = arith.addi %mul3A_486, %add3A_487 : i32
          %get3A_489 = arith.index_cast %add3A_488 : i32 to index
          %get3A_490 = tpu.vector_load %arg6[%get3A_489] {strides = array<i32>} : memref<2560xi32, #tpu.memory_space<vmem>>, vector<16xi32>,
          %get3A_491 = vector.shape_cast %get3A_490 : vector<16xi32> to vector<16xi32>
          %swap3A_492 = arith.constant 32 : index
          %swap3A_493 = tpu.vector_load %arg14[%swap3A_492] {strides = array<i32>} : memref<64xi32, #tpu.memory_space<vmem>>, vector<16xi32>,
          %swap3A_494 = vector.shape_cast %swap3A_493 : vector<16xi32> to vector<16xi32>
          %swap3A_495 = vector.shape_cast %get3A_491 : vector<16xi32> to vector<16xi32>
          tpu.vector_store %arg14[%swap3A_492], %swap3A_495 {strides = array<i32>} : memref<64xi32, #tpu.memory_space<vmem>>, vector<16xi32>,
          %mul3A_496 = arith.constant 64 : i32
          %mul3A_497 = arith.muli %sub3A_462, %mul3A_496 : i32
          %add3A_498 = arith.constant 48 : i32
          %add3A_499 = arith.addi %mul3A_497, %add3A_498 : i32
          %get3A_500 = arith.index_cast %add3A_499 : i32 to index
          %get3A_501 = tpu.vector_load %arg6[%get3A_500] {strides = array<i32>} : memref<2560xi32, #tpu.memory_space<vmem>>, vector<16xi32>,
          %get3A_502 = vector.shape_cast %get3A_501 : vector<16xi32> to vector<16xi32>
          %swap3A_503 = arith.constant 48 : index
          %swap3A_504 = tpu.vector_load %arg14[%swap3A_503] {strides = array<i32>} : memref<64xi32, #tpu.memory_space<vmem>>, vector<16xi32>,
          %swap3A_505 = vector.shape_cast %swap3A_504 : vector<16xi32> to vector<16xi32>
          %swap3A_506 = vector.shape_cast %get3A_502 : vector<16xi32> to vector<16xi32>
          tpu.vector_store %arg14[%swap3A_503], %swap3A_506 {strides = array<i32>} : memref<64xi32, #tpu.memory_space<vmem>>, vector<16xi32>,
          %dma_start3A_507 = arith.constant 0 : i32
          %dma_start3A_508 = arith.constant 0 : i32
          %dma_start3A_509 = tpu.memref_slice %arg2[%dma_start3A_507, %dma_start3A_508] : memref<10000x128xf32, #tpu.memory_space<hbm>> -> memref<10000x128xf32, #tpu.memory_space<hbm>>
          tpu.enqueue_indirect_dma source(%dma_start3A_509 : memref<10000x128xf32, #tpu.memory_space<hbm>>) target(%arg10 : memref<64x128xf32, #tpu.memory_space<vmem>>) offsets(%arg14 : memref<64xi32, #tpu.memory_space<vmem>>) semaphore(%arg22 : memref<!tpu.dma_semaphore, #tpu.memory_space<semaphore_mem>>)
        } else {
        }
        %mul3A_276 = arith.constant 64 : i32
        %mul3A_277 = arith.muli %add3A_258, %mul3A_276 : i32
        %add3A_278 = arith.constant 0 : i32
        %add3A_279 = arith.addi %mul3A_277, %add3A_278 : i32
        %get3A_280 = arith.index_cast %add3A_279 : i32 to index
        %get3A_281 = tpu.vector_load %arg8[%get3A_280] {strides = array<i32>} : memref<2560xi32, #tpu.memory_space<vmem>>, vector<16xi32>,
        %get3A_282 = vector.shape_cast %get3A_281 : vector<16xi32> to vector<16xi32>
        %swap3A_283 = arith.constant 0 : index
        %swap3A_284 = tpu.vector_load %arg19[%swap3A_283] {strides = array<i32>} : memref<64xi32, #tpu.memory_space<vmem>>, vector<16xi32>,
        %swap3A_285 = vector.shape_cast %swap3A_284 : vector<16xi32> to vector<16xi32>
        %swap3A_286 = vector.shape_cast %get3A_282 : vector<16xi32> to vector<16xi32>
        tpu.vector_store %arg19[%swap3A_283], %swap3A_286 {strides = array<i32>} : memref<64xi32, #tpu.memory_space<vmem>>, vector<16xi32>,
        %mul3A_287 = arith.constant 64 : i32
        %mul3A_288 = arith.muli %add3A_258, %mul3A_287 : i32
        %add3A_289 = arith.constant 16 : i32
        %add3A_290 = arith.addi %mul3A_288, %add3A_289 : i32
        %get3A_291 = arith.index_cast %add3A_290 : i32 to index
        %get3A_292 = tpu.vector_load %arg8[%get3A_291] {strides = array<i32>} : memref<2560xi32, #tpu.memory_space<vmem>>, vector<16xi32>,
        %get3A_293 = vector.shape_cast %get3A_292 : vector<16xi32> to vector<16xi32>
        %swap3A_294 = arith.constant 16 : index
        %swap3A_295 = tpu.vector_load %arg19[%swap3A_294] {strides = array<i32>} : memref<64xi32, #tpu.memory_space<vmem>>, vector<16xi32>,
        %swap3A_296 = vector.shape_cast %swap3A_295 : vector<16xi32> to vector<16xi32>
        %swap3A_297 = vector.shape_cast %get3A_293 : vector<16xi32> to vector<16xi32>
        tpu.vector_store %arg19[%swap3A_294], %swap3A_297 {strides = array<i32>} : memref<64xi32, #tpu.memory_space<vmem>>, vector<16xi32>,
        %mul3A_298 = arith.constant 64 : i32
        %mul3A_299 = arith.muli %add3A_258, %mul3A_298 : i32
        %add3A_300 = arith.constant 32 : i32
        %add3A_301 = arith.addi %mul3A_299, %add3A_300 : i32
        %get3A_302 = arith.index_cast %add3A_301 : i32 to index
        %get3A_303 = tpu.vector_load %arg8[%get3A_302] {strides = array<i32>} : memref<2560xi32, #tpu.memory_space<vmem>>, vector<16xi32>,
        %get3A_304 = vector.shape_cast %get3A_303 : vector<16xi32> to vector<16xi32>
        %swap3A_305 = arith.constant 32 : index
        %swap3A_306 = tpu.vector_load %arg19[%swap3A_305] {strides = array<i32>} : memref<64xi32, #tpu.memory_space<vmem>>, vector<16xi32>,
        %swap3A_307 = vector.shape_cast %swap3A_306 : vector<16xi32> to vector<16xi32>
        %swap3A_308 = vector.shape_cast %get3A_304 : vector<16xi32> to vector<16xi32>
        tpu.vector_store %arg19[%swap3A_305], %swap3A_308 {strides = array<i32>} : memref<64xi32, #tpu.memory_space<vmem>>, vector<16xi32>,
        %mul3A_309 = arith.constant 64 : i32
        %mul3A_310 = arith.muli %add3A_258, %mul3A_309 : i32
        %add3A_311 = arith.constant 48 : i32
        %add3A_312 = arith.addi %mul3A_310, %add3A_311 : i32
        %get3A_313 = arith.index_cast %add3A_312 : i32 to index
        %get3A_314 = tpu.vector_load %arg8[%get3A_313] {strides = array<i32>} : memref<2560xi32, #tpu.memory_space<vmem>>, vector<16xi32>,
        %get3A_315 = vector.shape_cast %get3A_314 : vector<16xi32> to vector<16xi32>
        %swap3A_316 = arith.constant 48 : index
        %swap3A_317 = tpu.vector_load %arg19[%swap3A_316] {strides = array<i32>} : memref<64xi32, #tpu.memory_space<vmem>>, vector<16xi32>,
        %swap3A_318 = vector.shape_cast %swap3A_317 : vector<16xi32> to vector<16xi32>
        %swap3A_319 = vector.shape_cast %get3A_315 : vector<16xi32> to vector<16xi32>
        tpu.vector_store %arg19[%swap3A_316], %swap3A_319 {strides = array<i32>} : memref<64xi32, #tpu.memory_space<vmem>>, vector<16xi32>,
        %dma_start3A_320 = arith.constant 0 : i32
        %dma_start3A_321 = arith.constant 0 : i32
        %dma_start3A_322 = tpu.memref_slice %arg5[%dma_start3A_320, %dma_start3A_321] : memref<10240x128xf32, #tpu.memory_space<vmem_shared>> -> memref<10240x128xf32, #tpu.memory_space<vmem_shared>>
        tpu.enqueue_indirect_dma source(%arg11 : memref<64x128xf32, #tpu.memory_space<vmem>>) target(%dma_start3A_322 : memref<10240x128xf32, #tpu.memory_space<vmem_shared>>) offsets(%arg19 : memref<64xi32, #tpu.memory_space<vmem>>) semaphore(%arg27 : memref<!tpu.dma_semaphore, #tpu.memory_space<semaphore_mem>>) {add = true}
        %mul3A_323 = arith.constant 4 : i32
        %mul3A_324 = arith.muli %add3A_188, %mul3A_323 : i32
        %add3A_325 = arith.constant 2 : i32
        %add3A_326 = arith.addi %mul3A_324, %add3A_325 : i32
        %dma_wait3A_327 = arith.constant 0 : i32
        %dma_wait3A_328 = arith.constant 0 : i32
        %dma_wait3A_329 = tpu.memref_slice %arg2[%dma_wait3A_327, %dma_wait3A_328] : memref<10000x128xf32, #tpu.memory_space<hbm>> -> memref<10000x128xf32, #tpu.memory_space<hbm>>
        tpu.wait_indirect_dma semaphore(%arg24 : memref<!tpu.dma_semaphore, #tpu.memory_space<semaphore_mem>>) src(%dma_wait3A_329 : memref<10000x128xf32, #tpu.memory_space<hbm>>) dst(%arg12 : memref<64x128xf32, #tpu.memory_space<vmem>>)
        %ge3A_330 = arith.constant 1 : i32
        %ge3A_331 = arith.cmpi sge, %add3A_326, %ge3A_330 : i32
        %convert_element_type3A_332 = arith.extui %ge3A_331 : i1 to i32
        %cond3A_333 = arith.constant 0 : i32
        %cond3A_334 = arith.cmpi ne, %convert_element_type3A_332, %cond3A_333 : i32
        scf.if %cond3A_334 {
          %dma_wait3A_459 = arith.constant 0 : i32
          %dma_wait3A_460 = arith.constant 0 : i32
          %dma_wait3A_461 = tpu.memref_slice %arg5[%dma_wait3A_459, %dma_wait3A_460] : memref<10240x128xf32, #tpu.memory_space<vmem_shared>> -> memref<10240x128xf32, #tpu.memory_space<vmem_shared>>
          tpu.wait_indirect_dma semaphore(%arg27 : memref<!tpu.dma_semaphore, #tpu.memory_space<semaphore_mem>>) src(%arg11 : memref<64x128xf32, #tpu.memory_space<vmem>>) dst(%dma_wait3A_461 : memref<10240x128xf32, #tpu.memory_space<vmem_shared>>)
        } else {
        }
        %add3A_335 = arith.constant 4 : i32
        %add3A_336 = arith.addi %add3A_326, %add3A_335 : i32
        %sub3A_337 = arith.constant 1 : i32
        %sub3A_338 = arith.subi %add3A_336, %sub3A_337 : i32
        %lt3A_339 = arith.constant 40 : i32
        %lt3A_340 = arith.cmpi slt, %sub3A_338, %lt3A_339 : i32
        %convert_element_type3A_341 = arith.extui %lt3A_340 : i1 to i32
        %cond3A_342 = arith.constant 0 : i32
        %cond3A_343 = arith.cmpi ne, %convert_element_type3A_341, %cond3A_342 : i32
        scf.if %cond3A_343 {
          %add3A_459 = arith.constant 4 : i32
          %add3A_460 = arith.addi %add3A_326, %add3A_459 : i32
          %sub3A_461 = arith.constant 1 : i32
          %sub3A_462 = arith.subi %add3A_460, %sub3A_461 : i32
          %mul3A_463 = arith.constant 64 : i32
          %mul3A_464 = arith.muli %sub3A_462, %mul3A_463 : i32
          %add3A_465 = arith.constant 0 : i32
          %add3A_466 = arith.addi %mul3A_464, %add3A_465 : i32
          %get3A_467 = arith.index_cast %add3A_466 : i32 to index
          %get3A_468 = tpu.vector_load %arg6[%get3A_467] {strides = array<i32>} : memref<2560xi32, #tpu.memory_space<vmem>>, vector<16xi32>,
          %get3A_469 = vector.shape_cast %get3A_468 : vector<16xi32> to vector<16xi32>
          %swap3A_470 = arith.constant 0 : index
          %swap3A_471 = tpu.vector_load %arg15[%swap3A_470] {strides = array<i32>} : memref<64xi32, #tpu.memory_space<vmem>>, vector<16xi32>,
          %swap3A_472 = vector.shape_cast %swap3A_471 : vector<16xi32> to vector<16xi32>
          %swap3A_473 = vector.shape_cast %get3A_469 : vector<16xi32> to vector<16xi32>
          tpu.vector_store %arg15[%swap3A_470], %swap3A_473 {strides = array<i32>} : memref<64xi32, #tpu.memory_space<vmem>>, vector<16xi32>,
          %mul3A_474 = arith.constant 64 : i32
          %mul3A_475 = arith.muli %sub3A_462, %mul3A_474 : i32
          %add3A_476 = arith.constant 16 : i32
          %add3A_477 = arith.addi %mul3A_475, %add3A_476 : i32
          %get3A_478 = arith.index_cast %add3A_477 : i32 to index
          %get3A_479 = tpu.vector_load %arg6[%get3A_478] {strides = array<i32>} : memref<2560xi32, #tpu.memory_space<vmem>>, vector<16xi32>,
          %get3A_480 = vector.shape_cast %get3A_479 : vector<16xi32> to vector<16xi32>
          %swap3A_481 = arith.constant 16 : index
          %swap3A_482 = tpu.vector_load %arg15[%swap3A_481] {strides = array<i32>} : memref<64xi32, #tpu.memory_space<vmem>>, vector<16xi32>,
          %swap3A_483 = vector.shape_cast %swap3A_482 : vector<16xi32> to vector<16xi32>
          %swap3A_484 = vector.shape_cast %get3A_480 : vector<16xi32> to vector<16xi32>
          tpu.vector_store %arg15[%swap3A_481], %swap3A_484 {strides = array<i32>} : memref<64xi32, #tpu.memory_space<vmem>>, vector<16xi32>,
          %mul3A_485 = arith.constant 64 : i32
          %mul3A_486 = arith.muli %sub3A_462, %mul3A_485 : i32
          %add3A_487 = arith.constant 32 : i32
          %add3A_488 = arith.addi %mul3A_486, %add3A_487 : i32
          %get3A_489 = arith.index_cast %add3A_488 : i32 to index
          %get3A_490 = tpu.vector_load %arg6[%get3A_489] {strides = array<i32>} : memref<2560xi32, #tpu.memory_space<vmem>>, vector<16xi32>,
          %get3A_491 = vector.shape_cast %get3A_490 : vector<16xi32> to vector<16xi32>
          %swap3A_492 = arith.constant 32 : index
          %swap3A_493 = tpu.vector_load %arg15[%swap3A_492] {strides = array<i32>} : memref<64xi32, #tpu.memory_space<vmem>>, vector<16xi32>,
          %swap3A_494 = vector.shape_cast %swap3A_493 : vector<16xi32> to vector<16xi32>
          %swap3A_495 = vector.shape_cast %get3A_491 : vector<16xi32> to vector<16xi32>
          tpu.vector_store %arg15[%swap3A_492], %swap3A_495 {strides = array<i32>} : memref<64xi32, #tpu.memory_space<vmem>>, vector<16xi32>,
          %mul3A_496 = arith.constant 64 : i32
          %mul3A_497 = arith.muli %sub3A_462, %mul3A_496 : i32
          %add3A_498 = arith.constant 48 : i32
          %add3A_499 = arith.addi %mul3A_497, %add3A_498 : i32
          %get3A_500 = arith.index_cast %add3A_499 : i32 to index
          %get3A_501 = tpu.vector_load %arg6[%get3A_500] {strides = array<i32>} : memref<2560xi32, #tpu.memory_space<vmem>>, vector<16xi32>,
          %get3A_502 = vector.shape_cast %get3A_501 : vector<16xi32> to vector<16xi32>
          %swap3A_503 = arith.constant 48 : index
          %swap3A_504 = tpu.vector_load %arg15[%swap3A_503] {strides = array<i32>} : memref<64xi32, #tpu.memory_space<vmem>>, vector<16xi32>,
          %swap3A_505 = vector.shape_cast %swap3A_504 : vector<16xi32> to vector<16xi32>
          %swap3A_506 = vector.shape_cast %get3A_502 : vector<16xi32> to vector<16xi32>
          tpu.vector_store %arg15[%swap3A_503], %swap3A_506 {strides = array<i32>} : memref<64xi32, #tpu.memory_space<vmem>>, vector<16xi32>,
          %dma_start3A_507 = arith.constant 0 : i32
          %dma_start3A_508 = arith.constant 0 : i32
          %dma_start3A_509 = tpu.memref_slice %arg2[%dma_start3A_507, %dma_start3A_508] : memref<10000x128xf32, #tpu.memory_space<hbm>> -> memref<10000x128xf32, #tpu.memory_space<hbm>>
          tpu.enqueue_indirect_dma source(%dma_start3A_509 : memref<10000x128xf32, #tpu.memory_space<hbm>>) target(%arg11 : memref<64x128xf32, #tpu.memory_space<vmem>>) offsets(%arg15 : memref<64xi32, #tpu.memory_space<vmem>>) semaphore(%arg23 : memref<!tpu.dma_semaphore, #tpu.memory_space<semaphore_mem>>)
        } else {
        }
        %mul3A_344 = arith.constant 64 : i32
        %mul3A_345 = arith.muli %add3A_326, %mul3A_344 : i32
        %add3A_346 = arith.constant 0 : i32
        %add3A_347 = arith.addi %mul3A_345, %add3A_346 : i32
        %get3A_348 = arith.index_cast %add3A_347 : i32 to index
        %get3A_349 = tpu.vector_load %arg8[%get3A_348] {strides = array<i32>} : memref<2560xi32, #tpu.memory_space<vmem>>, vector<16xi32>,
        %get3A_350 = vector.shape_cast %get3A_349 : vector<16xi32> to vector<16xi32>
        %swap3A_351 = arith.constant 0 : index
        %swap3A_352 = tpu.vector_load %arg20[%swap3A_351] {strides = array<i32>} : memref<64xi32, #tpu.memory_space<vmem>>, vector<16xi32>,
        %swap3A_353 = vector.shape_cast %swap3A_352 : vector<16xi32> to vector<16xi32>
        %swap3A_354 = vector.shape_cast %get3A_350 : vector<16xi32> to vector<16xi32>
        tpu.vector_store %arg20[%swap3A_351], %swap3A_354 {strides = array<i32>} : memref<64xi32, #tpu.memory_space<vmem>>, vector<16xi32>,
        %mul3A_355 = arith.constant 64 : i32
        %mul3A_356 = arith.muli %add3A_326, %mul3A_355 : i32
        %add3A_357 = arith.constant 16 : i32
        %add3A_358 = arith.addi %mul3A_356, %add3A_357 : i32
        %get3A_359 = arith.index_cast %add3A_358 : i32 to index
        %get3A_360 = tpu.vector_load %arg8[%get3A_359] {strides = array<i32>} : memref<2560xi32, #tpu.memory_space<vmem>>, vector<16xi32>,
        %get3A_361 = vector.shape_cast %get3A_360 : vector<16xi32> to vector<16xi32>
        %swap3A_362 = arith.constant 16 : index
        %swap3A_363 = tpu.vector_load %arg20[%swap3A_362] {strides = array<i32>} : memref<64xi32, #tpu.memory_space<vmem>>, vector<16xi32>,
        %swap3A_364 = vector.shape_cast %swap3A_363 : vector<16xi32> to vector<16xi32>
        %swap3A_365 = vector.shape_cast %get3A_361 : vector<16xi32> to vector<16xi32>
        tpu.vector_store %arg20[%swap3A_362], %swap3A_365 {strides = array<i32>} : memref<64xi32, #tpu.memory_space<vmem>>, vector<16xi32>,
        %mul3A_366 = arith.constant 64 : i32
        %mul3A_367 = arith.muli %add3A_326, %mul3A_366 : i32
        %add3A_368 = arith.constant 32 : i32
        %add3A_369 = arith.addi %mul3A_367, %add3A_368 : i32
        %get3A_370 = arith.index_cast %add3A_369 : i32 to index
        %get3A_371 = tpu.vector_load %arg8[%get3A_370] {strides = array<i32>} : memref<2560xi32, #tpu.memory_space<vmem>>, vector<16xi32>,
        %get3A_372 = vector.shape_cast %get3A_371 : vector<16xi32> to vector<16xi32>
        %swap3A_373 = arith.constant 32 : index
        %swap3A_374 = tpu.vector_load %arg20[%swap3A_373] {strides = array<i32>} : memref<64xi32, #tpu.memory_space<vmem>>, vector<16xi32>,
        %swap3A_375 = vector.shape_cast %swap3A_374 : vector<16xi32> to vector<16xi32>
        %swap3A_376 = vector.shape_cast %get3A_372 : vector<16xi32> to vector<16xi32>
        tpu.vector_store %arg20[%swap3A_373], %swap3A_376 {strides = array<i32>} : memref<64xi32, #tpu.memory_space<vmem>>, vector<16xi32>,
        %mul3A_377 = arith.constant 64 : i32
        %mul3A_378 = arith.muli %add3A_326, %mul3A_377 : i32
        %add3A_379 = arith.constant 48 : i32
        %add3A_380 = arith.addi %mul3A_378, %add3A_379 : i32
        %get3A_381 = arith.index_cast %add3A_380 : i32 to index
        %get3A_382 = tpu.vector_load %arg8[%get3A_381] {strides = array<i32>} : memref<2560xi32, #tpu.memory_space<vmem>>, vector<16xi32>,
        %get3A_383 = vector.shape_cast %get3A_382 : vector<16xi32> to vector<16xi32>
        %swap3A_384 = arith.constant 48 : index
        %swap3A_385 = tpu.vector_load %arg20[%swap3A_384] {strides = array<i32>} : memref<64xi32, #tpu.memory_space<vmem>>, vector<16xi32>,
        %swap3A_386 = vector.shape_cast %swap3A_385 : vector<16xi32> to vector<16xi32>
        %swap3A_387 = vector.shape_cast %get3A_383 : vector<16xi32> to vector<16xi32>
        tpu.vector_store %arg20[%swap3A_384], %swap3A_387 {strides = array<i32>} : memref<64xi32, #tpu.memory_space<vmem>>, vector<16xi32>,
        %dma_start3A_388 = arith.constant 0 : i32
        %dma_start3A_389 = arith.constant 0 : i32
        %dma_start3A_390 = tpu.memref_slice %arg5[%dma_start3A_388, %dma_start3A_389] : memref<10240x128xf32, #tpu.memory_space<vmem_shared>> -> memref<10240x128xf32, #tpu.memory_space<vmem_shared>>
        tpu.enqueue_indirect_dma source(%arg12 : memref<64x128xf32, #tpu.memory_space<vmem>>) target(%dma_start3A_390 : memref<10240x128xf32, #tpu.memory_space<vmem_shared>>) offsets(%arg20 : memref<64xi32, #tpu.memory_space<vmem>>) semaphore(%arg28 : memref<!tpu.dma_semaphore, #tpu.memory_space<semaphore_mem>>) {add = true}
        %mul3A_391 = arith.constant 4 : i32
        %mul3A_392 = arith.muli %add3A_188, %mul3A_391 : i32
        %add3A_393 = arith.constant 3 : i32
        %add3A_394 = arith.addi %mul3A_392, %add3A_393 : i32
        %dma_wait3A_395 = arith.constant 0 : i32
        %dma_wait3A_396 = arith.constant 0 : i32
        %dma_wait3A_397 = tpu.memref_slice %arg2[%dma_wait3A_395, %dma_wait3A_396] : memref<10000x128xf32, #tpu.memory_space<hbm>> -> memref<10000x128xf32, #tpu.memory_space<hbm>>
        tpu.wait_indirect_dma semaphore(%arg25 : memref<!tpu.dma_semaphore, #tpu.memory_space<semaphore_mem>>) src(%dma_wait3A_397 : memref<10000x128xf32, #tpu.memory_space<hbm>>) dst(%arg13 : memref<64x128xf32, #tpu.memory_space<vmem>>)
        %ge3A_398 = arith.constant 1 : i32
        %ge3A_399 = arith.cmpi sge, %add3A_394, %ge3A_398 : i32
        %convert_element_type3A_400 = arith.extui %ge3A_399 : i1 to i32
        %cond3A_401 = arith.constant 0 : i32
        %cond3A_402 = arith.cmpi ne, %convert_element_type3A_400, %cond3A_401 : i32
        scf.if %cond3A_402 {
          %dma_wait3A_459 = arith.constant 0 : i32
          %dma_wait3A_460 = arith.constant 0 : i32
          %dma_wait3A_461 = tpu.memref_slice %arg5[%dma_wait3A_459, %dma_wait3A_460] : memref<10240x128xf32, #tpu.memory_space<vmem_shared>> -> memref<10240x128xf32, #tpu.memory_space<vmem_shared>>
          tpu.wait_indirect_dma semaphore(%arg28 : memref<!tpu.dma_semaphore, #tpu.memory_space<semaphore_mem>>) src(%arg12 : memref<64x128xf32, #tpu.memory_space<vmem>>) dst(%dma_wait3A_461 : memref<10240x128xf32, #tpu.memory_space<vmem_shared>>)
        } else {
        }
        %add3A_403 = arith.constant 4 : i32
        %add3A_404 = arith.addi %add3A_394, %add3A_403 : i32
        %sub3A_405 = arith.constant 1 : i32
        %sub3A_406 = arith.subi %add3A_404, %sub3A_405 : i32
        %lt3A_407 = arith.constant 40 : i32
        %lt3A_408 = arith.cmpi slt, %sub3A_406, %lt3A_407 : i32
        %convert_element_type3A_409 = arith.extui %lt3A_408 : i1 to i32
        %cond3A_410 = arith.constant 0 : i32
        %cond3A_411 = arith.cmpi ne, %convert_element_type3A_409, %cond3A_410 : i32
        scf.if %cond3A_411 {
          %add3A_459 = arith.constant 4 : i32
          %add3A_460 = arith.addi %add3A_394, %add3A_459 : i32
          %sub3A_461 = arith.constant 1 : i32
          %sub3A_462 = arith.subi %add3A_460, %sub3A_461 : i32
          %mul3A_463 = arith.constant 64 : i32
          %mul3A_464 = arith.muli %sub3A_462, %mul3A_463 : i32
          %add3A_465 = arith.constant 0 : i32
          %add3A_466 = arith.addi %mul3A_464, %add3A_465 : i32
          %get3A_467 = arith.index_cast %add3A_466 : i32 to index
          %get3A_468 = tpu.vector_load %arg6[%get3A_467] {strides = array<i32>} : memref<2560xi32, #tpu.memory_space<vmem>>, vector<16xi32>,
          %get3A_469 = vector.shape_cast %get3A_468 : vector<16xi32> to vector<16xi32>
          %swap3A_470 = arith.constant 0 : index
          %swap3A_471 = tpu.vector_load %arg16[%swap3A_470] {strides = array<i32>} : memref<64xi32, #tpu.memory_space<vmem>>, vector<16xi32>,
          %swap3A_472 = vector.shape_cast %swap3A_471 : vector<16xi32> to vector<16xi32>
          %swap3A_473 = vector.shape_cast %get3A_469 : vector<16xi32> to vector<16xi32>
          tpu.vector_store %arg16[%swap3A_470], %swap3A_473 {strides = array<i32>} : memref<64xi32, #tpu.memory_space<vmem>>, vector<16xi32>,
          %mul3A_474 = arith.constant 64 : i32
          %mul3A_475 = arith.muli %sub3A_462, %mul3A_474 : i32
          %add3A_476 = arith.constant 16 : i32
          %add3A_477 = arith.addi %mul3A_475, %add3A_476 : i32
          %get3A_478 = arith.index_cast %add3A_477 : i32 to index
          %get3A_479 = tpu.vector_load %arg6[%get3A_478] {strides = array<i32>} : memref<2560xi32, #tpu.memory_space<vmem>>, vector<16xi32>,
          %get3A_480 = vector.shape_cast %get3A_479 : vector<16xi32> to vector<16xi32>
          %swap3A_481 = arith.constant 16 : index
          %swap3A_482 = tpu.vector_load %arg16[%swap3A_481] {strides = array<i32>} : memref<64xi32, #tpu.memory_space<vmem>>, vector<16xi32>,
          %swap3A_483 = vector.shape_cast %swap3A_482 : vector<16xi32> to vector<16xi32>
          %swap3A_484 = vector.shape_cast %get3A_480 : vector<16xi32> to vector<16xi32>
          tpu.vector_store %arg16[%swap3A_481], %swap3A_484 {strides = array<i32>} : memref<64xi32, #tpu.memory_space<vmem>>, vector<16xi32>,
          %mul3A_485 = arith.constant 64 : i32
          %mul3A_486 = arith.muli %sub3A_462, %mul3A_485 : i32
          %add3A_487 = arith.constant 32 : i32
          %add3A_488 = arith.addi %mul3A_486, %add3A_487 : i32
          %get3A_489 = arith.index_cast %add3A_488 : i32 to index
          %get3A_490 = tpu.vector_load %arg6[%get3A_489] {strides = array<i32>} : memref<2560xi32, #tpu.memory_space<vmem>>, vector<16xi32>,
          %get3A_491 = vector.shape_cast %get3A_490 : vector<16xi32> to vector<16xi32>
          %swap3A_492 = arith.constant 32 : index
          %swap3A_493 = tpu.vector_load %arg16[%swap3A_492] {strides = array<i32>} : memref<64xi32, #tpu.memory_space<vmem>>, vector<16xi32>,
          %swap3A_494 = vector.shape_cast %swap3A_493 : vector<16xi32> to vector<16xi32>
          %swap3A_495 = vector.shape_cast %get3A_491 : vector<16xi32> to vector<16xi32>
          tpu.vector_store %arg16[%swap3A_492], %swap3A_495 {strides = array<i32>} : memref<64xi32, #tpu.memory_space<vmem>>, vector<16xi32>,
          %mul3A_496 = arith.constant 64 : i32
          %mul3A_497 = arith.muli %sub3A_462, %mul3A_496 : i32
          %add3A_498 = arith.constant 48 : i32
          %add3A_499 = arith.addi %mul3A_497, %add3A_498 : i32
          %get3A_500 = arith.index_cast %add3A_499 : i32 to index
          %get3A_501 = tpu.vector_load %arg6[%get3A_500] {strides = array<i32>} : memref<2560xi32, #tpu.memory_space<vmem>>, vector<16xi32>,
          %get3A_502 = vector.shape_cast %get3A_501 : vector<16xi32> to vector<16xi32>
          %swap3A_503 = arith.constant 48 : index
          %swap3A_504 = tpu.vector_load %arg16[%swap3A_503] {strides = array<i32>} : memref<64xi32, #tpu.memory_space<vmem>>, vector<16xi32>,
          %swap3A_505 = vector.shape_cast %swap3A_504 : vector<16xi32> to vector<16xi32>
          %swap3A_506 = vector.shape_cast %get3A_502 : vector<16xi32> to vector<16xi32>
          tpu.vector_store %arg16[%swap3A_503], %swap3A_506 {strides = array<i32>} : memref<64xi32, #tpu.memory_space<vmem>>, vector<16xi32>,
          %dma_start3A_507 = arith.constant 0 : i32
          %dma_start3A_508 = arith.constant 0 : i32
          %dma_start3A_509 = tpu.memref_slice %arg2[%dma_start3A_507, %dma_start3A_508] : memref<10000x128xf32, #tpu.memory_space<hbm>> -> memref<10000x128xf32, #tpu.memory_space<hbm>>
          tpu.enqueue_indirect_dma source(%dma_start3A_509 : memref<10000x128xf32, #tpu.memory_space<hbm>>) target(%arg12 : memref<64x128xf32, #tpu.memory_space<vmem>>) offsets(%arg16 : memref<64xi32, #tpu.memory_space<vmem>>) semaphore(%arg24 : memref<!tpu.dma_semaphore, #tpu.memory_space<semaphore_mem>>)
        } else {
        }
        %mul3A_412 = arith.constant 64 : i32
        %mul3A_413 = arith.muli %add3A_394, %mul3A_412 : i32
        %add3A_414 = arith.constant 0 : i32
        %add3A_415 = arith.addi %mul3A_413, %add3A_414 : i32
        %get3A_416 = arith.index_cast %add3A_415 : i32 to index
        %get3A_417 = tpu.vector_load %arg8[%get3A_416] {strides = array<i32>} : memref<2560xi32, #tpu.memory_space<vmem>>, vector<16xi32>,
        %get3A_418 = vector.shape_cast %get3A_417 : vector<16xi32> to vector<16xi32>
        %swap3A_419 = arith.constant 0 : index
        %swap3A_420 = tpu.vector_load %arg21[%swap3A_419] {strides = array<i32>} : memref<64xi32, #tpu.memory_space<vmem>>, vector<16xi32>,
        %swap3A_421 = vector.shape_cast %swap3A_420 : vector<16xi32> to vector<16xi32>
        %swap3A_422 = vector.shape_cast %get3A_418 : vector<16xi32> to vector<16xi32>
        tpu.vector_store %arg21[%swap3A_419], %swap3A_422 {strides = array<i32>} : memref<64xi32, #tpu.memory_space<vmem>>, vector<16xi32>,
        %mul3A_423 = arith.constant 64 : i32
        %mul3A_424 = arith.muli %add3A_394, %mul3A_423 : i32
        %add3A_425 = arith.constant 16 : i32
        %add3A_426 = arith.addi %mul3A_424, %add3A_425 : i32
        %get3A_427 = arith.index_cast %add3A_426 : i32 to index
        %get3A_428 = tpu.vector_load %arg8[%get3A_427] {strides = array<i32>} : memref<2560xi32, #tpu.memory_space<vmem>>, vector<16xi32>,
        %get3A_429 = vector.shape_cast %get3A_428 : vector<16xi32> to vector<16xi32>
        %swap3A_430 = arith.constant 16 : index
        %swap3A_431 = tpu.vector_load %arg21[%swap3A_430] {strides = array<i32>} : memref<64xi32, #tpu.memory_space<vmem>>, vector<16xi32>,
        %swap3A_432 = vector.shape_cast %swap3A_431 : vector<16xi32> to vector<16xi32>
        %swap3A_433 = vector.shape_cast %get3A_429 : vector<16xi32> to vector<16xi32>
        tpu.vector_store %arg21[%swap3A_430], %swap3A_433 {strides = array<i32>} : memref<64xi32, #tpu.memory_space<vmem>>, vector<16xi32>,
        %mul3A_434 = arith.constant 64 : i32
        %mul3A_435 = arith.muli %add3A_394, %mul3A_434 : i32
        %add3A_436 = arith.constant 32 : i32
        %add3A_437 = arith.addi %mul3A_435, %add3A_436 : i32
        %get3A_438 = arith.index_cast %add3A_437 : i32 to index
        %get3A_439 = tpu.vector_load %arg8[%get3A_438] {strides = array<i32>} : memref<2560xi32, #tpu.memory_space<vmem>>, vector<16xi32>,
        %get3A_440 = vector.shape_cast %get3A_439 : vector<16xi32> to vector<16xi32>
        %swap3A_441 = arith.constant 32 : index
        %swap3A_442 = tpu.vector_load %arg21[%swap3A_441] {strides = array<i32>} : memref<64xi32, #tpu.memory_space<vmem>>, vector<16xi32>,
        %swap3A_443 = vector.shape_cast %swap3A_442 : vector<16xi32> to vector<16xi32>
        %swap3A_444 = vector.shape_cast %get3A_440 : vector<16xi32> to vector<16xi32>
        tpu.vector_store %arg21[%swap3A_441], %swap3A_444 {strides = array<i32>} : memref<64xi32, #tpu.memory_space<vmem>>, vector<16xi32>,
        %mul3A_445 = arith.constant 64 : i32
        %mul3A_446 = arith.muli %add3A_394, %mul3A_445 : i32
        %add3A_447 = arith.constant 48 : i32
        %add3A_448 = arith.addi %mul3A_446, %add3A_447 : i32
        %get3A_449 = arith.index_cast %add3A_448 : i32 to index
        %get3A_450 = tpu.vector_load %arg8[%get3A_449] {strides = array<i32>} : memref<2560xi32, #tpu.memory_space<vmem>>, vector<16xi32>,
        %get3A_451 = vector.shape_cast %get3A_450 : vector<16xi32> to vector<16xi32>
        %swap3A_452 = arith.constant 48 : index
        %swap3A_453 = tpu.vector_load %arg21[%swap3A_452] {strides = array<i32>} : memref<64xi32, #tpu.memory_space<vmem>>, vector<16xi32>,
        %swap3A_454 = vector.shape_cast %swap3A_453 : vector<16xi32> to vector<16xi32>
        %swap3A_455 = vector.shape_cast %get3A_451 : vector<16xi32> to vector<16xi32>
        tpu.vector_store %arg21[%swap3A_452], %swap3A_455 {strides = array<i32>} : memref<64xi32, #tpu.memory_space<vmem>>, vector<16xi32>,
        %dma_start3A_456 = arith.constant 0 : i32
        %dma_start3A_457 = arith.constant 0 : i32
        %dma_start3A_458 = tpu.memref_slice %arg5[%dma_start3A_456, %dma_start3A_457] : memref<10240x128xf32, #tpu.memory_space<vmem_shared>> -> memref<10240x128xf32, #tpu.memory_space<vmem_shared>>
        tpu.enqueue_indirect_dma source(%arg13 : memref<64x128xf32, #tpu.memory_space<vmem>>) target(%dma_start3A_458 : memref<10240x128xf32, #tpu.memory_space<vmem_shared>>) offsets(%arg21 : memref<64xi32, #tpu.memory_space<vmem>>) semaphore(%arg29 : memref<!tpu.dma_semaphore, #tpu.memory_space<semaphore_mem>>) {add = true}
      }
      %scan3A_180 = arith.constant 10 : i32
      %dma_wait3A_181 = arith.constant 0 : i32
      %dma_wait3A_182 = arith.constant 0 : i32
      %dma_wait3A_183 = tpu.memref_slice %arg5[%dma_wait3A_181, %dma_wait3A_182] : memref<10240x128xf32, #tpu.memory_space<vmem_shared>> -> memref<10240x128xf32, #tpu.memory_space<vmem_shared>>
      tpu.wait_indirect_dma semaphore(%arg29 : memref<!tpu.dma_semaphore, #tpu.memory_space<semaphore_mem>>) src(%arg13 : memref<64x128xf32, #tpu.memory_space<vmem>>) dst(%dma_wait3A_183 : memref<10240x128xf32, #tpu.memory_space<vmem_shared>>)
    } else {
    }
    %add3A_143 = arith.constant 32 : i32
    %add3A_144 = arith.addi %add3A, %add3A_143 : i32
    %lt3A_145 = arith.constant 125 : i32
    %lt3A_146 = arith.cmpi slt, %add3A_144, %lt3A_145 : i32
    %convert_element_type3A_147 = arith.extui %lt3A_146 : i1 to i32
    %cond3A_148 = arith.constant 0 : i32
    %cond3A_149 = arith.cmpi ne, %convert_element_type3A_147, %cond3A_148 : i32
    scf.if %cond3A_149 {
      %mul3A_169 = arith.constant 2560 : i32
      %mul3A_170 = arith.muli %add3A_144, %mul3A_169 : i32
      %dma_wait3A_171 = arith.constant 0 : i32
      %dma_wait3A_172 = arith.constant 0 : i32
      %dma_wait3A_173 = tpu.memref_slice %arg3[%dma_wait3A_171, %dma_wait3A_172] : memref<2x320000xi32, #tpu.memory_space<hbm>> -> memref<1x320000xi32, #tpu.memory_space<hbm>>
      %dma_wait3A_174 = tpu.memref_squeeze %dma_wait3A_173 : memref<1x320000xi32, #tpu.memory_space<hbm>> -> memref<320000xi32, #tpu.memory_space<hbm>>
      %dma_wait3A_175 = tpu.memref_slice %dma_wait3A_174[%mul3A_170] : memref<320000xi32, #tpu.memory_space<hbm>> -> memref<2560xi32, #tpu.memory_space<hbm>>
      %dma_wait3A_176 = arith.constant 0 : i32
      %dma_wait3A_177 = tpu.memref_slice %arg3[%dma_wait3A_171, %dma_wait3A_176] : memref<2x320000xi32, #tpu.memory_space<hbm>> -> memref<1x320000xi32, #tpu.memory_space<hbm>>
      %dma_wait3A_178 = tpu.memref_squeeze %dma_wait3A_177 : memref<1x320000xi32, #tpu.memory_space<hbm>> -> memref<320000xi32, #tpu.memory_space<hbm>>
      %dma_wait3A_179 = tpu.memref_slice %dma_wait3A_178[%mul3A_170] : memref<320000xi32, #tpu.memory_space<hbm>> -> memref<2560xi32, #tpu.memory_space<hbm>>
      tpu.wait_dma2 semaphore(%arg31 : memref<!tpu.dma_semaphore, #tpu.memory_space<semaphore_mem>>) src(%dma_wait3A_179 : memref<2560xi32, #tpu.memory_space<hbm>>) dst(%arg7 : memref<2560xi32, #tpu.memory_space<vmem>>)
      %dma_wait3A_180 = arith.constant 1 : i32
      %dma_wait3A_181 = arith.constant 0 : i32
      %dma_wait3A_182 = tpu.memref_slice %arg3[%dma_wait3A_180, %dma_wait3A_181] : memref<2x320000xi32, #tpu.memory_space<hbm>> -> memref<1x320000xi32, #tpu.memory_space<hbm>>
      %dma_wait3A_183 = tpu.memref_squeeze %dma_wait3A_182 : memref<1x320000xi32, #tpu.memory_space<hbm>> -> memref<320000xi32, #tpu.memory_space<hbm>>
      %dma_wait3A_184 = tpu.memref_slice %dma_wait3A_183[%mul3A_170] : memref<320000xi32, #tpu.memory_space<hbm>> -> memref<2560xi32, #tpu.memory_space<hbm>>
      %dma_wait3A_185 = arith.constant 0 : i32
      %dma_wait3A_186 = tpu.memref_slice %arg3[%dma_wait3A_180, %dma_wait3A_185] : memref<2x320000xi32, #tpu.memory_space<hbm>> -> memref<1x320000xi32, #tpu.memory_space<hbm>>
      %dma_wait3A_187 = tpu.memref_squeeze %dma_wait3A_186 : memref<1x320000xi32, #tpu.memory_space<hbm>> -> memref<320000xi32, #tpu.memory_space<hbm>>
      %dma_wait3A_188 = tpu.memref_slice %dma_wait3A_187[%mul3A_170] : memref<320000xi32, #tpu.memory_space<hbm>> -> memref<2560xi32, #tpu.memory_space<hbm>>
      tpu.wait_dma2 semaphore(%arg31 : memref<!tpu.dma_semaphore, #tpu.memory_space<semaphore_mem>>) src(%dma_wait3A_188 : memref<2560xi32, #tpu.memory_space<hbm>>) dst(%arg9 : memref<2560xi32, #tpu.memory_space<vmem>>)
      %add3A_189 = arith.constant 64 : i32
      %add3A_190 = arith.addi %add3A, %add3A_189 : i32
      %lt3A_191 = arith.constant 125 : i32
      %lt3A_192 = arith.cmpi slt, %add3A_190, %lt3A_191 : i32
      %convert_element_type3A_193 = arith.extui %lt3A_192 : i1 to i32
      %cond3A_194 = arith.constant 0 : i32
      %cond3A_195 = arith.cmpi ne, %convert_element_type3A_193, %cond3A_194 : i32
      scf.if %cond3A_195 {
        %mul3A_297 = arith.constant 2560 : i32
        %mul3A_298 = arith.muli %add3A_190, %mul3A_297 : i32
        %dma_start3A_299 = arith.constant 0 : i32
        %dma_start3A_300 = arith.constant 0 : i32
        %dma_start3A_301 = tpu.memref_slice %arg3[%dma_start3A_299, %dma_start3A_300] : memref<2x320000xi32, #tpu.memory_space<hbm>> -> memref<1x320000xi32, #tpu.memory_space<hbm>>
        %dma_start3A_302 = tpu.memref_squeeze %dma_start3A_301 : memref<1x320000xi32, #tpu.memory_space<hbm>> -> memref<320000xi32, #tpu.memory_space<hbm>>
        %dma_start3A_303 = tpu.memref_slice %dma_start3A_302[%mul3A_298] : memref<320000xi32, #tpu.memory_space<hbm>> -> memref<2560xi32, #tpu.memory_space<hbm>>
        %dma_start3A_304 = arith.constant 0 : i32
        %dma_start3A_305 = tpu.memref_slice %arg3[%dma_start3A_299, %dma_start3A_304] : memref<2x320000xi32, #tpu.memory_space<hbm>> -> memref<1x320000xi32, #tpu.memory_space<hbm>>
        %dma_start3A_306 = tpu.memref_squeeze %dma_start3A_305 : memref<1x320000xi32, #tpu.memory_space<hbm>> -> memref<320000xi32, #tpu.memory_space<hbm>>
        %dma_start3A_307 = tpu.memref_slice %dma_start3A_306[%mul3A_298] : memref<320000xi32, #tpu.memory_space<hbm>> -> memref<2560xi32, #tpu.memory_space<hbm>>
        tpu.enqueue_dma source(%dma_start3A_307 : memref<2560xi32, #tpu.memory_space<hbm>>) target(%arg6 : memref<2560xi32, #tpu.memory_space<vmem>>) target_semaphore(%arg30 : memref<!tpu.dma_semaphore, #tpu.memory_space<semaphore_mem>>)
        %dma_start3A_308 = arith.constant 1 : i32
        %dma_start3A_309 = arith.constant 0 : i32
        %dma_start3A_310 = tpu.memref_slice %arg3[%dma_start3A_308, %dma_start3A_309] : memref<2x320000xi32, #tpu.memory_space<hbm>> -> memref<1x320000xi32, #tpu.memory_space<hbm>>
        %dma_start3A_311 = tpu.memref_squeeze %dma_start3A_310 : memref<1x320000xi32, #tpu.memory_space<hbm>> -> memref<320000xi32, #tpu.memory_space<hbm>>
        %dma_start3A_312 = tpu.memref_slice %dma_start3A_311[%mul3A_298] : memref<320000xi32, #tpu.memory_space<hbm>> -> memref<2560xi32, #tpu.memory_space<hbm>>
        %dma_start3A_313 = arith.constant 0 : i32
        %dma_start3A_314 = tpu.memref_slice %arg3[%dma_start3A_308, %dma_start3A_313] : memref<2x320000xi32, #tpu.memory_space<hbm>> -> memref<1x320000xi32, #tpu.memory_space<hbm>>
        %dma_start3A_315 = tpu.memref_squeeze %dma_start3A_314 : memref<1x320000xi32, #tpu.memory_space<hbm>> -> memref<320000xi32, #tpu.memory_space<hbm>>
        %dma_start3A_316 = tpu.memref_slice %dma_start3A_315[%mul3A_298] : memref<320000xi32, #tpu.memory_space<hbm>> -> memref<2560xi32, #tpu.memory_space<hbm>>
        tpu.enqueue_dma source(%dma_start3A_316 : memref<2560xi32, #tpu.memory_space<hbm>>) target(%arg8 : memref<2560xi32, #tpu.memory_space<vmem>>) target_semaphore(%arg30 : memref<!tpu.dma_semaphore, #tpu.memory_space<semaphore_mem>>)
      } else {
      }
      %get3A_196 = arith.constant 0 : index
      %get3A_197 = tpu.vector_load %arg7[%get3A_196] {strides = array<i32>} : memref<2560xi32, #tpu.memory_space<vmem>>, vector<16xi32>,
      %get3A_198 = vector.shape_cast %get3A_197 : vector<16xi32> to vector<16xi32>
      %swap3A_199 = arith.constant 0 : index
      %swap3A_200 = tpu.vector_load %arg14[%swap3A_199] {strides = array<i32>} : memref<64xi32, #tpu.memory_space<vmem>>, vector<16xi32>,
      %swap3A_201 = vector.shape_cast %swap3A_200 : vector<16xi32> to vector<16xi32>
      %swap3A_202 = vector.shape_cast %get3A_198 : vector<16xi32> to vector<16xi32>
      tpu.vector_store %arg14[%swap3A_199], %swap3A_202 {strides = array<i32>} : memref<64xi32, #tpu.memory_space<vmem>>, vector<16xi32>,
      %get3A_203 = arith.constant 16 : index
      %get3A_204 = tpu.vector_load %arg7[%get3A_203] {strides = array<i32>} : memref<2560xi32, #tpu.memory_space<vmem>>, vector<16xi32>,
      %get3A_205 = vector.shape_cast %get3A_204 : vector<16xi32> to vector<16xi32>
      %swap3A_206 = arith.constant 16 : index
      %swap3A_207 = tpu.vector_load %arg14[%swap3A_206] {strides = array<i32>} : memref<64xi32, #tpu.memory_space<vmem>>, vector<16xi32>,
      %swap3A_208 = vector.shape_cast %swap3A_207 : vector<16xi32> to vector<16xi32>
      %swap3A_209 = vector.shape_cast %get3A_205 : vector<16xi32> to vector<16xi32>
      tpu.vector_store %arg14[%swap3A_206], %swap3A_209 {strides = array<i32>} : memref<64xi32, #tpu.memory_space<vmem>>, vector<16xi32>,
      %get3A_210 = arith.constant 32 : index
      %get3A_211 = tpu.vector_load %arg7[%get3A_210] {strides = array<i32>} : memref<2560xi32, #tpu.memory_space<vmem>>, vector<16xi32>,
      %get3A_212 = vector.shape_cast %get3A_211 : vector<16xi32> to vector<16xi32>
      %swap3A_213 = arith.constant 32 : index
      %swap3A_214 = tpu.vector_load %arg14[%swap3A_213] {strides = array<i32>} : memref<64xi32, #tpu.memory_space<vmem>>, vector<16xi32>,
      %swap3A_215 = vector.shape_cast %swap3A_214 : vector<16xi32> to vector<16xi32>
      %swap3A_216 = vector.shape_cast %get3A_212 : vector<16xi32> to vector<16xi32>
      tpu.vector_store %arg14[%swap3A_213], %swap3A_216 {strides = array<i32>} : memref<64xi32, #tpu.memory_space<vmem>>, vector<16xi32>,
      %get3A_217 = arith.constant 48 : index
      %get3A_218 = tpu.vector_load %arg7[%get3A_217] {strides = array<i32>} : memref<2560xi32, #tpu.memory_space<vmem>>, vector<16xi32>,
      %get3A_219 = vector.shape_cast %get3A_218 : vector<16xi32> to vector<16xi32>
      %swap3A_220 = arith.constant 48 : index
      %swap3A_221 = tpu.vector_load %arg14[%swap3A_220] {strides = array<i32>} : memref<64xi32, #tpu.memory_space<vmem>>, vector<16xi32>,
      %swap3A_222 = vector.shape_cast %swap3A_221 : vector<16xi32> to vector<16xi32>
      %swap3A_223 = vector.shape_cast %get3A_219 : vector<16xi32> to vector<16xi32>
      tpu.vector_store %arg14[%swap3A_220], %swap3A_223 {strides = array<i32>} : memref<64xi32, #tpu.memory_space<vmem>>, vector<16xi32>,
      %dma_start3A_224 = arith.constant 0 : i32
      %dma_start3A_225 = arith.constant 0 : i32
      %dma_start3A_226 = tpu.memref_slice %arg2[%dma_start3A_224, %dma_start3A_225] : memref<10000x128xf32, #tpu.memory_space<hbm>> -> memref<10000x128xf32, #tpu.memory_space<hbm>>
      tpu.enqueue_indirect_dma source(%dma_start3A_226 : memref<10000x128xf32, #tpu.memory_space<hbm>>) target(%arg10 : memref<64x128xf32, #tpu.memory_space<vmem>>) offsets(%arg14 : memref<64xi32, #tpu.memory_space<vmem>>) semaphore(%arg22 : memref<!tpu.dma_semaphore, #tpu.memory_space<semaphore_mem>>)
      %get3A_227 = arith.constant 64 : index
      %get3A_228 = tpu.vector_load %arg7[%get3A_227] {strides = array<i32>} : memref<2560xi32, #tpu.memory_space<vmem>>, vector<16xi32>,
      %get3A_229 = vector.shape_cast %get3A_228 : vector<16xi32> to vector<16xi32>
      %swap3A_230 = arith.constant 0 : index
      %swap3A_231 = tpu.vector_load %arg15[%swap3A_230] {strides = array<i32>} : memref<64xi32, #tpu.memory_space<vmem>>, vector<16xi32>,
      %swap3A_232 = vector.shape_cast %swap3A_231 : vector<16xi32> to vector<16xi32>
      %swap3A_233 = vector.shape_cast %get3A_229 : vector<16xi32> to vector<16xi32>
      tpu.vector_store %arg15[%swap3A_230], %swap3A_233 {strides = array<i32>} : memref<64xi32, #tpu.memory_space<vmem>>, vector<16xi32>,
      %get3A_234 = arith.constant 80 : index
      %get3A_235 = tpu.vector_load %arg7[%get3A_234] {strides = array<i32>} : memref<2560xi32, #tpu.memory_space<vmem>>, vector<16xi32>,
      %get3A_236 = vector.shape_cast %get3A_235 : vector<16xi32> to vector<16xi32>
      %swap3A_237 = arith.constant 16 : index
      %swap3A_238 = tpu.vector_load %arg15[%swap3A_237] {strides = array<i32>} : memref<64xi32, #tpu.memory_space<vmem>>, vector<16xi32>,
      %swap3A_239 = vector.shape_cast %swap3A_238 : vector<16xi32> to vector<16xi32>
      %swap3A_240 = vector.shape_cast %get3A_236 : vector<16xi32> to vector<16xi32>
      tpu.vector_store %arg15[%swap3A_237], %swap3A_240 {strides = array<i32>} : memref<64xi32, #tpu.memory_space<vmem>>, vector<16xi32>,
      %get3A_241 = arith.constant 96 : index
      %get3A_242 = tpu.vector_load %arg7[%get3A_241] {strides = array<i32>} : memref<2560xi32, #tpu.memory_space<vmem>>, vector<16xi32>,
      %get3A_243 = vector.shape_cast %get3A_242 : vector<16xi32> to vector<16xi32>
      %swap3A_244 = arith.constant 32 : index
      %swap3A_245 = tpu.vector_load %arg15[%swap3A_244] {strides = array<i32>} : memref<64xi32, #tpu.memory_space<vmem>>, vector<16xi32>,
      %swap3A_246 = vector.shape_cast %swap3A_245 : vector<16xi32> to vector<16xi32>
      %swap3A_247 = vector.shape_cast %get3A_243 : vector<16xi32> to vector<16xi32>
      tpu.vector_store %arg15[%swap3A_244], %swap3A_247 {strides = array<i32>} : memref<64xi32, #tpu.memory_space<vmem>>, vector<16xi32>,
      %get3A_248 = arith.constant 112 : index
      %get3A_249 = tpu.vector_load %arg7[%get3A_248] {strides = array<i32>} : memref<2560xi32, #tpu.memory_space<vmem>>, vector<16xi32>,
      %get3A_250 = vector.shape_cast %get3A_249 : vector<16xi32> to vector<16xi32>
      %swap3A_251 = arith.constant 48 : index
      %swap3A_252 = tpu.vector_load %arg15[%swap3A_251] {strides = array<i32>} : memref<64xi32, #tpu.memory_space<vmem>>, vector<16xi32>,
      %swap3A_253 = vector.shape_cast %swap3A_252 : vector<16xi32> to vector<16xi32>
      %swap3A_254 = vector.shape_cast %get3A_250 : vector<16xi32> to vector<16xi32>
      tpu.vector_store %arg15[%swap3A_251], %swap3A_254 {strides = array<i32>} : memref<64xi32, #tpu.memory_space<vmem>>, vector<16xi32>,
      %dma_start3A_255 = arith.constant 0 : i32
      %dma_start3A_256 = arith.constant 0 : i32
      %dma_start3A_257 = tpu.memref_slice %arg2[%dma_start3A_255, %dma_start3A_256] : memref<10000x128xf32, #tpu.memory_space<hbm>> -> memref<10000x128xf32, #tpu.memory_space<hbm>>
      tpu.enqueue_indirect_dma source(%dma_start3A_257 : memref<10000x128xf32, #tpu.memory_space<hbm>>) target(%arg11 : memref<64x128xf32, #tpu.memory_space<vmem>>) offsets(%arg15 : memref<64xi32, #tpu.memory_space<vmem>>) semaphore(%arg23 : memref<!tpu.dma_semaphore, #tpu.memory_space<semaphore_mem>>)
      %get3A_258 = arith.constant 128 : index
      %get3A_259 = tpu.vector_load %arg7[%get3A_258] {strides = array<i32>} : memref<2560xi32, #tpu.memory_space<vmem>>, vector<16xi32>,
      %get3A_260 = vector.shape_cast %get3A_259 : vector<16xi32> to vector<16xi32>
      %swap3A_261 = arith.constant 0 : index
      %swap3A_262 = tpu.vector_load %arg16[%swap3A_261] {strides = array<i32>} : memref<64xi32, #tpu.memory_space<vmem>>, vector<16xi32>,
      %swap3A_263 = vector.shape_cast %swap3A_262 : vector<16xi32> to vector<16xi32>
      %swap3A_264 = vector.shape_cast %get3A_260 : vector<16xi32> to vector<16xi32>
      tpu.vector_store %arg16[%swap3A_261], %swap3A_264 {strides = array<i32>} : memref<64xi32, #tpu.memory_space<vmem>>, vector<16xi32>,
      %get3A_265 = arith.constant 144 : index
      %get3A_266 = tpu.vector_load %arg7[%get3A_265] {strides = array<i32>} : memref<2560xi32, #tpu.memory_space<vmem>>, vector<16xi32>,
      %get3A_267 = vector.shape_cast %get3A_266 : vector<16xi32> to vector<16xi32>
      %swap3A_268 = arith.constant 16 : index
      %swap3A_269 = tpu.vector_load %arg16[%swap3A_268] {strides = array<i32>} : memref<64xi32, #tpu.memory_space<vmem>>, vector<16xi32>,
      %swap3A_270 = vector.shape_cast %swap3A_269 : vector<16xi32> to vector<16xi32>
      %swap3A_271 = vector.shape_cast %get3A_267 : vector<16xi32> to vector<16xi32>
      tpu.vector_store %arg16[%swap3A_268], %swap3A_271 {strides = array<i32>} : memref<64xi32, #tpu.memory_space<vmem>>, vector<16xi32>,
      %get3A_272 = arith.constant 160 : index
      %get3A_273 = tpu.vector_load %arg7[%get3A_272] {strides = array<i32>} : memref<2560xi32, #tpu.memory_space<vmem>>, vector<16xi32>,
      %get3A_274 = vector.shape_cast %get3A_273 : vector<16xi32> to vector<16xi32>
      %swap3A_275 = arith.constant 32 : index
      %swap3A_276 = tpu.vector_load %arg16[%swap3A_275] {strides = array<i32>} : memref<64xi32, #tpu.memory_space<vmem>>, vector<16xi32>,
      %swap3A_277 = vector.shape_cast %swap3A_276 : vector<16xi32> to vector<16xi32>
      %swap3A_278 = vector.shape_cast %get3A_274 : vector<16xi32> to vector<16xi32>
      tpu.vector_store %arg16[%swap3A_275], %swap3A_278 {strides = array<i32>} : memref<64xi32, #tpu.memory_space<vmem>>, vector<16xi32>,
      %get3A_279 = arith.constant 176 : index
      %get3A_280 = tpu.vector_load %arg7[%get3A_279] {strides = array<i32>} : memref<2560xi32, #tpu.memory_space<vmem>>, vector<16xi32>,
      %get3A_281 = vector.shape_cast %get3A_280 : vector<16xi32> to vector<16xi32>
      %swap3A_282 = arith.constant 48 : index
      %swap3A_283 = tpu.vector_load %arg16[%swap3A_282] {strides = array<i32>} : memref<64xi32, #tpu.memory_space<vmem>>, vector<16xi32>,
      %swap3A_284 = vector.shape_cast %swap3A_283 : vector<16xi32> to vector<16xi32>
      %swap3A_285 = vector.shape_cast %get3A_281 : vector<16xi32> to vector<16xi32>
      tpu.vector_store %arg16[%swap3A_282], %swap3A_285 {strides = array<i32>} : memref<64xi32, #tpu.memory_space<vmem>>, vector<16xi32>,
      %dma_start3A_286 = arith.constant 0 : i32
      %dma_start3A_287 = arith.constant 0 : i32
      %dma_start3A_288 = tpu.memref_slice %arg2[%dma_start3A_286, %dma_start3A_287] : memref<10000x128xf32, #tpu.memory_space<hbm>> -> memref<10000x128xf32, #tpu.memory_space<hbm>>
      tpu.enqueue_indirect_dma source(%dma_start3A_288 : memref<10000x128xf32, #tpu.memory_space<hbm>>) target(%arg12 : memref<64x128xf32, #tpu.memory_space<vmem>>) offsets(%arg16 : memref<64xi32, #tpu.memory_space<vmem>>) semaphore(%arg24 : memref<!tpu.dma_semaphore, #tpu.memory_space<semaphore_mem>>)
      %scan3A_289 = arith.constant 0 : i32
      %scan3A_290 = arith.constant 10 : i32
      %scan3A_291 = arith.addi %scan3A_289, %scan3A_290 : i32
      %scan3A_292 = arith.constant 1 : i32
      scf.for %scan3A_297 = %scan3A_289 to %scan3A_291 step %scan3A_292  : i32 {
        %mul3A_298 = arith.constant 1 : i32
        %mul3A_299 = arith.muli %scan3A_297, %mul3A_298 : i32
        %add3A_300 = arith.constant 0 : i32
        %add3A_301 = arith.addi %add3A_300, %mul3A_299 : i32
        %mul3A_302 = arith.constant 4 : i32
        %mul3A_303 = arith.muli %add3A_301, %mul3A_302 : i32
        %add3A_304 = arith.constant 0 : i32
        %add3A_305 = arith.addi %mul3A_303, %add3A_304 : i32
        %dma_wait3A_306 = arith.constant 0 : i32
        %dma_wait3A_307 = arith.constant 0 : i32
        %dma_wait3A_308 = tpu.memref_slice %arg2[%dma_wait3A_306, %dma_wait3A_307] : memref<10000x128xf32, #tpu.memory_space<hbm>> -> memref<10000x128xf32, #tpu.memory_space<hbm>>
        tpu.wait_indirect_dma semaphore(%arg22 : memref<!tpu.dma_semaphore, #tpu.memory_space<semaphore_mem>>) src(%dma_wait3A_308 : memref<10000x128xf32, #tpu.memory_space<hbm>>) dst(%arg10 : memref<64x128xf32, #tpu.memory_space<vmem>>)
        %ge3A = arith.constant 1 : i32
        %ge3A_309 = arith.cmpi sge, %add3A_305, %ge3A : i32
        %convert_element_type3A_310 = arith.extui %ge3A_309 : i1 to i32
        %cond3A_311 = arith.constant 0 : i32
        %cond3A_312 = arith.cmpi ne, %convert_element_type3A_310, %cond3A_311 : i32
        scf.if %cond3A_312 {
          %dma_wait3A_572 = arith.constant 0 : i32
          %dma_wait3A_573 = arith.constant 0 : i32
          %dma_wait3A_574 = tpu.memref_slice %arg5[%dma_wait3A_572, %dma_wait3A_573] : memref<10240x128xf32, #tpu.memory_space<vmem_shared>> -> memref<10240x128xf32, #tpu.memory_space<vmem_shared>>
          tpu.wait_indirect_dma semaphore(%arg29 : memref<!tpu.dma_semaphore, #tpu.memory_space<semaphore_mem>>) src(%arg13 : memref<64x128xf32, #tpu.memory_space<vmem>>) dst(%dma_wait3A_574 : memref<10240x128xf32, #tpu.memory_space<vmem_shared>>)
        } else {
        }
        %add3A_313 = arith.constant 4 : i32
        %add3A_314 = arith.addi %add3A_305, %add3A_313 : i32
        %sub3A = arith.constant 1 : i32
        %sub3A_315 = arith.subi %add3A_314, %sub3A : i32
        %lt3A_316 = arith.constant 40 : i32
        %lt3A_317 = arith.cmpi slt, %sub3A_315, %lt3A_316 : i32
        %convert_element_type3A_318 = arith.extui %lt3A_317 : i1 to i32
        %cond3A_319 = arith.constant 0 : i32
        %cond3A_320 = arith.cmpi ne, %convert_element_type3A_318, %cond3A_319 : i32
        scf.if %cond3A_320 {
          %add3A_572 = arith.constant 4 : i32
          %add3A_573 = arith.addi %add3A_305, %add3A_572 : i32
          %sub3A_574 = arith.constant 1 : i32
          %sub3A_575 = arith.subi %add3A_573, %sub3A_574 : i32
          %mul3A_576 = arith.constant 64 : i32
          %mul3A_577 = arith.muli %sub3A_575, %mul3A_576 : i32
          %add3A_578 = arith.constant 0 : i32
          %add3A_579 = arith.addi %mul3A_577, %add3A_578 : i32
          %get3A_580 = arith.index_cast %add3A_579 : i32 to index
          %get3A_581 = tpu.vector_load %arg7[%get3A_580] {strides = array<i32>} : memref<2560xi32, #tpu.memory_space<vmem>>, vector<16xi32>,
          %get3A_582 = vector.shape_cast %get3A_581 : vector<16xi32> to vector<16xi32>
          %swap3A_583 = arith.constant 0 : index
          %swap3A_584 = tpu.vector_load %arg17[%swap3A_583] {strides = array<i32>} : memref<64xi32, #tpu.memory_space<vmem>>, vector<16xi32>,
          %swap3A_585 = vector.shape_cast %swap3A_584 : vector<16xi32> to vector<16xi32>
          %swap3A_586 = vector.shape_cast %get3A_582 : vector<16xi32> to vector<16xi32>
          tpu.vector_store %arg17[%swap3A_583], %swap3A_586 {strides = array<i32>} : memref<64xi32, #tpu.memory_space<vmem>>, vector<16xi32>,
          %mul3A_587 = arith.constant 64 : i32
          %mul3A_588 = arith.muli %sub3A_575, %mul3A_587 : i32
          %add3A_589 = arith.constant 16 : i32
          %add3A_590 = arith.addi %mul3A_588, %add3A_589 : i32
          %get3A_591 = arith.index_cast %add3A_590 : i32 to index
          %get3A_592 = tpu.vector_load %arg7[%get3A_591] {strides = array<i32>} : memref<2560xi32, #tpu.memory_space<vmem>>, vector<16xi32>,
          %get3A_593 = vector.shape_cast %get3A_592 : vector<16xi32> to vector<16xi32>
          %swap3A_594 = arith.constant 16 : index
          %swap3A_595 = tpu.vector_load %arg17[%swap3A_594] {strides = array<i32>} : memref<64xi32, #tpu.memory_space<vmem>>, vector<16xi32>,
          %swap3A_596 = vector.shape_cast %swap3A_595 : vector<16xi32> to vector<16xi32>
          %swap3A_597 = vector.shape_cast %get3A_593 : vector<16xi32> to vector<16xi32>
          tpu.vector_store %arg17[%swap3A_594], %swap3A_597 {strides = array<i32>} : memref<64xi32, #tpu.memory_space<vmem>>, vector<16xi32>,
          %mul3A_598 = arith.constant 64 : i32
          %mul3A_599 = arith.muli %sub3A_575, %mul3A_598 : i32
          %add3A_600 = arith.constant 32 : i32
          %add3A_601 = arith.addi %mul3A_599, %add3A_600 : i32
          %get3A_602 = arith.index_cast %add3A_601 : i32 to index
          %get3A_603 = tpu.vector_load %arg7[%get3A_602] {strides = array<i32>} : memref<2560xi32, #tpu.memory_space<vmem>>, vector<16xi32>,
          %get3A_604 = vector.shape_cast %get3A_603 : vector<16xi32> to vector<16xi32>
          %swap3A_605 = arith.constant 32 : index
          %swap3A_606 = tpu.vector_load %arg17[%swap3A_605] {strides = array<i32>} : memref<64xi32, #tpu.memory_space<vmem>>, vector<16xi32>,
          %swap3A_607 = vector.shape_cast %swap3A_606 : vector<16xi32> to vector<16xi32>
          %swap3A_608 = vector.shape_cast %get3A_604 : vector<16xi32> to vector<16xi32>
          tpu.vector_store %arg17[%swap3A_605], %swap3A_608 {strides = array<i32>} : memref<64xi32, #tpu.memory_space<vmem>>, vector<16xi32>,
          %mul3A_609 = arith.constant 64 : i32
          %mul3A_610 = arith.muli %sub3A_575, %mul3A_609 : i32
          %add3A_611 = arith.constant 48 : i32
          %add3A_612 = arith.addi %mul3A_610, %add3A_611 : i32
          %get3A_613 = arith.index_cast %add3A_612 : i32 to index
          %get3A_614 = tpu.vector_load %arg7[%get3A_613] {strides = array<i32>} : memref<2560xi32, #tpu.memory_space<vmem>>, vector<16xi32>,
          %get3A_615 = vector.shape_cast %get3A_614 : vector<16xi32> to vector<16xi32>
          %swap3A_616 = arith.constant 48 : index
          %swap3A_617 = tpu.vector_load %arg17[%swap3A_616] {strides = array<i32>} : memref<64xi32, #tpu.memory_space<vmem>>, vector<16xi32>,
          %swap3A_618 = vector.shape_cast %swap3A_617 : vector<16xi32> to vector<16xi32>
          %swap3A_619 = vector.shape_cast %get3A_615 : vector<16xi32> to vector<16xi32>
          tpu.vector_store %arg17[%swap3A_616], %swap3A_619 {strides = array<i32>} : memref<64xi32, #tpu.memory_space<vmem>>, vector<16xi32>,
          %dma_start3A_620 = arith.constant 0 : i32
          %dma_start3A_621 = arith.constant 0 : i32
          %dma_start3A_622 = tpu.memref_slice %arg2[%dma_start3A_620, %dma_start3A_621] : memref<10000x128xf32, #tpu.memory_space<hbm>> -> memref<10000x128xf32, #tpu.memory_space<hbm>>
          tpu.enqueue_indirect_dma source(%dma_start3A_622 : memref<10000x128xf32, #tpu.memory_space<hbm>>) target(%arg13 : memref<64x128xf32, #tpu.memory_space<vmem>>) offsets(%arg17 : memref<64xi32, #tpu.memory_space<vmem>>) semaphore(%arg25 : memref<!tpu.dma_semaphore, #tpu.memory_space<semaphore_mem>>)
        } else {
        }
        %mul3A_321 = arith.constant 64 : i32
        %mul3A_322 = arith.muli %add3A_305, %mul3A_321 : i32
        %add3A_323 = arith.constant 0 : i32
        %add3A_324 = arith.addi %mul3A_322, %add3A_323 : i32
        %get3A_325 = arith.index_cast %add3A_324 : i32 to index
        %get3A_326 = tpu.vector_load %arg9[%get3A_325] {strides = array<i32>} : memref<2560xi32, #tpu.memory_space<vmem>>, vector<16xi32>,
        %get3A_327 = vector.shape_cast %get3A_326 : vector<16xi32> to vector<16xi32>
        %swap3A_328 = arith.constant 0 : index
        %swap3A_329 = tpu.vector_load %arg18[%swap3A_328] {strides = array<i32>} : memref<64xi32, #tpu.memory_space<vmem>>, vector<16xi32>,
        %swap3A_330 = vector.shape_cast %swap3A_329 : vector<16xi32> to vector<16xi32>
        %swap3A_331 = vector.shape_cast %get3A_327 : vector<16xi32> to vector<16xi32>
        tpu.vector_store %arg18[%swap3A_328], %swap3A_331 {strides = array<i32>} : memref<64xi32, #tpu.memory_space<vmem>>, vector<16xi32>,
        %mul3A_332 = arith.constant 64 : i32
        %mul3A_333 = arith.muli %add3A_305, %mul3A_332 : i32
        %add3A_334 = arith.constant 16 : i32
        %add3A_335 = arith.addi %mul3A_333, %add3A_334 : i32
        %get3A_336 = arith.index_cast %add3A_335 : i32 to index
        %get3A_337 = tpu.vector_load %arg9[%get3A_336] {strides = array<i32>} : memref<2560xi32, #tpu.memory_space<vmem>>, vector<16xi32>,
        %get3A_338 = vector.shape_cast %get3A_337 : vector<16xi32> to vector<16xi32>
        %swap3A_339 = arith.constant 16 : index
        %swap3A_340 = tpu.vector_load %arg18[%swap3A_339] {strides = array<i32>} : memref<64xi32, #tpu.memory_space<vmem>>, vector<16xi32>,
        %swap3A_341 = vector.shape_cast %swap3A_340 : vector<16xi32> to vector<16xi32>
        %swap3A_342 = vector.shape_cast %get3A_338 : vector<16xi32> to vector<16xi32>
        tpu.vector_store %arg18[%swap3A_339], %swap3A_342 {strides = array<i32>} : memref<64xi32, #tpu.memory_space<vmem>>, vector<16xi32>,
        %mul3A_343 = arith.constant 64 : i32
        %mul3A_344 = arith.muli %add3A_305, %mul3A_343 : i32
        %add3A_345 = arith.constant 32 : i32
        %add3A_346 = arith.addi %mul3A_344, %add3A_345 : i32
        %get3A_347 = arith.index_cast %add3A_346 : i32 to index
        %get3A_348 = tpu.vector_load %arg9[%get3A_347] {strides = array<i32>} : memref<2560xi32, #tpu.memory_space<vmem>>, vector<16xi32>,
        %get3A_349 = vector.shape_cast %get3A_348 : vector<16xi32> to vector<16xi32>
        %swap3A_350 = arith.constant 32 : index
        %swap3A_351 = tpu.vector_load %arg18[%swap3A_350] {strides = array<i32>} : memref<64xi32, #tpu.memory_space<vmem>>, vector<16xi32>,
        %swap3A_352 = vector.shape_cast %swap3A_351 : vector<16xi32> to vector<16xi32>
        %swap3A_353 = vector.shape_cast %get3A_349 : vector<16xi32> to vector<16xi32>
        tpu.vector_store %arg18[%swap3A_350], %swap3A_353 {strides = array<i32>} : memref<64xi32, #tpu.memory_space<vmem>>, vector<16xi32>,
        %mul3A_354 = arith.constant 64 : i32
        %mul3A_355 = arith.muli %add3A_305, %mul3A_354 : i32
        %add3A_356 = arith.constant 48 : i32
        %add3A_357 = arith.addi %mul3A_355, %add3A_356 : i32
        %get3A_358 = arith.index_cast %add3A_357 : i32 to index
        %get3A_359 = tpu.vector_load %arg9[%get3A_358] {strides = array<i32>} : memref<2560xi32, #tpu.memory_space<vmem>>, vector<16xi32>,
        %get3A_360 = vector.shape_cast %get3A_359 : vector<16xi32> to vector<16xi32>
        %swap3A_361 = arith.constant 48 : index
        %swap3A_362 = tpu.vector_load %arg18[%swap3A_361] {strides = array<i32>} : memref<64xi32, #tpu.memory_space<vmem>>, vector<16xi32>,
        %swap3A_363 = vector.shape_cast %swap3A_362 : vector<16xi32> to vector<16xi32>
        %swap3A_364 = vector.shape_cast %get3A_360 : vector<16xi32> to vector<16xi32>
        tpu.vector_store %arg18[%swap3A_361], %swap3A_364 {strides = array<i32>} : memref<64xi32, #tpu.memory_space<vmem>>, vector<16xi32>,
        %dma_start3A_365 = arith.constant 0 : i32
        %dma_start3A_366 = arith.constant 0 : i32
        %dma_start3A_367 = tpu.memref_slice %arg5[%dma_start3A_365, %dma_start3A_366] : memref<10240x128xf32, #tpu.memory_space<vmem_shared>> -> memref<10240x128xf32, #tpu.memory_space<vmem_shared>>
        tpu.enqueue_indirect_dma source(%arg10 : memref<64x128xf32, #tpu.memory_space<vmem>>) target(%dma_start3A_367 : memref<10240x128xf32, #tpu.memory_space<vmem_shared>>) offsets(%arg18 : memref<64xi32, #tpu.memory_space<vmem>>) semaphore(%arg26 : memref<!tpu.dma_semaphore, #tpu.memory_space<semaphore_mem>>) {add = true}
        %mul3A_368 = arith.constant 4 : i32
        %mul3A_369 = arith.muli %add3A_301, %mul3A_368 : i32
        %add3A_370 = arith.constant 1 : i32
        %add3A_371 = arith.addi %mul3A_369, %add3A_370 : i32
        %dma_wait3A_372 = arith.constant 0 : i32
        %dma_wait3A_373 = arith.constant 0 : i32
        %dma_wait3A_374 = tpu.memref_slice %arg2[%dma_wait3A_372, %dma_wait3A_373] : memref<10000x128xf32, #tpu.memory_space<hbm>> -> memref<10000x128xf32, #tpu.memory_space<hbm>>
        tpu.wait_indirect_dma semaphore(%arg23 : memref<!tpu.dma_semaphore, #tpu.memory_space<semaphore_mem>>) src(%dma_wait3A_374 : memref<10000x128xf32, #tpu.memory_space<hbm>>) dst(%arg11 : memref<64x128xf32, #tpu.memory_space<vmem>>)
        %ge3A_375 = arith.constant 1 : i32
        %ge3A_376 = arith.cmpi sge, %add3A_371, %ge3A_375 : i32
        %convert_element_type3A_377 = arith.extui %ge3A_376 : i1 to i32
        %cond3A_378 = arith.constant 0 : i32
        %cond3A_379 = arith.cmpi ne, %convert_element_type3A_377, %cond3A_378 : i32
        scf.if %cond3A_379 {
          %dma_wait3A_572 = arith.constant 0 : i32
          %dma_wait3A_573 = arith.constant 0 : i32
          %dma_wait3A_574 = tpu.memref_slice %arg5[%dma_wait3A_572, %dma_wait3A_573] : memref<10240x128xf32, #tpu.memory_space<vmem_shared>> -> memref<10240x128xf32, #tpu.memory_space<vmem_shared>>
          tpu.wait_indirect_dma semaphore(%arg26 : memref<!tpu.dma_semaphore, #tpu.memory_space<semaphore_mem>>) src(%arg10 : memref<64x128xf32, #tpu.memory_space<vmem>>) dst(%dma_wait3A_574 : memref<10240x128xf32, #tpu.memory_space<vmem_shared>>)
        } else {
        }
        %add3A_380 = arith.constant 4 : i32
        %add3A_381 = arith.addi %add3A_371, %add3A_380 : i32
        %sub3A_382 = arith.constant 1 : i32
        %sub3A_383 = arith.subi %add3A_381, %sub3A_382 : i32
        %lt3A_384 = arith.constant 40 : i32
        %lt3A_385 = arith.cmpi slt, %sub3A_383, %lt3A_384 : i32
        %convert_element_type3A_386 = arith.extui %lt3A_385 : i1 to i32
        %cond3A_387 = arith.constant 0 : i32
        %cond3A_388 = arith.cmpi ne, %convert_element_type3A_386, %cond3A_387 : i32
        scf.if %cond3A_388 {
          %add3A_572 = arith.constant 4 : i32
          %add3A_573 = arith.addi %add3A_371, %add3A_572 : i32
          %sub3A_574 = arith.constant 1 : i32
          %sub3A_575 = arith.subi %add3A_573, %sub3A_574 : i32
          %mul3A_576 = arith.constant 64 : i32
          %mul3A_577 = arith.muli %sub3A_575, %mul3A_576 : i32
          %add3A_578 = arith.constant 0 : i32
          %add3A_579 = arith.addi %mul3A_577, %add3A_578 : i32
          %get3A_580 = arith.index_cast %add3A_579 : i32 to index
          %get3A_581 = tpu.vector_load %arg7[%get3A_580] {strides = array<i32>} : memref<2560xi32, #tpu.memory_space<vmem>>, vector<16xi32>,
          %get3A_582 = vector.shape_cast %get3A_581 : vector<16xi32> to vector<16xi32>
          %swap3A_583 = arith.constant 0 : index
          %swap3A_584 = tpu.vector_load %arg14[%swap3A_583] {strides = array<i32>} : memref<64xi32, #tpu.memory_space<vmem>>, vector<16xi32>,
          %swap3A_585 = vector.shape_cast %swap3A_584 : vector<16xi32> to vector<16xi32>
          %swap3A_586 = vector.shape_cast %get3A_582 : vector<16xi32> to vector<16xi32>
          tpu.vector_store %arg14[%swap3A_583], %swap3A_586 {strides = array<i32>} : memref<64xi32, #tpu.memory_space<vmem>>, vector<16xi32>,
          %mul3A_587 = arith.constant 64 : i32
          %mul3A_588 = arith.muli %sub3A_575, %mul3A_587 : i32
          %add3A_589 = arith.constant 16 : i32
          %add3A_590 = arith.addi %mul3A_588, %add3A_589 : i32
          %get3A_591 = arith.index_cast %add3A_590 : i32 to index
          %get3A_592 = tpu.vector_load %arg7[%get3A_591] {strides = array<i32>} : memref<2560xi32, #tpu.memory_space<vmem>>, vector<16xi32>,
          %get3A_593 = vector.shape_cast %get3A_592 : vector<16xi32> to vector<16xi32>
          %swap3A_594 = arith.constant 16 : index
          %swap3A_595 = tpu.vector_load %arg14[%swap3A_594] {strides = array<i32>} : memref<64xi32, #tpu.memory_space<vmem>>, vector<16xi32>,
          %swap3A_596 = vector.shape_cast %swap3A_595 : vector<16xi32> to vector<16xi32>
          %swap3A_597 = vector.shape_cast %get3A_593 : vector<16xi32> to vector<16xi32>
          tpu.vector_store %arg14[%swap3A_594], %swap3A_597 {strides = array<i32>} : memref<64xi32, #tpu.memory_space<vmem>>, vector<16xi32>,
          %mul3A_598 = arith.constant 64 : i32
          %mul3A_599 = arith.muli %sub3A_575, %mul3A_598 : i32
          %add3A_600 = arith.constant 32 : i32
          %add3A_601 = arith.addi %mul3A_599, %add3A_600 : i32
          %get3A_602 = arith.index_cast %add3A_601 : i32 to index
          %get3A_603 = tpu.vector_load %arg7[%get3A_602] {strides = array<i32>} : memref<2560xi32, #tpu.memory_space<vmem>>, vector<16xi32>,
          %get3A_604 = vector.shape_cast %get3A_603 : vector<16xi32> to vector<16xi32>
          %swap3A_605 = arith.constant 32 : index
          %swap3A_606 = tpu.vector_load %arg14[%swap3A_605] {strides = array<i32>} : memref<64xi32, #tpu.memory_space<vmem>>, vector<16xi32>,
          %swap3A_607 = vector.shape_cast %swap3A_606 : vector<16xi32> to vector<16xi32>
          %swap3A_608 = vector.shape_cast %get3A_604 : vector<16xi32> to vector<16xi32>
          tpu.vector_store %arg14[%swap3A_605], %swap3A_608 {strides = array<i32>} : memref<64xi32, #tpu.memory_space<vmem>>, vector<16xi32>,
          %mul3A_609 = arith.constant 64 : i32
          %mul3A_610 = arith.muli %sub3A_575, %mul3A_609 : i32
          %add3A_611 = arith.constant 48 : i32
          %add3A_612 = arith.addi %mul3A_610, %add3A_611 : i32
          %get3A_613 = arith.index_cast %add3A_612 : i32 to index
          %get3A_614 = tpu.vector_load %arg7[%get3A_613] {strides = array<i32>} : memref<2560xi32, #tpu.memory_space<vmem>>, vector<16xi32>,
          %get3A_615 = vector.shape_cast %get3A_614 : vector<16xi32> to vector<16xi32>
          %swap3A_616 = arith.constant 48 : index
          %swap3A_617 = tpu.vector_load %arg14[%swap3A_616] {strides = array<i32>} : memref<64xi32, #tpu.memory_space<vmem>>, vector<16xi32>,
          %swap3A_618 = vector.shape_cast %swap3A_617 : vector<16xi32> to vector<16xi32>
          %swap3A_619 = vector.shape_cast %get3A_615 : vector<16xi32> to vector<16xi32>
          tpu.vector_store %arg14[%swap3A_616], %swap3A_619 {strides = array<i32>} : memref<64xi32, #tpu.memory_space<vmem>>, vector<16xi32>,
          %dma_start3A_620 = arith.constant 0 : i32
          %dma_start3A_621 = arith.constant 0 : i32
          %dma_start3A_622 = tpu.memref_slice %arg2[%dma_start3A_620, %dma_start3A_621] : memref<10000x128xf32, #tpu.memory_space<hbm>> -> memref<10000x128xf32, #tpu.memory_space<hbm>>
          tpu.enqueue_indirect_dma source(%dma_start3A_622 : memref<10000x128xf32, #tpu.memory_space<hbm>>) target(%arg10 : memref<64x128xf32, #tpu.memory_space<vmem>>) offsets(%arg14 : memref<64xi32, #tpu.memory_space<vmem>>) semaphore(%arg22 : memref<!tpu.dma_semaphore, #tpu.memory_space<semaphore_mem>>)
        } else {
        }
        %mul3A_389 = arith.constant 64 : i32
        %mul3A_390 = arith.muli %add3A_371, %mul3A_389 : i32
        %add3A_391 = arith.constant 0 : i32
        %add3A_392 = arith.addi %mul3A_390, %add3A_391 : i32
        %get3A_393 = arith.index_cast %add3A_392 : i32 to index
        %get3A_394 = tpu.vector_load %arg9[%get3A_393] {strides = array<i32>} : memref<2560xi32, #tpu.memory_space<vmem>>, vector<16xi32>,
        %get3A_395 = vector.shape_cast %get3A_394 : vector<16xi32> to vector<16xi32>
        %swap3A_396 = arith.constant 0 : index
        %swap3A_397 = tpu.vector_load %arg19[%swap3A_396] {strides = array<i32>} : memref<64xi32, #tpu.memory_space<vmem>>, vector<16xi32>,
        %swap3A_398 = vector.shape_cast %swap3A_397 : vector<16xi32> to vector<16xi32>
        %swap3A_399 = vector.shape_cast %get3A_395 : vector<16xi32> to vector<16xi32>
        tpu.vector_store %arg19[%swap3A_396], %swap3A_399 {strides = array<i32>} : memref<64xi32, #tpu.memory_space<vmem>>, vector<16xi32>,
        %mul3A_400 = arith.constant 64 : i32
        %mul3A_401 = arith.muli %add3A_371, %mul3A_400 : i32
        %add3A_402 = arith.constant 16 : i32
        %add3A_403 = arith.addi %mul3A_401, %add3A_402 : i32
        %get3A_404 = arith.index_cast %add3A_403 : i32 to index
        %get3A_405 = tpu.vector_load %arg9[%get3A_404] {strides = array<i32>} : memref<2560xi32, #tpu.memory_space<vmem>>, vector<16xi32>,
        %get3A_406 = vector.shape_cast %get3A_405 : vector<16xi32> to vector<16xi32>
        %swap3A_407 = arith.constant 16 : index
        %swap3A_408 = tpu.vector_load %arg19[%swap3A_407] {strides = array<i32>} : memref<64xi32, #tpu.memory_space<vmem>>, vector<16xi32>,
        %swap3A_409 = vector.shape_cast %swap3A_408 : vector<16xi32> to vector<16xi32>
        %swap3A_410 = vector.shape_cast %get3A_406 : vector<16xi32> to vector<16xi32>
        tpu.vector_store %arg19[%swap3A_407], %swap3A_410 {strides = array<i32>} : memref<64xi32, #tpu.memory_space<vmem>>, vector<16xi32>,
        %mul3A_411 = arith.constant 64 : i32
        %mul3A_412 = arith.muli %add3A_371, %mul3A_411 : i32
        %add3A_413 = arith.constant 32 : i32
        %add3A_414 = arith.addi %mul3A_412, %add3A_413 : i32
        %get3A_415 = arith.index_cast %add3A_414 : i32 to index
        %get3A_416 = tpu.vector_load %arg9[%get3A_415] {strides = array<i32>} : memref<2560xi32, #tpu.memory_space<vmem>>, vector<16xi32>,
        %get3A_417 = vector.shape_cast %get3A_416 : vector<16xi32> to vector<16xi32>
        %swap3A_418 = arith.constant 32 : index
        %swap3A_419 = tpu.vector_load %arg19[%swap3A_418] {strides = array<i32>} : memref<64xi32, #tpu.memory_space<vmem>>, vector<16xi32>,
        %swap3A_420 = vector.shape_cast %swap3A_419 : vector<16xi32> to vector<16xi32>
        %swap3A_421 = vector.shape_cast %get3A_417 : vector<16xi32> to vector<16xi32>
        tpu.vector_store %arg19[%swap3A_418], %swap3A_421 {strides = array<i32>} : memref<64xi32, #tpu.memory_space<vmem>>, vector<16xi32>,
        %mul3A_422 = arith.constant 64 : i32
        %mul3A_423 = arith.muli %add3A_371, %mul3A_422 : i32
        %add3A_424 = arith.constant 48 : i32
        %add3A_425 = arith.addi %mul3A_423, %add3A_424 : i32
        %get3A_426 = arith.index_cast %add3A_425 : i32 to index
        %get3A_427 = tpu.vector_load %arg9[%get3A_426] {strides = array<i32>} : memref<2560xi32, #tpu.memory_space<vmem>>, vector<16xi32>,
        %get3A_428 = vector.shape_cast %get3A_427 : vector<16xi32> to vector<16xi32>
        %swap3A_429 = arith.constant 48 : index
        %swap3A_430 = tpu.vector_load %arg19[%swap3A_429] {strides = array<i32>} : memref<64xi32, #tpu.memory_space<vmem>>, vector<16xi32>,
        %swap3A_431 = vector.shape_cast %swap3A_430 : vector<16xi32> to vector<16xi32>
        %swap3A_432 = vector.shape_cast %get3A_428 : vector<16xi32> to vector<16xi32>
        tpu.vector_store %arg19[%swap3A_429], %swap3A_432 {strides = array<i32>} : memref<64xi32, #tpu.memory_space<vmem>>, vector<16xi32>,
        %dma_start3A_433 = arith.constant 0 : i32
        %dma_start3A_434 = arith.constant 0 : i32
        %dma_start3A_435 = tpu.memref_slice %arg5[%dma_start3A_433, %dma_start3A_434] : memref<10240x128xf32, #tpu.memory_space<vmem_shared>> -> memref<10240x128xf32, #tpu.memory_space<vmem_shared>>
        tpu.enqueue_indirect_dma source(%arg11 : memref<64x128xf32, #tpu.memory_space<vmem>>) target(%dma_start3A_435 : memref<10240x128xf32, #tpu.memory_space<vmem_shared>>) offsets(%arg19 : memref<64xi32, #tpu.memory_space<vmem>>) semaphore(%arg27 : memref<!tpu.dma_semaphore, #tpu.memory_space<semaphore_mem>>) {add = true}
        %mul3A_436 = arith.constant 4 : i32
        %mul3A_437 = arith.muli %add3A_301, %mul3A_436 : i32
        %add3A_438 = arith.constant 2 : i32
        %add3A_439 = arith.addi %mul3A_437, %add3A_438 : i32
        %dma_wait3A_440 = arith.constant 0 : i32
        %dma_wait3A_441 = arith.constant 0 : i32
        %dma_wait3A_442 = tpu.memref_slice %arg2[%dma_wait3A_440, %dma_wait3A_441] : memref<10000x128xf32, #tpu.memory_space<hbm>> -> memref<10000x128xf32, #tpu.memory_space<hbm>>
        tpu.wait_indirect_dma semaphore(%arg24 : memref<!tpu.dma_semaphore, #tpu.memory_space<semaphore_mem>>) src(%dma_wait3A_442 : memref<10000x128xf32, #tpu.memory_space<hbm>>) dst(%arg12 : memref<64x128xf32, #tpu.memory_space<vmem>>)
        %ge3A_443 = arith.constant 1 : i32
        %ge3A_444 = arith.cmpi sge, %add3A_439, %ge3A_443 : i32
        %convert_element_type3A_445 = arith.extui %ge3A_444 : i1 to i32
        %cond3A_446 = arith.constant 0 : i32
        %cond3A_447 = arith.cmpi ne, %convert_element_type3A_445, %cond3A_446 : i32
        scf.if %cond3A_447 {
          %dma_wait3A_572 = arith.constant 0 : i32
          %dma_wait3A_573 = arith.constant 0 : i32
          %dma_wait3A_574 = tpu.memref_slice %arg5[%dma_wait3A_572, %dma_wait3A_573] : memref<10240x128xf32, #tpu.memory_space<vmem_shared>> -> memref<10240x128xf32, #tpu.memory_space<vmem_shared>>
          tpu.wait_indirect_dma semaphore(%arg27 : memref<!tpu.dma_semaphore, #tpu.memory_space<semaphore_mem>>) src(%arg11 : memref<64x128xf32, #tpu.memory_space<vmem>>) dst(%dma_wait3A_574 : memref<10240x128xf32, #tpu.memory_space<vmem_shared>>)
        } else {
        }
        %add3A_448 = arith.constant 4 : i32
        %add3A_449 = arith.addi %add3A_439, %add3A_448 : i32
        %sub3A_450 = arith.constant 1 : i32
        %sub3A_451 = arith.subi %add3A_449, %sub3A_450 : i32
        %lt3A_452 = arith.constant 40 : i32
        %lt3A_453 = arith.cmpi slt, %sub3A_451, %lt3A_452 : i32
        %convert_element_type3A_454 = arith.extui %lt3A_453 : i1 to i32
        %cond3A_455 = arith.constant 0 : i32
        %cond3A_456 = arith.cmpi ne, %convert_element_type3A_454, %cond3A_455 : i32
        scf.if %cond3A_456 {
          %add3A_572 = arith.constant 4 : i32
          %add3A_573 = arith.addi %add3A_439, %add3A_572 : i32
          %sub3A_574 = arith.constant 1 : i32
          %sub3A_575 = arith.subi %add3A_573, %sub3A_574 : i32
          %mul3A_576 = arith.constant 64 : i32
          %mul3A_577 = arith.muli %sub3A_575, %mul3A_576 : i32
          %add3A_578 = arith.constant 0 : i32
          %add3A_579 = arith.addi %mul3A_577, %add3A_578 : i32
          %get3A_580 = arith.index_cast %add3A_579 : i32 to index
          %get3A_581 = tpu.vector_load %arg7[%get3A_580] {strides = array<i32>} : memref<2560xi32, #tpu.memory_space<vmem>>, vector<16xi32>,
          %get3A_582 = vector.shape_cast %get3A_581 : vector<16xi32> to vector<16xi32>
          %swap3A_583 = arith.constant 0 : index
          %swap3A_584 = tpu.vector_load %arg15[%swap3A_583] {strides = array<i32>} : memref<64xi32, #tpu.memory_space<vmem>>, vector<16xi32>,
          %swap3A_585 = vector.shape_cast %swap3A_584 : vector<16xi32> to vector<16xi32>
          %swap3A_586 = vector.shape_cast %get3A_582 : vector<16xi32> to vector<16xi32>
          tpu.vector_store %arg15[%swap3A_583], %swap3A_586 {strides = array<i32>} : memref<64xi32, #tpu.memory_space<vmem>>, vector<16xi32>,
          %mul3A_587 = arith.constant 64 : i32
          %mul3A_588 = arith.muli %sub3A_575, %mul3A_587 : i32
          %add3A_589 = arith.constant 16 : i32
          %add3A_590 = arith.addi %mul3A_588, %add3A_589 : i32
          %get3A_591 = arith.index_cast %add3A_590 : i32 to index
          %get3A_592 = tpu.vector_load %arg7[%get3A_591] {strides = array<i32>} : memref<2560xi32, #tpu.memory_space<vmem>>, vector<16xi32>,
          %get3A_593 = vector.shape_cast %get3A_592 : vector<16xi32> to vector<16xi32>
          %swap3A_594 = arith.constant 16 : index
          %swap3A_595 = tpu.vector_load %arg15[%swap3A_594] {strides = array<i32>} : memref<64xi32, #tpu.memory_space<vmem>>, vector<16xi32>,
          %swap3A_596 = vector.shape_cast %swap3A_595 : vector<16xi32> to vector<16xi32>
          %swap3A_597 = vector.shape_cast %get3A_593 : vector<16xi32> to vector<16xi32>
          tpu.vector_store %arg15[%swap3A_594], %swap3A_597 {strides = array<i32>} : memref<64xi32, #tpu.memory_space<vmem>>, vector<16xi32>,
          %mul3A_598 = arith.constant 64 : i32
          %mul3A_599 = arith.muli %sub3A_575, %mul3A_598 : i32
          %add3A_600 = arith.constant 32 : i32
          %add3A_601 = arith.addi %mul3A_599, %add3A_600 : i32
          %get3A_602 = arith.index_cast %add3A_601 : i32 to index
          %get3A_603 = tpu.vector_load %arg7[%get3A_602] {strides = array<i32>} : memref<2560xi32, #tpu.memory_space<vmem>>, vector<16xi32>,
          %get3A_604 = vector.shape_cast %get3A_603 : vector<16xi32> to vector<16xi32>
          %swap3A_605 = arith.constant 32 : index
          %swap3A_606 = tpu.vector_load %arg15[%swap3A_605] {strides = array<i32>} : memref<64xi32, #tpu.memory_space<vmem>>, vector<16xi32>,
          %swap3A_607 = vector.shape_cast %swap3A_606 : vector<16xi32> to vector<16xi32>
          %swap3A_608 = vector.shape_cast %get3A_604 : vector<16xi32> to vector<16xi32>
          tpu.vector_store %arg15[%swap3A_605], %swap3A_608 {strides = array<i32>} : memref<64xi32, #tpu.memory_space<vmem>>, vector<16xi32>,
          %mul3A_609 = arith.constant 64 : i32
          %mul3A_610 = arith.muli %sub3A_575, %mul3A_609 : i32
          %add3A_611 = arith.constant 48 : i32
          %add3A_612 = arith.addi %mul3A_610, %add3A_611 : i32
          %get3A_613 = arith.index_cast %add3A_612 : i32 to index
          %get3A_614 = tpu.vector_load %arg7[%get3A_613] {strides = array<i32>} : memref<2560xi32, #tpu.memory_space<vmem>>, vector<16xi32>,
          %get3A_615 = vector.shape_cast %get3A_614 : vector<16xi32> to vector<16xi32>
          %swap3A_616 = arith.constant 48 : index
          %swap3A_617 = tpu.vector_load %arg15[%swap3A_616] {strides = array<i32>} : memref<64xi32, #tpu.memory_space<vmem>>, vector<16xi32>,
          %swap3A_618 = vector.shape_cast %swap3A_617 : vector<16xi32> to vector<16xi32>
          %swap3A_619 = vector.shape_cast %get3A_615 : vector<16xi32> to vector<16xi32>
          tpu.vector_store %arg15[%swap3A_616], %swap3A_619 {strides = array<i32>} : memref<64xi32, #tpu.memory_space<vmem>>, vector<16xi32>,
          %dma_start3A_620 = arith.constant 0 : i32
          %dma_start3A_621 = arith.constant 0 : i32
          %dma_start3A_622 = tpu.memref_slice %arg2[%dma_start3A_620, %dma_start3A_621] : memref<10000x128xf32, #tpu.memory_space<hbm>> -> memref<10000x128xf32, #tpu.memory_space<hbm>>
          tpu.enqueue_indirect_dma source(%dma_start3A_622 : memref<10000x128xf32, #tpu.memory_space<hbm>>) target(%arg11 : memref<64x128xf32, #tpu.memory_space<vmem>>) offsets(%arg15 : memref<64xi32, #tpu.memory_space<vmem>>) semaphore(%arg23 : memref<!tpu.dma_semaphore, #tpu.memory_space<semaphore_mem>>)
        } else {
        }
        %mul3A_457 = arith.constant 64 : i32
        %mul3A_458 = arith.muli %add3A_439, %mul3A_457 : i32
        %add3A_459 = arith.constant 0 : i32
        %add3A_460 = arith.addi %mul3A_458, %add3A_459 : i32
        %get3A_461 = arith.index_cast %add3A_460 : i32 to index
        %get3A_462 = tpu.vector_load %arg9[%get3A_461] {strides = array<i32>} : memref<2560xi32, #tpu.memory_space<vmem>>, vector<16xi32>,
        %get3A_463 = vector.shape_cast %get3A_462 : vector<16xi32> to vector<16xi32>
        %swap3A_464 = arith.constant 0 : index
        %swap3A_465 = tpu.vector_load %arg20[%swap3A_464] {strides = array<i32>} : memref<64xi32, #tpu.memory_space<vmem>>, vector<16xi32>,
        %swap3A_466 = vector.shape_cast %swap3A_465 : vector<16xi32> to vector<16xi32>
        %swap3A_467 = vector.shape_cast %get3A_463 : vector<16xi32> to vector<16xi32>
        tpu.vector_store %arg20[%swap3A_464], %swap3A_467 {strides = array<i32>} : memref<64xi32, #tpu.memory_space<vmem>>, vector<16xi32>,
        %mul3A_468 = arith.constant 64 : i32
        %mul3A_469 = arith.muli %add3A_439, %mul3A_468 : i32
        %add3A_470 = arith.constant 16 : i32
        %add3A_471 = arith.addi %mul3A_469, %add3A_470 : i32
        %get3A_472 = arith.index_cast %add3A_471 : i32 to index
        %get3A_473 = tpu.vector_load %arg9[%get3A_472] {strides = array<i32>} : memref<2560xi32, #tpu.memory_space<vmem>>, vector<16xi32>,
        %get3A_474 = vector.shape_cast %get3A_473 : vector<16xi32> to vector<16xi32>
        %swap3A_475 = arith.constant 16 : index
        %swap3A_476 = tpu.vector_load %arg20[%swap3A_475] {strides = array<i32>} : memref<64xi32, #tpu.memory_space<vmem>>, vector<16xi32>,
        %swap3A_477 = vector.shape_cast %swap3A_476 : vector<16xi32> to vector<16xi32>
        %swap3A_478 = vector.shape_cast %get3A_474 : vector<16xi32> to vector<16xi32>
        tpu.vector_store %arg20[%swap3A_475], %swap3A_478 {strides = array<i32>} : memref<64xi32, #tpu.memory_space<vmem>>, vector<16xi32>,
        %mul3A_479 = arith.constant 64 : i32
        %mul3A_480 = arith.muli %add3A_439, %mul3A_479 : i32
        %add3A_481 = arith.constant 32 : i32
        %add3A_482 = arith.addi %mul3A_480, %add3A_481 : i32
        %get3A_483 = arith.index_cast %add3A_482 : i32 to index
        %get3A_484 = tpu.vector_load %arg9[%get3A_483] {strides = array<i32>} : memref<2560xi32, #tpu.memory_space<vmem>>, vector<16xi32>,
        %get3A_485 = vector.shape_cast %get3A_484 : vector<16xi32> to vector<16xi32>
        %swap3A_486 = arith.constant 32 : index
        %swap3A_487 = tpu.vector_load %arg20[%swap3A_486] {strides = array<i32>} : memref<64xi32, #tpu.memory_space<vmem>>, vector<16xi32>,
        %swap3A_488 = vector.shape_cast %swap3A_487 : vector<16xi32> to vector<16xi32>
        %swap3A_489 = vector.shape_cast %get3A_485 : vector<16xi32> to vector<16xi32>
        tpu.vector_store %arg20[%swap3A_486], %swap3A_489 {strides = array<i32>} : memref<64xi32, #tpu.memory_space<vmem>>, vector<16xi32>,
        %mul3A_490 = arith.constant 64 : i32
        %mul3A_491 = arith.muli %add3A_439, %mul3A_490 : i32
        %add3A_492 = arith.constant 48 : i32
        %add3A_493 = arith.addi %mul3A_491, %add3A_492 : i32
        %get3A_494 = arith.index_cast %add3A_493 : i32 to index
        %get3A_495 = tpu.vector_load %arg9[%get3A_494] {strides = array<i32>} : memref<2560xi32, #tpu.memory_space<vmem>>, vector<16xi32>,
        %get3A_496 = vector.shape_cast %get3A_495 : vector<16xi32> to vector<16xi32>
        %swap3A_497 = arith.constant 48 : index
        %swap3A_498 = tpu.vector_load %arg20[%swap3A_497] {strides = array<i32>} : memref<64xi32, #tpu.memory_space<vmem>>, vector<16xi32>,
        %swap3A_499 = vector.shape_cast %swap3A_498 : vector<16xi32> to vector<16xi32>
        %swap3A_500 = vector.shape_cast %get3A_496 : vector<16xi32> to vector<16xi32>
        tpu.vector_store %arg20[%swap3A_497], %swap3A_500 {strides = array<i32>} : memref<64xi32, #tpu.memory_space<vmem>>, vector<16xi32>,
        %dma_start3A_501 = arith.constant 0 : i32
        %dma_start3A_502 = arith.constant 0 : i32
        %dma_start3A_503 = tpu.memref_slice %arg5[%dma_start3A_501, %dma_start3A_502] : memref<10240x128xf32, #tpu.memory_space<vmem_shared>> -> memref<10240x128xf32, #tpu.memory_space<vmem_shared>>
        tpu.enqueue_indirect_dma source(%arg12 : memref<64x128xf32, #tpu.memory_space<vmem>>) target(%dma_start3A_503 : memref<10240x128xf32, #tpu.memory_space<vmem_shared>>) offsets(%arg20 : memref<64xi32, #tpu.memory_space<vmem>>) semaphore(%arg28 : memref<!tpu.dma_semaphore, #tpu.memory_space<semaphore_mem>>) {add = true}
        %mul3A_504 = arith.constant 4 : i32
        %mul3A_505 = arith.muli %add3A_301, %mul3A_504 : i32
        %add3A_506 = arith.constant 3 : i32
        %add3A_507 = arith.addi %mul3A_505, %add3A_506 : i32
        %dma_wait3A_508 = arith.constant 0 : i32
        %dma_wait3A_509 = arith.constant 0 : i32
        %dma_wait3A_510 = tpu.memref_slice %arg2[%dma_wait3A_508, %dma_wait3A_509] : memref<10000x128xf32, #tpu.memory_space<hbm>> -> memref<10000x128xf32, #tpu.memory_space<hbm>>
        tpu.wait_indirect_dma semaphore(%arg25 : memref<!tpu.dma_semaphore, #tpu.memory_space<semaphore_mem>>) src(%dma_wait3A_510 : memref<10000x128xf32, #tpu.memory_space<hbm>>) dst(%arg13 : memref<64x128xf32, #tpu.memory_space<vmem>>)
        %ge3A_511 = arith.constant 1 : i32
        %ge3A_512 = arith.cmpi sge, %add3A_507, %ge3A_511 : i32
        %convert_element_type3A_513 = arith.extui %ge3A_512 : i1 to i32
        %cond3A_514 = arith.constant 0 : i32
        %cond3A_515 = arith.cmpi ne, %convert_element_type3A_513, %cond3A_514 : i32
        scf.if %cond3A_515 {
          %dma_wait3A_572 = arith.constant 0 : i32
          %dma_wait3A_573 = arith.constant 0 : i32
          %dma_wait3A_574 = tpu.memref_slice %arg5[%dma_wait3A_572, %dma_wait3A_573] : memref<10240x128xf32, #tpu.memory_space<vmem_shared>> -> memref<10240x128xf32, #tpu.memory_space<vmem_shared>>
          tpu.wait_indirect_dma semaphore(%arg28 : memref<!tpu.dma_semaphore, #tpu.memory_space<semaphore_mem>>) src(%arg12 : memref<64x128xf32, #tpu.memory_space<vmem>>) dst(%dma_wait3A_574 : memref<10240x128xf32, #tpu.memory_space<vmem_shared>>)
        } else {
        }
        %add3A_516 = arith.constant 4 : i32
        %add3A_517 = arith.addi %add3A_507, %add3A_516 : i32
        %sub3A_518 = arith.constant 1 : i32
        %sub3A_519 = arith.subi %add3A_517, %sub3A_518 : i32
        %lt3A_520 = arith.constant 40 : i32
        %lt3A_521 = arith.cmpi slt, %sub3A_519, %lt3A_520 : i32
        %convert_element_type3A_522 = arith.extui %lt3A_521 : i1 to i32
        %cond3A_523 = arith.constant 0 : i32
        %cond3A_524 = arith.cmpi ne, %convert_element_type3A_522, %cond3A_523 : i32
        scf.if %cond3A_524 {
          %add3A_572 = arith.constant 4 : i32
          %add3A_573 = arith.addi %add3A_507, %add3A_572 : i32
          %sub3A_574 = arith.constant 1 : i32
          %sub3A_575 = arith.subi %add3A_573, %sub3A_574 : i32
          %mul3A_576 = arith.constant 64 : i32
          %mul3A_577 = arith.muli %sub3A_575, %mul3A_576 : i32
          %add3A_578 = arith.constant 0 : i32
          %add3A_579 = arith.addi %mul3A_577, %add3A_578 : i32
          %get3A_580 = arith.index_cast %add3A_579 : i32 to index
          %get3A_581 = tpu.vector_load %arg7[%get3A_580] {strides = array<i32>} : memref<2560xi32, #tpu.memory_space<vmem>>, vector<16xi32>,
          %get3A_582 = vector.shape_cast %get3A_581 : vector<16xi32> to vector<16xi32>
          %swap3A_583 = arith.constant 0 : index
          %swap3A_584 = tpu.vector_load %arg16[%swap3A_583] {strides = array<i32>} : memref<64xi32, #tpu.memory_space<vmem>>, vector<16xi32>,
          %swap3A_585 = vector.shape_cast %swap3A_584 : vector<16xi32> to vector<16xi32>
          %swap3A_586 = vector.shape_cast %get3A_582 : vector<16xi32> to vector<16xi32>
          tpu.vector_store %arg16[%swap3A_583], %swap3A_586 {strides = array<i32>} : memref<64xi32, #tpu.memory_space<vmem>>, vector<16xi32>,
          %mul3A_587 = arith.constant 64 : i32
          %mul3A_588 = arith.muli %sub3A_575, %mul3A_587 : i32
          %add3A_589 = arith.constant 16 : i32
          %add3A_590 = arith.addi %mul3A_588, %add3A_589 : i32
          %get3A_591 = arith.index_cast %add3A_590 : i32 to index
          %get3A_592 = tpu.vector_load %arg7[%get3A_591] {strides = array<i32>} : memref<2560xi32, #tpu.memory_space<vmem>>, vector<16xi32>,
          %get3A_593 = vector.shape_cast %get3A_592 : vector<16xi32> to vector<16xi32>
          %swap3A_594 = arith.constant 16 : index
          %swap3A_595 = tpu.vector_load %arg16[%swap3A_594] {strides = array<i32>} : memref<64xi32, #tpu.memory_space<vmem>>, vector<16xi32>,
          %swap3A_596 = vector.shape_cast %swap3A_595 : vector<16xi32> to vector<16xi32>
          %swap3A_597 = vector.shape_cast %get3A_593 : vector<16xi32> to vector<16xi32>
          tpu.vector_store %arg16[%swap3A_594], %swap3A_597 {strides = array<i32>} : memref<64xi32, #tpu.memory_space<vmem>>, vector<16xi32>,
          %mul3A_598 = arith.constant 64 : i32
          %mul3A_599 = arith.muli %sub3A_575, %mul3A_598 : i32
          %add3A_600 = arith.constant 32 : i32
          %add3A_601 = arith.addi %mul3A_599, %add3A_600 : i32
          %get3A_602 = arith.index_cast %add3A_601 : i32 to index
          %get3A_603 = tpu.vector_load %arg7[%get3A_602] {strides = array<i32>} : memref<2560xi32, #tpu.memory_space<vmem>>, vector<16xi32>,
          %get3A_604 = vector.shape_cast %get3A_603 : vector<16xi32> to vector<16xi32>
          %swap3A_605 = arith.constant 32 : index
          %swap3A_606 = tpu.vector_load %arg16[%swap3A_605] {strides = array<i32>} : memref<64xi32, #tpu.memory_space<vmem>>, vector<16xi32>,
          %swap3A_607 = vector.shape_cast %swap3A_606 : vector<16xi32> to vector<16xi32>
          %swap3A_608 = vector.shape_cast %get3A_604 : vector<16xi32> to vector<16xi32>
          tpu.vector_store %arg16[%swap3A_605], %swap3A_608 {strides = array<i32>} : memref<64xi32, #tpu.memory_space<vmem>>, vector<16xi32>,
          %mul3A_609 = arith.constant 64 : i32
          %mul3A_610 = arith.muli %sub3A_575, %mul3A_609 : i32
          %add3A_611 = arith.constant 48 : i32
          %add3A_612 = arith.addi %mul3A_610, %add3A_611 : i32
          %get3A_613 = arith.index_cast %add3A_612 : i32 to index
          %get3A_614 = tpu.vector_load %arg7[%get3A_613] {strides = array<i32>} : memref<2560xi32, #tpu.memory_space<vmem>>, vector<16xi32>,
          %get3A_615 = vector.shape_cast %get3A_614 : vector<16xi32> to vector<16xi32>
          %swap3A_616 = arith.constant 48 : index
          %swap3A_617 = tpu.vector_load %arg16[%swap3A_616] {strides = array<i32>} : memref<64xi32, #tpu.memory_space<vmem>>, vector<16xi32>,
          %swap3A_618 = vector.shape_cast %swap3A_617 : vector<16xi32> to vector<16xi32>
          %swap3A_619 = vector.shape_cast %get3A_615 : vector<16xi32> to vector<16xi32>
          tpu.vector_store %arg16[%swap3A_616], %swap3A_619 {strides = array<i32>} : memref<64xi32, #tpu.memory_space<vmem>>, vector<16xi32>,
          %dma_start3A_620 = arith.constant 0 : i32
          %dma_start3A_621 = arith.constant 0 : i32
          %dma_start3A_622 = tpu.memref_slice %arg2[%dma_start3A_620, %dma_start3A_621] : memref<10000x128xf32, #tpu.memory_space<hbm>> -> memref<10000x128xf32, #tpu.memory_space<hbm>>
          tpu.enqueue_indirect_dma source(%dma_start3A_622 : memref<10000x128xf32, #tpu.memory_space<hbm>>) target(%arg12 : memref<64x128xf32, #tpu.memory_space<vmem>>) offsets(%arg16 : memref<64xi32, #tpu.memory_space<vmem>>) semaphore(%arg24 : memref<!tpu.dma_semaphore, #tpu.memory_space<semaphore_mem>>)
        } else {
        }
        %mul3A_525 = arith.constant 64 : i32
        %mul3A_526 = arith.muli %add3A_507, %mul3A_525 : i32
        %add3A_527 = arith.constant 0 : i32
        %add3A_528 = arith.addi %mul3A_526, %add3A_527 : i32
        %get3A_529 = arith.index_cast %add3A_528 : i32 to index
        %get3A_530 = tpu.vector_load %arg9[%get3A_529] {strides = array<i32>} : memref<2560xi32, #tpu.memory_space<vmem>>, vector<16xi32>,
        %get3A_531 = vector.shape_cast %get3A_530 : vector<16xi32> to vector<16xi32>
        %swap3A_532 = arith.constant 0 : index
        %swap3A_533 = tpu.vector_load %arg21[%swap3A_532] {strides = array<i32>} : memref<64xi32, #tpu.memory_space<vmem>>, vector<16xi32>,
        %swap3A_534 = vector.shape_cast %swap3A_533 : vector<16xi32> to vector<16xi32>
        %swap3A_535 = vector.shape_cast %get3A_531 : vector<16xi32> to vector<16xi32>
        tpu.vector_store %arg21[%swap3A_532], %swap3A_535 {strides = array<i32>} : memref<64xi32, #tpu.memory_space<vmem>>, vector<16xi32>,
        %mul3A_536 = arith.constant 64 : i32
        %mul3A_537 = arith.muli %add3A_507, %mul3A_536 : i32
        %add3A_538 = arith.constant 16 : i32
        %add3A_539 = arith.addi %mul3A_537, %add3A_538 : i32
        %get3A_540 = arith.index_cast %add3A_539 : i32 to index
        %get3A_541 = tpu.vector_load %arg9[%get3A_540] {strides = array<i32>} : memref<2560xi32, #tpu.memory_space<vmem>>, vector<16xi32>,
        %get3A_542 = vector.shape_cast %get3A_541 : vector<16xi32> to vector<16xi32>
        %swap3A_543 = arith.constant 16 : index
        %swap3A_544 = tpu.vector_load %arg21[%swap3A_543] {strides = array<i32>} : memref<64xi32, #tpu.memory_space<vmem>>, vector<16xi32>,
        %swap3A_545 = vector.shape_cast %swap3A_544 : vector<16xi32> to vector<16xi32>
        %swap3A_546 = vector.shape_cast %get3A_542 : vector<16xi32> to vector<16xi32>
        tpu.vector_store %arg21[%swap3A_543], %swap3A_546 {strides = array<i32>} : memref<64xi32, #tpu.memory_space<vmem>>, vector<16xi32>,
        %mul3A_547 = arith.constant 64 : i32
        %mul3A_548 = arith.muli %add3A_507, %mul3A_547 : i32
        %add3A_549 = arith.constant 32 : i32
        %add3A_550 = arith.addi %mul3A_548, %add3A_549 : i32
        %get3A_551 = arith.index_cast %add3A_550 : i32 to index
        %get3A_552 = tpu.vector_load %arg9[%get3A_551] {strides = array<i32>} : memref<2560xi32, #tpu.memory_space<vmem>>, vector<16xi32>,
        %get3A_553 = vector.shape_cast %get3A_552 : vector<16xi32> to vector<16xi32>
        %swap3A_554 = arith.constant 32 : index
        %swap3A_555 = tpu.vector_load %arg21[%swap3A_554] {strides = array<i32>} : memref<64xi32, #tpu.memory_space<vmem>>, vector<16xi32>,
        %swap3A_556 = vector.shape_cast %swap3A_555 : vector<16xi32> to vector<16xi32>
        %swap3A_557 = vector.shape_cast %get3A_553 : vector<16xi32> to vector<16xi32>
        tpu.vector_store %arg21[%swap3A_554], %swap3A_557 {strides = array<i32>} : memref<64xi32, #tpu.memory_space<vmem>>, vector<16xi32>,
        %mul3A_558 = arith.constant 64 : i32
        %mul3A_559 = arith.muli %add3A_507, %mul3A_558 : i32
        %add3A_560 = arith.constant 48 : i32
        %add3A_561 = arith.addi %mul3A_559, %add3A_560 : i32
        %get3A_562 = arith.index_cast %add3A_561 : i32 to index
        %get3A_563 = tpu.vector_load %arg9[%get3A_562] {strides = array<i32>} : memref<2560xi32, #tpu.memory_space<vmem>>, vector<16xi32>,
        %get3A_564 = vector.shape_cast %get3A_563 : vector<16xi32> to vector<16xi32>
        %swap3A_565 = arith.constant 48 : index
        %swap3A_566 = tpu.vector_load %arg21[%swap3A_565] {strides = array<i32>} : memref<64xi32, #tpu.memory_space<vmem>>, vector<16xi32>,
        %swap3A_567 = vector.shape_cast %swap3A_566 : vector<16xi32> to vector<16xi32>
        %swap3A_568 = vector.shape_cast %get3A_564 : vector<16xi32> to vector<16xi32>
        tpu.vector_store %arg21[%swap3A_565], %swap3A_568 {strides = array<i32>} : memref<64xi32, #tpu.memory_space<vmem>>, vector<16xi32>,
        %dma_start3A_569 = arith.constant 0 : i32
        %dma_start3A_570 = arith.constant 0 : i32
        %dma_start3A_571 = tpu.memref_slice %arg5[%dma_start3A_569, %dma_start3A_570] : memref<10240x128xf32, #tpu.memory_space<vmem_shared>> -> memref<10240x128xf32, #tpu.memory_space<vmem_shared>>
        tpu.enqueue_indirect_dma source(%arg13 : memref<64x128xf32, #tpu.memory_space<vmem>>) target(%dma_start3A_571 : memref<10240x128xf32, #tpu.memory_space<vmem_shared>>) offsets(%arg21 : memref<64xi32, #tpu.memory_space<vmem>>) semaphore(%arg29 : memref<!tpu.dma_semaphore, #tpu.memory_space<semaphore_mem>>) {add = true}
      }
      %scan3A_293 = arith.constant 10 : i32
      %dma_wait3A_294 = arith.constant 0 : i32
      %dma_wait3A_295 = arith.constant 0 : i32
      %dma_wait3A_296 = tpu.memref_slice %arg5[%dma_wait3A_294, %dma_wait3A_295] : memref<10240x128xf32, #tpu.memory_space<vmem_shared>> -> memref<10240x128xf32, #tpu.memory_space<vmem_shared>>
      tpu.wait_indirect_dma semaphore(%arg29 : memref<!tpu.dma_semaphore, #tpu.memory_space<semaphore_mem>>) src(%arg13 : memref<64x128xf32, #tpu.memory_space<vmem>>) dst(%dma_wait3A_296 : memref<10240x128xf32, #tpu.memory_space<vmem_shared>>)
    } else {
    }
    %add3A_150 = arith.constant 64 : i32
    %add3A_151 = arith.addi %add3A, %add3A_150 : i32
    %lt3A_152 = arith.constant 125 : i32
    %lt3A_153 = arith.cmpi slt, %add3A_151, %lt3A_152 : i32
    %convert_element_type3A_154 = arith.extui %lt3A_153 : i1 to i32
    %cond3A_155 = arith.constant 0 : i32
    %cond3A_156 = arith.cmpi ne, %convert_element_type3A_154, %cond3A_155 : i32
    scf.if %cond3A_156 {
      %mul3A_169 = arith.constant 2560 : i32
      %mul3A_170 = arith.muli %add3A_151, %mul3A_169 : i32
      %dma_wait3A_171 = arith.constant 0 : i32
      %dma_wait3A_172 = arith.constant 0 : i32
      %dma_wait3A_173 = tpu.memref_slice %arg3[%dma_wait3A_171, %dma_wait3A_172] : memref<2x320000xi32, #tpu.memory_space<hbm>> -> memref<1x320000xi32, #tpu.memory_space<hbm>>
      %dma_wait3A_174 = tpu.memref_squeeze %dma_wait3A_173 : memref<1x320000xi32, #tpu.memory_space<hbm>> -> memref<320000xi32, #tpu.memory_space<hbm>>
      %dma_wait3A_175 = tpu.memref_slice %dma_wait3A_174[%mul3A_170] : memref<320000xi32, #tpu.memory_space<hbm>> -> memref<2560xi32, #tpu.memory_space<hbm>>
      %dma_wait3A_176 = arith.constant 0 : i32
      %dma_wait3A_177 = tpu.memref_slice %arg3[%dma_wait3A_171, %dma_wait3A_176] : memref<2x320000xi32, #tpu.memory_space<hbm>> -> memref<1x320000xi32, #tpu.memory_space<hbm>>
      %dma_wait3A_178 = tpu.memref_squeeze %dma_wait3A_177 : memref<1x320000xi32, #tpu.memory_space<hbm>> -> memref<320000xi32, #tpu.memory_space<hbm>>
      %dma_wait3A_179 = tpu.memref_slice %dma_wait3A_178[%mul3A_170] : memref<320000xi32, #tpu.memory_space<hbm>> -> memref<2560xi32, #tpu.memory_space<hbm>>
      tpu.wait_dma2 semaphore(%arg30 : memref<!tpu.dma_semaphore, #tpu.memory_space<semaphore_mem>>) src(%dma_wait3A_179 : memref<2560xi32, #tpu.memory_space<hbm>>) dst(%arg6 : memref<2560xi32, #tpu.memory_space<vmem>>)
      %dma_wait3A_180 = arith.constant 1 : i32
      %dma_wait3A_181 = arith.constant 0 : i32
      %dma_wait3A_182 = tpu.memref_slice %arg3[%dma_wait3A_180, %dma_wait3A_181] : memref<2x320000xi32, #tpu.memory_space<hbm>> -> memref<1x320000xi32, #tpu.memory_space<hbm>>
      %dma_wait3A_183 = tpu.memref_squeeze %dma_wait3A_182 : memref<1x320000xi32, #tpu.memory_space<hbm>> -> memref<320000xi32, #tpu.memory_space<hbm>>
      %dma_wait3A_184 = tpu.memref_slice %dma_wait3A_183[%mul3A_170] : memref<320000xi32, #tpu.memory_space<hbm>> -> memref<2560xi32, #tpu.memory_space<hbm>>
      %dma_wait3A_185 = arith.constant 0 : i32
      %dma_wait3A_186 = tpu.memref_slice %arg3[%dma_wait3A_180, %dma_wait3A_185] : memref<2x320000xi32, #tpu.memory_space<hbm>> -> memref<1x320000xi32, #tpu.memory_space<hbm>>
      %dma_wait3A_187 = tpu.memref_squeeze %dma_wait3A_186 : memref<1x320000xi32, #tpu.memory_space<hbm>> -> memref<320000xi32, #tpu.memory_space<hbm>>
      %dma_wait3A_188 = tpu.memref_slice %dma_wait3A_187[%mul3A_170] : memref<320000xi32, #tpu.memory_space<hbm>> -> memref<2560xi32, #tpu.memory_space<hbm>>
      tpu.wait_dma2 semaphore(%arg30 : memref<!tpu.dma_semaphore, #tpu.memory_space<semaphore_mem>>) src(%dma_wait3A_188 : memref<2560xi32, #tpu.memory_space<hbm>>) dst(%arg8 : memref<2560xi32, #tpu.memory_space<vmem>>)
      %add3A_189 = arith.constant 96 : i32
      %add3A_190 = arith.addi %add3A, %add3A_189 : i32
      %lt3A_191 = arith.constant 125 : i32
      %lt3A_192 = arith.cmpi slt, %add3A_190, %lt3A_191 : i32
      %convert_element_type3A_193 = arith.extui %lt3A_192 : i1 to i32
      %cond3A_194 = arith.constant 0 : i32
      %cond3A_195 = arith.cmpi ne, %convert_element_type3A_193, %cond3A_194 : i32
      scf.if %cond3A_195 {
        %mul3A_297 = arith.constant 2560 : i32
        %mul3A_298 = arith.muli %add3A_190, %mul3A_297 : i32
        %dma_start3A_299 = arith.constant 0 : i32
        %dma_start3A_300 = arith.constant 0 : i32
        %dma_start3A_301 = tpu.memref_slice %arg3[%dma_start3A_299, %dma_start3A_300] : memref<2x320000xi32, #tpu.memory_space<hbm>> -> memref<1x320000xi32, #tpu.memory_space<hbm>>
        %dma_start3A_302 = tpu.memref_squeeze %dma_start3A_301 : memref<1x320000xi32, #tpu.memory_space<hbm>> -> memref<320000xi32, #tpu.memory_space<hbm>>
        %dma_start3A_303 = tpu.memref_slice %dma_start3A_302[%mul3A_298] : memref<320000xi32, #tpu.memory_space<hbm>> -> memref<2560xi32, #tpu.memory_space<hbm>>
        %dma_start3A_304 = arith.constant 0 : i32
        %dma_start3A_305 = tpu.memref_slice %arg3[%dma_start3A_299, %dma_start3A_304] : memref<2x320000xi32, #tpu.memory_space<hbm>> -> memref<1x320000xi32, #tpu.memory_space<hbm>>
        %dma_start3A_306 = tpu.memref_squeeze %dma_start3A_305 : memref<1x320000xi32, #tpu.memory_space<hbm>> -> memref<320000xi32, #tpu.memory_space<hbm>>
        %dma_start3A_307 = tpu.memref_slice %dma_start3A_306[%mul3A_298] : memref<320000xi32, #tpu.memory_space<hbm>> -> memref<2560xi32, #tpu.memory_space<hbm>>
        tpu.enqueue_dma source(%dma_start3A_307 : memref<2560xi32, #tpu.memory_space<hbm>>) target(%arg7 : memref<2560xi32, #tpu.memory_space<vmem>>) target_semaphore(%arg31 : memref<!tpu.dma_semaphore, #tpu.memory_space<semaphore_mem>>)
        %dma_start3A_308 = arith.constant 1 : i32
        %dma_start3A_309 = arith.constant 0 : i32
        %dma_start3A_310 = tpu.memref_slice %arg3[%dma_start3A_308, %dma_start3A_309] : memref<2x320000xi32, #tpu.memory_space<hbm>> -> memref<1x320000xi32, #tpu.memory_space<hbm>>
        %dma_start3A_311 = tpu.memref_squeeze %dma_start3A_310 : memref<1x320000xi32, #tpu.memory_space<hbm>> -> memref<320000xi32, #tpu.memory_space<hbm>>
        %dma_start3A_312 = tpu.memref_slice %dma_start3A_311[%mul3A_298] : memref<320000xi32, #tpu.memory_space<hbm>> -> memref<2560xi32, #tpu.memory_space<hbm>>
        %dma_start3A_313 = arith.constant 0 : i32
        %dma_start3A_314 = tpu.memref_slice %arg3[%dma_start3A_308, %dma_start3A_313] : memref<2x320000xi32, #tpu.memory_space<hbm>> -> memref<1x320000xi32, #tpu.memory_space<hbm>>
        %dma_start3A_315 = tpu.memref_squeeze %dma_start3A_314 : memref<1x320000xi32, #tpu.memory_space<hbm>> -> memref<320000xi32, #tpu.memory_space<hbm>>
        %dma_start3A_316 = tpu.memref_slice %dma_start3A_315[%mul3A_298] : memref<320000xi32, #tpu.memory_space<hbm>> -> memref<2560xi32, #tpu.memory_space<hbm>>
        tpu.enqueue_dma source(%dma_start3A_316 : memref<2560xi32, #tpu.memory_space<hbm>>) target(%arg9 : memref<2560xi32, #tpu.memory_space<vmem>>) target_semaphore(%arg31 : memref<!tpu.dma_semaphore, #tpu.memory_space<semaphore_mem>>)
      } else {
      }
      %get3A_196 = arith.constant 0 : index
      %get3A_197 = tpu.vector_load %arg6[%get3A_196] {strides = array<i32>} : memref<2560xi32, #tpu.memory_space<vmem>>, vector<16xi32>,
      %get3A_198 = vector.shape_cast %get3A_197 : vector<16xi32> to vector<16xi32>
      %swap3A_199 = arith.constant 0 : index
      %swap3A_200 = tpu.vector_load %arg14[%swap3A_199] {strides = array<i32>} : memref<64xi32, #tpu.memory_space<vmem>>, vector<16xi32>,
      %swap3A_201 = vector.shape_cast %swap3A_200 : vector<16xi32> to vector<16xi32>
      %swap3A_202 = vector.shape_cast %get3A_198 : vector<16xi32> to vector<16xi32>
      tpu.vector_store %arg14[%swap3A_199], %swap3A_202 {strides = array<i32>} : memref<64xi32, #tpu.memory_space<vmem>>, vector<16xi32>,
      %get3A_203 = arith.constant 16 : index
      %get3A_204 = tpu.vector_load %arg6[%get3A_203] {strides = array<i32>} : memref<2560xi32, #tpu.memory_space<vmem>>, vector<16xi32>,
      %get3A_205 = vector.shape_cast %get3A_204 : vector<16xi32> to vector<16xi32>
      %swap3A_206 = arith.constant 16 : index
      %swap3A_207 = tpu.vector_load %arg14[%swap3A_206] {strides = array<i32>} : memref<64xi32, #tpu.memory_space<vmem>>, vector<16xi32>,
      %swap3A_208 = vector.shape_cast %swap3A_207 : vector<16xi32> to vector<16xi32>
      %swap3A_209 = vector.shape_cast %get3A_205 : vector<16xi32> to vector<16xi32>
      tpu.vector_store %arg14[%swap3A_206], %swap3A_209 {strides = array<i32>} : memref<64xi32, #tpu.memory_space<vmem>>, vector<16xi32>,
      %get3A_210 = arith.constant 32 : index
      %get3A_211 = tpu.vector_load %arg6[%get3A_210] {strides = array<i32>} : memref<2560xi32, #tpu.memory_space<vmem>>, vector<16xi32>,
      %get3A_212 = vector.shape_cast %get3A_211 : vector<16xi32> to vector<16xi32>
      %swap3A_213 = arith.constant 32 : index
      %swap3A_214 = tpu.vector_load %arg14[%swap3A_213] {strides = array<i32>} : memref<64xi32, #tpu.memory_space<vmem>>, vector<16xi32>,
      %swap3A_215 = vector.shape_cast %swap3A_214 : vector<16xi32> to vector<16xi32>
      %swap3A_216 = vector.shape_cast %get3A_212 : vector<16xi32> to vector<16xi32>
      tpu.vector_store %arg14[%swap3A_213], %swap3A_216 {strides = array<i32>} : memref<64xi32, #tpu.memory_space<vmem>>, vector<16xi32>,
      %get3A_217 = arith.constant 48 : index
      %get3A_218 = tpu.vector_load %arg6[%get3A_217] {strides = array<i32>} : memref<2560xi32, #tpu.memory_space<vmem>>, vector<16xi32>,
      %get3A_219 = vector.shape_cast %get3A_218 : vector<16xi32> to vector<16xi32>
      %swap3A_220 = arith.constant 48 : index
      %swap3A_221 = tpu.vector_load %arg14[%swap3A_220] {strides = array<i32>} : memref<64xi32, #tpu.memory_space<vmem>>, vector<16xi32>,
      %swap3A_222 = vector.shape_cast %swap3A_221 : vector<16xi32> to vector<16xi32>
      %swap3A_223 = vector.shape_cast %get3A_219 : vector<16xi32> to vector<16xi32>
      tpu.vector_store %arg14[%swap3A_220], %swap3A_223 {strides = array<i32>} : memref<64xi32, #tpu.memory_space<vmem>>, vector<16xi32>,
      %dma_start3A_224 = arith.constant 0 : i32
      %dma_start3A_225 = arith.constant 0 : i32
      %dma_start3A_226 = tpu.memref_slice %arg2[%dma_start3A_224, %dma_start3A_225] : memref<10000x128xf32, #tpu.memory_space<hbm>> -> memref<10000x128xf32, #tpu.memory_space<hbm>>
      tpu.enqueue_indirect_dma source(%dma_start3A_226 : memref<10000x128xf32, #tpu.memory_space<hbm>>) target(%arg10 : memref<64x128xf32, #tpu.memory_space<vmem>>) offsets(%arg14 : memref<64xi32, #tpu.memory_space<vmem>>) semaphore(%arg22 : memref<!tpu.dma_semaphore, #tpu.memory_space<semaphore_mem>>)
      %get3A_227 = arith.constant 64 : index
      %get3A_228 = tpu.vector_load %arg6[%get3A_227] {strides = array<i32>} : memref<2560xi32, #tpu.memory_space<vmem>>, vector<16xi32>,
      %get3A_229 = vector.shape_cast %get3A_228 : vector<16xi32> to vector<16xi32>
      %swap3A_230 = arith.constant 0 : index
      %swap3A_231 = tpu.vector_load %arg15[%swap3A_230] {strides = array<i32>} : memref<64xi32, #tpu.memory_space<vmem>>, vector<16xi32>,
      %swap3A_232 = vector.shape_cast %swap3A_231 : vector<16xi32> to vector<16xi32>
      %swap3A_233 = vector.shape_cast %get3A_229 : vector<16xi32> to vector<16xi32>
      tpu.vector_store %arg15[%swap3A_230], %swap3A_233 {strides = array<i32>} : memref<64xi32, #tpu.memory_space<vmem>>, vector<16xi32>,
      %get3A_234 = arith.constant 80 : index
      %get3A_235 = tpu.vector_load %arg6[%get3A_234] {strides = array<i32>} : memref<2560xi32, #tpu.memory_space<vmem>>, vector<16xi32>,
      %get3A_236 = vector.shape_cast %get3A_235 : vector<16xi32> to vector<16xi32>
      %swap3A_237 = arith.constant 16 : index
      %swap3A_238 = tpu.vector_load %arg15[%swap3A_237] {strides = array<i32>} : memref<64xi32, #tpu.memory_space<vmem>>, vector<16xi32>,
      %swap3A_239 = vector.shape_cast %swap3A_238 : vector<16xi32> to vector<16xi32>
      %swap3A_240 = vector.shape_cast %get3A_236 : vector<16xi32> to vector<16xi32>
      tpu.vector_store %arg15[%swap3A_237], %swap3A_240 {strides = array<i32>} : memref<64xi32, #tpu.memory_space<vmem>>, vector<16xi32>,
      %get3A_241 = arith.constant 96 : index
      %get3A_242 = tpu.vector_load %arg6[%get3A_241] {strides = array<i32>} : memref<2560xi32, #tpu.memory_space<vmem>>, vector<16xi32>,
      %get3A_243 = vector.shape_cast %get3A_242 : vector<16xi32> to vector<16xi32>
      %swap3A_244 = arith.constant 32 : index
      %swap3A_245 = tpu.vector_load %arg15[%swap3A_244] {strides = array<i32>} : memref<64xi32, #tpu.memory_space<vmem>>, vector<16xi32>,
      %swap3A_246 = vector.shape_cast %swap3A_245 : vector<16xi32> to vector<16xi32>
      %swap3A_247 = vector.shape_cast %get3A_243 : vector<16xi32> to vector<16xi32>
      tpu.vector_store %arg15[%swap3A_244], %swap3A_247 {strides = array<i32>} : memref<64xi32, #tpu.memory_space<vmem>>, vector<16xi32>,
      %get3A_248 = arith.constant 112 : index
      %get3A_249 = tpu.vector_load %arg6[%get3A_248] {strides = array<i32>} : memref<2560xi32, #tpu.memory_space<vmem>>, vector<16xi32>,
      %get3A_250 = vector.shape_cast %get3A_249 : vector<16xi32> to vector<16xi32>
      %swap3A_251 = arith.constant 48 : index
      %swap3A_252 = tpu.vector_load %arg15[%swap3A_251] {strides = array<i32>} : memref<64xi32, #tpu.memory_space<vmem>>, vector<16xi32>,
      %swap3A_253 = vector.shape_cast %swap3A_252 : vector<16xi32> to vector<16xi32>
      %swap3A_254 = vector.shape_cast %get3A_250 : vector<16xi32> to vector<16xi32>
      tpu.vector_store %arg15[%swap3A_251], %swap3A_254 {strides = array<i32>} : memref<64xi32, #tpu.memory_space<vmem>>, vector<16xi32>,
      %dma_start3A_255 = arith.constant 0 : i32
      %dma_start3A_256 = arith.constant 0 : i32
      %dma_start3A_257 = tpu.memref_slice %arg2[%dma_start3A_255, %dma_start3A_256] : memref<10000x128xf32, #tpu.memory_space<hbm>> -> memref<10000x128xf32, #tpu.memory_space<hbm>>
      tpu.enqueue_indirect_dma source(%dma_start3A_257 : memref<10000x128xf32, #tpu.memory_space<hbm>>) target(%arg11 : memref<64x128xf32, #tpu.memory_space<vmem>>) offsets(%arg15 : memref<64xi32, #tpu.memory_space<vmem>>) semaphore(%arg23 : memref<!tpu.dma_semaphore, #tpu.memory_space<semaphore_mem>>)
      %get3A_258 = arith.constant 128 : index
      %get3A_259 = tpu.vector_load %arg6[%get3A_258] {strides = array<i32>} : memref<2560xi32, #tpu.memory_space<vmem>>, vector<16xi32>,
      %get3A_260 = vector.shape_cast %get3A_259 : vector<16xi32> to vector<16xi32>
      %swap3A_261 = arith.constant 0 : index
      %swap3A_262 = tpu.vector_load %arg16[%swap3A_261] {strides = array<i32>} : memref<64xi32, #tpu.memory_space<vmem>>, vector<16xi32>,
      %swap3A_263 = vector.shape_cast %swap3A_262 : vector<16xi32> to vector<16xi32>
      %swap3A_264 = vector.shape_cast %get3A_260 : vector<16xi32> to vector<16xi32>
      tpu.vector_store %arg16[%swap3A_261], %swap3A_264 {strides = array<i32>} : memref<64xi32, #tpu.memory_space<vmem>>, vector<16xi32>,
      %get3A_265 = arith.constant 144 : index
      %get3A_266 = tpu.vector_load %arg6[%get3A_265] {strides = array<i32>} : memref<2560xi32, #tpu.memory_space<vmem>>, vector<16xi32>,
      %get3A_267 = vector.shape_cast %get3A_266 : vector<16xi32> to vector<16xi32>
      %swap3A_268 = arith.constant 16 : index
      %swap3A_269 = tpu.vector_load %arg16[%swap3A_268] {strides = array<i32>} : memref<64xi32, #tpu.memory_space<vmem>>, vector<16xi32>,
      %swap3A_270 = vector.shape_cast %swap3A_269 : vector<16xi32> to vector<16xi32>
      %swap3A_271 = vector.shape_cast %get3A_267 : vector<16xi32> to vector<16xi32>
      tpu.vector_store %arg16[%swap3A_268], %swap3A_271 {strides = array<i32>} : memref<64xi32, #tpu.memory_space<vmem>>, vector<16xi32>,
      %get3A_272 = arith.constant 160 : index
      %get3A_273 = tpu.vector_load %arg6[%get3A_272] {strides = array<i32>} : memref<2560xi32, #tpu.memory_space<vmem>>, vector<16xi32>,
      %get3A_274 = vector.shape_cast %get3A_273 : vector<16xi32> to vector<16xi32>
      %swap3A_275 = arith.constant 32 : index
      %swap3A_276 = tpu.vector_load %arg16[%swap3A_275] {strides = array<i32>} : memref<64xi32, #tpu.memory_space<vmem>>, vector<16xi32>,
      %swap3A_277 = vector.shape_cast %swap3A_276 : vector<16xi32> to vector<16xi32>
      %swap3A_278 = vector.shape_cast %get3A_274 : vector<16xi32> to vector<16xi32>
      tpu.vector_store %arg16[%swap3A_275], %swap3A_278 {strides = array<i32>} : memref<64xi32, #tpu.memory_space<vmem>>, vector<16xi32>,
      %get3A_279 = arith.constant 176 : index
      %get3A_280 = tpu.vector_load %arg6[%get3A_279] {strides = array<i32>} : memref<2560xi32, #tpu.memory_space<vmem>>, vector<16xi32>,
      %get3A_281 = vector.shape_cast %get3A_280 : vector<16xi32> to vector<16xi32>
      %swap3A_282 = arith.constant 48 : index
      %swap3A_283 = tpu.vector_load %arg16[%swap3A_282] {strides = array<i32>} : memref<64xi32, #tpu.memory_space<vmem>>, vector<16xi32>,
      %swap3A_284 = vector.shape_cast %swap3A_283 : vector<16xi32> to vector<16xi32>
      %swap3A_285 = vector.shape_cast %get3A_281 : vector<16xi32> to vector<16xi32>
      tpu.vector_store %arg16[%swap3A_282], %swap3A_285 {strides = array<i32>} : memref<64xi32, #tpu.memory_space<vmem>>, vector<16xi32>,
      %dma_start3A_286 = arith.constant 0 : i32
      %dma_start3A_287 = arith.constant 0 : i32
      %dma_start3A_288 = tpu.memref_slice %arg2[%dma_start3A_286, %dma_start3A_287] : memref<10000x128xf32, #tpu.memory_space<hbm>> -> memref<10000x128xf32, #tpu.memory_space<hbm>>
      tpu.enqueue_indirect_dma source(%dma_start3A_288 : memref<10000x128xf32, #tpu.memory_space<hbm>>) target(%arg12 : memref<64x128xf32, #tpu.memory_space<vmem>>) offsets(%arg16 : memref<64xi32, #tpu.memory_space<vmem>>) semaphore(%arg24 : memref<!tpu.dma_semaphore, #tpu.memory_space<semaphore_mem>>)
      %scan3A_289 = arith.constant 0 : i32
      %scan3A_290 = arith.constant 10 : i32
      %scan3A_291 = arith.addi %scan3A_289, %scan3A_290 : i32
      %scan3A_292 = arith.constant 1 : i32
      scf.for %scan3A_297 = %scan3A_289 to %scan3A_291 step %scan3A_292  : i32 {
        %mul3A_298 = arith.constant 1 : i32
        %mul3A_299 = arith.muli %scan3A_297, %mul3A_298 : i32
        %add3A_300 = arith.constant 0 : i32
        %add3A_301 = arith.addi %add3A_300, %mul3A_299 : i32
        %mul3A_302 = arith.constant 4 : i32
        %mul3A_303 = arith.muli %add3A_301, %mul3A_302 : i32
        %add3A_304 = arith.constant 0 : i32
        %add3A_305 = arith.addi %mul3A_303, %add3A_304 : i32
        %dma_wait3A_306 = arith.constant 0 : i32
        %dma_wait3A_307 = arith.constant 0 : i32
        %dma_wait3A_308 = tpu.memref_slice %arg2[%dma_wait3A_306, %dma_wait3A_307] : memref<10000x128xf32, #tpu.memory_space<hbm>> -> memref<10000x128xf32, #tpu.memory_space<hbm>>
        tpu.wait_indirect_dma semaphore(%arg22 : memref<!tpu.dma_semaphore, #tpu.memory_space<semaphore_mem>>) src(%dma_wait3A_308 : memref<10000x128xf32, #tpu.memory_space<hbm>>) dst(%arg10 : memref<64x128xf32, #tpu.memory_space<vmem>>)
        %ge3A = arith.constant 1 : i32
        %ge3A_309 = arith.cmpi sge, %add3A_305, %ge3A : i32
        %convert_element_type3A_310 = arith.extui %ge3A_309 : i1 to i32
        %cond3A_311 = arith.constant 0 : i32
        %cond3A_312 = arith.cmpi ne, %convert_element_type3A_310, %cond3A_311 : i32
        scf.if %cond3A_312 {
          %dma_wait3A_572 = arith.constant 0 : i32
          %dma_wait3A_573 = arith.constant 0 : i32
          %dma_wait3A_574 = tpu.memref_slice %arg5[%dma_wait3A_572, %dma_wait3A_573] : memref<10240x128xf32, #tpu.memory_space<vmem_shared>> -> memref<10240x128xf32, #tpu.memory_space<vmem_shared>>
          tpu.wait_indirect_dma semaphore(%arg29 : memref<!tpu.dma_semaphore, #tpu.memory_space<semaphore_mem>>) src(%arg13 : memref<64x128xf32, #tpu.memory_space<vmem>>) dst(%dma_wait3A_574 : memref<10240x128xf32, #tpu.memory_space<vmem_shared>>)
        } else {
        }
        %add3A_313 = arith.constant 4 : i32
        %add3A_314 = arith.addi %add3A_305, %add3A_313 : i32
        %sub3A = arith.constant 1 : i32
        %sub3A_315 = arith.subi %add3A_314, %sub3A : i32
        %lt3A_316 = arith.constant 40 : i32
        %lt3A_317 = arith.cmpi slt, %sub3A_315, %lt3A_316 : i32
        %convert_element_type3A_318 = arith.extui %lt3A_317 : i1 to i32
        %cond3A_319 = arith.constant 0 : i32
        %cond3A_320 = arith.cmpi ne, %convert_element_type3A_318, %cond3A_319 : i32
        scf.if %cond3A_320 {
          %add3A_572 = arith.constant 4 : i32
          %add3A_573 = arith.addi %add3A_305, %add3A_572 : i32
          %sub3A_574 = arith.constant 1 : i32
          %sub3A_575 = arith.subi %add3A_573, %sub3A_574 : i32
          %mul3A_576 = arith.constant 64 : i32
          %mul3A_577 = arith.muli %sub3A_575, %mul3A_576 : i32
          %add3A_578 = arith.constant 0 : i32
          %add3A_579 = arith.addi %mul3A_577, %add3A_578 : i32
          %get3A_580 = arith.index_cast %add3A_579 : i32 to index
          %get3A_581 = tpu.vector_load %arg6[%get3A_580] {strides = array<i32>} : memref<2560xi32, #tpu.memory_space<vmem>>, vector<16xi32>,
          %get3A_582 = vector.shape_cast %get3A_581 : vector<16xi32> to vector<16xi32>
          %swap3A_583 = arith.constant 0 : index
          %swap3A_584 = tpu.vector_load %arg17[%swap3A_583] {strides = array<i32>} : memref<64xi32, #tpu.memory_space<vmem>>, vector<16xi32>,
          %swap3A_585 = vector.shape_cast %swap3A_584 : vector<16xi32> to vector<16xi32>
          %swap3A_586 = vector.shape_cast %get3A_582 : vector<16xi32> to vector<16xi32>
          tpu.vector_store %arg17[%swap3A_583], %swap3A_586 {strides = array<i32>} : memref<64xi32, #tpu.memory_space<vmem>>, vector<16xi32>,
          %mul3A_587 = arith.constant 64 : i32
          %mul3A_588 = arith.muli %sub3A_575, %mul3A_587 : i32
          %add3A_589 = arith.constant 16 : i32
          %add3A_590 = arith.addi %mul3A_588, %add3A_589 : i32
          %get3A_591 = arith.index_cast %add3A_590 : i32 to index
          %get3A_592 = tpu.vector_load %arg6[%get3A_591] {strides = array<i32>} : memref<2560xi32, #tpu.memory_space<vmem>>, vector<16xi32>,
          %get3A_593 = vector.shape_cast %get3A_592 : vector<16xi32> to vector<16xi32>
          %swap3A_594 = arith.constant 16 : index
          %swap3A_595 = tpu.vector_load %arg17[%swap3A_594] {strides = array<i32>} : memref<64xi32, #tpu.memory_space<vmem>>, vector<16xi32>,
          %swap3A_596 = vector.shape_cast %swap3A_595 : vector<16xi32> to vector<16xi32>
          %swap3A_597 = vector.shape_cast %get3A_593 : vector<16xi32> to vector<16xi32>
          tpu.vector_store %arg17[%swap3A_594], %swap3A_597 {strides = array<i32>} : memref<64xi32, #tpu.memory_space<vmem>>, vector<16xi32>,
          %mul3A_598 = arith.constant 64 : i32
          %mul3A_599 = arith.muli %sub3A_575, %mul3A_598 : i32
          %add3A_600 = arith.constant 32 : i32
          %add3A_601 = arith.addi %mul3A_599, %add3A_600 : i32
          %get3A_602 = arith.index_cast %add3A_601 : i32 to index
          %get3A_603 = tpu.vector_load %arg6[%get3A_602] {strides = array<i32>} : memref<2560xi32, #tpu.memory_space<vmem>>, vector<16xi32>,
          %get3A_604 = vector.shape_cast %get3A_603 : vector<16xi32> to vector<16xi32>
          %swap3A_605 = arith.constant 32 : index
          %swap3A_606 = tpu.vector_load %arg17[%swap3A_605] {strides = array<i32>} : memref<64xi32, #tpu.memory_space<vmem>>, vector<16xi32>,
          %swap3A_607 = vector.shape_cast %swap3A_606 : vector<16xi32> to vector<16xi32>
          %swap3A_608 = vector.shape_cast %get3A_604 : vector<16xi32> to vector<16xi32>
          tpu.vector_store %arg17[%swap3A_605], %swap3A_608 {strides = array<i32>} : memref<64xi32, #tpu.memory_space<vmem>>, vector<16xi32>,
          %mul3A_609 = arith.constant 64 : i32
          %mul3A_610 = arith.muli %sub3A_575, %mul3A_609 : i32
          %add3A_611 = arith.constant 48 : i32
          %add3A_612 = arith.addi %mul3A_610, %add3A_611 : i32
          %get3A_613 = arith.index_cast %add3A_612 : i32 to index
          %get3A_614 = tpu.vector_load %arg6[%get3A_613] {strides = array<i32>} : memref<2560xi32, #tpu.memory_space<vmem>>, vector<16xi32>,
          %get3A_615 = vector.shape_cast %get3A_614 : vector<16xi32> to vector<16xi32>
          %swap3A_616 = arith.constant 48 : index
          %swap3A_617 = tpu.vector_load %arg17[%swap3A_616] {strides = array<i32>} : memref<64xi32, #tpu.memory_space<vmem>>, vector<16xi32>,
          %swap3A_618 = vector.shape_cast %swap3A_617 : vector<16xi32> to vector<16xi32>
          %swap3A_619 = vector.shape_cast %get3A_615 : vector<16xi32> to vector<16xi32>
          tpu.vector_store %arg17[%swap3A_616], %swap3A_619 {strides = array<i32>} : memref<64xi32, #tpu.memory_space<vmem>>, vector<16xi32>,
          %dma_start3A_620 = arith.constant 0 : i32
          %dma_start3A_621 = arith.constant 0 : i32
          %dma_start3A_622 = tpu.memref_slice %arg2[%dma_start3A_620, %dma_start3A_621] : memref<10000x128xf32, #tpu.memory_space<hbm>> -> memref<10000x128xf32, #tpu.memory_space<hbm>>
          tpu.enqueue_indirect_dma source(%dma_start3A_622 : memref<10000x128xf32, #tpu.memory_space<hbm>>) target(%arg13 : memref<64x128xf32, #tpu.memory_space<vmem>>) offsets(%arg17 : memref<64xi32, #tpu.memory_space<vmem>>) semaphore(%arg25 : memref<!tpu.dma_semaphore, #tpu.memory_space<semaphore_mem>>)
        } else {
        }
        %mul3A_321 = arith.constant 64 : i32
        %mul3A_322 = arith.muli %add3A_305, %mul3A_321 : i32
        %add3A_323 = arith.constant 0 : i32
        %add3A_324 = arith.addi %mul3A_322, %add3A_323 : i32
        %get3A_325 = arith.index_cast %add3A_324 : i32 to index
        %get3A_326 = tpu.vector_load %arg8[%get3A_325] {strides = array<i32>} : memref<2560xi32, #tpu.memory_space<vmem>>, vector<16xi32>,
        %get3A_327 = vector.shape_cast %get3A_326 : vector<16xi32> to vector<16xi32>
        %swap3A_328 = arith.constant 0 : index
        %swap3A_329 = tpu.vector_load %arg18[%swap3A_328] {strides = array<i32>} : memref<64xi32, #tpu.memory_space<vmem>>, vector<16xi32>,
        %swap3A_330 = vector.shape_cast %swap3A_329 : vector<16xi32> to vector<16xi32>
        %swap3A_331 = vector.shape_cast %get3A_327 : vector<16xi32> to vector<16xi32>
        tpu.vector_store %arg18[%swap3A_328], %swap3A_331 {strides = array<i32>} : memref<64xi32, #tpu.memory_space<vmem>>, vector<16xi32>,
        %mul3A_332 = arith.constant 64 : i32
        %mul3A_333 = arith.muli %add3A_305, %mul3A_332 : i32
        %add3A_334 = arith.constant 16 : i32
        %add3A_335 = arith.addi %mul3A_333, %add3A_334 : i32
        %get3A_336 = arith.index_cast %add3A_335 : i32 to index
        %get3A_337 = tpu.vector_load %arg8[%get3A_336] {strides = array<i32>} : memref<2560xi32, #tpu.memory_space<vmem>>, vector<16xi32>,
        %get3A_338 = vector.shape_cast %get3A_337 : vector<16xi32> to vector<16xi32>
        %swap3A_339 = arith.constant 16 : index
        %swap3A_340 = tpu.vector_load %arg18[%swap3A_339] {strides = array<i32>} : memref<64xi32, #tpu.memory_space<vmem>>, vector<16xi32>,
        %swap3A_341 = vector.shape_cast %swap3A_340 : vector<16xi32> to vector<16xi32>
        %swap3A_342 = vector.shape_cast %get3A_338 : vector<16xi32> to vector<16xi32>
        tpu.vector_store %arg18[%swap3A_339], %swap3A_342 {strides = array<i32>} : memref<64xi32, #tpu.memory_space<vmem>>, vector<16xi32>,
        %mul3A_343 = arith.constant 64 : i32
        %mul3A_344 = arith.muli %add3A_305, %mul3A_343 : i32
        %add3A_345 = arith.constant 32 : i32
        %add3A_346 = arith.addi %mul3A_344, %add3A_345 : i32
        %get3A_347 = arith.index_cast %add3A_346 : i32 to index
        %get3A_348 = tpu.vector_load %arg8[%get3A_347] {strides = array<i32>} : memref<2560xi32, #tpu.memory_space<vmem>>, vector<16xi32>,
        %get3A_349 = vector.shape_cast %get3A_348 : vector<16xi32> to vector<16xi32>
        %swap3A_350 = arith.constant 32 : index
        %swap3A_351 = tpu.vector_load %arg18[%swap3A_350] {strides = array<i32>} : memref<64xi32, #tpu.memory_space<vmem>>, vector<16xi32>,
        %swap3A_352 = vector.shape_cast %swap3A_351 : vector<16xi32> to vector<16xi32>
        %swap3A_353 = vector.shape_cast %get3A_349 : vector<16xi32> to vector<16xi32>
        tpu.vector_store %arg18[%swap3A_350], %swap3A_353 {strides = array<i32>} : memref<64xi32, #tpu.memory_space<vmem>>, vector<16xi32>,
        %mul3A_354 = arith.constant 64 : i32
        %mul3A_355 = arith.muli %add3A_305, %mul3A_354 : i32
        %add3A_356 = arith.constant 48 : i32
        %add3A_357 = arith.addi %mul3A_355, %add3A_356 : i32
        %get3A_358 = arith.index_cast %add3A_357 : i32 to index
        %get3A_359 = tpu.vector_load %arg8[%get3A_358] {strides = array<i32>} : memref<2560xi32, #tpu.memory_space<vmem>>, vector<16xi32>,
        %get3A_360 = vector.shape_cast %get3A_359 : vector<16xi32> to vector<16xi32>
        %swap3A_361 = arith.constant 48 : index
        %swap3A_362 = tpu.vector_load %arg18[%swap3A_361] {strides = array<i32>} : memref<64xi32, #tpu.memory_space<vmem>>, vector<16xi32>,
        %swap3A_363 = vector.shape_cast %swap3A_362 : vector<16xi32> to vector<16xi32>
        %swap3A_364 = vector.shape_cast %get3A_360 : vector<16xi32> to vector<16xi32>
        tpu.vector_store %arg18[%swap3A_361], %swap3A_364 {strides = array<i32>} : memref<64xi32, #tpu.memory_space<vmem>>, vector<16xi32>,
        %dma_start3A_365 = arith.constant 0 : i32
        %dma_start3A_366 = arith.constant 0 : i32
        %dma_start3A_367 = tpu.memref_slice %arg5[%dma_start3A_365, %dma_start3A_366] : memref<10240x128xf32, #tpu.memory_space<vmem_shared>> -> memref<10240x128xf32, #tpu.memory_space<vmem_shared>>
        tpu.enqueue_indirect_dma source(%arg10 : memref<64x128xf32, #tpu.memory_space<vmem>>) target(%dma_start3A_367 : memref<10240x128xf32, #tpu.memory_space<vmem_shared>>) offsets(%arg18 : memref<64xi32, #tpu.memory_space<vmem>>) semaphore(%arg26 : memref<!tpu.dma_semaphore, #tpu.memory_space<semaphore_mem>>) {add = true}
        %mul3A_368 = arith.constant 4 : i32
        %mul3A_369 = arith.muli %add3A_301, %mul3A_368 : i32
        %add3A_370 = arith.constant 1 : i32
        %add3A_371 = arith.addi %mul3A_369, %add3A_370 : i32
        %dma_wait3A_372 = arith.constant 0 : i32
        %dma_wait3A_373 = arith.constant 0 : i32
        %dma_wait3A_374 = tpu.memref_slice %arg2[%dma_wait3A_372, %dma_wait3A_373] : memref<10000x128xf32, #tpu.memory_space<hbm>> -> memref<10000x128xf32, #tpu.memory_space<hbm>>
        tpu.wait_indirect_dma semaphore(%arg23 : memref<!tpu.dma_semaphore, #tpu.memory_space<semaphore_mem>>) src(%dma_wait3A_374 : memref<10000x128xf32, #tpu.memory_space<hbm>>) dst(%arg11 : memref<64x128xf32, #tpu.memory_space<vmem>>)
        %ge3A_375 = arith.constant 1 : i32
        %ge3A_376 = arith.cmpi sge, %add3A_371, %ge3A_375 : i32
        %convert_element_type3A_377 = arith.extui %ge3A_376 : i1 to i32
        %cond3A_378 = arith.constant 0 : i32
        %cond3A_379 = arith.cmpi ne, %convert_element_type3A_377, %cond3A_378 : i32
        scf.if %cond3A_379 {
          %dma_wait3A_572 = arith.constant 0 : i32
          %dma_wait3A_573 = arith.constant 0 : i32
          %dma_wait3A_574 = tpu.memref_slice %arg5[%dma_wait3A_572, %dma_wait3A_573] : memref<10240x128xf32, #tpu.memory_space<vmem_shared>> -> memref<10240x128xf32, #tpu.memory_space<vmem_shared>>
          tpu.wait_indirect_dma semaphore(%arg26 : memref<!tpu.dma_semaphore, #tpu.memory_space<semaphore_mem>>) src(%arg10 : memref<64x128xf32, #tpu.memory_space<vmem>>) dst(%dma_wait3A_574 : memref<10240x128xf32, #tpu.memory_space<vmem_shared>>)
        } else {
        }
        %add3A_380 = arith.constant 4 : i32
        %add3A_381 = arith.addi %add3A_371, %add3A_380 : i32
        %sub3A_382 = arith.constant 1 : i32
        %sub3A_383 = arith.subi %add3A_381, %sub3A_382 : i32
        %lt3A_384 = arith.constant 40 : i32
        %lt3A_385 = arith.cmpi slt, %sub3A_383, %lt3A_384 : i32
        %convert_element_type3A_386 = arith.extui %lt3A_385 : i1 to i32
        %cond3A_387 = arith.constant 0 : i32
        %cond3A_388 = arith.cmpi ne, %convert_element_type3A_386, %cond3A_387 : i32
        scf.if %cond3A_388 {
          %add3A_572 = arith.constant 4 : i32
          %add3A_573 = arith.addi %add3A_371, %add3A_572 : i32
          %sub3A_574 = arith.constant 1 : i32
          %sub3A_575 = arith.subi %add3A_573, %sub3A_574 : i32
          %mul3A_576 = arith.constant 64 : i32
          %mul3A_577 = arith.muli %sub3A_575, %mul3A_576 : i32
          %add3A_578 = arith.constant 0 : i32
          %add3A_579 = arith.addi %mul3A_577, %add3A_578 : i32
          %get3A_580 = arith.index_cast %add3A_579 : i32 to index
          %get3A_581 = tpu.vector_load %arg6[%get3A_580] {strides = array<i32>} : memref<2560xi32, #tpu.memory_space<vmem>>, vector<16xi32>,
          %get3A_582 = vector.shape_cast %get3A_581 : vector<16xi32> to vector<16xi32>
          %swap3A_583 = arith.constant 0 : index
          %swap3A_584 = tpu.vector_load %arg14[%swap3A_583] {strides = array<i32>} : memref<64xi32, #tpu.memory_space<vmem>>, vector<16xi32>,
          %swap3A_585 = vector.shape_cast %swap3A_584 : vector<16xi32> to vector<16xi32>
          %swap3A_586 = vector.shape_cast %get3A_582 : vector<16xi32> to vector<16xi32>
          tpu.vector_store %arg14[%swap3A_583], %swap3A_586 {strides = array<i32>} : memref<64xi32, #tpu.memory_space<vmem>>, vector<16xi32>,
          %mul3A_587 = arith.constant 64 : i32
          %mul3A_588 = arith.muli %sub3A_575, %mul3A_587 : i32
          %add3A_589 = arith.constant 16 : i32
          %add3A_590 = arith.addi %mul3A_588, %add3A_589 : i32
          %get3A_591 = arith.index_cast %add3A_590 : i32 to index
          %get3A_592 = tpu.vector_load %arg6[%get3A_591] {strides = array<i32>} : memref<2560xi32, #tpu.memory_space<vmem>>, vector<16xi32>,
          %get3A_593 = vector.shape_cast %get3A_592 : vector<16xi32> to vector<16xi32>
          %swap3A_594 = arith.constant 16 : index
          %swap3A_595 = tpu.vector_load %arg14[%swap3A_594] {strides = array<i32>} : memref<64xi32, #tpu.memory_space<vmem>>, vector<16xi32>,
          %swap3A_596 = vector.shape_cast %swap3A_595 : vector<16xi32> to vector<16xi32>
          %swap3A_597 = vector.shape_cast %get3A_593 : vector<16xi32> to vector<16xi32>
          tpu.vector_store %arg14[%swap3A_594], %swap3A_597 {strides = array<i32>} : memref<64xi32, #tpu.memory_space<vmem>>, vector<16xi32>,
          %mul3A_598 = arith.constant 64 : i32
          %mul3A_599 = arith.muli %sub3A_575, %mul3A_598 : i32
          %add3A_600 = arith.constant 32 : i32
          %add3A_601 = arith.addi %mul3A_599, %add3A_600 : i32
          %get3A_602 = arith.index_cast %add3A_601 : i32 to index
          %get3A_603 = tpu.vector_load %arg6[%get3A_602] {strides = array<i32>} : memref<2560xi32, #tpu.memory_space<vmem>>, vector<16xi32>,
          %get3A_604 = vector.shape_cast %get3A_603 : vector<16xi32> to vector<16xi32>
          %swap3A_605 = arith.constant 32 : index
          %swap3A_606 = tpu.vector_load %arg14[%swap3A_605] {strides = array<i32>} : memref<64xi32, #tpu.memory_space<vmem>>, vector<16xi32>,
          %swap3A_607 = vector.shape_cast %swap3A_606 : vector<16xi32> to vector<16xi32>
          %swap3A_608 = vector.shape_cast %get3A_604 : vector<16xi32> to vector<16xi32>
          tpu.vector_store %arg14[%swap3A_605], %swap3A_608 {strides = array<i32>} : memref<64xi32, #tpu.memory_space<vmem>>, vector<16xi32>,
          %mul3A_609 = arith.constant 64 : i32
          %mul3A_610 = arith.muli %sub3A_575, %mul3A_609 : i32
          %add3A_611 = arith.constant 48 : i32
          %add3A_612 = arith.addi %mul3A_610, %add3A_611 : i32
          %get3A_613 = arith.index_cast %add3A_612 : i32 to index
          %get3A_614 = tpu.vector_load %arg6[%get3A_613] {strides = array<i32>} : memref<2560xi32, #tpu.memory_space<vmem>>, vector<16xi32>,
          %get3A_615 = vector.shape_cast %get3A_614 : vector<16xi32> to vector<16xi32>
          %swap3A_616 = arith.constant 48 : index
          %swap3A_617 = tpu.vector_load %arg14[%swap3A_616] {strides = array<i32>} : memref<64xi32, #tpu.memory_space<vmem>>, vector<16xi32>,
          %swap3A_618 = vector.shape_cast %swap3A_617 : vector<16xi32> to vector<16xi32>
          %swap3A_619 = vector.shape_cast %get3A_615 : vector<16xi32> to vector<16xi32>
          tpu.vector_store %arg14[%swap3A_616], %swap3A_619 {strides = array<i32>} : memref<64xi32, #tpu.memory_space<vmem>>, vector<16xi32>,
          %dma_start3A_620 = arith.constant 0 : i32
          %dma_start3A_621 = arith.constant 0 : i32
          %dma_start3A_622 = tpu.memref_slice %arg2[%dma_start3A_620, %dma_start3A_621] : memref<10000x128xf32, #tpu.memory_space<hbm>> -> memref<10000x128xf32, #tpu.memory_space<hbm>>
          tpu.enqueue_indirect_dma source(%dma_start3A_622 : memref<10000x128xf32, #tpu.memory_space<hbm>>) target(%arg10 : memref<64x128xf32, #tpu.memory_space<vmem>>) offsets(%arg14 : memref<64xi32, #tpu.memory_space<vmem>>) semaphore(%arg22 : memref<!tpu.dma_semaphore, #tpu.memory_space<semaphore_mem>>)
        } else {
        }
        %mul3A_389 = arith.constant 64 : i32
        %mul3A_390 = arith.muli %add3A_371, %mul3A_389 : i32
        %add3A_391 = arith.constant 0 : i32
        %add3A_392 = arith.addi %mul3A_390, %add3A_391 : i32
        %get3A_393 = arith.index_cast %add3A_392 : i32 to index
        %get3A_394 = tpu.vector_load %arg8[%get3A_393] {strides = array<i32>} : memref<2560xi32, #tpu.memory_space<vmem>>, vector<16xi32>,
        %get3A_395 = vector.shape_cast %get3A_394 : vector<16xi32> to vector<16xi32>
        %swap3A_396 = arith.constant 0 : index
        %swap3A_397 = tpu.vector_load %arg19[%swap3A_396] {strides = array<i32>} : memref<64xi32, #tpu.memory_space<vmem>>, vector<16xi32>,
        %swap3A_398 = vector.shape_cast %swap3A_397 : vector<16xi32> to vector<16xi32>
        %swap3A_399 = vector.shape_cast %get3A_395 : vector<16xi32> to vector<16xi32>
        tpu.vector_store %arg19[%swap3A_396], %swap3A_399 {strides = array<i32>} : memref<64xi32, #tpu.memory_space<vmem>>, vector<16xi32>,
        %mul3A_400 = arith.constant 64 : i32
        %mul3A_401 = arith.muli %add3A_371, %mul3A_400 : i32
        %add3A_402 = arith.constant 16 : i32
        %add3A_403 = arith.addi %mul3A_401, %add3A_402 : i32
        %get3A_404 = arith.index_cast %add3A_403 : i32 to index
        %get3A_405 = tpu.vector_load %arg8[%get3A_404] {strides = array<i32>} : memref<2560xi32, #tpu.memory_space<vmem>>, vector<16xi32>,
        %get3A_406 = vector.shape_cast %get3A_405 : vector<16xi32> to vector<16xi32>
        %swap3A_407 = arith.constant 16 : index
        %swap3A_408 = tpu.vector_load %arg19[%swap3A_407] {strides = array<i32>} : memref<64xi32, #tpu.memory_space<vmem>>, vector<16xi32>,
        %swap3A_409 = vector.shape_cast %swap3A_408 : vector<16xi32> to vector<16xi32>
        %swap3A_410 = vector.shape_cast %get3A_406 : vector<16xi32> to vector<16xi32>
        tpu.vector_store %arg19[%swap3A_407], %swap3A_410 {strides = array<i32>} : memref<64xi32, #tpu.memory_space<vmem>>, vector<16xi32>,
        %mul3A_411 = arith.constant 64 : i32
        %mul3A_412 = arith.muli %add3A_371, %mul3A_411 : i32
        %add3A_413 = arith.constant 32 : i32
        %add3A_414 = arith.addi %mul3A_412, %add3A_413 : i32
        %get3A_415 = arith.index_cast %add3A_414 : i32 to index
        %get3A_416 = tpu.vector_load %arg8[%get3A_415] {strides = array<i32>} : memref<2560xi32, #tpu.memory_space<vmem>>, vector<16xi32>,
        %get3A_417 = vector.shape_cast %get3A_416 : vector<16xi32> to vector<16xi32>
        %swap3A_418 = arith.constant 32 : index
        %swap3A_419 = tpu.vector_load %arg19[%swap3A_418] {strides = array<i32>} : memref<64xi32, #tpu.memory_space<vmem>>, vector<16xi32>,
        %swap3A_420 = vector.shape_cast %swap3A_419 : vector<16xi32> to vector<16xi32>
        %swap3A_421 = vector.shape_cast %get3A_417 : vector<16xi32> to vector<16xi32>
        tpu.vector_store %arg19[%swap3A_418], %swap3A_421 {strides = array<i32>} : memref<64xi32, #tpu.memory_space<vmem>>, vector<16xi32>,
        %mul3A_422 = arith.constant 64 : i32
        %mul3A_423 = arith.muli %add3A_371, %mul3A_422 : i32
        %add3A_424 = arith.constant 48 : i32
        %add3A_425 = arith.addi %mul3A_423, %add3A_424 : i32
        %get3A_426 = arith.index_cast %add3A_425 : i32 to index
        %get3A_427 = tpu.vector_load %arg8[%get3A_426] {strides = array<i32>} : memref<2560xi32, #tpu.memory_space<vmem>>, vector<16xi32>,
        %get3A_428 = vector.shape_cast %get3A_427 : vector<16xi32> to vector<16xi32>
        %swap3A_429 = arith.constant 48 : index
        %swap3A_430 = tpu.vector_load %arg19[%swap3A_429] {strides = array<i32>} : memref<64xi32, #tpu.memory_space<vmem>>, vector<16xi32>,
        %swap3A_431 = vector.shape_cast %swap3A_430 : vector<16xi32> to vector<16xi32>
        %swap3A_432 = vector.shape_cast %get3A_428 : vector<16xi32> to vector<16xi32>
        tpu.vector_store %arg19[%swap3A_429], %swap3A_432 {strides = array<i32>} : memref<64xi32, #tpu.memory_space<vmem>>, vector<16xi32>,
        %dma_start3A_433 = arith.constant 0 : i32
        %dma_start3A_434 = arith.constant 0 : i32
        %dma_start3A_435 = tpu.memref_slice %arg5[%dma_start3A_433, %dma_start3A_434] : memref<10240x128xf32, #tpu.memory_space<vmem_shared>> -> memref<10240x128xf32, #tpu.memory_space<vmem_shared>>
        tpu.enqueue_indirect_dma source(%arg11 : memref<64x128xf32, #tpu.memory_space<vmem>>) target(%dma_start3A_435 : memref<10240x128xf32, #tpu.memory_space<vmem_shared>>) offsets(%arg19 : memref<64xi32, #tpu.memory_space<vmem>>) semaphore(%arg27 : memref<!tpu.dma_semaphore, #tpu.memory_space<semaphore_mem>>) {add = true}
        %mul3A_436 = arith.constant 4 : i32
        %mul3A_437 = arith.muli %add3A_301, %mul3A_436 : i32
        %add3A_438 = arith.constant 2 : i32
        %add3A_439 = arith.addi %mul3A_437, %add3A_438 : i32
        %dma_wait3A_440 = arith.constant 0 : i32
        %dma_wait3A_441 = arith.constant 0 : i32
        %dma_wait3A_442 = tpu.memref_slice %arg2[%dma_wait3A_440, %dma_wait3A_441] : memref<10000x128xf32, #tpu.memory_space<hbm>> -> memref<10000x128xf32, #tpu.memory_space<hbm>>
        tpu.wait_indirect_dma semaphore(%arg24 : memref<!tpu.dma_semaphore, #tpu.memory_space<semaphore_mem>>) src(%dma_wait3A_442 : memref<10000x128xf32, #tpu.memory_space<hbm>>) dst(%arg12 : memref<64x128xf32, #tpu.memory_space<vmem>>)
        %ge3A_443 = arith.constant 1 : i32
        %ge3A_444 = arith.cmpi sge, %add3A_439, %ge3A_443 : i32
        %convert_element_type3A_445 = arith.extui %ge3A_444 : i1 to i32
        %cond3A_446 = arith.constant 0 : i32
        %cond3A_447 = arith.cmpi ne, %convert_element_type3A_445, %cond3A_446 : i32
        scf.if %cond3A_447 {
          %dma_wait3A_572 = arith.constant 0 : i32
          %dma_wait3A_573 = arith.constant 0 : i32
          %dma_wait3A_574 = tpu.memref_slice %arg5[%dma_wait3A_572, %dma_wait3A_573] : memref<10240x128xf32, #tpu.memory_space<vmem_shared>> -> memref<10240x128xf32, #tpu.memory_space<vmem_shared>>
          tpu.wait_indirect_dma semaphore(%arg27 : memref<!tpu.dma_semaphore, #tpu.memory_space<semaphore_mem>>) src(%arg11 : memref<64x128xf32, #tpu.memory_space<vmem>>) dst(%dma_wait3A_574 : memref<10240x128xf32, #tpu.memory_space<vmem_shared>>)
        } else {
        }
        %add3A_448 = arith.constant 4 : i32
        %add3A_449 = arith.addi %add3A_439, %add3A_448 : i32
        %sub3A_450 = arith.constant 1 : i32
        %sub3A_451 = arith.subi %add3A_449, %sub3A_450 : i32
        %lt3A_452 = arith.constant 40 : i32
        %lt3A_453 = arith.cmpi slt, %sub3A_451, %lt3A_452 : i32
        %convert_element_type3A_454 = arith.extui %lt3A_453 : i1 to i32
        %cond3A_455 = arith.constant 0 : i32
        %cond3A_456 = arith.cmpi ne, %convert_element_type3A_454, %cond3A_455 : i32
        scf.if %cond3A_456 {
          %add3A_572 = arith.constant 4 : i32
          %add3A_573 = arith.addi %add3A_439, %add3A_572 : i32
          %sub3A_574 = arith.constant 1 : i32
          %sub3A_575 = arith.subi %add3A_573, %sub3A_574 : i32
          %mul3A_576 = arith.constant 64 : i32
          %mul3A_577 = arith.muli %sub3A_575, %mul3A_576 : i32
          %add3A_578 = arith.constant 0 : i32
          %add3A_579 = arith.addi %mul3A_577, %add3A_578 : i32
          %get3A_580 = arith.index_cast %add3A_579 : i32 to index
          %get3A_581 = tpu.vector_load %arg6[%get3A_580] {strides = array<i32>} : memref<2560xi32, #tpu.memory_space<vmem>>, vector<16xi32>,
          %get3A_582 = vector.shape_cast %get3A_581 : vector<16xi32> to vector<16xi32>
          %swap3A_583 = arith.constant 0 : index
          %swap3A_584 = tpu.vector_load %arg15[%swap3A_583] {strides = array<i32>} : memref<64xi32, #tpu.memory_space<vmem>>, vector<16xi32>,
          %swap3A_585 = vector.shape_cast %swap3A_584 : vector<16xi32> to vector<16xi32>
          %swap3A_586 = vector.shape_cast %get3A_582 : vector<16xi32> to vector<16xi32>
          tpu.vector_store %arg15[%swap3A_583], %swap3A_586 {strides = array<i32>} : memref<64xi32, #tpu.memory_space<vmem>>, vector<16xi32>,
          %mul3A_587 = arith.constant 64 : i32
          %mul3A_588 = arith.muli %sub3A_575, %mul3A_587 : i32
          %add3A_589 = arith.constant 16 : i32
          %add3A_590 = arith.addi %mul3A_588, %add3A_589 : i32
          %get3A_591 = arith.index_cast %add3A_590 : i32 to index
          %get3A_592 = tpu.vector_load %arg6[%get3A_591] {strides = array<i32>} : memref<2560xi32, #tpu.memory_space<vmem>>, vector<16xi32>,
          %get3A_593 = vector.shape_cast %get3A_592 : vector<16xi32> to vector<16xi32>
          %swap3A_594 = arith.constant 16 : index
          %swap3A_595 = tpu.vector_load %arg15[%swap3A_594] {strides = array<i32>} : memref<64xi32, #tpu.memory_space<vmem>>, vector<16xi32>,
          %swap3A_596 = vector.shape_cast %swap3A_595 : vector<16xi32> to vector<16xi32>
          %swap3A_597 = vector.shape_cast %get3A_593 : vector<16xi32> to vector<16xi32>
          tpu.vector_store %arg15[%swap3A_594], %swap3A_597 {strides = array<i32>} : memref<64xi32, #tpu.memory_space<vmem>>, vector<16xi32>,
          %mul3A_598 = arith.constant 64 : i32
          %mul3A_599 = arith.muli %sub3A_575, %mul3A_598 : i32
          %add3A_600 = arith.constant 32 : i32
          %add3A_601 = arith.addi %mul3A_599, %add3A_600 : i32
          %get3A_602 = arith.index_cast %add3A_601 : i32 to index
          %get3A_603 = tpu.vector_load %arg6[%get3A_602] {strides = array<i32>} : memref<2560xi32, #tpu.memory_space<vmem>>, vector<16xi32>,
          %get3A_604 = vector.shape_cast %get3A_603 : vector<16xi32> to vector<16xi32>
          %swap3A_605 = arith.constant 32 : index
          %swap3A_606 = tpu.vector_load %arg15[%swap3A_605] {strides = array<i32>} : memref<64xi32, #tpu.memory_space<vmem>>, vector<16xi32>,
          %swap3A_607 = vector.shape_cast %swap3A_606 : vector<16xi32> to vector<16xi32>
          %swap3A_608 = vector.shape_cast %get3A_604 : vector<16xi32> to vector<16xi32>
          tpu.vector_store %arg15[%swap3A_605], %swap3A_608 {strides = array<i32>} : memref<64xi32, #tpu.memory_space<vmem>>, vector<16xi32>,
          %mul3A_609 = arith.constant 64 : i32
          %mul3A_610 = arith.muli %sub3A_575, %mul3A_609 : i32
          %add3A_611 = arith.constant 48 : i32
          %add3A_612 = arith.addi %mul3A_610, %add3A_611 : i32
          %get3A_613 = arith.index_cast %add3A_612 : i32 to index
          %get3A_614 = tpu.vector_load %arg6[%get3A_613] {strides = array<i32>} : memref<2560xi32, #tpu.memory_space<vmem>>, vector<16xi32>,
          %get3A_615 = vector.shape_cast %get3A_614 : vector<16xi32> to vector<16xi32>
          %swap3A_616 = arith.constant 48 : index
          %swap3A_617 = tpu.vector_load %arg15[%swap3A_616] {strides = array<i32>} : memref<64xi32, #tpu.memory_space<vmem>>, vector<16xi32>,
          %swap3A_618 = vector.shape_cast %swap3A_617 : vector<16xi32> to vector<16xi32>
          %swap3A_619 = vector.shape_cast %get3A_615 : vector<16xi32> to vector<16xi32>
          tpu.vector_store %arg15[%swap3A_616], %swap3A_619 {strides = array<i32>} : memref<64xi32, #tpu.memory_space<vmem>>, vector<16xi32>,
          %dma_start3A_620 = arith.constant 0 : i32
          %dma_start3A_621 = arith.constant 0 : i32
          %dma_start3A_622 = tpu.memref_slice %arg2[%dma_start3A_620, %dma_start3A_621] : memref<10000x128xf32, #tpu.memory_space<hbm>> -> memref<10000x128xf32, #tpu.memory_space<hbm>>
          tpu.enqueue_indirect_dma source(%dma_start3A_622 : memref<10000x128xf32, #tpu.memory_space<hbm>>) target(%arg11 : memref<64x128xf32, #tpu.memory_space<vmem>>) offsets(%arg15 : memref<64xi32, #tpu.memory_space<vmem>>) semaphore(%arg23 : memref<!tpu.dma_semaphore, #tpu.memory_space<semaphore_mem>>)
        } else {
        }
        %mul3A_457 = arith.constant 64 : i32
        %mul3A_458 = arith.muli %add3A_439, %mul3A_457 : i32
        %add3A_459 = arith.constant 0 : i32
        %add3A_460 = arith.addi %mul3A_458, %add3A_459 : i32
        %get3A_461 = arith.index_cast %add3A_460 : i32 to index
        %get3A_462 = tpu.vector_load %arg8[%get3A_461] {strides = array<i32>} : memref<2560xi32, #tpu.memory_space<vmem>>, vector<16xi32>,
        %get3A_463 = vector.shape_cast %get3A_462 : vector<16xi32> to vector<16xi32>
        %swap3A_464 = arith.constant 0 : index
        %swap3A_465 = tpu.vector_load %arg20[%swap3A_464] {strides = array<i32>} : memref<64xi32, #tpu.memory_space<vmem>>, vector<16xi32>,
        %swap3A_466 = vector.shape_cast %swap3A_465 : vector<16xi32> to vector<16xi32>
        %swap3A_467 = vector.shape_cast %get3A_463 : vector<16xi32> to vector<16xi32>
        tpu.vector_store %arg20[%swap3A_464], %swap3A_467 {strides = array<i32>} : memref<64xi32, #tpu.memory_space<vmem>>, vector<16xi32>,
        %mul3A_468 = arith.constant 64 : i32
        %mul3A_469 = arith.muli %add3A_439, %mul3A_468 : i32
        %add3A_470 = arith.constant 16 : i32
        %add3A_471 = arith.addi %mul3A_469, %add3A_470 : i32
        %get3A_472 = arith.index_cast %add3A_471 : i32 to index
        %get3A_473 = tpu.vector_load %arg8[%get3A_472] {strides = array<i32>} : memref<2560xi32, #tpu.memory_space<vmem>>, vector<16xi32>,
        %get3A_474 = vector.shape_cast %get3A_473 : vector<16xi32> to vector<16xi32>
        %swap3A_475 = arith.constant 16 : index
        %swap3A_476 = tpu.vector_load %arg20[%swap3A_475] {strides = array<i32>} : memref<64xi32, #tpu.memory_space<vmem>>, vector<16xi32>,
        %swap3A_477 = vector.shape_cast %swap3A_476 : vector<16xi32> to vector<16xi32>
        %swap3A_478 = vector.shape_cast %get3A_474 : vector<16xi32> to vector<16xi32>
        tpu.vector_store %arg20[%swap3A_475], %swap3A_478 {strides = array<i32>} : memref<64xi32, #tpu.memory_space<vmem>>, vector<16xi32>,
        %mul3A_479 = arith.constant 64 : i32
        %mul3A_480 = arith.muli %add3A_439, %mul3A_479 : i32
        %add3A_481 = arith.constant 32 : i32
        %add3A_482 = arith.addi %mul3A_480, %add3A_481 : i32
        %get3A_483 = arith.index_cast %add3A_482 : i32 to index
        %get3A_484 = tpu.vector_load %arg8[%get3A_483] {strides = array<i32>} : memref<2560xi32, #tpu.memory_space<vmem>>, vector<16xi32>,
        %get3A_485 = vector.shape_cast %get3A_484 : vector<16xi32> to vector<16xi32>
        %swap3A_486 = arith.constant 32 : index
        %swap3A_487 = tpu.vector_load %arg20[%swap3A_486] {strides = array<i32>} : memref<64xi32, #tpu.memory_space<vmem>>, vector<16xi32>,
        %swap3A_488 = vector.shape_cast %swap3A_487 : vector<16xi32> to vector<16xi32>
        %swap3A_489 = vector.shape_cast %get3A_485 : vector<16xi32> to vector<16xi32>
        tpu.vector_store %arg20[%swap3A_486], %swap3A_489 {strides = array<i32>} : memref<64xi32, #tpu.memory_space<vmem>>, vector<16xi32>,
        %mul3A_490 = arith.constant 64 : i32
        %mul3A_491 = arith.muli %add3A_439, %mul3A_490 : i32
        %add3A_492 = arith.constant 48 : i32
        %add3A_493 = arith.addi %mul3A_491, %add3A_492 : i32
        %get3A_494 = arith.index_cast %add3A_493 : i32 to index
        %get3A_495 = tpu.vector_load %arg8[%get3A_494] {strides = array<i32>} : memref<2560xi32, #tpu.memory_space<vmem>>, vector<16xi32>,
        %get3A_496 = vector.shape_cast %get3A_495 : vector<16xi32> to vector<16xi32>
        %swap3A_497 = arith.constant 48 : index
        %swap3A_498 = tpu.vector_load %arg20[%swap3A_497] {strides = array<i32>} : memref<64xi32, #tpu.memory_space<vmem>>, vector<16xi32>,
        %swap3A_499 = vector.shape_cast %swap3A_498 : vector<16xi32> to vector<16xi32>
        %swap3A_500 = vector.shape_cast %get3A_496 : vector<16xi32> to vector<16xi32>
        tpu.vector_store %arg20[%swap3A_497], %swap3A_500 {strides = array<i32>} : memref<64xi32, #tpu.memory_space<vmem>>, vector<16xi32>,
        %dma_start3A_501 = arith.constant 0 : i32
        %dma_start3A_502 = arith.constant 0 : i32
        %dma_start3A_503 = tpu.memref_slice %arg5[%dma_start3A_501, %dma_start3A_502] : memref<10240x128xf32, #tpu.memory_space<vmem_shared>> -> memref<10240x128xf32, #tpu.memory_space<vmem_shared>>
        tpu.enqueue_indirect_dma source(%arg12 : memref<64x128xf32, #tpu.memory_space<vmem>>) target(%dma_start3A_503 : memref<10240x128xf32, #tpu.memory_space<vmem_shared>>) offsets(%arg20 : memref<64xi32, #tpu.memory_space<vmem>>) semaphore(%arg28 : memref<!tpu.dma_semaphore, #tpu.memory_space<semaphore_mem>>) {add = true}
        %mul3A_504 = arith.constant 4 : i32
        %mul3A_505 = arith.muli %add3A_301, %mul3A_504 : i32
        %add3A_506 = arith.constant 3 : i32
        %add3A_507 = arith.addi %mul3A_505, %add3A_506 : i32
        %dma_wait3A_508 = arith.constant 0 : i32
        %dma_wait3A_509 = arith.constant 0 : i32
        %dma_wait3A_510 = tpu.memref_slice %arg2[%dma_wait3A_508, %dma_wait3A_509] : memref<10000x128xf32, #tpu.memory_space<hbm>> -> memref<10000x128xf32, #tpu.memory_space<hbm>>
        tpu.wait_indirect_dma semaphore(%arg25 : memref<!tpu.dma_semaphore, #tpu.memory_space<semaphore_mem>>) src(%dma_wait3A_510 : memref<10000x128xf32, #tpu.memory_space<hbm>>) dst(%arg13 : memref<64x128xf32, #tpu.memory_space<vmem>>)
        %ge3A_511 = arith.constant 1 : i32
        %ge3A_512 = arith.cmpi sge, %add3A_507, %ge3A_511 : i32
        %convert_element_type3A_513 = arith.extui %ge3A_512 : i1 to i32
        %cond3A_514 = arith.constant 0 : i32
        %cond3A_515 = arith.cmpi ne, %convert_element_type3A_513, %cond3A_514 : i32
        scf.if %cond3A_515 {
          %dma_wait3A_572 = arith.constant 0 : i32
          %dma_wait3A_573 = arith.constant 0 : i32
          %dma_wait3A_574 = tpu.memref_slice %arg5[%dma_wait3A_572, %dma_wait3A_573] : memref<10240x128xf32, #tpu.memory_space<vmem_shared>> -> memref<10240x128xf32, #tpu.memory_space<vmem_shared>>
          tpu.wait_indirect_dma semaphore(%arg28 : memref<!tpu.dma_semaphore, #tpu.memory_space<semaphore_mem>>) src(%arg12 : memref<64x128xf32, #tpu.memory_space<vmem>>) dst(%dma_wait3A_574 : memref<10240x128xf32, #tpu.memory_space<vmem_shared>>)
        } else {
        }
        %add3A_516 = arith.constant 4 : i32
        %add3A_517 = arith.addi %add3A_507, %add3A_516 : i32
        %sub3A_518 = arith.constant 1 : i32
        %sub3A_519 = arith.subi %add3A_517, %sub3A_518 : i32
        %lt3A_520 = arith.constant 40 : i32
        %lt3A_521 = arith.cmpi slt, %sub3A_519, %lt3A_520 : i32
        %convert_element_type3A_522 = arith.extui %lt3A_521 : i1 to i32
        %cond3A_523 = arith.constant 0 : i32
        %cond3A_524 = arith.cmpi ne, %convert_element_type3A_522, %cond3A_523 : i32
        scf.if %cond3A_524 {
          %add3A_572 = arith.constant 4 : i32
          %add3A_573 = arith.addi %add3A_507, %add3A_572 : i32
          %sub3A_574 = arith.constant 1 : i32
          %sub3A_575 = arith.subi %add3A_573, %sub3A_574 : i32
          %mul3A_576 = arith.constant 64 : i32
          %mul3A_577 = arith.muli %sub3A_575, %mul3A_576 : i32
          %add3A_578 = arith.constant 0 : i32
          %add3A_579 = arith.addi %mul3A_577, %add3A_578 : i32
          %get3A_580 = arith.index_cast %add3A_579 : i32 to index
          %get3A_581 = tpu.vector_load %arg6[%get3A_580] {strides = array<i32>} : memref<2560xi32, #tpu.memory_space<vmem>>, vector<16xi32>,
          %get3A_582 = vector.shape_cast %get3A_581 : vector<16xi32> to vector<16xi32>
          %swap3A_583 = arith.constant 0 : index
          %swap3A_584 = tpu.vector_load %arg16[%swap3A_583] {strides = array<i32>} : memref<64xi32, #tpu.memory_space<vmem>>, vector<16xi32>,
          %swap3A_585 = vector.shape_cast %swap3A_584 : vector<16xi32> to vector<16xi32>
          %swap3A_586 = vector.shape_cast %get3A_582 : vector<16xi32> to vector<16xi32>
          tpu.vector_store %arg16[%swap3A_583], %swap3A_586 {strides = array<i32>} : memref<64xi32, #tpu.memory_space<vmem>>, vector<16xi32>,
          %mul3A_587 = arith.constant 64 : i32
          %mul3A_588 = arith.muli %sub3A_575, %mul3A_587 : i32
          %add3A_589 = arith.constant 16 : i32
          %add3A_590 = arith.addi %mul3A_588, %add3A_589 : i32
          %get3A_591 = arith.index_cast %add3A_590 : i32 to index
          %get3A_592 = tpu.vector_load %arg6[%get3A_591] {strides = array<i32>} : memref<2560xi32, #tpu.memory_space<vmem>>, vector<16xi32>,
          %get3A_593 = vector.shape_cast %get3A_592 : vector<16xi32> to vector<16xi32>
          %swap3A_594 = arith.constant 16 : index
          %swap3A_595 = tpu.vector_load %arg16[%swap3A_594] {strides = array<i32>} : memref<64xi32, #tpu.memory_space<vmem>>, vector<16xi32>,
          %swap3A_596 = vector.shape_cast %swap3A_595 : vector<16xi32> to vector<16xi32>
          %swap3A_597 = vector.shape_cast %get3A_593 : vector<16xi32> to vector<16xi32>
          tpu.vector_store %arg16[%swap3A_594], %swap3A_597 {strides = array<i32>} : memref<64xi32, #tpu.memory_space<vmem>>, vector<16xi32>,
          %mul3A_598 = arith.constant 64 : i32
          %mul3A_599 = arith.muli %sub3A_575, %mul3A_598 : i32
          %add3A_600 = arith.constant 32 : i32
          %add3A_601 = arith.addi %mul3A_599, %add3A_600 : i32
          %get3A_602 = arith.index_cast %add3A_601 : i32 to index
          %get3A_603 = tpu.vector_load %arg6[%get3A_602] {strides = array<i32>} : memref<2560xi32, #tpu.memory_space<vmem>>, vector<16xi32>,
          %get3A_604 = vector.shape_cast %get3A_603 : vector<16xi32> to vector<16xi32>
          %swap3A_605 = arith.constant 32 : index
          %swap3A_606 = tpu.vector_load %arg16[%swap3A_605] {strides = array<i32>} : memref<64xi32, #tpu.memory_space<vmem>>, vector<16xi32>,
          %swap3A_607 = vector.shape_cast %swap3A_606 : vector<16xi32> to vector<16xi32>
          %swap3A_608 = vector.shape_cast %get3A_604 : vector<16xi32> to vector<16xi32>
          tpu.vector_store %arg16[%swap3A_605], %swap3A_608 {strides = array<i32>} : memref<64xi32, #tpu.memory_space<vmem>>, vector<16xi32>,
          %mul3A_609 = arith.constant 64 : i32
          %mul3A_610 = arith.muli %sub3A_575, %mul3A_609 : i32
          %add3A_611 = arith.constant 48 : i32
          %add3A_612 = arith.addi %mul3A_610, %add3A_611 : i32
          %get3A_613 = arith.index_cast %add3A_612 : i32 to index
          %get3A_614 = tpu.vector_load %arg6[%get3A_613] {strides = array<i32>} : memref<2560xi32, #tpu.memory_space<vmem>>, vector<16xi32>,
          %get3A_615 = vector.shape_cast %get3A_614 : vector<16xi32> to vector<16xi32>
          %swap3A_616 = arith.constant 48 : index
          %swap3A_617 = tpu.vector_load %arg16[%swap3A_616] {strides = array<i32>} : memref<64xi32, #tpu.memory_space<vmem>>, vector<16xi32>,
          %swap3A_618 = vector.shape_cast %swap3A_617 : vector<16xi32> to vector<16xi32>
          %swap3A_619 = vector.shape_cast %get3A_615 : vector<16xi32> to vector<16xi32>
          tpu.vector_store %arg16[%swap3A_616], %swap3A_619 {strides = array<i32>} : memref<64xi32, #tpu.memory_space<vmem>>, vector<16xi32>,
          %dma_start3A_620 = arith.constant 0 : i32
          %dma_start3A_621 = arith.constant 0 : i32
          %dma_start3A_622 = tpu.memref_slice %arg2[%dma_start3A_620, %dma_start3A_621] : memref<10000x128xf32, #tpu.memory_space<hbm>> -> memref<10000x128xf32, #tpu.memory_space<hbm>>
          tpu.enqueue_indirect_dma source(%dma_start3A_622 : memref<10000x128xf32, #tpu.memory_space<hbm>>) target(%arg12 : memref<64x128xf32, #tpu.memory_space<vmem>>) offsets(%arg16 : memref<64xi32, #tpu.memory_space<vmem>>) semaphore(%arg24 : memref<!tpu.dma_semaphore, #tpu.memory_space<semaphore_mem>>)
        } else {
        }
        %mul3A_525 = arith.constant 64 : i32
        %mul3A_526 = arith.muli %add3A_507, %mul3A_525 : i32
        %add3A_527 = arith.constant 0 : i32
        %add3A_528 = arith.addi %mul3A_526, %add3A_527 : i32
        %get3A_529 = arith.index_cast %add3A_528 : i32 to index
        %get3A_530 = tpu.vector_load %arg8[%get3A_529] {strides = array<i32>} : memref<2560xi32, #tpu.memory_space<vmem>>, vector<16xi32>,
        %get3A_531 = vector.shape_cast %get3A_530 : vector<16xi32> to vector<16xi32>
        %swap3A_532 = arith.constant 0 : index
        %swap3A_533 = tpu.vector_load %arg21[%swap3A_532] {strides = array<i32>} : memref<64xi32, #tpu.memory_space<vmem>>, vector<16xi32>,
        %swap3A_534 = vector.shape_cast %swap3A_533 : vector<16xi32> to vector<16xi32>
        %swap3A_535 = vector.shape_cast %get3A_531 : vector<16xi32> to vector<16xi32>
        tpu.vector_store %arg21[%swap3A_532], %swap3A_535 {strides = array<i32>} : memref<64xi32, #tpu.memory_space<vmem>>, vector<16xi32>,
        %mul3A_536 = arith.constant 64 : i32
        %mul3A_537 = arith.muli %add3A_507, %mul3A_536 : i32
        %add3A_538 = arith.constant 16 : i32
        %add3A_539 = arith.addi %mul3A_537, %add3A_538 : i32
        %get3A_540 = arith.index_cast %add3A_539 : i32 to index
        %get3A_541 = tpu.vector_load %arg8[%get3A_540] {strides = array<i32>} : memref<2560xi32, #tpu.memory_space<vmem>>, vector<16xi32>,
        %get3A_542 = vector.shape_cast %get3A_541 : vector<16xi32> to vector<16xi32>
        %swap3A_543 = arith.constant 16 : index
        %swap3A_544 = tpu.vector_load %arg21[%swap3A_543] {strides = array<i32>} : memref<64xi32, #tpu.memory_space<vmem>>, vector<16xi32>,
        %swap3A_545 = vector.shape_cast %swap3A_544 : vector<16xi32> to vector<16xi32>
        %swap3A_546 = vector.shape_cast %get3A_542 : vector<16xi32> to vector<16xi32>
        tpu.vector_store %arg21[%swap3A_543], %swap3A_546 {strides = array<i32>} : memref<64xi32, #tpu.memory_space<vmem>>, vector<16xi32>,
        %mul3A_547 = arith.constant 64 : i32
        %mul3A_548 = arith.muli %add3A_507, %mul3A_547 : i32
        %add3A_549 = arith.constant 32 : i32
        %add3A_550 = arith.addi %mul3A_548, %add3A_549 : i32
        %get3A_551 = arith.index_cast %add3A_550 : i32 to index
        %get3A_552 = tpu.vector_load %arg8[%get3A_551] {strides = array<i32>} : memref<2560xi32, #tpu.memory_space<vmem>>, vector<16xi32>,
        %get3A_553 = vector.shape_cast %get3A_552 : vector<16xi32> to vector<16xi32>
        %swap3A_554 = arith.constant 32 : index
        %swap3A_555 = tpu.vector_load %arg21[%swap3A_554] {strides = array<i32>} : memref<64xi32, #tpu.memory_space<vmem>>, vector<16xi32>,
        %swap3A_556 = vector.shape_cast %swap3A_555 : vector<16xi32> to vector<16xi32>
        %swap3A_557 = vector.shape_cast %get3A_553 : vector<16xi32> to vector<16xi32>
        tpu.vector_store %arg21[%swap3A_554], %swap3A_557 {strides = array<i32>} : memref<64xi32, #tpu.memory_space<vmem>>, vector<16xi32>,
        %mul3A_558 = arith.constant 64 : i32
        %mul3A_559 = arith.muli %add3A_507, %mul3A_558 : i32
        %add3A_560 = arith.constant 48 : i32
        %add3A_561 = arith.addi %mul3A_559, %add3A_560 : i32
        %get3A_562 = arith.index_cast %add3A_561 : i32 to index
        %get3A_563 = tpu.vector_load %arg8[%get3A_562] {strides = array<i32>} : memref<2560xi32, #tpu.memory_space<vmem>>, vector<16xi32>,
        %get3A_564 = vector.shape_cast %get3A_563 : vector<16xi32> to vector<16xi32>
        %swap3A_565 = arith.constant 48 : index
        %swap3A_566 = tpu.vector_load %arg21[%swap3A_565] {strides = array<i32>} : memref<64xi32, #tpu.memory_space<vmem>>, vector<16xi32>,
        %swap3A_567 = vector.shape_cast %swap3A_566 : vector<16xi32> to vector<16xi32>
        %swap3A_568 = vector.shape_cast %get3A_564 : vector<16xi32> to vector<16xi32>
        tpu.vector_store %arg21[%swap3A_565], %swap3A_568 {strides = array<i32>} : memref<64xi32, #tpu.memory_space<vmem>>, vector<16xi32>,
        %dma_start3A_569 = arith.constant 0 : i32
        %dma_start3A_570 = arith.constant 0 : i32
        %dma_start3A_571 = tpu.memref_slice %arg5[%dma_start3A_569, %dma_start3A_570] : memref<10240x128xf32, #tpu.memory_space<vmem_shared>> -> memref<10240x128xf32, #tpu.memory_space<vmem_shared>>
        tpu.enqueue_indirect_dma source(%arg13 : memref<64x128xf32, #tpu.memory_space<vmem>>) target(%dma_start3A_571 : memref<10240x128xf32, #tpu.memory_space<vmem_shared>>) offsets(%arg21 : memref<64xi32, #tpu.memory_space<vmem>>) semaphore(%arg29 : memref<!tpu.dma_semaphore, #tpu.memory_space<semaphore_mem>>) {add = true}
      }
      %scan3A_293 = arith.constant 10 : i32
      %dma_wait3A_294 = arith.constant 0 : i32
      %dma_wait3A_295 = arith.constant 0 : i32
      %dma_wait3A_296 = tpu.memref_slice %arg5[%dma_wait3A_294, %dma_wait3A_295] : memref<10240x128xf32, #tpu.memory_space<vmem_shared>> -> memref<10240x128xf32, #tpu.memory_space<vmem_shared>>
      tpu.wait_indirect_dma semaphore(%arg29 : memref<!tpu.dma_semaphore, #tpu.memory_space<semaphore_mem>>) src(%arg13 : memref<64x128xf32, #tpu.memory_space<vmem>>) dst(%dma_wait3A_296 : memref<10240x128xf32, #tpu.memory_space<vmem_shared>>)
    } else {
    }
    %add3A_157 = arith.constant 96 : i32
    %add3A_158 = arith.addi %add3A, %add3A_157 : i32
    %lt3A_159 = arith.constant 125 : i32
    %lt3A_160 = arith.cmpi slt, %add3A_158, %lt3A_159 : i32
    %convert_element_type3A_161 = arith.extui %lt3A_160 : i1 to i32
    %cond3A_162 = arith.constant 0 : i32
    %cond3A_163 = arith.cmpi ne, %convert_element_type3A_161, %cond3A_162 : i32
    scf.if %cond3A_163 {
      %mul3A_169 = arith.constant 2560 : i32
      %mul3A_170 = arith.muli %add3A_158, %mul3A_169 : i32
      %dma_wait3A_171 = arith.constant 0 : i32
      %dma_wait3A_172 = arith.constant 0 : i32
      %dma_wait3A_173 = tpu.memref_slice %arg3[%dma_wait3A_171, %dma_wait3A_172] : memref<2x320000xi32, #tpu.memory_space<hbm>> -> memref<1x320000xi32, #tpu.memory_space<hbm>>
      %dma_wait3A_174 = tpu.memref_squeeze %dma_wait3A_173 : memref<1x320000xi32, #tpu.memory_space<hbm>> -> memref<320000xi32, #tpu.memory_space<hbm>>
      %dma_wait3A_175 = tpu.memref_slice %dma_wait3A_174[%mul3A_170] : memref<320000xi32, #tpu.memory_space<hbm>> -> memref<2560xi32, #tpu.memory_space<hbm>>
      %dma_wait3A_176 = arith.constant 0 : i32
      %dma_wait3A_177 = tpu.memref_slice %arg3[%dma_wait3A_171, %dma_wait3A_176] : memref<2x320000xi32, #tpu.memory_space<hbm>> -> memref<1x320000xi32, #tpu.memory_space<hbm>>
      %dma_wait3A_178 = tpu.memref_squeeze %dma_wait3A_177 : memref<1x320000xi32, #tpu.memory_space<hbm>> -> memref<320000xi32, #tpu.memory_space<hbm>>
      %dma_wait3A_179 = tpu.memref_slice %dma_wait3A_178[%mul3A_170] : memref<320000xi32, #tpu.memory_space<hbm>> -> memref<2560xi32, #tpu.memory_space<hbm>>
      tpu.wait_dma2 semaphore(%arg31 : memref<!tpu.dma_semaphore, #tpu.memory_space<semaphore_mem>>) src(%dma_wait3A_179 : memref<2560xi32, #tpu.memory_space<hbm>>) dst(%arg7 : memref<2560xi32, #tpu.memory_space<vmem>>)
      %dma_wait3A_180 = arith.constant 1 : i32
      %dma_wait3A_181 = arith.constant 0 : i32
      %dma_wait3A_182 = tpu.memref_slice %arg3[%dma_wait3A_180, %dma_wait3A_181] : memref<2x320000xi32, #tpu.memory_space<hbm>> -> memref<1x320000xi32, #tpu.memory_space<hbm>>
      %dma_wait3A_183 = tpu.memref_squeeze %dma_wait3A_182 : memref<1x320000xi32, #tpu.memory_space<hbm>> -> memref<320000xi32, #tpu.memory_space<hbm>>
      %dma_wait3A_184 = tpu.memref_slice %dma_wait3A_183[%mul3A_170] : memref<320000xi32, #tpu.memory_space<hbm>> -> memref<2560xi32, #tpu.memory_space<hbm>>
      %dma_wait3A_185 = arith.constant 0 : i32
      %dma_wait3A_186 = tpu.memref_slice %arg3[%dma_wait3A_180, %dma_wait3A_185] : memref<2x320000xi32, #tpu.memory_space<hbm>> -> memref<1x320000xi32, #tpu.memory_space<hbm>>
      %dma_wait3A_187 = tpu.memref_squeeze %dma_wait3A_186 : memref<1x320000xi32, #tpu.memory_space<hbm>> -> memref<320000xi32, #tpu.memory_space<hbm>>
      %dma_wait3A_188 = tpu.memref_slice %dma_wait3A_187[%mul3A_170] : memref<320000xi32, #tpu.memory_space<hbm>> -> memref<2560xi32, #tpu.memory_space<hbm>>
      tpu.wait_dma2 semaphore(%arg31 : memref<!tpu.dma_semaphore, #tpu.memory_space<semaphore_mem>>) src(%dma_wait3A_188 : memref<2560xi32, #tpu.memory_space<hbm>>) dst(%arg9 : memref<2560xi32, #tpu.memory_space<vmem>>)
      %get3A_189 = arith.constant 0 : index
      %get3A_190 = tpu.vector_load %arg7[%get3A_189] {strides = array<i32>} : memref<2560xi32, #tpu.memory_space<vmem>>, vector<16xi32>,
      %get3A_191 = vector.shape_cast %get3A_190 : vector<16xi32> to vector<16xi32>
      %swap3A_192 = arith.constant 0 : index
      %swap3A_193 = tpu.vector_load %arg14[%swap3A_192] {strides = array<i32>} : memref<64xi32, #tpu.memory_space<vmem>>, vector<16xi32>,
      %swap3A_194 = vector.shape_cast %swap3A_193 : vector<16xi32> to vector<16xi32>
      %swap3A_195 = vector.shape_cast %get3A_191 : vector<16xi32> to vector<16xi32>
      tpu.vector_store %arg14[%swap3A_192], %swap3A_195 {strides = array<i32>} : memref<64xi32, #tpu.memory_space<vmem>>, vector<16xi32>,
      %get3A_196 = arith.constant 16 : index
      %get3A_197 = tpu.vector_load %arg7[%get3A_196] {strides = array<i32>} : memref<2560xi32, #tpu.memory_space<vmem>>, vector<16xi32>,
      %get3A_198 = vector.shape_cast %get3A_197 : vector<16xi32> to vector<16xi32>
      %swap3A_199 = arith.constant 16 : index
      %swap3A_200 = tpu.vector_load %arg14[%swap3A_199] {strides = array<i32>} : memref<64xi32, #tpu.memory_space<vmem>>, vector<16xi32>,
      %swap3A_201 = vector.shape_cast %swap3A_200 : vector<16xi32> to vector<16xi32>
      %swap3A_202 = vector.shape_cast %get3A_198 : vector<16xi32> to vector<16xi32>
      tpu.vector_store %arg14[%swap3A_199], %swap3A_202 {strides = array<i32>} : memref<64xi32, #tpu.memory_space<vmem>>, vector<16xi32>,
      %get3A_203 = arith.constant 32 : index
      %get3A_204 = tpu.vector_load %arg7[%get3A_203] {strides = array<i32>} : memref<2560xi32, #tpu.memory_space<vmem>>, vector<16xi32>,
      %get3A_205 = vector.shape_cast %get3A_204 : vector<16xi32> to vector<16xi32>
      %swap3A_206 = arith.constant 32 : index
      %swap3A_207 = tpu.vector_load %arg14[%swap3A_206] {strides = array<i32>} : memref<64xi32, #tpu.memory_space<vmem>>, vector<16xi32>,
      %swap3A_208 = vector.shape_cast %swap3A_207 : vector<16xi32> to vector<16xi32>
      %swap3A_209 = vector.shape_cast %get3A_205 : vector<16xi32> to vector<16xi32>
      tpu.vector_store %arg14[%swap3A_206], %swap3A_209 {strides = array<i32>} : memref<64xi32, #tpu.memory_space<vmem>>, vector<16xi32>,
      %get3A_210 = arith.constant 48 : index
      %get3A_211 = tpu.vector_load %arg7[%get3A_210] {strides = array<i32>} : memref<2560xi32, #tpu.memory_space<vmem>>, vector<16xi32>,
      %get3A_212 = vector.shape_cast %get3A_211 : vector<16xi32> to vector<16xi32>
      %swap3A_213 = arith.constant 48 : index
      %swap3A_214 = tpu.vector_load %arg14[%swap3A_213] {strides = array<i32>} : memref<64xi32, #tpu.memory_space<vmem>>, vector<16xi32>,
      %swap3A_215 = vector.shape_cast %swap3A_214 : vector<16xi32> to vector<16xi32>
      %swap3A_216 = vector.shape_cast %get3A_212 : vector<16xi32> to vector<16xi32>
      tpu.vector_store %arg14[%swap3A_213], %swap3A_216 {strides = array<i32>} : memref<64xi32, #tpu.memory_space<vmem>>, vector<16xi32>,
      %dma_start3A_217 = arith.constant 0 : i32
      %dma_start3A_218 = arith.constant 0 : i32
      %dma_start3A_219 = tpu.memref_slice %arg2[%dma_start3A_217, %dma_start3A_218] : memref<10000x128xf32, #tpu.memory_space<hbm>> -> memref<10000x128xf32, #tpu.memory_space<hbm>>
      tpu.enqueue_indirect_dma source(%dma_start3A_219 : memref<10000x128xf32, #tpu.memory_space<hbm>>) target(%arg10 : memref<64x128xf32, #tpu.memory_space<vmem>>) offsets(%arg14 : memref<64xi32, #tpu.memory_space<vmem>>) semaphore(%arg22 : memref<!tpu.dma_semaphore, #tpu.memory_space<semaphore_mem>>)
      %get3A_220 = arith.constant 64 : index
      %get3A_221 = tpu.vector_load %arg7[%get3A_220] {strides = array<i32>} : memref<2560xi32, #tpu.memory_space<vmem>>, vector<16xi32>,
      %get3A_222 = vector.shape_cast %get3A_221 : vector<16xi32> to vector<16xi32>
      %swap3A_223 = arith.constant 0 : index
      %swap3A_224 = tpu.vector_load %arg15[%swap3A_223] {strides = array<i32>} : memref<64xi32, #tpu.memory_space<vmem>>, vector<16xi32>,
      %swap3A_225 = vector.shape_cast %swap3A_224 : vector<16xi32> to vector<16xi32>
      %swap3A_226 = vector.shape_cast %get3A_222 : vector<16xi32> to vector<16xi32>
      tpu.vector_store %arg15[%swap3A_223], %swap3A_226 {strides = array<i32>} : memref<64xi32, #tpu.memory_space<vmem>>, vector<16xi32>,
      %get3A_227 = arith.constant 80 : index
      %get3A_228 = tpu.vector_load %arg7[%get3A_227] {strides = array<i32>} : memref<2560xi32, #tpu.memory_space<vmem>>, vector<16xi32>,
      %get3A_229 = vector.shape_cast %get3A_228 : vector<16xi32> to vector<16xi32>
      %swap3A_230 = arith.constant 16 : index
      %swap3A_231 = tpu.vector_load %arg15[%swap3A_230] {strides = array<i32>} : memref<64xi32, #tpu.memory_space<vmem>>, vector<16xi32>,
      %swap3A_232 = vector.shape_cast %swap3A_231 : vector<16xi32> to vector<16xi32>
      %swap3A_233 = vector.shape_cast %get3A_229 : vector<16xi32> to vector<16xi32>
      tpu.vector_store %arg15[%swap3A_230], %swap3A_233 {strides = array<i32>} : memref<64xi32, #tpu.memory_space<vmem>>, vector<16xi32>,
      %get3A_234 = arith.constant 96 : index
      %get3A_235 = tpu.vector_load %arg7[%get3A_234] {strides = array<i32>} : memref<2560xi32, #tpu.memory_space<vmem>>, vector<16xi32>,
      %get3A_236 = vector.shape_cast %get3A_235 : vector<16xi32> to vector<16xi32>
      %swap3A_237 = arith.constant 32 : index
      %swap3A_238 = tpu.vector_load %arg15[%swap3A_237] {strides = array<i32>} : memref<64xi32, #tpu.memory_space<vmem>>, vector<16xi32>,
      %swap3A_239 = vector.shape_cast %swap3A_238 : vector<16xi32> to vector<16xi32>
      %swap3A_240 = vector.shape_cast %get3A_236 : vector<16xi32> to vector<16xi32>
      tpu.vector_store %arg15[%swap3A_237], %swap3A_240 {strides = array<i32>} : memref<64xi32, #tpu.memory_space<vmem>>, vector<16xi32>,
      %get3A_241 = arith.constant 112 : index
      %get3A_242 = tpu.vector_load %arg7[%get3A_241] {strides = array<i32>} : memref<2560xi32, #tpu.memory_space<vmem>>, vector<16xi32>,
      %get3A_243 = vector.shape_cast %get3A_242 : vector<16xi32> to vector<16xi32>
      %swap3A_244 = arith.constant 48 : index
      %swap3A_245 = tpu.vector_load %arg15[%swap3A_244] {strides = array<i32>} : memref<64xi32, #tpu.memory_space<vmem>>, vector<16xi32>,
      %swap3A_246 = vector.shape_cast %swap3A_245 : vector<16xi32> to vector<16xi32>
      %swap3A_247 = vector.shape_cast %get3A_243 : vector<16xi32> to vector<16xi32>
      tpu.vector_store %arg15[%swap3A_244], %swap3A_247 {strides = array<i32>} : memref<64xi32, #tpu.memory_space<vmem>>, vector<16xi32>,
      %dma_start3A_248 = arith.constant 0 : i32
      %dma_start3A_249 = arith.constant 0 : i32
      %dma_start3A_250 = tpu.memref_slice %arg2[%dma_start3A_248, %dma_start3A_249] : memref<10000x128xf32, #tpu.memory_space<hbm>> -> memref<10000x128xf32, #tpu.memory_space<hbm>>
      tpu.enqueue_indirect_dma source(%dma_start3A_250 : memref<10000x128xf32, #tpu.memory_space<hbm>>) target(%arg11 : memref<64x128xf32, #tpu.memory_space<vmem>>) offsets(%arg15 : memref<64xi32, #tpu.memory_space<vmem>>) semaphore(%arg23 : memref<!tpu.dma_semaphore, #tpu.memory_space<semaphore_mem>>)
      %get3A_251 = arith.constant 128 : index
      %get3A_252 = tpu.vector_load %arg7[%get3A_251] {strides = array<i32>} : memref<2560xi32, #tpu.memory_space<vmem>>, vector<16xi32>,
      %get3A_253 = vector.shape_cast %get3A_252 : vector<16xi32> to vector<16xi32>
      %swap3A_254 = arith.constant 0 : index
      %swap3A_255 = tpu.vector_load %arg16[%swap3A_254] {strides = array<i32>} : memref<64xi32, #tpu.memory_space<vmem>>, vector<16xi32>,
      %swap3A_256 = vector.shape_cast %swap3A_255 : vector<16xi32> to vector<16xi32>
      %swap3A_257 = vector.shape_cast %get3A_253 : vector<16xi32> to vector<16xi32>
      tpu.vector_store %arg16[%swap3A_254], %swap3A_257 {strides = array<i32>} : memref<64xi32, #tpu.memory_space<vmem>>, vector<16xi32>,
      %get3A_258 = arith.constant 144 : index
      %get3A_259 = tpu.vector_load %arg7[%get3A_258] {strides = array<i32>} : memref<2560xi32, #tpu.memory_space<vmem>>, vector<16xi32>,
      %get3A_260 = vector.shape_cast %get3A_259 : vector<16xi32> to vector<16xi32>
      %swap3A_261 = arith.constant 16 : index
      %swap3A_262 = tpu.vector_load %arg16[%swap3A_261] {strides = array<i32>} : memref<64xi32, #tpu.memory_space<vmem>>, vector<16xi32>,
      %swap3A_263 = vector.shape_cast %swap3A_262 : vector<16xi32> to vector<16xi32>
      %swap3A_264 = vector.shape_cast %get3A_260 : vector<16xi32> to vector<16xi32>
      tpu.vector_store %arg16[%swap3A_261], %swap3A_264 {strides = array<i32>} : memref<64xi32, #tpu.memory_space<vmem>>, vector<16xi32>,
      %get3A_265 = arith.constant 160 : index
      %get3A_266 = tpu.vector_load %arg7[%get3A_265] {strides = array<i32>} : memref<2560xi32, #tpu.memory_space<vmem>>, vector<16xi32>,
      %get3A_267 = vector.shape_cast %get3A_266 : vector<16xi32> to vector<16xi32>
      %swap3A_268 = arith.constant 32 : index
      %swap3A_269 = tpu.vector_load %arg16[%swap3A_268] {strides = array<i32>} : memref<64xi32, #tpu.memory_space<vmem>>, vector<16xi32>,
      %swap3A_270 = vector.shape_cast %swap3A_269 : vector<16xi32> to vector<16xi32>
      %swap3A_271 = vector.shape_cast %get3A_267 : vector<16xi32> to vector<16xi32>
      tpu.vector_store %arg16[%swap3A_268], %swap3A_271 {strides = array<i32>} : memref<64xi32, #tpu.memory_space<vmem>>, vector<16xi32>,
      %get3A_272 = arith.constant 176 : index
      %get3A_273 = tpu.vector_load %arg7[%get3A_272] {strides = array<i32>} : memref<2560xi32, #tpu.memory_space<vmem>>, vector<16xi32>,
      %get3A_274 = vector.shape_cast %get3A_273 : vector<16xi32> to vector<16xi32>
      %swap3A_275 = arith.constant 48 : index
      %swap3A_276 = tpu.vector_load %arg16[%swap3A_275] {strides = array<i32>} : memref<64xi32, #tpu.memory_space<vmem>>, vector<16xi32>,
      %swap3A_277 = vector.shape_cast %swap3A_276 : vector<16xi32> to vector<16xi32>
      %swap3A_278 = vector.shape_cast %get3A_274 : vector<16xi32> to vector<16xi32>
      tpu.vector_store %arg16[%swap3A_275], %swap3A_278 {strides = array<i32>} : memref<64xi32, #tpu.memory_space<vmem>>, vector<16xi32>,
      %dma_start3A_279 = arith.constant 0 : i32
      %dma_start3A_280 = arith.constant 0 : i32
      %dma_start3A_281 = tpu.memref_slice %arg2[%dma_start3A_279, %dma_start3A_280] : memref<10000x128xf32, #tpu.memory_space<hbm>> -> memref<10000x128xf32, #tpu.memory_space<hbm>>
      tpu.enqueue_indirect_dma source(%dma_start3A_281 : memref<10000x128xf32, #tpu.memory_space<hbm>>) target(%arg12 : memref<64x128xf32, #tpu.memory_space<vmem>>) offsets(%arg16 : memref<64xi32, #tpu.memory_space<vmem>>) semaphore(%arg24 : memref<!tpu.dma_semaphore, #tpu.memory_space<semaphore_mem>>)
      %scan3A_282 = arith.constant 0 : i32
      %scan3A_283 = arith.constant 10 : i32
      %scan3A_284 = arith.addi %scan3A_282, %scan3A_283 : i32
      %scan3A_285 = arith.constant 1 : i32
      scf.for %scan3A_290 = %scan3A_282 to %scan3A_284 step %scan3A_285  : i32 {
        %mul3A_291 = arith.constant 1 : i32
        %mul3A_292 = arith.muli %scan3A_290, %mul3A_291 : i32
        %add3A_293 = arith.constant 0 : i32
        %add3A_294 = arith.addi %add3A_293, %mul3A_292 : i32
        %mul3A_295 = arith.constant 4 : i32
        %mul3A_296 = arith.muli %add3A_294, %mul3A_295 : i32
        %add3A_297 = arith.constant 0 : i32
        %add3A_298 = arith.addi %mul3A_296, %add3A_297 : i32
        %dma_wait3A_299 = arith.constant 0 : i32
        %dma_wait3A_300 = arith.constant 0 : i32
        %dma_wait3A_301 = tpu.memref_slice %arg2[%dma_wait3A_299, %dma_wait3A_300] : memref<10000x128xf32, #tpu.memory_space<hbm>> -> memref<10000x128xf32, #tpu.memory_space<hbm>>
        tpu.wait_indirect_dma semaphore(%arg22 : memref<!tpu.dma_semaphore, #tpu.memory_space<semaphore_mem>>) src(%dma_wait3A_301 : memref<10000x128xf32, #tpu.memory_space<hbm>>) dst(%arg10 : memref<64x128xf32, #tpu.memory_space<vmem>>)
        %ge3A = arith.constant 1 : i32
        %ge3A_302 = arith.cmpi sge, %add3A_298, %ge3A : i32
        %convert_element_type3A_303 = arith.extui %ge3A_302 : i1 to i32
        %cond3A_304 = arith.constant 0 : i32
        %cond3A_305 = arith.cmpi ne, %convert_element_type3A_303, %cond3A_304 : i32
        scf.if %cond3A_305 {
          %dma_wait3A_565 = arith.constant 0 : i32
          %dma_wait3A_566 = arith.constant 0 : i32
          %dma_wait3A_567 = tpu.memref_slice %arg5[%dma_wait3A_565, %dma_wait3A_566] : memref<10240x128xf32, #tpu.memory_space<vmem_shared>> -> memref<10240x128xf32, #tpu.memory_space<vmem_shared>>
          tpu.wait_indirect_dma semaphore(%arg29 : memref<!tpu.dma_semaphore, #tpu.memory_space<semaphore_mem>>) src(%arg13 : memref<64x128xf32, #tpu.memory_space<vmem>>) dst(%dma_wait3A_567 : memref<10240x128xf32, #tpu.memory_space<vmem_shared>>)
        } else {
        }
        %add3A_306 = arith.constant 4 : i32
        %add3A_307 = arith.addi %add3A_298, %add3A_306 : i32
        %sub3A = arith.constant 1 : i32
        %sub3A_308 = arith.subi %add3A_307, %sub3A : i32
        %lt3A_309 = arith.constant 40 : i32
        %lt3A_310 = arith.cmpi slt, %sub3A_308, %lt3A_309 : i32
        %convert_element_type3A_311 = arith.extui %lt3A_310 : i1 to i32
        %cond3A_312 = arith.constant 0 : i32
        %cond3A_313 = arith.cmpi ne, %convert_element_type3A_311, %cond3A_312 : i32
        scf.if %cond3A_313 {
          %add3A_565 = arith.constant 4 : i32
          %add3A_566 = arith.addi %add3A_298, %add3A_565 : i32
          %sub3A_567 = arith.constant 1 : i32
          %sub3A_568 = arith.subi %add3A_566, %sub3A_567 : i32
          %mul3A_569 = arith.constant 64 : i32
          %mul3A_570 = arith.muli %sub3A_568, %mul3A_569 : i32
          %add3A_571 = arith.constant 0 : i32
          %add3A_572 = arith.addi %mul3A_570, %add3A_571 : i32
          %get3A_573 = arith.index_cast %add3A_572 : i32 to index
          %get3A_574 = tpu.vector_load %arg7[%get3A_573] {strides = array<i32>} : memref<2560xi32, #tpu.memory_space<vmem>>, vector<16xi32>,
          %get3A_575 = vector.shape_cast %get3A_574 : vector<16xi32> to vector<16xi32>
          %swap3A_576 = arith.constant 0 : index
          %swap3A_577 = tpu.vector_load %arg17[%swap3A_576] {strides = array<i32>} : memref<64xi32, #tpu.memory_space<vmem>>, vector<16xi32>,
          %swap3A_578 = vector.shape_cast %swap3A_577 : vector<16xi32> to vector<16xi32>
          %swap3A_579 = vector.shape_cast %get3A_575 : vector<16xi32> to vector<16xi32>
          tpu.vector_store %arg17[%swap3A_576], %swap3A_579 {strides = array<i32>} : memref<64xi32, #tpu.memory_space<vmem>>, vector<16xi32>,
          %mul3A_580 = arith.constant 64 : i32
          %mul3A_581 = arith.muli %sub3A_568, %mul3A_580 : i32
          %add3A_582 = arith.constant 16 : i32
          %add3A_583 = arith.addi %mul3A_581, %add3A_582 : i32
          %get3A_584 = arith.index_cast %add3A_583 : i32 to index
          %get3A_585 = tpu.vector_load %arg7[%get3A_584] {strides = array<i32>} : memref<2560xi32, #tpu.memory_space<vmem>>, vector<16xi32>,
          %get3A_586 = vector.shape_cast %get3A_585 : vector<16xi32> to vector<16xi32>
          %swap3A_587 = arith.constant 16 : index
          %swap3A_588 = tpu.vector_load %arg17[%swap3A_587] {strides = array<i32>} : memref<64xi32, #tpu.memory_space<vmem>>, vector<16xi32>,
          %swap3A_589 = vector.shape_cast %swap3A_588 : vector<16xi32> to vector<16xi32>
          %swap3A_590 = vector.shape_cast %get3A_586 : vector<16xi32> to vector<16xi32>
          tpu.vector_store %arg17[%swap3A_587], %swap3A_590 {strides = array<i32>} : memref<64xi32, #tpu.memory_space<vmem>>, vector<16xi32>,
          %mul3A_591 = arith.constant 64 : i32
          %mul3A_592 = arith.muli %sub3A_568, %mul3A_591 : i32
          %add3A_593 = arith.constant 32 : i32
          %add3A_594 = arith.addi %mul3A_592, %add3A_593 : i32
          %get3A_595 = arith.index_cast %add3A_594 : i32 to index
          %get3A_596 = tpu.vector_load %arg7[%get3A_595] {strides = array<i32>} : memref<2560xi32, #tpu.memory_space<vmem>>, vector<16xi32>,
          %get3A_597 = vector.shape_cast %get3A_596 : vector<16xi32> to vector<16xi32>
          %swap3A_598 = arith.constant 32 : index
          %swap3A_599 = tpu.vector_load %arg17[%swap3A_598] {strides = array<i32>} : memref<64xi32, #tpu.memory_space<vmem>>, vector<16xi32>,
          %swap3A_600 = vector.shape_cast %swap3A_599 : vector<16xi32> to vector<16xi32>
          %swap3A_601 = vector.shape_cast %get3A_597 : vector<16xi32> to vector<16xi32>
          tpu.vector_store %arg17[%swap3A_598], %swap3A_601 {strides = array<i32>} : memref<64xi32, #tpu.memory_space<vmem>>, vector<16xi32>,
          %mul3A_602 = arith.constant 64 : i32
          %mul3A_603 = arith.muli %sub3A_568, %mul3A_602 : i32
          %add3A_604 = arith.constant 48 : i32
          %add3A_605 = arith.addi %mul3A_603, %add3A_604 : i32
          %get3A_606 = arith.index_cast %add3A_605 : i32 to index
          %get3A_607 = tpu.vector_load %arg7[%get3A_606] {strides = array<i32>} : memref<2560xi32, #tpu.memory_space<vmem>>, vector<16xi32>,
          %get3A_608 = vector.shape_cast %get3A_607 : vector<16xi32> to vector<16xi32>
          %swap3A_609 = arith.constant 48 : index
          %swap3A_610 = tpu.vector_load %arg17[%swap3A_609] {strides = array<i32>} : memref<64xi32, #tpu.memory_space<vmem>>, vector<16xi32>,
          %swap3A_611 = vector.shape_cast %swap3A_610 : vector<16xi32> to vector<16xi32>
          %swap3A_612 = vector.shape_cast %get3A_608 : vector<16xi32> to vector<16xi32>
          tpu.vector_store %arg17[%swap3A_609], %swap3A_612 {strides = array<i32>} : memref<64xi32, #tpu.memory_space<vmem>>, vector<16xi32>,
          %dma_start3A_613 = arith.constant 0 : i32
          %dma_start3A_614 = arith.constant 0 : i32
          %dma_start3A_615 = tpu.memref_slice %arg2[%dma_start3A_613, %dma_start3A_614] : memref<10000x128xf32, #tpu.memory_space<hbm>> -> memref<10000x128xf32, #tpu.memory_space<hbm>>
          tpu.enqueue_indirect_dma source(%dma_start3A_615 : memref<10000x128xf32, #tpu.memory_space<hbm>>) target(%arg13 : memref<64x128xf32, #tpu.memory_space<vmem>>) offsets(%arg17 : memref<64xi32, #tpu.memory_space<vmem>>) semaphore(%arg25 : memref<!tpu.dma_semaphore, #tpu.memory_space<semaphore_mem>>)
        } else {
        }
        %mul3A_314 = arith.constant 64 : i32
        %mul3A_315 = arith.muli %add3A_298, %mul3A_314 : i32
        %add3A_316 = arith.constant 0 : i32
        %add3A_317 = arith.addi %mul3A_315, %add3A_316 : i32
        %get3A_318 = arith.index_cast %add3A_317 : i32 to index
        %get3A_319 = tpu.vector_load %arg9[%get3A_318] {strides = array<i32>} : memref<2560xi32, #tpu.memory_space<vmem>>, vector<16xi32>,
        %get3A_320 = vector.shape_cast %get3A_319 : vector<16xi32> to vector<16xi32>
        %swap3A_321 = arith.constant 0 : index
        %swap3A_322 = tpu.vector_load %arg18[%swap3A_321] {strides = array<i32>} : memref<64xi32, #tpu.memory_space<vmem>>, vector<16xi32>,
        %swap3A_323 = vector.shape_cast %swap3A_322 : vector<16xi32> to vector<16xi32>
        %swap3A_324 = vector.shape_cast %get3A_320 : vector<16xi32> to vector<16xi32>
        tpu.vector_store %arg18[%swap3A_321], %swap3A_324 {strides = array<i32>} : memref<64xi32, #tpu.memory_space<vmem>>, vector<16xi32>,
        %mul3A_325 = arith.constant 64 : i32
        %mul3A_326 = arith.muli %add3A_298, %mul3A_325 : i32
        %add3A_327 = arith.constant 16 : i32
        %add3A_328 = arith.addi %mul3A_326, %add3A_327 : i32
        %get3A_329 = arith.index_cast %add3A_328 : i32 to index
        %get3A_330 = tpu.vector_load %arg9[%get3A_329] {strides = array<i32>} : memref<2560xi32, #tpu.memory_space<vmem>>, vector<16xi32>,
        %get3A_331 = vector.shape_cast %get3A_330 : vector<16xi32> to vector<16xi32>
        %swap3A_332 = arith.constant 16 : index
        %swap3A_333 = tpu.vector_load %arg18[%swap3A_332] {strides = array<i32>} : memref<64xi32, #tpu.memory_space<vmem>>, vector<16xi32>,
        %swap3A_334 = vector.shape_cast %swap3A_333 : vector<16xi32> to vector<16xi32>
        %swap3A_335 = vector.shape_cast %get3A_331 : vector<16xi32> to vector<16xi32>
        tpu.vector_store %arg18[%swap3A_332], %swap3A_335 {strides = array<i32>} : memref<64xi32, #tpu.memory_space<vmem>>, vector<16xi32>,
        %mul3A_336 = arith.constant 64 : i32
        %mul3A_337 = arith.muli %add3A_298, %mul3A_336 : i32
        %add3A_338 = arith.constant 32 : i32
        %add3A_339 = arith.addi %mul3A_337, %add3A_338 : i32
        %get3A_340 = arith.index_cast %add3A_339 : i32 to index
        %get3A_341 = tpu.vector_load %arg9[%get3A_340] {strides = array<i32>} : memref<2560xi32, #tpu.memory_space<vmem>>, vector<16xi32>,
        %get3A_342 = vector.shape_cast %get3A_341 : vector<16xi32> to vector<16xi32>
        %swap3A_343 = arith.constant 32 : index
        %swap3A_344 = tpu.vector_load %arg18[%swap3A_343] {strides = array<i32>} : memref<64xi32, #tpu.memory_space<vmem>>, vector<16xi32>,
        %swap3A_345 = vector.shape_cast %swap3A_344 : vector<16xi32> to vector<16xi32>
        %swap3A_346 = vector.shape_cast %get3A_342 : vector<16xi32> to vector<16xi32>
        tpu.vector_store %arg18[%swap3A_343], %swap3A_346 {strides = array<i32>} : memref<64xi32, #tpu.memory_space<vmem>>, vector<16xi32>,
        %mul3A_347 = arith.constant 64 : i32
        %mul3A_348 = arith.muli %add3A_298, %mul3A_347 : i32
        %add3A_349 = arith.constant 48 : i32
        %add3A_350 = arith.addi %mul3A_348, %add3A_349 : i32
        %get3A_351 = arith.index_cast %add3A_350 : i32 to index
        %get3A_352 = tpu.vector_load %arg9[%get3A_351] {strides = array<i32>} : memref<2560xi32, #tpu.memory_space<vmem>>, vector<16xi32>,
        %get3A_353 = vector.shape_cast %get3A_352 : vector<16xi32> to vector<16xi32>
        %swap3A_354 = arith.constant 48 : index
        %swap3A_355 = tpu.vector_load %arg18[%swap3A_354] {strides = array<i32>} : memref<64xi32, #tpu.memory_space<vmem>>, vector<16xi32>,
        %swap3A_356 = vector.shape_cast %swap3A_355 : vector<16xi32> to vector<16xi32>
        %swap3A_357 = vector.shape_cast %get3A_353 : vector<16xi32> to vector<16xi32>
        tpu.vector_store %arg18[%swap3A_354], %swap3A_357 {strides = array<i32>} : memref<64xi32, #tpu.memory_space<vmem>>, vector<16xi32>,
        %dma_start3A_358 = arith.constant 0 : i32
        %dma_start3A_359 = arith.constant 0 : i32
        %dma_start3A_360 = tpu.memref_slice %arg5[%dma_start3A_358, %dma_start3A_359] : memref<10240x128xf32, #tpu.memory_space<vmem_shared>> -> memref<10240x128xf32, #tpu.memory_space<vmem_shared>>
        tpu.enqueue_indirect_dma source(%arg10 : memref<64x128xf32, #tpu.memory_space<vmem>>) target(%dma_start3A_360 : memref<10240x128xf32, #tpu.memory_space<vmem_shared>>) offsets(%arg18 : memref<64xi32, #tpu.memory_space<vmem>>) semaphore(%arg26 : memref<!tpu.dma_semaphore, #tpu.memory_space<semaphore_mem>>) {add = true}
        %mul3A_361 = arith.constant 4 : i32
        %mul3A_362 = arith.muli %add3A_294, %mul3A_361 : i32
        %add3A_363 = arith.constant 1 : i32
        %add3A_364 = arith.addi %mul3A_362, %add3A_363 : i32
        %dma_wait3A_365 = arith.constant 0 : i32
        %dma_wait3A_366 = arith.constant 0 : i32
        %dma_wait3A_367 = tpu.memref_slice %arg2[%dma_wait3A_365, %dma_wait3A_366] : memref<10000x128xf32, #tpu.memory_space<hbm>> -> memref<10000x128xf32, #tpu.memory_space<hbm>>
        tpu.wait_indirect_dma semaphore(%arg23 : memref<!tpu.dma_semaphore, #tpu.memory_space<semaphore_mem>>) src(%dma_wait3A_367 : memref<10000x128xf32, #tpu.memory_space<hbm>>) dst(%arg11 : memref<64x128xf32, #tpu.memory_space<vmem>>)
        %ge3A_368 = arith.constant 1 : i32
        %ge3A_369 = arith.cmpi sge, %add3A_364, %ge3A_368 : i32
        %convert_element_type3A_370 = arith.extui %ge3A_369 : i1 to i32
        %cond3A_371 = arith.constant 0 : i32
        %cond3A_372 = arith.cmpi ne, %convert_element_type3A_370, %cond3A_371 : i32
        scf.if %cond3A_372 {
          %dma_wait3A_565 = arith.constant 0 : i32
          %dma_wait3A_566 = arith.constant 0 : i32
          %dma_wait3A_567 = tpu.memref_slice %arg5[%dma_wait3A_565, %dma_wait3A_566] : memref<10240x128xf32, #tpu.memory_space<vmem_shared>> -> memref<10240x128xf32, #tpu.memory_space<vmem_shared>>
          tpu.wait_indirect_dma semaphore(%arg26 : memref<!tpu.dma_semaphore, #tpu.memory_space<semaphore_mem>>) src(%arg10 : memref<64x128xf32, #tpu.memory_space<vmem>>) dst(%dma_wait3A_567 : memref<10240x128xf32, #tpu.memory_space<vmem_shared>>)
        } else {
        }
        %add3A_373 = arith.constant 4 : i32
        %add3A_374 = arith.addi %add3A_364, %add3A_373 : i32
        %sub3A_375 = arith.constant 1 : i32
        %sub3A_376 = arith.subi %add3A_374, %sub3A_375 : i32
        %lt3A_377 = arith.constant 40 : i32
        %lt3A_378 = arith.cmpi slt, %sub3A_376, %lt3A_377 : i32
        %convert_element_type3A_379 = arith.extui %lt3A_378 : i1 to i32
        %cond3A_380 = arith.constant 0 : i32
        %cond3A_381 = arith.cmpi ne, %convert_element_type3A_379, %cond3A_380 : i32
        scf.if %cond3A_381 {
          %add3A_565 = arith.constant 4 : i32
          %add3A_566 = arith.addi %add3A_364, %add3A_565 : i32
          %sub3A_567 = arith.constant 1 : i32
          %sub3A_568 = arith.subi %add3A_566, %sub3A_567 : i32
          %mul3A_569 = arith.constant 64 : i32
          %mul3A_570 = arith.muli %sub3A_568, %mul3A_569 : i32
          %add3A_571 = arith.constant 0 : i32
          %add3A_572 = arith.addi %mul3A_570, %add3A_571 : i32
          %get3A_573 = arith.index_cast %add3A_572 : i32 to index
          %get3A_574 = tpu.vector_load %arg7[%get3A_573] {strides = array<i32>} : memref<2560xi32, #tpu.memory_space<vmem>>, vector<16xi32>,
          %get3A_575 = vector.shape_cast %get3A_574 : vector<16xi32> to vector<16xi32>
          %swap3A_576 = arith.constant 0 : index
          %swap3A_577 = tpu.vector_load %arg14[%swap3A_576] {strides = array<i32>} : memref<64xi32, #tpu.memory_space<vmem>>, vector<16xi32>,
          %swap3A_578 = vector.shape_cast %swap3A_577 : vector<16xi32> to vector<16xi32>
          %swap3A_579 = vector.shape_cast %get3A_575 : vector<16xi32> to vector<16xi32>
          tpu.vector_store %arg14[%swap3A_576], %swap3A_579 {strides = array<i32>} : memref<64xi32, #tpu.memory_space<vmem>>, vector<16xi32>,
          %mul3A_580 = arith.constant 64 : i32
          %mul3A_581 = arith.muli %sub3A_568, %mul3A_580 : i32
          %add3A_582 = arith.constant 16 : i32
          %add3A_583 = arith.addi %mul3A_581, %add3A_582 : i32
          %get3A_584 = arith.index_cast %add3A_583 : i32 to index
          %get3A_585 = tpu.vector_load %arg7[%get3A_584] {strides = array<i32>} : memref<2560xi32, #tpu.memory_space<vmem>>, vector<16xi32>,
          %get3A_586 = vector.shape_cast %get3A_585 : vector<16xi32> to vector<16xi32>
          %swap3A_587 = arith.constant 16 : index
          %swap3A_588 = tpu.vector_load %arg14[%swap3A_587] {strides = array<i32>} : memref<64xi32, #tpu.memory_space<vmem>>, vector<16xi32>,
          %swap3A_589 = vector.shape_cast %swap3A_588 : vector<16xi32> to vector<16xi32>
          %swap3A_590 = vector.shape_cast %get3A_586 : vector<16xi32> to vector<16xi32>
          tpu.vector_store %arg14[%swap3A_587], %swap3A_590 {strides = array<i32>} : memref<64xi32, #tpu.memory_space<vmem>>, vector<16xi32>,
          %mul3A_591 = arith.constant 64 : i32
          %mul3A_592 = arith.muli %sub3A_568, %mul3A_591 : i32
          %add3A_593 = arith.constant 32 : i32
          %add3A_594 = arith.addi %mul3A_592, %add3A_593 : i32
          %get3A_595 = arith.index_cast %add3A_594 : i32 to index
          %get3A_596 = tpu.vector_load %arg7[%get3A_595] {strides = array<i32>} : memref<2560xi32, #tpu.memory_space<vmem>>, vector<16xi32>,
          %get3A_597 = vector.shape_cast %get3A_596 : vector<16xi32> to vector<16xi32>
          %swap3A_598 = arith.constant 32 : index
          %swap3A_599 = tpu.vector_load %arg14[%swap3A_598] {strides = array<i32>} : memref<64xi32, #tpu.memory_space<vmem>>, vector<16xi32>,
          %swap3A_600 = vector.shape_cast %swap3A_599 : vector<16xi32> to vector<16xi32>
          %swap3A_601 = vector.shape_cast %get3A_597 : vector<16xi32> to vector<16xi32>
          tpu.vector_store %arg14[%swap3A_598], %swap3A_601 {strides = array<i32>} : memref<64xi32, #tpu.memory_space<vmem>>, vector<16xi32>,
          %mul3A_602 = arith.constant 64 : i32
          %mul3A_603 = arith.muli %sub3A_568, %mul3A_602 : i32
          %add3A_604 = arith.constant 48 : i32
          %add3A_605 = arith.addi %mul3A_603, %add3A_604 : i32
          %get3A_606 = arith.index_cast %add3A_605 : i32 to index
          %get3A_607 = tpu.vector_load %arg7[%get3A_606] {strides = array<i32>} : memref<2560xi32, #tpu.memory_space<vmem>>, vector<16xi32>,
          %get3A_608 = vector.shape_cast %get3A_607 : vector<16xi32> to vector<16xi32>
          %swap3A_609 = arith.constant 48 : index
          %swap3A_610 = tpu.vector_load %arg14[%swap3A_609] {strides = array<i32>} : memref<64xi32, #tpu.memory_space<vmem>>, vector<16xi32>,
          %swap3A_611 = vector.shape_cast %swap3A_610 : vector<16xi32> to vector<16xi32>
          %swap3A_612 = vector.shape_cast %get3A_608 : vector<16xi32> to vector<16xi32>
          tpu.vector_store %arg14[%swap3A_609], %swap3A_612 {strides = array<i32>} : memref<64xi32, #tpu.memory_space<vmem>>, vector<16xi32>,
          %dma_start3A_613 = arith.constant 0 : i32
          %dma_start3A_614 = arith.constant 0 : i32
          %dma_start3A_615 = tpu.memref_slice %arg2[%dma_start3A_613, %dma_start3A_614] : memref<10000x128xf32, #tpu.memory_space<hbm>> -> memref<10000x128xf32, #tpu.memory_space<hbm>>
          tpu.enqueue_indirect_dma source(%dma_start3A_615 : memref<10000x128xf32, #tpu.memory_space<hbm>>) target(%arg10 : memref<64x128xf32, #tpu.memory_space<vmem>>) offsets(%arg14 : memref<64xi32, #tpu.memory_space<vmem>>) semaphore(%arg22 : memref<!tpu.dma_semaphore, #tpu.memory_space<semaphore_mem>>)
        } else {
        }
        %mul3A_382 = arith.constant 64 : i32
        %mul3A_383 = arith.muli %add3A_364, %mul3A_382 : i32
        %add3A_384 = arith.constant 0 : i32
        %add3A_385 = arith.addi %mul3A_383, %add3A_384 : i32
        %get3A_386 = arith.index_cast %add3A_385 : i32 to index
        %get3A_387 = tpu.vector_load %arg9[%get3A_386] {strides = array<i32>} : memref<2560xi32, #tpu.memory_space<vmem>>, vector<16xi32>,
        %get3A_388 = vector.shape_cast %get3A_387 : vector<16xi32> to vector<16xi32>
        %swap3A_389 = arith.constant 0 : index
        %swap3A_390 = tpu.vector_load %arg19[%swap3A_389] {strides = array<i32>} : memref<64xi32, #tpu.memory_space<vmem>>, vector<16xi32>,
        %swap3A_391 = vector.shape_cast %swap3A_390 : vector<16xi32> to vector<16xi32>
        %swap3A_392 = vector.shape_cast %get3A_388 : vector<16xi32> to vector<16xi32>
        tpu.vector_store %arg19[%swap3A_389], %swap3A_392 {strides = array<i32>} : memref<64xi32, #tpu.memory_space<vmem>>, vector<16xi32>,
        %mul3A_393 = arith.constant 64 : i32
        %mul3A_394 = arith.muli %add3A_364, %mul3A_393 : i32
        %add3A_395 = arith.constant 16 : i32
        %add3A_396 = arith.addi %mul3A_394, %add3A_395 : i32
        %get3A_397 = arith.index_cast %add3A_396 : i32 to index
        %get3A_398 = tpu.vector_load %arg9[%get3A_397] {strides = array<i32>} : memref<2560xi32, #tpu.memory_space<vmem>>, vector<16xi32>,
        %get3A_399 = vector.shape_cast %get3A_398 : vector<16xi32> to vector<16xi32>
        %swap3A_400 = arith.constant 16 : index
        %swap3A_401 = tpu.vector_load %arg19[%swap3A_400] {strides = array<i32>} : memref<64xi32, #tpu.memory_space<vmem>>, vector<16xi32>,
        %swap3A_402 = vector.shape_cast %swap3A_401 : vector<16xi32> to vector<16xi32>
        %swap3A_403 = vector.shape_cast %get3A_399 : vector<16xi32> to vector<16xi32>
        tpu.vector_store %arg19[%swap3A_400], %swap3A_403 {strides = array<i32>} : memref<64xi32, #tpu.memory_space<vmem>>, vector<16xi32>,
        %mul3A_404 = arith.constant 64 : i32
        %mul3A_405 = arith.muli %add3A_364, %mul3A_404 : i32
        %add3A_406 = arith.constant 32 : i32
        %add3A_407 = arith.addi %mul3A_405, %add3A_406 : i32
        %get3A_408 = arith.index_cast %add3A_407 : i32 to index
        %get3A_409 = tpu.vector_load %arg9[%get3A_408] {strides = array<i32>} : memref<2560xi32, #tpu.memory_space<vmem>>, vector<16xi32>,
        %get3A_410 = vector.shape_cast %get3A_409 : vector<16xi32> to vector<16xi32>
        %swap3A_411 = arith.constant 32 : index
        %swap3A_412 = tpu.vector_load %arg19[%swap3A_411] {strides = array<i32>} : memref<64xi32, #tpu.memory_space<vmem>>, vector<16xi32>,
        %swap3A_413 = vector.shape_cast %swap3A_412 : vector<16xi32> to vector<16xi32>
        %swap3A_414 = vector.shape_cast %get3A_410 : vector<16xi32> to vector<16xi32>
        tpu.vector_store %arg19[%swap3A_411], %swap3A_414 {strides = array<i32>} : memref<64xi32, #tpu.memory_space<vmem>>, vector<16xi32>,
        %mul3A_415 = arith.constant 64 : i32
        %mul3A_416 = arith.muli %add3A_364, %mul3A_415 : i32
        %add3A_417 = arith.constant 48 : i32
        %add3A_418 = arith.addi %mul3A_416, %add3A_417 : i32
        %get3A_419 = arith.index_cast %add3A_418 : i32 to index
        %get3A_420 = tpu.vector_load %arg9[%get3A_419] {strides = array<i32>} : memref<2560xi32, #tpu.memory_space<vmem>>, vector<16xi32>,
        %get3A_421 = vector.shape_cast %get3A_420 : vector<16xi32> to vector<16xi32>
        %swap3A_422 = arith.constant 48 : index
        %swap3A_423 = tpu.vector_load %arg19[%swap3A_422] {strides = array<i32>} : memref<64xi32, #tpu.memory_space<vmem>>, vector<16xi32>,
        %swap3A_424 = vector.shape_cast %swap3A_423 : vector<16xi32> to vector<16xi32>
        %swap3A_425 = vector.shape_cast %get3A_421 : vector<16xi32> to vector<16xi32>
        tpu.vector_store %arg19[%swap3A_422], %swap3A_425 {strides = array<i32>} : memref<64xi32, #tpu.memory_space<vmem>>, vector<16xi32>,
        %dma_start3A_426 = arith.constant 0 : i32
        %dma_start3A_427 = arith.constant 0 : i32
        %dma_start3A_428 = tpu.memref_slice %arg5[%dma_start3A_426, %dma_start3A_427] : memref<10240x128xf32, #tpu.memory_space<vmem_shared>> -> memref<10240x128xf32, #tpu.memory_space<vmem_shared>>
        tpu.enqueue_indirect_dma source(%arg11 : memref<64x128xf32, #tpu.memory_space<vmem>>) target(%dma_start3A_428 : memref<10240x128xf32, #tpu.memory_space<vmem_shared>>) offsets(%arg19 : memref<64xi32, #tpu.memory_space<vmem>>) semaphore(%arg27 : memref<!tpu.dma_semaphore, #tpu.memory_space<semaphore_mem>>) {add = true}
        %mul3A_429 = arith.constant 4 : i32
        %mul3A_430 = arith.muli %add3A_294, %mul3A_429 : i32
        %add3A_431 = arith.constant 2 : i32
        %add3A_432 = arith.addi %mul3A_430, %add3A_431 : i32
        %dma_wait3A_433 = arith.constant 0 : i32
        %dma_wait3A_434 = arith.constant 0 : i32
        %dma_wait3A_435 = tpu.memref_slice %arg2[%dma_wait3A_433, %dma_wait3A_434] : memref<10000x128xf32, #tpu.memory_space<hbm>> -> memref<10000x128xf32, #tpu.memory_space<hbm>>
        tpu.wait_indirect_dma semaphore(%arg24 : memref<!tpu.dma_semaphore, #tpu.memory_space<semaphore_mem>>) src(%dma_wait3A_435 : memref<10000x128xf32, #tpu.memory_space<hbm>>) dst(%arg12 : memref<64x128xf32, #tpu.memory_space<vmem>>)
        %ge3A_436 = arith.constant 1 : i32
        %ge3A_437 = arith.cmpi sge, %add3A_432, %ge3A_436 : i32
        %convert_element_type3A_438 = arith.extui %ge3A_437 : i1 to i32
        %cond3A_439 = arith.constant 0 : i32
        %cond3A_440 = arith.cmpi ne, %convert_element_type3A_438, %cond3A_439 : i32
        scf.if %cond3A_440 {
          %dma_wait3A_565 = arith.constant 0 : i32
          %dma_wait3A_566 = arith.constant 0 : i32
          %dma_wait3A_567 = tpu.memref_slice %arg5[%dma_wait3A_565, %dma_wait3A_566] : memref<10240x128xf32, #tpu.memory_space<vmem_shared>> -> memref<10240x128xf32, #tpu.memory_space<vmem_shared>>
          tpu.wait_indirect_dma semaphore(%arg27 : memref<!tpu.dma_semaphore, #tpu.memory_space<semaphore_mem>>) src(%arg11 : memref<64x128xf32, #tpu.memory_space<vmem>>) dst(%dma_wait3A_567 : memref<10240x128xf32, #tpu.memory_space<vmem_shared>>)
        } else {
        }
        %add3A_441 = arith.constant 4 : i32
        %add3A_442 = arith.addi %add3A_432, %add3A_441 : i32
        %sub3A_443 = arith.constant 1 : i32
        %sub3A_444 = arith.subi %add3A_442, %sub3A_443 : i32
        %lt3A_445 = arith.constant 40 : i32
        %lt3A_446 = arith.cmpi slt, %sub3A_444, %lt3A_445 : i32
        %convert_element_type3A_447 = arith.extui %lt3A_446 : i1 to i32
        %cond3A_448 = arith.constant 0 : i32
        %cond3A_449 = arith.cmpi ne, %convert_element_type3A_447, %cond3A_448 : i32
        scf.if %cond3A_449 {
          %add3A_565 = arith.constant 4 : i32
          %add3A_566 = arith.addi %add3A_432, %add3A_565 : i32
          %sub3A_567 = arith.constant 1 : i32
          %sub3A_568 = arith.subi %add3A_566, %sub3A_567 : i32
          %mul3A_569 = arith.constant 64 : i32
          %mul3A_570 = arith.muli %sub3A_568, %mul3A_569 : i32
          %add3A_571 = arith.constant 0 : i32
          %add3A_572 = arith.addi %mul3A_570, %add3A_571 : i32
          %get3A_573 = arith.index_cast %add3A_572 : i32 to index
          %get3A_574 = tpu.vector_load %arg7[%get3A_573] {strides = array<i32>} : memref<2560xi32, #tpu.memory_space<vmem>>, vector<16xi32>,
          %get3A_575 = vector.shape_cast %get3A_574 : vector<16xi32> to vector<16xi32>
          %swap3A_576 = arith.constant 0 : index
          %swap3A_577 = tpu.vector_load %arg15[%swap3A_576] {strides = array<i32>} : memref<64xi32, #tpu.memory_space<vmem>>, vector<16xi32>,
          %swap3A_578 = vector.shape_cast %swap3A_577 : vector<16xi32> to vector<16xi32>
          %swap3A_579 = vector.shape_cast %get3A_575 : vector<16xi32> to vector<16xi32>
          tpu.vector_store %arg15[%swap3A_576], %swap3A_579 {strides = array<i32>} : memref<64xi32, #tpu.memory_space<vmem>>, vector<16xi32>,
          %mul3A_580 = arith.constant 64 : i32
          %mul3A_581 = arith.muli %sub3A_568, %mul3A_580 : i32
          %add3A_582 = arith.constant 16 : i32
          %add3A_583 = arith.addi %mul3A_581, %add3A_582 : i32
          %get3A_584 = arith.index_cast %add3A_583 : i32 to index
          %get3A_585 = tpu.vector_load %arg7[%get3A_584] {strides = array<i32>} : memref<2560xi32, #tpu.memory_space<vmem>>, vector<16xi32>,
          %get3A_586 = vector.shape_cast %get3A_585 : vector<16xi32> to vector<16xi32>
          %swap3A_587 = arith.constant 16 : index
          %swap3A_588 = tpu.vector_load %arg15[%swap3A_587] {strides = array<i32>} : memref<64xi32, #tpu.memory_space<vmem>>, vector<16xi32>,
          %swap3A_589 = vector.shape_cast %swap3A_588 : vector<16xi32> to vector<16xi32>
          %swap3A_590 = vector.shape_cast %get3A_586 : vector<16xi32> to vector<16xi32>
          tpu.vector_store %arg15[%swap3A_587], %swap3A_590 {strides = array<i32>} : memref<64xi32, #tpu.memory_space<vmem>>, vector<16xi32>,
          %mul3A_591 = arith.constant 64 : i32
          %mul3A_592 = arith.muli %sub3A_568, %mul3A_591 : i32
          %add3A_593 = arith.constant 32 : i32
          %add3A_594 = arith.addi %mul3A_592, %add3A_593 : i32
          %get3A_595 = arith.index_cast %add3A_594 : i32 to index
          %get3A_596 = tpu.vector_load %arg7[%get3A_595] {strides = array<i32>} : memref<2560xi32, #tpu.memory_space<vmem>>, vector<16xi32>,
          %get3A_597 = vector.shape_cast %get3A_596 : vector<16xi32> to vector<16xi32>
          %swap3A_598 = arith.constant 32 : index
          %swap3A_599 = tpu.vector_load %arg15[%swap3A_598] {strides = array<i32>} : memref<64xi32, #tpu.memory_space<vmem>>, vector<16xi32>,
          %swap3A_600 = vector.shape_cast %swap3A_599 : vector<16xi32> to vector<16xi32>
          %swap3A_601 = vector.shape_cast %get3A_597 : vector<16xi32> to vector<16xi32>
          tpu.vector_store %arg15[%swap3A_598], %swap3A_601 {strides = array<i32>} : memref<64xi32, #tpu.memory_space<vmem>>, vector<16xi32>,
          %mul3A_602 = arith.constant 64 : i32
          %mul3A_603 = arith.muli %sub3A_568, %mul3A_602 : i32
          %add3A_604 = arith.constant 48 : i32
          %add3A_605 = arith.addi %mul3A_603, %add3A_604 : i32
          %get3A_606 = arith.index_cast %add3A_605 : i32 to index
          %get3A_607 = tpu.vector_load %arg7[%get3A_606] {strides = array<i32>} : memref<2560xi32, #tpu.memory_space<vmem>>, vector<16xi32>,
          %get3A_608 = vector.shape_cast %get3A_607 : vector<16xi32> to vector<16xi32>
          %swap3A_609 = arith.constant 48 : index
          %swap3A_610 = tpu.vector_load %arg15[%swap3A_609] {strides = array<i32>} : memref<64xi32, #tpu.memory_space<vmem>>, vector<16xi32>,
          %swap3A_611 = vector.shape_cast %swap3A_610 : vector<16xi32> to vector<16xi32>
          %swap3A_612 = vector.shape_cast %get3A_608 : vector<16xi32> to vector<16xi32>
          tpu.vector_store %arg15[%swap3A_609], %swap3A_612 {strides = array<i32>} : memref<64xi32, #tpu.memory_space<vmem>>, vector<16xi32>,
          %dma_start3A_613 = arith.constant 0 : i32
          %dma_start3A_614 = arith.constant 0 : i32
          %dma_start3A_615 = tpu.memref_slice %arg2[%dma_start3A_613, %dma_start3A_614] : memref<10000x128xf32, #tpu.memory_space<hbm>> -> memref<10000x128xf32, #tpu.memory_space<hbm>>
          tpu.enqueue_indirect_dma source(%dma_start3A_615 : memref<10000x128xf32, #tpu.memory_space<hbm>>) target(%arg11 : memref<64x128xf32, #tpu.memory_space<vmem>>) offsets(%arg15 : memref<64xi32, #tpu.memory_space<vmem>>) semaphore(%arg23 : memref<!tpu.dma_semaphore, #tpu.memory_space<semaphore_mem>>)
        } else {
        }
        %mul3A_450 = arith.constant 64 : i32
        %mul3A_451 = arith.muli %add3A_432, %mul3A_450 : i32
        %add3A_452 = arith.constant 0 : i32
        %add3A_453 = arith.addi %mul3A_451, %add3A_452 : i32
        %get3A_454 = arith.index_cast %add3A_453 : i32 to index
        %get3A_455 = tpu.vector_load %arg9[%get3A_454] {strides = array<i32>} : memref<2560xi32, #tpu.memory_space<vmem>>, vector<16xi32>,
        %get3A_456 = vector.shape_cast %get3A_455 : vector<16xi32> to vector<16xi32>
        %swap3A_457 = arith.constant 0 : index
        %swap3A_458 = tpu.vector_load %arg20[%swap3A_457] {strides = array<i32>} : memref<64xi32, #tpu.memory_space<vmem>>, vector<16xi32>,
        %swap3A_459 = vector.shape_cast %swap3A_458 : vector<16xi32> to vector<16xi32>
        %swap3A_460 = vector.shape_cast %get3A_456 : vector<16xi32> to vector<16xi32>
        tpu.vector_store %arg20[%swap3A_457], %swap3A_460 {strides = array<i32>} : memref<64xi32, #tpu.memory_space<vmem>>, vector<16xi32>,
        %mul3A_461 = arith.constant 64 : i32
        %mul3A_462 = arith.muli %add3A_432, %mul3A_461 : i32
        %add3A_463 = arith.constant 16 : i32
        %add3A_464 = arith.addi %mul3A_462, %add3A_463 : i32
        %get3A_465 = arith.index_cast %add3A_464 : i32 to index
        %get3A_466 = tpu.vector_load %arg9[%get3A_465] {strides = array<i32>} : memref<2560xi32, #tpu.memory_space<vmem>>, vector<16xi32>,
        %get3A_467 = vector.shape_cast %get3A_466 : vector<16xi32> to vector<16xi32>
        %swap3A_468 = arith.constant 16 : index
        %swap3A_469 = tpu.vector_load %arg20[%swap3A_468] {strides = array<i32>} : memref<64xi32, #tpu.memory_space<vmem>>, vector<16xi32>,
        %swap3A_470 = vector.shape_cast %swap3A_469 : vector<16xi32> to vector<16xi32>
        %swap3A_471 = vector.shape_cast %get3A_467 : vector<16xi32> to vector<16xi32>
        tpu.vector_store %arg20[%swap3A_468], %swap3A_471 {strides = array<i32>} : memref<64xi32, #tpu.memory_space<vmem>>, vector<16xi32>,
        %mul3A_472 = arith.constant 64 : i32
        %mul3A_473 = arith.muli %add3A_432, %mul3A_472 : i32
        %add3A_474 = arith.constant 32 : i32
        %add3A_475 = arith.addi %mul3A_473, %add3A_474 : i32
        %get3A_476 = arith.index_cast %add3A_475 : i32 to index
        %get3A_477 = tpu.vector_load %arg9[%get3A_476] {strides = array<i32>} : memref<2560xi32, #tpu.memory_space<vmem>>, vector<16xi32>,
        %get3A_478 = vector.shape_cast %get3A_477 : vector<16xi32> to vector<16xi32>
        %swap3A_479 = arith.constant 32 : index
        %swap3A_480 = tpu.vector_load %arg20[%swap3A_479] {strides = array<i32>} : memref<64xi32, #tpu.memory_space<vmem>>, vector<16xi32>,
        %swap3A_481 = vector.shape_cast %swap3A_480 : vector<16xi32> to vector<16xi32>
        %swap3A_482 = vector.shape_cast %get3A_478 : vector<16xi32> to vector<16xi32>
        tpu.vector_store %arg20[%swap3A_479], %swap3A_482 {strides = array<i32>} : memref<64xi32, #tpu.memory_space<vmem>>, vector<16xi32>,
        %mul3A_483 = arith.constant 64 : i32
        %mul3A_484 = arith.muli %add3A_432, %mul3A_483 : i32
        %add3A_485 = arith.constant 48 : i32
        %add3A_486 = arith.addi %mul3A_484, %add3A_485 : i32
        %get3A_487 = arith.index_cast %add3A_486 : i32 to index
        %get3A_488 = tpu.vector_load %arg9[%get3A_487] {strides = array<i32>} : memref<2560xi32, #tpu.memory_space<vmem>>, vector<16xi32>,
        %get3A_489 = vector.shape_cast %get3A_488 : vector<16xi32> to vector<16xi32>
        %swap3A_490 = arith.constant 48 : index
        %swap3A_491 = tpu.vector_load %arg20[%swap3A_490] {strides = array<i32>} : memref<64xi32, #tpu.memory_space<vmem>>, vector<16xi32>,
        %swap3A_492 = vector.shape_cast %swap3A_491 : vector<16xi32> to vector<16xi32>
        %swap3A_493 = vector.shape_cast %get3A_489 : vector<16xi32> to vector<16xi32>
        tpu.vector_store %arg20[%swap3A_490], %swap3A_493 {strides = array<i32>} : memref<64xi32, #tpu.memory_space<vmem>>, vector<16xi32>,
        %dma_start3A_494 = arith.constant 0 : i32
        %dma_start3A_495 = arith.constant 0 : i32
        %dma_start3A_496 = tpu.memref_slice %arg5[%dma_start3A_494, %dma_start3A_495] : memref<10240x128xf32, #tpu.memory_space<vmem_shared>> -> memref<10240x128xf32, #tpu.memory_space<vmem_shared>>
        tpu.enqueue_indirect_dma source(%arg12 : memref<64x128xf32, #tpu.memory_space<vmem>>) target(%dma_start3A_496 : memref<10240x128xf32, #tpu.memory_space<vmem_shared>>) offsets(%arg20 : memref<64xi32, #tpu.memory_space<vmem>>) semaphore(%arg28 : memref<!tpu.dma_semaphore, #tpu.memory_space<semaphore_mem>>) {add = true}
        %mul3A_497 = arith.constant 4 : i32
        %mul3A_498 = arith.muli %add3A_294, %mul3A_497 : i32
        %add3A_499 = arith.constant 3 : i32
        %add3A_500 = arith.addi %mul3A_498, %add3A_499 : i32
        %dma_wait3A_501 = arith.constant 0 : i32
        %dma_wait3A_502 = arith.constant 0 : i32
        %dma_wait3A_503 = tpu.memref_slice %arg2[%dma_wait3A_501, %dma_wait3A_502] : memref<10000x128xf32, #tpu.memory_space<hbm>> -> memref<10000x128xf32, #tpu.memory_space<hbm>>
        tpu.wait_indirect_dma semaphore(%arg25 : memref<!tpu.dma_semaphore, #tpu.memory_space<semaphore_mem>>) src(%dma_wait3A_503 : memref<10000x128xf32, #tpu.memory_space<hbm>>) dst(%arg13 : memref<64x128xf32, #tpu.memory_space<vmem>>)
        %ge3A_504 = arith.constant 1 : i32
        %ge3A_505 = arith.cmpi sge, %add3A_500, %ge3A_504 : i32
        %convert_element_type3A_506 = arith.extui %ge3A_505 : i1 to i32
        %cond3A_507 = arith.constant 0 : i32
        %cond3A_508 = arith.cmpi ne, %convert_element_type3A_506, %cond3A_507 : i32
        scf.if %cond3A_508 {
          %dma_wait3A_565 = arith.constant 0 : i32
          %dma_wait3A_566 = arith.constant 0 : i32
          %dma_wait3A_567 = tpu.memref_slice %arg5[%dma_wait3A_565, %dma_wait3A_566] : memref<10240x128xf32, #tpu.memory_space<vmem_shared>> -> memref<10240x128xf32, #tpu.memory_space<vmem_shared>>
          tpu.wait_indirect_dma semaphore(%arg28 : memref<!tpu.dma_semaphore, #tpu.memory_space<semaphore_mem>>) src(%arg12 : memref<64x128xf32, #tpu.memory_space<vmem>>) dst(%dma_wait3A_567 : memref<10240x128xf32, #tpu.memory_space<vmem_shared>>)
        } else {
        }
        %add3A_509 = arith.constant 4 : i32
        %add3A_510 = arith.addi %add3A_500, %add3A_509 : i32
        %sub3A_511 = arith.constant 1 : i32
        %sub3A_512 = arith.subi %add3A_510, %sub3A_511 : i32
        %lt3A_513 = arith.constant 40 : i32
        %lt3A_514 = arith.cmpi slt, %sub3A_512, %lt3A_513 : i32
        %convert_element_type3A_515 = arith.extui %lt3A_514 : i1 to i32
        %cond3A_516 = arith.constant 0 : i32
        %cond3A_517 = arith.cmpi ne, %convert_element_type3A_515, %cond3A_516 : i32
        scf.if %cond3A_517 {
          %add3A_565 = arith.constant 4 : i32
          %add3A_566 = arith.addi %add3A_500, %add3A_565 : i32
          %sub3A_567 = arith.constant 1 : i32
          %sub3A_568 = arith.subi %add3A_566, %sub3A_567 : i32
          %mul3A_569 = arith.constant 64 : i32
          %mul3A_570 = arith.muli %sub3A_568, %mul3A_569 : i32
          %add3A_571 = arith.constant 0 : i32
          %add3A_572 = arith.addi %mul3A_570, %add3A_571 : i32
          %get3A_573 = arith.index_cast %add3A_572 : i32 to index
          %get3A_574 = tpu.vector_load %arg7[%get3A_573] {strides = array<i32>} : memref<2560xi32, #tpu.memory_space<vmem>>, vector<16xi32>,
          %get3A_575 = vector.shape_cast %get3A_574 : vector<16xi32> to vector<16xi32>
          %swap3A_576 = arith.constant 0 : index
          %swap3A_577 = tpu.vector_load %arg16[%swap3A_576] {strides = array<i32>} : memref<64xi32, #tpu.memory_space<vmem>>, vector<16xi32>,
          %swap3A_578 = vector.shape_cast %swap3A_577 : vector<16xi32> to vector<16xi32>
          %swap3A_579 = vector.shape_cast %get3A_575 : vector<16xi32> to vector<16xi32>
          tpu.vector_store %arg16[%swap3A_576], %swap3A_579 {strides = array<i32>} : memref<64xi32, #tpu.memory_space<vmem>>, vector<16xi32>,
          %mul3A_580 = arith.constant 64 : i32
          %mul3A_581 = arith.muli %sub3A_568, %mul3A_580 : i32
          %add3A_582 = arith.constant 16 : i32
          %add3A_583 = arith.addi %mul3A_581, %add3A_582 : i32
          %get3A_584 = arith.index_cast %add3A_583 : i32 to index
          %get3A_585 = tpu.vector_load %arg7[%get3A_584] {strides = array<i32>} : memref<2560xi32, #tpu.memory_space<vmem>>, vector<16xi32>,
          %get3A_586 = vector.shape_cast %get3A_585 : vector<16xi32> to vector<16xi32>
          %swap3A_587 = arith.constant 16 : index
          %swap3A_588 = tpu.vector_load %arg16[%swap3A_587] {strides = array<i32>} : memref<64xi32, #tpu.memory_space<vmem>>, vector<16xi32>,
          %swap3A_589 = vector.shape_cast %swap3A_588 : vector<16xi32> to vector<16xi32>
          %swap3A_590 = vector.shape_cast %get3A_586 : vector<16xi32> to vector<16xi32>
          tpu.vector_store %arg16[%swap3A_587], %swap3A_590 {strides = array<i32>} : memref<64xi32, #tpu.memory_space<vmem>>, vector<16xi32>,
          %mul3A_591 = arith.constant 64 : i32
          %mul3A_592 = arith.muli %sub3A_568, %mul3A_591 : i32
          %add3A_593 = arith.constant 32 : i32
          %add3A_594 = arith.addi %mul3A_592, %add3A_593 : i32
          %get3A_595 = arith.index_cast %add3A_594 : i32 to index
          %get3A_596 = tpu.vector_load %arg7[%get3A_595] {strides = array<i32>} : memref<2560xi32, #tpu.memory_space<vmem>>, vector<16xi32>,
          %get3A_597 = vector.shape_cast %get3A_596 : vector<16xi32> to vector<16xi32>
          %swap3A_598 = arith.constant 32 : index
          %swap3A_599 = tpu.vector_load %arg16[%swap3A_598] {strides = array<i32>} : memref<64xi32, #tpu.memory_space<vmem>>, vector<16xi32>,
          %swap3A_600 = vector.shape_cast %swap3A_599 : vector<16xi32> to vector<16xi32>
          %swap3A_601 = vector.shape_cast %get3A_597 : vector<16xi32> to vector<16xi32>
          tpu.vector_store %arg16[%swap3A_598], %swap3A_601 {strides = array<i32>} : memref<64xi32, #tpu.memory_space<vmem>>, vector<16xi32>,
          %mul3A_602 = arith.constant 64 : i32
          %mul3A_603 = arith.muli %sub3A_568, %mul3A_602 : i32
          %add3A_604 = arith.constant 48 : i32
          %add3A_605 = arith.addi %mul3A_603, %add3A_604 : i32
          %get3A_606 = arith.index_cast %add3A_605 : i32 to index
          %get3A_607 = tpu.vector_load %arg7[%get3A_606] {strides = array<i32>} : memref<2560xi32, #tpu.memory_space<vmem>>, vector<16xi32>,
          %get3A_608 = vector.shape_cast %get3A_607 : vector<16xi32> to vector<16xi32>
          %swap3A_609 = arith.constant 48 : index
          %swap3A_610 = tpu.vector_load %arg16[%swap3A_609] {strides = array<i32>} : memref<64xi32, #tpu.memory_space<vmem>>, vector<16xi32>,
          %swap3A_611 = vector.shape_cast %swap3A_610 : vector<16xi32> to vector<16xi32>
          %swap3A_612 = vector.shape_cast %get3A_608 : vector<16xi32> to vector<16xi32>
          tpu.vector_store %arg16[%swap3A_609], %swap3A_612 {strides = array<i32>} : memref<64xi32, #tpu.memory_space<vmem>>, vector<16xi32>,
          %dma_start3A_613 = arith.constant 0 : i32
          %dma_start3A_614 = arith.constant 0 : i32
          %dma_start3A_615 = tpu.memref_slice %arg2[%dma_start3A_613, %dma_start3A_614] : memref<10000x128xf32, #tpu.memory_space<hbm>> -> memref<10000x128xf32, #tpu.memory_space<hbm>>
          tpu.enqueue_indirect_dma source(%dma_start3A_615 : memref<10000x128xf32, #tpu.memory_space<hbm>>) target(%arg12 : memref<64x128xf32, #tpu.memory_space<vmem>>) offsets(%arg16 : memref<64xi32, #tpu.memory_space<vmem>>) semaphore(%arg24 : memref<!tpu.dma_semaphore, #tpu.memory_space<semaphore_mem>>)
        } else {
        }
        %mul3A_518 = arith.constant 64 : i32
        %mul3A_519 = arith.muli %add3A_500, %mul3A_518 : i32
        %add3A_520 = arith.constant 0 : i32
        %add3A_521 = arith.addi %mul3A_519, %add3A_520 : i32
        %get3A_522 = arith.index_cast %add3A_521 : i32 to index
        %get3A_523 = tpu.vector_load %arg9[%get3A_522] {strides = array<i32>} : memref<2560xi32, #tpu.memory_space<vmem>>, vector<16xi32>,
        %get3A_524 = vector.shape_cast %get3A_523 : vector<16xi32> to vector<16xi32>
        %swap3A_525 = arith.constant 0 : index
        %swap3A_526 = tpu.vector_load %arg21[%swap3A_525] {strides = array<i32>} : memref<64xi32, #tpu.memory_space<vmem>>, vector<16xi32>,
        %swap3A_527 = vector.shape_cast %swap3A_526 : vector<16xi32> to vector<16xi32>
        %swap3A_528 = vector.shape_cast %get3A_524 : vector<16xi32> to vector<16xi32>
        tpu.vector_store %arg21[%swap3A_525], %swap3A_528 {strides = array<i32>} : memref<64xi32, #tpu.memory_space<vmem>>, vector<16xi32>,
        %mul3A_529 = arith.constant 64 : i32
        %mul3A_530 = arith.muli %add3A_500, %mul3A_529 : i32
        %add3A_531 = arith.constant 16 : i32
        %add3A_532 = arith.addi %mul3A_530, %add3A_531 : i32
        %get3A_533 = arith.index_cast %add3A_532 : i32 to index
        %get3A_534 = tpu.vector_load %arg9[%get3A_533] {strides = array<i32>} : memref<2560xi32, #tpu.memory_space<vmem>>, vector<16xi32>,
        %get3A_535 = vector.shape_cast %get3A_534 : vector<16xi32> to vector<16xi32>
        %swap3A_536 = arith.constant 16 : index
        %swap3A_537 = tpu.vector_load %arg21[%swap3A_536] {strides = array<i32>} : memref<64xi32, #tpu.memory_space<vmem>>, vector<16xi32>,
        %swap3A_538 = vector.shape_cast %swap3A_537 : vector<16xi32> to vector<16xi32>
        %swap3A_539 = vector.shape_cast %get3A_535 : vector<16xi32> to vector<16xi32>
        tpu.vector_store %arg21[%swap3A_536], %swap3A_539 {strides = array<i32>} : memref<64xi32, #tpu.memory_space<vmem>>, vector<16xi32>,
        %mul3A_540 = arith.constant 64 : i32
        %mul3A_541 = arith.muli %add3A_500, %mul3A_540 : i32
        %add3A_542 = arith.constant 32 : i32
        %add3A_543 = arith.addi %mul3A_541, %add3A_542 : i32
        %get3A_544 = arith.index_cast %add3A_543 : i32 to index
        %get3A_545 = tpu.vector_load %arg9[%get3A_544] {strides = array<i32>} : memref<2560xi32, #tpu.memory_space<vmem>>, vector<16xi32>,
        %get3A_546 = vector.shape_cast %get3A_545 : vector<16xi32> to vector<16xi32>
        %swap3A_547 = arith.constant 32 : index
        %swap3A_548 = tpu.vector_load %arg21[%swap3A_547] {strides = array<i32>} : memref<64xi32, #tpu.memory_space<vmem>>, vector<16xi32>,
        %swap3A_549 = vector.shape_cast %swap3A_548 : vector<16xi32> to vector<16xi32>
        %swap3A_550 = vector.shape_cast %get3A_546 : vector<16xi32> to vector<16xi32>
        tpu.vector_store %arg21[%swap3A_547], %swap3A_550 {strides = array<i32>} : memref<64xi32, #tpu.memory_space<vmem>>, vector<16xi32>,
        %mul3A_551 = arith.constant 64 : i32
        %mul3A_552 = arith.muli %add3A_500, %mul3A_551 : i32
        %add3A_553 = arith.constant 48 : i32
        %add3A_554 = arith.addi %mul3A_552, %add3A_553 : i32
        %get3A_555 = arith.index_cast %add3A_554 : i32 to index
        %get3A_556 = tpu.vector_load %arg9[%get3A_555] {strides = array<i32>} : memref<2560xi32, #tpu.memory_space<vmem>>, vector<16xi32>,
        %get3A_557 = vector.shape_cast %get3A_556 : vector<16xi32> to vector<16xi32>
        %swap3A_558 = arith.constant 48 : index
        %swap3A_559 = tpu.vector_load %arg21[%swap3A_558] {strides = array<i32>} : memref<64xi32, #tpu.memory_space<vmem>>, vector<16xi32>,
        %swap3A_560 = vector.shape_cast %swap3A_559 : vector<16xi32> to vector<16xi32>
        %swap3A_561 = vector.shape_cast %get3A_557 : vector<16xi32> to vector<16xi32>
        tpu.vector_store %arg21[%swap3A_558], %swap3A_561 {strides = array<i32>} : memref<64xi32, #tpu.memory_space<vmem>>, vector<16xi32>,
        %dma_start3A_562 = arith.constant 0 : i32
        %dma_start3A_563 = arith.constant 0 : i32
        %dma_start3A_564 = tpu.memref_slice %arg5[%dma_start3A_562, %dma_start3A_563] : memref<10240x128xf32, #tpu.memory_space<vmem_shared>> -> memref<10240x128xf32, #tpu.memory_space<vmem_shared>>
        tpu.enqueue_indirect_dma source(%arg13 : memref<64x128xf32, #tpu.memory_space<vmem>>) target(%dma_start3A_564 : memref<10240x128xf32, #tpu.memory_space<vmem_shared>>) offsets(%arg21 : memref<64xi32, #tpu.memory_space<vmem>>) semaphore(%arg29 : memref<!tpu.dma_semaphore, #tpu.memory_space<semaphore_mem>>) {add = true}
      }
      %scan3A_286 = arith.constant 10 : i32
      %dma_wait3A_287 = arith.constant 0 : i32
      %dma_wait3A_288 = arith.constant 0 : i32
      %dma_wait3A_289 = tpu.memref_slice %arg5[%dma_wait3A_287, %dma_wait3A_288] : memref<10240x128xf32, #tpu.memory_space<vmem_shared>> -> memref<10240x128xf32, #tpu.memory_space<vmem_shared>>
      tpu.wait_indirect_dma semaphore(%arg29 : memref<!tpu.dma_semaphore, #tpu.memory_space<semaphore_mem>>) src(%arg13 : memref<64x128xf32, #tpu.memory_space<vmem>>) dst(%dma_wait3A_289 : memref<10240x128xf32, #tpu.memory_space<vmem_shared>>)
    } else {
    }
    %barrier3A_164 = arith.constant 0 : index
    tpu.barrier barrier_id(%barrier3A_164)
    %mul3A_165 = arith.constant 640 : i32
    %mul3A_166 = arith.muli %arg1, %mul3A_165 : i32
    %mul3A_167 = arith.constant 640 : i32
    %mul3A_168 = arith.muli %arg1, %mul3A_167 : i32
    "tpu.region"() ({
      %run_scoped3A = tpu.sem_alloc : memref<!tpu.dma_semaphore, #tpu.memory_space<semaphore_mem>>
      %dma_start3A_169 = arith.constant 0 : i32
      %dma_start3A_170 = arith.constant 0 : i32
      %dma_start3A_171 = tpu.memref_slice %arg4[%arg0, %dma_start3A_169, %dma_start3A_170] : memref<2x10240x128xf32, #tpu.memory_space<hbm>> -> memref<1x10240x128xf32, #tpu.memory_space<hbm>>
      %dma_start3A_172 = tpu.memref_squeeze %dma_start3A_171 : memref<1x10240x128xf32, #tpu.memory_space<hbm>> -> memref<10240x128xf32, #tpu.memory_space<hbm>>
      %dma_start3A_173 = arith.constant 0 : i32
      %dma_start3A_174 = tpu.memref_slice %dma_start3A_172[%mul3A_168, %dma_start3A_173] : memref<10240x128xf32, #tpu.memory_space<hbm>> -> memref<640x128xf32, #tpu.memory_space<hbm>>
      %dma_start3A_175 = arith.constant 0 : i32
      %dma_start3A_176 = tpu.memref_slice %arg5[%mul3A_166, %dma_start3A_175] : memref<10240x128xf32, #tpu.memory_space<vmem_shared>> -> memref<640x128xf32, #tpu.memory_space<vmem_shared>>
      tpu.enqueue_dma source(%dma_start3A_176 : memref<640x128xf32, #tpu.memory_space<vmem_shared>>) target(%dma_start3A_174 : memref<640x128xf32, #tpu.memory_space<hbm>>) target_semaphore(%run_scoped3A : memref<!tpu.dma_semaphore, #tpu.memory_space<semaphore_mem>>)
      %dma_wait3A_177 = arith.constant 0 : i32
      %dma_wait3A_178 = arith.constant 0 : i32
      %dma_wait3A_179 = tpu.memref_slice %arg4[%arg0, %dma_wait3A_177, %dma_wait3A_178] : memref<2x10240x128xf32, #tpu.memory_space<hbm>> -> memref<1x10240x128xf32, #tpu.memory_space<hbm>>
      %dma_wait3A_180 = tpu.memref_squeeze %dma_wait3A_179 : memref<1x10240x128xf32, #tpu.memory_space<hbm>> -> memref<10240x128xf32, #tpu.memory_space<hbm>>
      %dma_wait3A_181 = arith.constant 0 : i32
      %dma_wait3A_182 = tpu.memref_slice %dma_wait3A_180[%mul3A_168, %dma_wait3A_181] : memref<10240x128xf32, #tpu.memory_space<hbm>> -> memref<640x128xf32, #tpu.memory_space<hbm>>
      %dma_wait3A_183 = arith.constant 0 : i32
      %dma_wait3A_184 = tpu.memref_slice %arg5[%mul3A_166, %dma_wait3A_183] : memref<10240x128xf32, #tpu.memory_space<vmem_shared>> -> memref<640x128xf32, #tpu.memory_space<vmem_shared>>
      tpu.wait_dma2 semaphore(%run_scoped3A : memref<!tpu.dma_semaphore, #tpu.memory_space<semaphore_mem>>) src(%dma_wait3A_184 : memref<640x128xf32, #tpu.memory_space<vmem_shared>>) dst(%dma_wait3A_182 : memref<640x128xf32, #tpu.memory_space<hbm>>)
      tpu.yield
    }) : () -> ()
    return
  }
}

module attributes {stable_mosaic.version = 14 : i64} {
  func.func @body(%arg0: i32, %arg1: memref<400x128xf32, #tpu.memory_space<vmem>>, %arg2: memref<400x1xf32, #tpu.memory_space<vmem>>, %arg3: memref<400x1000xf32, #tpu.memory_space<vmem>>, %arg4: memref<1000x128xf32, #tpu.memory_space<vmem>>, %arg5: memref<128x128xf32, #tpu.memory_space<vmem>>, %arg6: memref<128x128xf32, #tpu.memory_space<vmem>>, %arg7: memref<128x128xf32, #tpu.memory_space<vmem>>, %arg8: memref<400x128xf32, #tpu.memory_space<vmem>>, %arg9: memref<1000x128xf32, #tpu.memory_space<vmem>>) attributes {dimension_semantics = [#tpu.dimension_semantics<arbitrary>], iteration_bounds = array<i64: 25>, scalar_prefetch = 0 : i64, scratch_operands = 1 : i64, tpu.core_type = #tpu.core_type<tc>, window_params = [{transform_indices = @transform_0, window_bounds = array<i64: 400, 128>}, {transform_indices = @transform_1, window_bounds = array<i64: 400, 1>}, {transform_indices = @transform_2, window_bounds = array<i64: 400, 1000>}, {pipeline_mode = #tpu.pipeline_mode<synchronous>, transform_indices = @transform_3, window_bounds = array<i64: 1000, 128>}, {pipeline_mode = #tpu.pipeline_mode<synchronous>, transform_indices = @transform_4, window_bounds = array<i64: 128, 128>}, {pipeline_mode = #tpu.pipeline_mode<synchronous>, transform_indices = @transform_5, window_bounds = array<i64: 128, 128>}, {pipeline_mode = #tpu.pipeline_mode<synchronous>, transform_indices = @transform_6, window_bounds = array<i64: 128, 128>}, {transform_indices = @transform_7, window_bounds = array<i64: 400, 128>}]} {
    %eq3A = arith.constant 0 : i32
    %eq3A_0 = arith.cmpi eq, %arg0, %eq3A : i32
    %convert_element_type3A = arith.extui %eq3A_0 : i1 to i32
    %cond3A = arith.constant 0 : i32
    %cond3A_1 = arith.cmpi ne, %convert_element_type3A, %cond3A : i32
    scf.if %cond3A_1 {
      %get3A_31 = arith.constant 0 : index
      %get3A_32 = arith.constant 0 : index
      %get3A_33 = vector.load %arg4[%get3A_31, %get3A_32] : memref<1000x128xf32, #tpu.memory_space<vmem>>, vector<1000x128xf32>
      %get3A_34 = arith.constant 0 : index
      %get3A_35 = arith.constant 0 : index
      %get3A_36 = vector.load %arg7[%get3A_34, %get3A_35] : memref<128x128xf32, #tpu.memory_space<vmem>>, vector<128x128xf32>
      %dot_general3A_37 = arith.constant dense<0.000000e+00> : vector<1000x128xf32>
      %dot_general3A_38 = tpu.matmul %get3A_33, %get3A_36, %dot_general3A_37 {dimension_numbers = #tpu.dot_dimension_numbers<[1], [0], [0], [1], [0, 0, 1, 1], [], []>, transpose_lhs_hint = false} : vector<1000x128xf32>, vector<128x128xf32>, vector<1000x128xf32> -> vector<1000x128xf32>
      %swap3A_39 = arith.constant 0 : index
      %swap3A_40 = arith.constant 0 : index
      %swap3A_41 = vector.load %arg9[%swap3A_39, %swap3A_40] : memref<1000x128xf32, #tpu.memory_space<vmem>>, vector<1000x128xf32>
      tpu.vector_store %arg9[%swap3A_39, %swap3A_40], %dot_general3A_38 {strides = array<i32>} : memref<1000x128xf32, #tpu.memory_space<vmem>>, vector<1000x128xf32>,
    } else {
    }
    %get3A = arith.constant 0 : index
    %get3A_2 = arith.constant 0 : index
    %get3A_3 = vector.load %arg1[%get3A, %get3A_2] : memref<400x128xf32, #tpu.memory_space<vmem>>, vector<400x128xf32>
    %get3A_4 = arith.constant 0 : index
    %get3A_5 = arith.constant 0 : index
    %get3A_6 = vector.load %arg5[%get3A_4, %get3A_5] : memref<128x128xf32, #tpu.memory_space<vmem>>, vector<128x128xf32>
    %dot_general3A = arith.constant dense<0.000000e+00> : vector<400x128xf32>
    %dot_general3A_7 = tpu.matmul %get3A_3, %get3A_6, %dot_general3A {dimension_numbers = #tpu.dot_dimension_numbers<[1], [0], [0], [1], [0, 0, 1, 1], [], []>, transpose_lhs_hint = false} : vector<400x128xf32>, vector<128x128xf32>, vector<400x128xf32> -> vector<400x128xf32>
    %get3A_8 = arith.constant 0 : index
    %get3A_9 = arith.constant 0 : index
    %get3A_10 = vector.load %arg2[%get3A_8, %get3A_9] : memref<400x1xf32, #tpu.memory_space<vmem>>, vector<400x1xf32>
    %get3A_11 = arith.constant 0 : index
    %get3A_12 = arith.constant 0 : index
    %get3A_13 = vector.load %arg1[%get3A_11, %get3A_12] : memref<400x128xf32, #tpu.memory_space<vmem>>, vector<400x128xf32>
    %mul3A = vector.broadcast %get3A_10 : vector<400x1xf32> to vector<400x128xf32>
    %mul3A_14 = arith.mulf %mul3A, %get3A_13 : vector<400x128xf32>
    %get3A_15 = arith.constant 0 : index
    %get3A_16 = arith.constant 0 : index
    %get3A_17 = vector.load %arg6[%get3A_15, %get3A_16] : memref<128x128xf32, #tpu.memory_space<vmem>>, vector<128x128xf32>
    %dot_general3A_18 = arith.constant dense<0.000000e+00> : vector<400x128xf32>
    %dot_general3A_19 = tpu.matmul %mul3A_14, %get3A_17, %dot_general3A_18 {dimension_numbers = #tpu.dot_dimension_numbers<[1], [0], [0], [1], [0, 0, 1, 1], [], []>, transpose_lhs_hint = false} : vector<400x128xf32>, vector<128x128xf32>, vector<400x128xf32> -> vector<400x128xf32>
    %add3A = arith.addf %dot_general3A_7, %dot_general3A_19 : vector<400x128xf32>
    %get3A_20 = arith.constant 0 : index
    %get3A_21 = arith.constant 0 : index
    %get3A_22 = vector.load %arg3[%get3A_20, %get3A_21] : memref<400x1000xf32, #tpu.memory_space<vmem>>, vector<400x1000xf32>
    %get3A_23 = arith.constant 0 : index
    %get3A_24 = arith.constant 0 : index
    %get3A_25 = vector.load %arg9[%get3A_23, %get3A_24] : memref<1000x128xf32, #tpu.memory_space<vmem>>, vector<1000x128xf32>
    %dot_general3A_26 = arith.constant dense<0.000000e+00> : vector<400x128xf32>
    %dot_general3A_27 = tpu.matmul %get3A_22, %get3A_25, %dot_general3A_26 {dimension_numbers = #tpu.dot_dimension_numbers<[1], [0], [0], [1], [0, 0, 1, 1], [], []>, transpose_lhs_hint = false} : vector<400x1000xf32>, vector<1000x128xf32>, vector<400x128xf32> -> vector<400x128xf32>
    %add3A_28 = arith.addf %add3A, %dot_general3A_27 : vector<400x128xf32>
    %swap3A = arith.constant 0 : index
    %swap3A_29 = arith.constant 0 : index
    %swap3A_30 = vector.load %arg8[%swap3A, %swap3A_29] : memref<400x128xf32, #tpu.memory_space<vmem>>, vector<400x128xf32>
    tpu.vector_store %arg8[%swap3A, %swap3A_29], %add3A_28 {strides = array<i32>} : memref<400x128xf32, #tpu.memory_space<vmem>>, vector<400x128xf32>,
    return
  }
  func.func @transform_0(%arg0: i32) -> (i32, i32) {
    %c0_i32 = arith.constant 0 : i32
    %c0_i32_0 = arith.constant 0 : i32
    return %arg0, %c0_i32 : i32, i32
  }
  func.func @transform_1(%arg0: i32) -> (i32, i32) {
    %c0_i32 = arith.constant 0 : i32
    %c0_i32_0 = arith.constant 0 : i32
    return %arg0, %c0_i32 : i32, i32
  }
  func.func @transform_2(%arg0: i32) -> (i32, i32) {
    %c0_i32 = arith.constant 0 : i32
    %c0_i32_0 = arith.constant 0 : i32
    return %arg0, %c0_i32 : i32, i32
  }
  func.func @transform_3(%arg0: i32) -> (i32, i32) {
    %c0_i32 = arith.constant 0 : i32
    %c0_i32_0 = arith.constant 0 : i32
    %c0_i32_1 = arith.constant 0 : i32
    return %c0_i32, %c0_i32_0 : i32, i32
  }
  func.func @transform_4(%arg0: i32) -> (i32, i32) {
    %c0_i32 = arith.constant 0 : i32
    %c0_i32_0 = arith.constant 0 : i32
    %c0_i32_1 = arith.constant 0 : i32
    return %c0_i32, %c0_i32_0 : i32, i32
  }
  func.func @transform_5(%arg0: i32) -> (i32, i32) {
    %c0_i32 = arith.constant 0 : i32
    %c0_i32_0 = arith.constant 0 : i32
    %c0_i32_1 = arith.constant 0 : i32
    return %c0_i32, %c0_i32_0 : i32, i32
  }
  func.func @transform_6(%arg0: i32) -> (i32, i32) {
    %c0_i32 = arith.constant 0 : i32
    %c0_i32_0 = arith.constant 0 : i32
    %c0_i32_1 = arith.constant 0 : i32
    return %c0_i32, %c0_i32_0 : i32, i32
  }
  func.func @transform_7(%arg0: i32) -> (i32, i32) {
    %c0_i32 = arith.constant 0 : i32
    %c0_i32_0 = arith.constant 0 : i32
    return %arg0, %c0_i32 : i32, i32
  }
}

module attributes {stable_mosaic.version = 14 : i64} {
  func.func @body(%arg0: i32, %arg1: memref<2000x128xf32, #tpu.memory_space<vmem>>, %arg2: memref<2x2000x128xf32, #tpu.memory_space<vmem>>, %arg3: memref<128x128xf32, #tpu.memory_space<vmem>>, %arg4: memref<1x128xf32, #tpu.memory_space<vmem>>, %arg5: memref<1x128xf32, #tpu.memory_space<vmem>>, %arg6: memref<1x128xf32, #tpu.memory_space<vmem>>, %arg7: memref<10000x128xf32, #tpu.memory_space<vmem>>, %arg8: memref<8x128xf32, #tpu.memory_space<vmem>>) attributes {dimension_semantics = [#tpu.dimension_semantics<arbitrary>], iteration_bounds = array<i64: 5>, scalar_prefetch = 0 : i64, scratch_operands = 1 : i64, tpu.core_type = #tpu.core_type<tc>, window_params = [{transform_indices = @transform_0, window_bounds = array<i64: 2000, 128>}, {transform_indices = @transform_1, window_bounds = array<i64: 2, 2000, 128>}, {pipeline_mode = #tpu.pipeline_mode<synchronous>, transform_indices = @transform_2, window_bounds = array<i64: 128, 128>}, {pipeline_mode = #tpu.pipeline_mode<synchronous>, transform_indices = @transform_3, window_bounds = array<i64: 1, 128>}, {pipeline_mode = #tpu.pipeline_mode<synchronous>, transform_indices = @transform_4, window_bounds = array<i64: 1, 128>}, {pipeline_mode = #tpu.pipeline_mode<synchronous>, transform_indices = @transform_5, window_bounds = array<i64: 1, 128>}, {pipeline_mode = #tpu.pipeline_mode<synchronous>, transform_indices = @transform_6, window_bounds = array<i64: 10000, 128>}]} {
    %get3A = arith.constant 0 : index
    %get3A_0 = arith.constant 0 : index
    %get3A_1 = arith.constant 0 : index
    %get3A_2 = vector.load %arg2[%get3A, %get3A_0, %get3A_1] : memref<2x2000x128xf32, #tpu.memory_space<vmem>>, vector<1x2000x128xf32>
    %get3A_3 = vector.shape_cast %get3A_2 : vector<1x2000x128xf32> to vector<2000x128xf32>
    %get3A_4 = arith.constant 1 : index
    %get3A_5 = arith.constant 0 : index
    %get3A_6 = arith.constant 0 : index
    %get3A_7 = vector.load %arg2[%get3A_4, %get3A_5, %get3A_6] : memref<2x2000x128xf32, #tpu.memory_space<vmem>>, vector<1x2000x128xf32>
    %get3A_8 = vector.shape_cast %get3A_7 : vector<1x2000x128xf32> to vector<2000x128xf32>
    %add3A = arith.addf %get3A_3, %get3A_8 : vector<2000x128xf32>
    %get3A_9 = arith.constant 0 : index
    %get3A_10 = arith.constant 0 : index
    %get3A_11 = vector.load %arg1[%get3A_9, %get3A_10] : memref<2000x128xf32, #tpu.memory_space<vmem>>, vector<2000x128xf32>
    %get3A_12 = arith.constant 0 : index
    %get3A_13 = arith.constant 0 : index
    %get3A_14 = vector.load %arg3[%get3A_12, %get3A_13] : memref<128x128xf32, #tpu.memory_space<vmem>>, vector<128x128xf32>
    %dot_general3A = arith.constant dense<0.000000e+00> : vector<2000x128xf32>
    %dot_general3A_15 = tpu.matmul %add3A, %get3A_14, %dot_general3A {dimension_numbers = #tpu.dot_dimension_numbers<[1], [0], [0], [1], [0, 0, 1, 1], [], []>, transpose_lhs_hint = false} : vector<2000x128xf32>, vector<128x128xf32>, vector<2000x128xf32> -> vector<2000x128xf32>
    %add3A_16 = arith.addf %get3A_11, %dot_general3A_15 : vector<2000x128xf32>
    %get3A_17 = arith.constant 0 : index
    %get3A_18 = arith.constant 0 : index
    %get3A_19 = vector.load %arg4[%get3A_17, %get3A_18] : memref<1x128xf32, #tpu.memory_space<vmem>>, vector<1x128xf32>
    %add3A_20 = vector.broadcast %get3A_19 : vector<1x128xf32> to vector<2000x128xf32>
    %add3A_21 = arith.addf %add3A_16, %add3A_20 : vector<2000x128xf32>
    %mul3A = arith.constant 2000 : i32
    %mul3A_22 = arith.muli %arg0, %mul3A : i32
    %swap3A = arith.index_cast %mul3A_22 : i32 to index
    %swap3A_23 = arith.constant 0 : index
    %swap3A_24 = vector.load %arg7[%swap3A, %swap3A_23] : memref<10000x128xf32, #tpu.memory_space<vmem>>, vector<2000x128xf32>
    tpu.vector_store %arg7[%swap3A, %swap3A_23], %add3A_21 {strides = array<i32>} : memref<10000x128xf32, #tpu.memory_space<vmem>>, vector<2000x128xf32>,
    %eq3A = arith.constant 0 : i32
    %eq3A_25 = arith.cmpi eq, %arg0, %eq3A : i32
    %convert_element_type3A = arith.extui %eq3A_25 : i1 to i32
    %cond3A = arith.constant 0 : i32
    %cond3A_26 = arith.cmpi ne, %convert_element_type3A, %cond3A : i32
    scf.if %cond3A_26 {
      %broadcast_in_dim3A_51 = arith.constant 0.000000e+00 : f32
      %broadcast_in_dim3A_52 = vector.broadcast %broadcast_in_dim3A_51 : f32 to vector<8x128xf32>
      %swap3A_53 = arith.constant 0 : index
      %swap3A_54 = arith.constant 0 : index
      %swap3A_55 = vector.load %arg8[%swap3A_53, %swap3A_54] : memref<8x128xf32, #tpu.memory_space<vmem>>, vector<8x128xf32>
      tpu.vector_store %arg8[%swap3A_53, %swap3A_54], %broadcast_in_dim3A_52 {strides = array<i32>} : memref<8x128xf32, #tpu.memory_space<vmem>>, vector<8x128xf32>,
    } else {
    }
    %get3A_27 = arith.constant 0 : index
    %get3A_28 = arith.constant 0 : index
    %get3A_29 = vector.load %arg8[%get3A_27, %get3A_28] : memref<8x128xf32, #tpu.memory_space<vmem>>, vector<1x128xf32>
    %reduce_sum3A = arith.constant dense<0.000000e+00> : vector<128xf32>
    %reduce_sum3A_30 = vector.multi_reduction <add>, %add3A_21, %reduce_sum3A [0] : vector<2000x128xf32> to vector<128xf32>
    %broadcast_in_dim3A = vector.shape_cast %reduce_sum3A_30 : vector<128xf32> to vector<1x128xf32>
    %add3A_31 = arith.addf %get3A_29, %broadcast_in_dim3A : vector<1x128xf32>
    %swap3A_32 = arith.constant 0 : index
    %swap3A_33 = arith.constant 0 : index
    %swap3A_34 = vector.load %arg8[%swap3A_32, %swap3A_33] : memref<8x128xf32, #tpu.memory_space<vmem>>, vector<1x128xf32>
    tpu.vector_store %arg8[%swap3A_32, %swap3A_33], %add3A_31 {strides = array<i32>} : memref<8x128xf32, #tpu.memory_space<vmem>>, vector<1x128xf32>,
    %get3A_35 = arith.constant 1 : index
    %get3A_36 = arith.constant 0 : index
    %get3A_37 = vector.load %arg8[%get3A_35, %get3A_36] : memref<8x128xf32, #tpu.memory_space<vmem>>, vector<1x128xf32>
    %mul3A_38 = arith.mulf %add3A_21, %add3A_21 : vector<2000x128xf32>
    %reduce_sum3A_39 = arith.constant dense<0.000000e+00> : vector<128xf32>
    %reduce_sum3A_40 = vector.multi_reduction <add>, %mul3A_38, %reduce_sum3A_39 [0] : vector<2000x128xf32> to vector<128xf32>
    %broadcast_in_dim3A_41 = vector.shape_cast %reduce_sum3A_40 : vector<128xf32> to vector<1x128xf32>
    %add3A_42 = arith.addf %get3A_37, %broadcast_in_dim3A_41 : vector<1x128xf32>
    %swap3A_43 = arith.constant 1 : index
    %swap3A_44 = arith.constant 0 : index
    %swap3A_45 = vector.load %arg8[%swap3A_43, %swap3A_44] : memref<8x128xf32, #tpu.memory_space<vmem>>, vector<1x128xf32>
    tpu.vector_store %arg8[%swap3A_43, %swap3A_44], %add3A_42 {strides = array<i32>} : memref<8x128xf32, #tpu.memory_space<vmem>>, vector<1x128xf32>,
    %eq3A_46 = arith.constant 4 : i32
    %eq3A_47 = arith.cmpi eq, %arg0, %eq3A_46 : i32
    %convert_element_type3A_48 = arith.extui %eq3A_47 : i1 to i32
    %cond3A_49 = arith.constant 0 : i32
    %cond3A_50 = arith.cmpi ne, %convert_element_type3A_48, %cond3A_49 : i32
    scf.if %cond3A_50 {
      %get3A_51 = arith.constant 0 : index
      %get3A_52 = arith.constant 0 : index
      %get3A_53 = vector.load %arg8[%get3A_51, %get3A_52] : memref<8x128xf32, #tpu.memory_space<vmem>>, vector<1x128xf32>
      %mul3A_54 = arith.constant 9.99999974E-5 : f32
      %mul3A_55 = vector.broadcast %mul3A_54 : f32 to vector<1x128xf32>
      %mul3A_56 = arith.mulf %get3A_53, %mul3A_55 : vector<1x128xf32>
      %get3A_57 = arith.constant 1 : index
      %get3A_58 = arith.constant 0 : index
      %get3A_59 = vector.load %arg8[%get3A_57, %get3A_58] : memref<8x128xf32, #tpu.memory_space<vmem>>, vector<1x128xf32>
      %mul3A_60 = arith.constant 9.99999974E-5 : f32
      %mul3A_61 = vector.broadcast %mul3A_60 : f32 to vector<1x128xf32>
      %mul3A_62 = arith.mulf %get3A_59, %mul3A_61 : vector<1x128xf32>
      %mul3A_63 = arith.mulf %mul3A_56, %mul3A_56 : vector<1x128xf32>
      %sub3A = arith.subf %mul3A_62, %mul3A_63 : vector<1x128xf32>
      %get3A_64 = arith.constant 0 : index
      %get3A_65 = arith.constant 0 : index
      %get3A_66 = vector.load %arg5[%get3A_64, %get3A_65] : memref<1x128xf32, #tpu.memory_space<vmem>>, vector<1x128xf32>
      %add3A_67 = arith.constant 9.99999974E-6 : f32
      %add3A_68 = vector.broadcast %add3A_67 : f32 to vector<1x128xf32>
      %add3A_69 = arith.addf %sub3A, %add3A_68 : vector<1x128xf32>
      %rsqrt3A = math.rsqrt %add3A_69 : vector<1x128xf32>
      %mul3A_70 = arith.mulf %get3A_66, %rsqrt3A : vector<1x128xf32>
      %get3A_71 = arith.constant 0 : index
      %get3A_72 = arith.constant 0 : index
      %get3A_73 = vector.load %arg6[%get3A_71, %get3A_72] : memref<1x128xf32, #tpu.memory_space<vmem>>, vector<1x128xf32>
      %mul3A_74 = arith.mulf %mul3A_56, %mul3A_70 : vector<1x128xf32>
      %sub3A_75 = arith.subf %get3A_73, %mul3A_74 : vector<1x128xf32>
      %get3A_76 = arith.constant 0 : index
      %get3A_77 = arith.constant 0 : index
      %get3A_78 = vector.load %arg7[%get3A_76, %get3A_77] : memref<10000x128xf32, #tpu.memory_space<vmem>>, vector<10000x128xf32>
      %mul3A_79 = vector.broadcast %mul3A_70 : vector<1x128xf32> to vector<10000x128xf32>
      %mul3A_80 = arith.mulf %get3A_78, %mul3A_79 : vector<10000x128xf32>
      %add3A_81 = vector.broadcast %sub3A_75 : vector<1x128xf32> to vector<10000x128xf32>
      %add3A_82 = arith.addf %mul3A_80, %add3A_81 : vector<10000x128xf32>
      %swap3A_83 = arith.constant 0 : index
      %swap3A_84 = arith.constant 0 : index
      %swap3A_85 = vector.load %arg7[%swap3A_83, %swap3A_84] : memref<10000x128xf32, #tpu.memory_space<vmem>>, vector<10000x128xf32>
      tpu.vector_store %arg7[%swap3A_83, %swap3A_84], %add3A_82 {strides = array<i32>} : memref<10000x128xf32, #tpu.memory_space<vmem>>, vector<10000x128xf32>,
    } else {
    }
    return
  }
  func.func @transform_0(%arg0: i32) -> (i32, i32) {
    %c0_i32 = arith.constant 0 : i32
    %c0_i32_0 = arith.constant 0 : i32
    return %arg0, %c0_i32 : i32, i32
  }
  func.func @transform_1(%arg0: i32) -> (i32, i32, i32) {
    %c0_i32 = arith.constant 0 : i32
    %c0_i32_0 = arith.constant 0 : i32
    %c0_i32_1 = arith.constant 0 : i32
    return %c0_i32, %arg0, %c0_i32_0 : i32, i32, i32
  }
  func.func @transform_2(%arg0: i32) -> (i32, i32) {
    %c0_i32 = arith.constant 0 : i32
    %c0_i32_0 = arith.constant 0 : i32
    %c0_i32_1 = arith.constant 0 : i32
    return %c0_i32, %c0_i32_0 : i32, i32
  }
  func.func @transform_3(%arg0: i32) -> (i32, i32) {
    %c0_i32 = arith.constant 0 : i32
    %c0_i32_0 = arith.constant 0 : i32
    %c0_i32_1 = arith.constant 0 : i32
    return %c0_i32, %c0_i32_0 : i32, i32
  }
  func.func @transform_4(%arg0: i32) -> (i32, i32) {
    %c0_i32 = arith.constant 0 : i32
    %c0_i32_0 = arith.constant 0 : i32
    %c0_i32_1 = arith.constant 0 : i32
    return %c0_i32, %c0_i32_0 : i32, i32
  }
  func.func @transform_5(%arg0: i32) -> (i32, i32) {
    %c0_i32 = arith.constant 0 : i32
    %c0_i32_0 = arith.constant 0 : i32
    %c0_i32_1 = arith.constant 0 : i32
    return %c0_i32, %c0_i32_0 : i32, i32
  }
  func.func @transform_6(%arg0: i32) -> (i32, i32) {
    %c0_i32 = arith.constant 0 : i32
    %c0_i32_0 = arith.constant 0 : i32
    %c0_i32_1 = arith.constant 0 : i32
    return %c0_i32, %c0_i32_0 : i32, i32
  }
}

</mosaic_0001>

<sc_bundles>
// kernel: kernel.5.cloned.1.call-start
scs
__scs_entry_jumppad:
0x0: {  	(pc) =	sbr.rel $0x88, $3  }
0x1: {  	(tag) =	ssettag $0x0;
	lr =	simm.s32 $0x1  }
0x2: {  	[smem:$0x3F92] =	sst lr;
	_ =	strace $0xD0000000  }
0x3: {  	_ = 	snop  }
0x4: {  	_ = 	snop  }
0x5: {  	_ = 	snop  }
0x6: {  	_ = 	snop  }
0x7: {  	_ = 	snop  }
__scs_overlays_trampoline_lowered:
0x8: {  	[smem:$0x3FA1] =	sst s0  }
0x9: {  	[smem:$0x3FA2] =	sst s1  }
0xa: {  	[smem:$0x3FA3] =	sst s2  }
0xb: {  	[smem:$0x3FA4] =	sst s3  }
0xc: {  	[smem:$0x3FA5] =	sst s4  }
0xd: {  	[smem:$0x3FA6] =	sst s5  }
0xe: {  	[smem:$0x3FA7] =	sst s6  }
0xf: {  	[smem:$0x3FA8] =	sst s7  }
0x10: {  	[smem:$0x3FA9] =	sst s8  }
0x11: {  	[smem:$0x3FAA] =	sst s9;
	s0 =	simm.s32 @!p0 $0x0  }
0x12: {  	s1 =	sld [smem:$0x3F90];
	s0 =	simm.s32 @p0 $0x1  }
0x13: {  	[smem:$0x3FAB] =	sst s0;
	s0 =	simm.s32 @!p1 $0x0  }
0x14: {  	s2 =	sld [smem:$0x3F8F];
	s0 =	simm.s32 @p1 $0x1  }
0x15: {  	[smem:$0x3FAC] =	sst s0;
	s0 =	simm.s32 @!p2 $0x0  }
0x16: {  	s3 =	sld [smem:$0x3FDB];
	s0 =	simm.s32 @p2 $0x1  }
0x17: {  	s4 =	simm.s32 $0x1BF5;
	[smem:$0x3FAE] =	sst s0  }
0x18: {  	s0 =	sld [smem:$0x3F91];
	_ =	swait.ge [sflag:s4], $0x0  }
0x19: {  	s7 =	sld [smem:$0x3F92]  }
0x1a: {  	s8 =	sadd.s32 $0xFFFFE003, lr  }
0x1b: {  	s9 =	sadd.s32 $0xFFFFFEF7, lr;
	s5 =	simm.s32 $0xFFFFFFFF;
	p2 =	slt.u32 s8, $0xFFFFF086  }
0x1c: {  	p1 =	slt.u32 s9, $0xF7A;
	s5 =	simm.s32 @!p2 $0x0  }
0x1d: {  	s5 =	simm.s32 @p1 $0x1;
	p0 =	seq.s32 s7, s2  }
0x1e: {  	s7 =	smul.u32 @!p0 $0xF7A, s2;
	p2 =	seq.s32 @!p0 s5, $0x0  }
0x1f: {  	s9 =	smul.u32 $0xF7A, s1;
	s8 =	simm.s32 @!p0 $0x1BF5;
	p2 =	por !p2, p0  }
0x20: {  	[sflag:s8] =	ssyncset.s32 @!p0 $0xFFFFF086;
	s6 =	sadd.s32 @!p0 s3, s7;
	s7 =	simm.s32 @!p0 $0x108  }
0x21: {  	s3 =	sadd.s32 s3, s9;
	s6 =	sadd.s32 @!p0 $0x88, s6;
	s7 =	simm.s32 @p2 $0x1082  }
0x22: {  	[simem:s7], [sflag:s8] =	dma.local @!p0 [hbm:s6], $0xF7A  }
0x23: {  	s9 =	sor.u32 $0xD0000000, s2;
	s6 =	simm.s32 $0x108;
	_ =	swait.ge @!p0 [sflag:s8], $0x0  }
0x24: {  	s3 =	sadd.s32 $0x88, s3;
	s6 =	simm.s32 @!p1 $0x1082;
	[sflag:s4] =	ssyncset.s32 $0xFFFFF086  }
0x25: {  	[simem:s6], [sflag:s4] =	dma.local [hbm:s3], $0xF7A  }
0x26: {  	[smem:$0x3F92] =	sst s1;
	(tag) =	ssettag s2;
	_ =	strace s9  }
0x27: {  	s1 =	sld [smem:$0x3FA2]  }
0x28: {  	s2 =	sld [smem:$0x3FA3]  }
0x29: {  	s4 =	sld [smem:$0x3FA5]  }
0x2a: {  	p0 =	seq.s32 s5, $0x0;
	s5 =	sld [smem:$0x3FA6]  }
0x2b: {  	s6 =	sld [smem:$0x3FA7]  }
0x2c: {  	s7 =	sld [smem:$0x3FA8]  }
0x2d: {  	s3 =	simm.s32 $0x108;
	s8 =	sld [smem:$0x3FA9]  }
0x2e: {  	s3 =	simm.s32 @!p0 $0x1082;
	s9 =	sld [smem:$0x3FAA]  }
0x2f: {  	lr =	sadd.s32 s0, s3;
	s0 =	sld [smem:$0x3FA1]  }
0x30: {  	s3 =	sld [smem:$0x3FA4]  }
0x31: {  	[smem:$0x3FAD] =	sst s10  }
0x32: {  	s10 =	sld [smem:$0x3FAB];
	_ =	sdelay $0x3  }
0x33: {  	p0 =	seq.s32 s10, $0x1;
	s10 =	sld [smem:$0x3FAD];
	_ =	sdelay $0x3  }
0x34: {  	[smem:$0x3FAD] =	sst s10  }
0x35: {  	s10 =	sld [smem:$0x3FAC];
	_ =	sdelay $0x3  }
0x36: {  	p1 =	seq.s32 s10, $0x1;
	s10 =	sld [smem:$0x3FAD];
	_ =	sdelay $0x3  }
0x37: {  	[smem:$0x3FAD] =	sst s10  }
0x38: {  	s10 =	sld [smem:$0x3FAE]  }
0x39: {  	_ = 	snop;
	(pc) =	sbr.ind lr, $3  }
0x3a: {  	_ = 	snop  }
0x3b: {  	_ = 	snop  }
0x3c: {  	p2 =	seq.s32 s10, $0x1;
	s10 =	sld [smem:$0x3FAD]  }
0x3d: {  	_ =	shalt  }
0x3e: {  	_ =	shalt  }
0x3f: {  	_ =	shalt  }
0x40: {  	_ =	shalt  }
0x41: {  	_ =	shalt  }
0x42: {  	_ =	shalt  }
0x43: {  	_ =	shalt  }
0x44: {  	_ =	shalt  }
0x45: {  	_ =	shalt  }
0x46: {  	_ =	shalt  }
0x47: {  	_ =	shalt  }
0x48: {  	_ =	shalt  }
0x49: {  	_ =	shalt  }
0x4a: {  	_ =	shalt  }
0x4b: {  	_ =	shalt  }
0x4c: {  	_ =	shalt  }
0x4d: {  	_ =	shalt  }
0x4e: {  	_ =	shalt  }
0x4f: {  	_ =	shalt  }
0x50: {  	_ =	shalt  }
0x51: {  	_ =	shalt  }
0x52: {  	_ =	shalt  }
0x53: {  	_ =	shalt  }
0x54: {  	_ =	shalt  }
0x55: {  	_ =	shalt  }
0x56: {  	_ =	shalt  }
0x57: {  	_ =	shalt  }
0x58: {  	_ =	shalt  }
0x59: {  	_ =	shalt  }
0x5a: {  	_ =	shalt  }
0x5b: {  	_ =	shalt  }
0x5c: {  	_ =	shalt  }
0x5d: {  	_ =	shalt  }
0x5e: {  	_ =	shalt  }
0x5f: {  	_ =	shalt  }
0x60: {  	_ =	shalt  }
0x61: {  	_ =	shalt  }
0x62: {  	_ =	shalt  }
0x63: {  	_ =	shalt  }
0x64: {  	_ =	shalt  }
0x65: {  	_ =	shalt  }
0x66: {  	_ =	shalt  }
0x67: {  	_ =	shalt  }
0x68: {  	_ =	shalt  }
0x69: {  	_ =	shalt  }
0x6a: {  	_ =	shalt  }
0x6b: {  	_ =	shalt  }
0x6c: {  	_ =	shalt  }
0x6d: {  	_ =	shalt  }
0x6e: {  	_ =	shalt  }
0x6f: {  	_ =	shalt  }
0x70: {  	_ =	shalt  }
0x71: {  	_ =	shalt  }
0x72: {  	_ =	shalt  }
0x73: {  	_ =	shalt  }
0x74: {  	_ =	shalt  }
0x75: {  	_ =	shalt  }
0x76: {  	_ =	shalt  }
0x77: {  	_ =	shalt  }
0x78: {  	_ =	shalt  }
0x79: {  	_ =	shalt  }
0x7a: {  	_ =	shalt  }
0x7b: {  	_ =	shalt  }
0x7c: {  	_ =	shalt  }
0x7d: {  	_ =	shalt  }
0x7e: {  	_ =	shalt  }
0x7f: {  	_ =	shalt  }
0x80: {  	_ =	shalt  }
0x81: {  	_ =	shalt  }
0x82: {  	_ =	shalt  }
0x83: {  	_ =	shalt  }
0x84: {  	_ =	shalt  }
0x85: {  	_ =	shalt  }
0x86: {  	_ =	shalt  }
0x87: {  	_ =	shalt  }
.Lfunc_end0:
.L_simem_size_0:
called_computation_lowered:
.L_overlay_start_0:
0x88: {  	s2 =	sld [smem:$0x3FD9]  }
0x89: {  	s3 =	sld [smem:$0x3FFE];
	_ =	sdelay $0x1  }
0x8a: {  	s1 =	srdreg.scid  }
0x8b: {  	s0 =	sand.u32 $0x1, s1  }
0x8c: {  	s17 =	sshll.u32 s0, $0xA;
	s2 =	sadd.s32 s3, s2  }
0x8d: {  	s2 =	sadd.s32 s2, s17  }
0x8e: {  	[smem:$0x3FB9] =	sst s2  }
0x8f: {  	_ = 	snop  }
0x90: {  	s2 =	sld [smem:$0x3FC9]  }
0x91: {  	s18 =	sld [smem:$0x3FC5];
	(tm) =	ssettm $0x1  }
0x92: {  	s4 =	sld [smem:$0x3FFB];
	_ =	sdelay $0x3  }
0x93: {  	_ =	strace s4  }
0x94: {  	s4 =	sld [smem:$0x3FFC];
	_ =	sdelay $0x3  }
0x95: {  	_ =	strace s4  }
0x96: {  	s4 =	sld [smem:$0x3FFD];
	_ =	sdelay $0x3  }
0x97: {  	_ =	strace s4  }
0x98: {  	_ =	strace $0x8FFFFFFF  }
0x99: {  	s19 =	sld [smem:$0x3FDB];
	_ =	sdelay $0x1  }
0x9a: {  	s5 =	simm.s32 $_scs_section_size  }
0x9b: {  	s6 =	simm.s32 $_size__tile_overlayer_lowered;
	s7 =	simm.s32 $_tile_overlayer_lowered  }
0x9c: {  	s22 =	simm.s32 $0x1BFF;
	s21 =	sshll.u32 s7, $0x1;
	s4 =	sadd.s32 s5, s19  }
0x9d: {  	s8 =	simm.s32 $0x0;
	s20 =	sshll.u32 s6, $0x1;
	s6 =	sadd.s32 s21, s4  }
0x9e: {  	[timem:s8], [sflag:s22] =	dma.local [hbm:s6], s20  }
0x9f: {  	_ =	swait.ge [sflag:s22], s20  }
0xa0: {  	s5 =	ssub.s32 $0x0, s20;
	[sflag:s22] =	ssyncset.done $0x0  }
0xa1: {  	[sflag:s22] =	ssyncadd.s32 s5;
	_ =	sdelay $0x1  }
0xa2: {  	s23 =	simm.s32 $0x1B8B  }
0xa3: {  	_ =	swait.ge [sflag:s23], $0x1  }
0xa4: {  	[sflag:s23] =	ssyncset.done $0x0  }
0xa5: {  	s25 =	simm.s32 $0x1B8E;
	s24 =	sld [smem:$0x3FFE];
	[sflag:s23] =	ssyncadd.s32 $0xFFFFFFFF  }
0xa6: {  	s26 =	simm.s32 $execute0_lowered;
	[smem:$0x3FD2] =	sst s25  }
0xa7: {  	s6 =	sshll.u32 s26, $0x1;
	_ =	strace $0x80000046;
	[dreg:$0x1] =	wrdreg $0xFFFFFFFF  }
0xa8: {  	s28 =	simm.s32 $_size_execute0_lowered;
	s4 =	sadd.s32 s4, s6;
	[dreg:$0x0] =	wrdreg $0x0  }
0xa9: {  	s6 =	sshll.u32 s28, $0x1;
	[dreg:$0x2] =	wrdreg s4  }
0xaa: {  	[dreg:$0x3] =	wrdreg s6  }
0xab: {  	[dreg:$0x4] =	wrdreg $0xC0  }
0xac: {  	_ =	task [dreg:s8], $0x5FFFF  }
0xad: {  	[dreg:$0x1] =	wrdreg $0xFFFFFFFF  }
0xae: {  	[dreg:$0x0] =	wrdreg $0x60  }
0xaf: {  	[dreg:$0x2] =	wrdreg s2  }
0xb0: {  	[dreg:$0x3] =	wrdreg s18  }
0xb1: {  	[dreg:$0x4] =	wrdreg s24  }
0xb2: {  	[dreg:$0x5] =	wrdreg $0x0  }
0xb3: {  	[dreg:$0x6] =	wrdreg $0x9  }
0xb4: {  	_ =	task.clear_ibuf [dreg:s8], $0x7FFFF;
	_ =	strace $0x90000046  }
0xb5: {  	s29 =	simm.s32 $0x9;
	_ =	strace $0x80000048  }
0xb6: {  	_ =	swait.ge [sflag:s29], $0x1  }
0xb7: {  	[sflag:s29] =	ssyncadd.s32 $0xFFFFFFFF  }
0xb8: {  	_ =	strace $0x90000048  }
0xb9: {  	_ =	sfence  }
0xba: {  	s30 =	sld [smem:$0x0];
	_ =	sdelay $0x2  }
0xbb: {  	s31 =	sshll.u32 s1, $0xD;
	s1 =	sshrl.u32 s1, $0x2  }
0xbc: {  	s3 =	sand.u32 $0x4000, s31;
	s1 =	sadd.s32 s1, s30  }
0xbd: {  	s0 =	sor.u32 s3, s0;
	s1 =	sshll.u32 s1, $0x11  }
0xbe: {  	s0 =	sor.u32 s1, s0  }
0xbf: {  	s0 =	sadd.s32 $0x8F2B, s0  }
0xc0: {  	[sflag:s0] =	ssyncadd.remote.s32 $0x1  }
0xc1: {  	_ =	sfence.sel $0xFFFF  }
0xc2: {  	[dreg:$0x0] =	wrdreg $0xFFFFFFFF;
	(pc) =	sbr.abs _section_cstart, $3  }
0xc3: {  	[dreg:$0x1] =	wrdreg $0xFFFFFFFF  }
0xc4: {  	_ =	task.clear_ibuf [dreg:s8], $0x2FFFF;
	_ =	strace $0x9FFFFFFF  }
0xc5: {  	(tm) =	ssettm $0x7FFFFFFF  }
tec
execute0_lowered:
.L_overlay_start_1:
0x0: {  	(tag) =	ssettag $0x1  }
0x1: {  	s1 =	rddreg [dreg:$0x0]  }
0x2: {  	s0 =	rddreg [dreg:$0x1]  }
0x3: {  	s2 =	rddreg [dreg:$0x2]  }
0x4: {  	s3 =	rddreg [dreg:$0x3]  }
0x5: {  	s4 =	srdreg.scid;
	s12 =	stileid.u32;
	s30 =	simm.s32 $0x16800  }
0x6: {  	s31 =	simm.s32 $0xB;
	s5 =	sand.u32 $0x1, s4;
	s10 =	smul.u32 $0x50000, s12  }
0x7: {  	s6 =	sshll.u32 s12, $0x1;
	s4 =	simm.s32 $0x0;
	s18 =	smul.u32 $0x2800, s12  }
0x8: {  	s29 =	sadd.s32 $0x10, s0;
	s12 =	simm.s32 $0x1EA00;
	s7 =	smul.u32 $0x28000, s5  }
0x9: {  	s6 =	sor.u32 s5, s6;
	[smem:$0x7FF] =	sst s4;
	s5 =	ssub.s32 $0x2, s5  }
0xa: {  	s8 =	smul.u32 $0x280, s6;
	_ =	strace $0x80000047;
	s10 =	sshrl.u32 s10, $0x2  }
0xb: {  	s9 =	smul.u32 $0x1400, s6;
	s25 =	sshrl.u32 s5, $0x1;
	s24 =	sadd.s32 s10, s3  }
0xc: {  	p0 =	sgt.u32 s6, $0x1C;
	s26 =	sadd.s32 s0, s8;
	[dreg:$0x7] =	wrdreg s24  }
0xd: {  	s5 =	ssub.s32 s5, s25;
	s8 =	sadd.s32 s8, s29;
	[dreg:$0x5] =	wrdreg s26  }
0xe: {  	s2 =	sadd.s32 s7, s2;
	s5 =	smax.u32 s5, $0x1;
	[dreg:$0x6] =	wrdreg s8  }
0xf: {  	s28 =	sshrl.u32 s9, $0x3;
	s19 =	sadd.s32 $0x2000, s24;
	[dreg:$0xe] =	wrdreg s5  }
0x10: {  	s17 =	sadd.s32 $0x2600, s2;
	s20 =	sadd.s32 $0x4000, s24;
	[dreg:$0xf] =	wrdreg s19  }
0x11: {  	s21 =	sadd.s32 $0x6000, s24;
	s22 =	sadd.s32 $0x8000, s24;
	[dreg:$0x10] =	wrdreg s20  }
0x12: {  	s23 =	sadd.s32 $0xA000, s24;
	s25 =	sadd.s32 $0xC000, s24;
	[dreg:$0x11] =	wrdreg s21  }
0x13: {  	s2 =	simm.s32 $0x40;
	s9 =	simm.s32 $0x1;
	[dreg:$0x12] =	wrdreg s22  }
0x14: {  	s11 =	sadd.s32 $0x5000, s28;
	s14 =	sadd.s32 $0xA000, s28;
	[dreg:$0x13] =	wrdreg s23  }
0x15: {  	s7 =	sadd.s32 $0xF000, s28;
	[dreg:$0x14] =	wrdreg s25;
	s26 =	sadd.s32 $0xE000, s24  }
0x16: {  	s28 =	sadd.s32 $0x10000, s24;
	s5 =	simm.s32 $0x18800;
	[dreg:$0x15] =	wrdreg s26  }
0x17: {  	s19 =	simm.s32 $0x4;
	s10 =	sadd.s32 s0, s11;
	[dreg:$0x16] =	wrdreg s28  }
0x18: {  	s20 =	simm.s32 $0x7;
	s13 =	sadd.s32 s11, s29;
	[dreg:$0x8] =	wrdreg s10  }
0x19: {  	s21 =	simm.s32 $0x1EB80;
	s15 =	sadd.s32 s0, s14;
	[dreg:$0x9] =	wrdreg s13  }
0x1a: {  	s22 =	simm.s32 $0x8;
	s8 =	sadd.s32 s14, s29;
	[dreg:$0xa] =	wrdreg s15  }
0x1b: {  	s23 =	simm.s32 $0xA;
	s0 =	sadd.s32 s0, s7;
	[dreg:$0xb] =	wrdreg s8  }
0x1c: {  	s16 =	sadd.s32 s7, s29;
	s29 =	sadd.s32 $0x12000, s24;
	[dreg:$0xc] =	wrdreg s0  }
.Ltmp0:
0x1d: {  	s11 =	simm.s32 $0x1C800;
	[dreg:$0xd] =	wrdreg s16;
	(pc) =	sbr.rel .LBB2_1-.Ltmp0, $4  }
0x1e: {  	s14 =	simm.s32 $0x5;
	[dreg:$0x17] =	wrdreg s29;
	s0 =	sadd.s32 s18, s17  }
0x1f: {  	s8 =	simm.s32 $0x1A800;
	s10 =	simm.s32 $0x1E980;
	s13 =	simm.s32 $0x2  }
0x20: {  	s15 =	simm.s32 $0x1EA80;
	s16 =	simm.s32 $0x3;
	s17 =	simm.s32 $0x6  }
0x21: {  	v0 =	vimm.f32 $0.0e+00;
	s18 =	simm.s32 $0x1EB00;
	[dreg:$0x18] =	wrdreg s0;
	s0 =	simm.s32 $0x9  }
.LBB2_12:
0x22: {  	[spmem:s3] =	stream.indirect.scatter.add.f32 [tilespmem:s11], [sflag:$0x8], $0x80, s21, s2, $0xb8;
	[tilespmem:$0x1EC00] =	vst v63  }
0x23: {  	_ =	swait.ge [sflag:s22], $0x2000  }
0x24: {  	[sflag:s22] =	ssyncset.done $0x0  }
0x25: {  	[sflag:s22] =	ssyncadd.s32 $0xFFFFE000  }
.LBB2_13:
0x26: {  	s6 =	stileid.u32;
	[bflag:$0x0] =	sbarrier.arrive $0xFFFF  }
0x27: {  	s6 =	sshll.u32 s6, $0x6;
	s24 =	rddreg [dreg:$0x7]  }
0x28: {  	s25 =	rddreg [dreg:$0x18];
	s6 =	sor.u32 $0x1C0B, s6;
	s7 =	sshrl.u32 s24, $0x3  }
0x29: {  	[hbm:s25], [sflag:s6] =	dma.local [spmem:s7], $0x2800  }
0x2a: {  	_ =	swait.ge [sflag:s31], $0x2800  }
0x2b: {  	s4 =	sadd.s32 $0x1, s4;
	s29 =	rddreg [dreg:$0xe]  }
0x2c: {  	p1 =	sne.s32 s4, s29  }
.Ltmp1:
0x2d: {  	_ = 	snop;
	(pc) =	sbr.rel @!p1 .LBB2_14-.Ltmp1, $3  }
0x2e: {  	_ =	sdelay $0x1  }
0x2f: {  	[sflag:s31] =	ssyncset.done $0x0  }
0x30: {  	[sflag:s31] =	ssyncadd.s32 $0xFFFFD800  }
.LBB2_1:
0x31: {  	s6 =	rddreg [dreg:$0x5]  }
0x32: {  	s7 =	simm.s32 $0x80;
	s25 =	simm.s32 $0x100;
	s26 =	simm.s32 $0x14000  }
0x33: {  	[tilespmem:s26], [sflag:$0x9] =	stream.strided.gather [hbm4b:s6+s7], $0xA00, s25, s7, $0x38;
	[tilespmem:$0x1EC00] =	vst v63  }
0x34: {  	s28 =	rddreg [dreg:$0x6];
	s29 =	simm.s32 $0x15400  }
0x35: {  	[tilespmem:s29], [sflag:$0x9] =	stream.strided.gather [hbm4b:s28+s7], $0xA00, s25, s7, $0x38;
	[tilespmem:$0x1EC00] =	vst v63  }
0x36: {  	s6 =	simm.s32 $0x0;
	s7 =	simm.s32 $0x200  }
.LBB2_2:
0x37: {  	p1 =	sne.s32 s7, $0x7E00;
	[tilespmem:s6+$0x16870] =	vst v0  }
0x38: {  	[tilespmem:s6+$0x16800] =	vst v0  }
0x39: {  	[tilespmem:s6+$0x16810] =	vst v0  }
.Ltmp2:
0x3a: {  	[tilespmem:s6+$0x16820] =	vst v0;
	(pc) =	sbr.rel @p1 .LBB2_2-.Ltmp2, $4  }
0x3b: {  	[tilespmem:s6+$0x16830] =	vst v0  }
0x3c: {  	[tilespmem:s6+$0x16840] =	vst v0  }
0x3d: {  	[tilespmem:s6+$0x16850] =	vst v0  }
0x3e: {  	[tilespmem:s6+$0x16860] =	vst v0;
	s6 =	sshra.s32 s7, $0x2;
	s7 =	sadd.s32 $0x200, s7  }
0x3f: {  	[tilespmem:s6+$0x16870] =	vst v0  }
0x40: {  	[tilespmem:s6+$0x16800] =	vst v0  }
0x41: {  	[tilespmem:s6+$0x16810] =	vst v0  }
0x42: {  	[tilespmem:s6+$0x16820] =	vst v0  }
0x43: {  	[tilespmem:s6+$0x16830] =	vst v0  }
0x44: {  	[tilespmem:s6+$0x16840] =	vst v0  }
0x45: {  	[tilespmem:s6+$0x16850] =	vst v0  }
0x46: {  	[tilespmem:s6+$0x16860] =	vst v0  }
0x47: {  	[spmem:s24] =	stream.linear.scatter [tilespmem:s30], [sflag:$0xB], $0x2000, $0x38;
	[tilespmem:$0x1EC00] =	vst v63  }
0x48: {  	_ =	swait.ge [sflag:s31], $0x2000  }
0x49: {  	[sflag:s31] =	ssyncset.done $0x0  }
0x4a: {  	s25 =	rddreg [dreg:$0xf];
	[sflag:s31] =	ssyncadd.s32 $0xFFFFE000  }
0x4b: {  	[spmem:s25] =	stream.linear.scatter [tilespmem:s30], [sflag:$0xB], $0x2000, $0x38;
	[tilespmem:$0x1EC00] =	vst v63  }
0x4c: {  	_ =	swait.ge [sflag:s31], $0x2000  }
0x4d: {  	[sflag:s31] =	ssyncset.done $0x0  }
0x4e: {  	s26 =	rddreg [dreg:$0x10];
	[sflag:s31] =	ssyncadd.s32 $0xFFFFE000  }
0x4f: {  	[spmem:s26] =	stream.linear.scatter [tilespmem:s30], [sflag:$0xB], $0x2000, $0x38;
	[tilespmem:$0x1EC00] =	vst v63  }
0x50: {  	_ =	swait.ge [sflag:s31], $0x2000  }
0x51: {  	[sflag:s31] =	ssyncset.done $0x0  }
0x52: {  	s29 =	rddreg [dreg:$0x11];
	[sflag:s31] =	ssyncadd.s32 $0xFFFFE000  }
0x53: {  	[spmem:s29] =	stream.linear.scatter [tilespmem:s30], [sflag:$0xB], $0x2000, $0x38;
	[tilespmem:$0x1EC00] =	vst v63  }
0x54: {  	_ =	swait.ge [sflag:s31], $0x2000  }
0x55: {  	[sflag:s31] =	ssyncset.done $0x0  }
0x56: {  	s7 =	rddreg [dreg:$0x12];
	[sflag:s31] =	ssyncadd.s32 $0xFFFFE000  }
0x57: {  	[spmem:s7] =	stream.linear.scatter [tilespmem:s30], [sflag:$0xB], $0x2000, $0x38;
	[tilespmem:$0x1EC00] =	vst v63  }
0x58: {  	_ =	swait.ge [sflag:s31], $0x2000  }
0x59: {  	[sflag:s31] =	ssyncset.done $0x0  }
0x5a: {  	s24 =	rddreg [dreg:$0x13];
	[sflag:s31] =	ssyncadd.s32 $0xFFFFE000  }
0x5b: {  	[spmem:s24] =	stream.linear.scatter [tilespmem:s30], [sflag:$0xB], $0x2000, $0x38;
	[tilespmem:$0x1EC00] =	vst v63  }
0x5c: {  	_ =	swait.ge [sflag:s31], $0x2000  }
0x5d: {  	[sflag:s31] =	ssyncset.done $0x0  }
0x5e: {  	s25 =	rddreg [dreg:$0x14];
	[sflag:s31] =	ssyncadd.s32 $0xFFFFE000  }
0x5f: {  	[spmem:s25] =	stream.linear.scatter [tilespmem:s30], [sflag:$0xB], $0x2000, $0x38;
	[tilespmem:$0x1EC00] =	vst v63  }
0x60: {  	_ =	swait.ge [sflag:s31], $0x2000  }
0x61: {  	[sflag:s31] =	ssyncset.done $0x0  }
0x62: {  	s26 =	rddreg [dreg:$0x15];
	[sflag:s31] =	ssyncadd.s32 $0xFFFFE000  }
0x63: {  	[spmem:s26] =	stream.linear.scatter [tilespmem:s30], [sflag:$0xB], $0x2000, $0x38;
	[tilespmem:$0x1EC00] =	vst v63  }
0x64: {  	_ =	swait.ge [sflag:s31], $0x2000  }
0x65: {  	[sflag:s31] =	ssyncset.done $0x0  }
0x66: {  	s29 =	rddreg [dreg:$0x16];
	[sflag:s31] =	ssyncadd.s32 $0xFFFFE000  }
0x67: {  	[spmem:s29] =	stream.linear.scatter [tilespmem:s30], [sflag:$0xB], $0x2000, $0x38;
	[tilespmem:$0x1EC00] =	vst v63  }
0x68: {  	_ =	swait.ge [sflag:s31], $0x2000  }
0x69: {  	[sflag:s31] =	ssyncset.done $0x0  }
0x6a: {  	s7 =	rddreg [dreg:$0x17];
	[sflag:s31] =	ssyncadd.s32 $0xFFFFE000  }
0x6b: {  	[spmem:s7] =	stream.linear.scatter [tilespmem:s30], [sflag:$0xB], $0x2000, $0x38;
	[tilespmem:$0x1EC00] =	vst v63  }
0x6c: {  	_ =	swait.ge [sflag:s31], $0x2000  }
0x6d: {  	[sflag:s31] =	ssyncset.done $0x0  }
0x6e: {  	[sflag:s31] =	ssyncadd.s32 $0xFFFFE000  }
0x6f: {  	_ =	swait.ge [sflag:s0], $0xA00  }
0x70: {  	[sflag:s0] =	ssyncset.done $0x0  }
0x71: {  	[sflag:s0] =	ssyncadd.s32 $0xFFFFF600  }
0x72: {  	_ =	swait.ge [sflag:s0], $0xA00  }
0x73: {  	[sflag:s0] =	ssyncset.done $0x0  }
0x74: {  	[sflag:s0] =	ssyncadd.s32 $0xFFFFF600  }
0x75: {  	v1 =	vld [tilespmem:$0x14000]  }
0x76: {  	v2 =	vld [tilespmem:$0x14010]  }
0x77: {  	v3 =	vld [tilespmem:$0x14020]  }
0x78: {  	v4 =	vld [tilespmem:$0x14030];
	_ =	sdelay $0x1  }
0x79: {  	[tilespmem:$0x1E800] =	vst v1  }
0x7a: {  	[tilespmem:$0x1E810] =	vst v2  }
0x7b: {  	[tilespmem:$0x1E820] =	vst v3  }
0x7c: {  	s24 =	simm.s32 $0x1E800;
	[tilespmem:$0x1E830] =	vst v4  }
0x7d: {  	[tilespmem:s30], [sflag:$0x1] =	stream.indirect.gather [hbm4b:s1+s2], $0x80, s24, s2, $0xb8;
	[tilespmem:$0x1EC00] =	vst v63  }
0x7e: {  	v1 =	vld [tilespmem:$0x14040]  }
0x7f: {  	v2 =	vld [tilespmem:$0x14050]  }
0x80: {  	v3 =	vld [tilespmem:$0x14060]  }
0x81: {  	v62 =	vld [tilespmem:$0x14070];
	_ =	sdelay $0x1  }
0x82: {  	[tilespmem:$0x1E880] =	vst v1  }
0x83: {  	[tilespmem:$0x1E890] =	vst v2  }
0x84: {  	[tilespmem:$0x1E8A0] =	vst v3  }
0x85: {  	s25 =	simm.s32 $0x1E880;
	[tilespmem:$0x1E8B0] =	vst v62  }
0x86: {  	[tilespmem:s5], [sflag:$0x2] =	stream.indirect.gather [hbm4b:s1+s2], $0x80, s25, s2, $0xb8;
	[tilespmem:$0x1EC00] =	vst v63  }
0x87: {  	v1 =	vld [tilespmem:$0x14080]  }
0x88: {  	v2 =	vld [tilespmem:$0x14090]  }
0x89: {  	v3 =	vld [tilespmem:$0x140A0]  }
0x8a: {  	v63 =	vld [tilespmem:$0x140B0];
	_ =	sdelay $0x1  }
0x8b: {  	[tilespmem:$0x1E900] =	vst v1  }
0x8c: {  	[tilespmem:$0x1E910] =	vst v2  }
0x8d: {  	[tilespmem:$0x1E920] =	vst v3  }
0x8e: {  	s26 =	simm.s32 $0x1E900;
	[tilespmem:$0x1E930] =	vst v63  }
0x8f: {  	[tilespmem:s8], [sflag:$0x3] =	stream.indirect.gather [hbm4b:s1+s2], $0x80, s26, s2, $0xb8;
	[tilespmem:$0x1EC00] =	vst v63  }
0x90: {  	s7 =	simm.s32 $0x80;
	[bflag:$0x0] =	sbarrier.arrive $0xFFFF  }
0x91: {  	s24 =	simm.s32 $0x100;
	s25 =	simm.s32 $0x14A00;
	s29 =	rddreg [dreg:$0x8]  }
0x92: {  	[tilespmem:s25], [sflag:$0xA] =	stream.strided.gather [hbm4b:s29+s7], $0xA00, s24, s7, $0x38;
	[tilespmem:$0x1EC00] =	vst v63  }
0x93: {  	s26 =	rddreg [dreg:$0x9];
	s29 =	simm.s32 $0x15E00  }
0x94: {  	[tilespmem:s29], [sflag:$0xA] =	stream.strided.gather [hbm4b:s26+s7], $0xA00, s24, s7, $0x38;
	[tilespmem:$0x1EC00] =	vst v63  }
0x95: {  	_ =	swait.ge [sflag:s9], $0x2000  }
0x96: {  	p1 =	por $0x1, $0x1;
	[sflag:s9] =	ssyncset.done $0x0  }
0x97: {  	s6 =	simm.s32 @!p1 $0x8;
	[sflag:s9] =	ssyncadd.s32 $0xFFFFE000  }
0x98: {  	_ =	swait.ge @!p1 [sflag:s6], $0x2000  }
0x99: {  	[sflag:s6] =	ssyncset.done @!p1 $0x0  }
0x9a: {  	s26 =	simm.s32 $0x0;
	[sflag:s6] =	ssyncadd.s32 @!p1 $0xFFFFE000  }
0x9b: {  	v1 =	vld [tilespmem:s26+$0x140C0];
	_ =	sdelay $0x4  }
0x9c: {  	[tilespmem:$0x1E980] =	vst v1  }
0x9d: {  	v1 =	vld [tilespmem:s26+$0x140D0];
	_ =	sdelay $0x4  }
0x9e: {  	[tilespmem:$0x1E990] =	vst v1  }
0x9f: {  	v1 =	vld [tilespmem:s26+$0x140E0];
	_ =	sdelay $0x4  }
0xa0: {  	[tilespmem:$0x1E9A0] =	vst v1  }
0xa1: {  	v1 =	vld [tilespmem:s26+$0x140F0];
	_ =	sdelay $0x4  }
0xa2: {  	[tilespmem:$0x1E9B0] =	vst v1  }
0xa3: {  	[tilespmem:s11], [sflag:$0x4] =	stream.indirect.gather [hbm4b:s1+s2], $0x80, s10, s2, $0xb8;
	[tilespmem:$0x1EC00] =	vst v63  }
0xa4: {  	v1 =	vld [tilespmem:s26+$0x15400];
	_ =	sdelay $0x4  }
0xa5: {  	[tilespmem:$0x1EA00] =	vst v1  }
0xa6: {  	v1 =	vld [tilespmem:s26+$0x15410];
	_ =	sdelay $0x4  }
0xa7: {  	[tilespmem:$0x1EA10] =	vst v1  }
0xa8: {  	v1 =	vld [tilespmem:s26+$0x15420];
	_ =	sdelay $0x4  }
0xa9: {  	[tilespmem:$0x1EA20] =	vst v1  }
0xaa: {  	v1 =	vld [tilespmem:s26+$0x15430];
	_ =	sdelay $0x4  }
0xab: {  	[tilespmem:$0x1EA30] =	vst v1  }
0xac: {  	[spmem:s3] =	stream.indirect.scatter.add.f32 [tilespmem:s30], [sflag:$0x5], $0x80, s12, s2, $0xb8;
	[tilespmem:$0x1EC00] =	vst v63  }
0xad: {  	_ =	swait.ge [sflag:s13], $0x2000  }
0xae: {  	[sflag:s13] =	ssyncset.done $0x0  }
0xaf: {  	[sflag:s13] =	ssyncadd.s32 $0xFFFFE000  }
0xb0: {  	_ =	swait.ge [sflag:s14], $0x2000  }
0xb1: {  	p1 =	por $0x0, $0x0;
	[sflag:s14] =	ssyncset.done $0x0  }
0xb2: {  	s7 =	simm.s32 @!p1 $0x0;
	[sflag:s14] =	ssyncadd.s32 $0xFFFFE000  }
0xb3: {  	v1 =	vld @!p1 [tilespmem:s7+$0x14100];
	_ =	sdelay $0x4  }
0xb4: {  	[tilespmem:$0x1E800] =	vst @!p1 v1  }
0xb5: {  	v1 =	vld @!p1 [tilespmem:s7+$0x14110];
	_ =	sdelay $0x4  }
0xb6: {  	[tilespmem:$0x1E810] =	vst @!p1 v1  }
0xb7: {  	v1 =	vld @!p1 [tilespmem:s7+$0x14120];
	_ =	sdelay $0x4  }
0xb8: {  	[tilespmem:$0x1E820] =	vst @!p1 v1  }
0xb9: {  	v1 =	vld @!p1 [tilespmem:s7+$0x14130];
	_ =	sdelay $0x4  }
0xba: {  	s24 =	simm.s32 @!p1 $0x40;
	s28 =	simm.s32 @!p1 $0x1E800;
	s29 =	simm.s32 @!p1 $0x16800;
	[tilespmem:$0x1E830] =	vst @!p1 v1  }
0xbb: {  	[tilespmem:s29], [sflag:$0x1] =	stream.indirect.gather @!p1 [hbm4b:s1+s24], $0x80, s28, s24, $0xb8;
	[tilespmem:$0x1EC00] =	vst v63  }
0xbc: {  	v1 =	vld [tilespmem:s26+$0x15440];
	_ =	sdelay $0x4  }
0xbd: {  	[tilespmem:$0x1EA80] =	vst v1  }
0xbe: {  	v1 =	vld [tilespmem:s26+$0x15450];
	_ =	sdelay $0x4  }
0xbf: {  	[tilespmem:$0x1EA90] =	vst v1  }
0xc0: {  	v1 =	vld [tilespmem:s26+$0x15460];
	_ =	sdelay $0x4  }
0xc1: {  	[tilespmem:$0x1EAA0] =	vst v1  }
0xc2: {  	v1 =	vld [tilespmem:s26+$0x15470];
	_ =	sdelay $0x4  }
0xc3: {  	[tilespmem:$0x1EAB0] =	vst v1  }
0xc4: {  	[spmem:s3] =	stream.indirect.scatter.add.f32 [tilespmem:s5], [sflag:$0x6], $0x80, s15, s2, $0xb8;
	[tilespmem:$0x1EC00] =	vst v63  }
0xc5: {  	_ =	swait.ge [sflag:s16], $0x2000  }
0xc6: {  	[sflag:s16] =	ssyncset.done $0x0  }
0xc7: {  	[sflag:s16] =	ssyncadd.s32 $0xFFFFE000  }
0xc8: {  	_ =	swait.ge [sflag:s17], $0x2000  }
0xc9: {  	[sflag:s17] =	ssyncset.done $0x0  }
0xca: {  	[sflag:s17] =	ssyncadd.s32 $0xFFFFE000  }
0xcb: {  	v1 =	vld @!p1 [tilespmem:s7+$0x14140];
	_ =	sdelay $0x3  }
0xcc: {  	s28 =	simm.s32 $0x140  }
0xcd: {  	s29 =	sor.u32 @!p1 $0x50, s28;
	[tilespmem:$0x1E880] =	vst @!p1 v1  }
0xce: {  	v1 =	vld @!p1 [tilespmem:s29+$0x14000];
	_ =	sdelay $0x4  }
0xcf: {  	s29 =	sor.u32 @!p1 $0x60, s28;
	[tilespmem:$0x1E890] =	vst @!p1 v1  }
0xd0: {  	v1 =	vld @!p1 [tilespmem:s29+$0x14000];
	_ =	sdelay $0x4  }
0xd1: {  	s28 =	sor.u32 @!p1 $0x70, s28;
	[tilespmem:$0x1E8A0] =	vst @!p1 v1  }
0xd2: {  	v1 =	vld @!p1 [tilespmem:s28+$0x14000];
	_ =	sdelay $0x4  }
0xd3: {  	s29 =	simm.s32 @!p1 $0x18800;
	s28 =	simm.s32 @!p1 $0x1E880;
	[tilespmem:$0x1E8B0] =	vst @!p1 v1  }
0xd4: {  	[tilespmem:s29], [sflag:$0x2] =	stream.indirect.gather @!p1 [hbm4b:s1+s24], $0x80, s28, s24, $0xb8;
	[tilespmem:$0x1EC00] =	vst v63  }
0xd5: {  	v1 =	vld [tilespmem:s26+$0x15480];
	_ =	sdelay $0x4  }
0xd6: {  	[tilespmem:$0x1EB00] =	vst v1  }
0xd7: {  	v1 =	vld [tilespmem:s26+$0x15490];
	_ =	sdelay $0x4  }
0xd8: {  	[tilespmem:$0x1EB10] =	vst v1  }
0xd9: {  	v1 =	vld [tilespmem:s26+$0x154A0];
	_ =	sdelay $0x4  }
0xda: {  	[tilespmem:$0x1EB20] =	vst v1  }
0xdb: {  	v1 =	vld [tilespmem:s26+$0x154B0];
	_ =	sdelay $0x4  }
0xdc: {  	[tilespmem:$0x1EB30] =	vst v1  }
0xdd: {  	[spmem:s3] =	stream.indirect.scatter.add.f32 [tilespmem:s8], [sflag:$0x7], $0x80, s18, s2, $0xb8;
	[tilespmem:$0x1EC00] =	vst v63  }
0xde: {  	_ =	swait.ge [sflag:s19], $0x2000  }
0xdf: {  	[sflag:s19] =	ssyncset.done $0x0  }
0xe0: {  	[sflag:s19] =	ssyncadd.s32 $0xFFFFE000  }
0xe1: {  	_ =	swait.ge [sflag:s20], $0x2000  }
0xe2: {  	[sflag:s20] =	ssyncset.done $0x0  }
0xe3: {  	[sflag:s20] =	ssyncadd.s32 $0xFFFFE000  }
0xe4: {  	v1 =	vld @!p1 [tilespmem:s7+$0x14180];
	_ =	sdelay $0x4  }
0xe5: {  	[tilespmem:$0x1E900] =	vst @!p1 v1  }
0xe6: {  	v1 =	vld @!p1 [tilespmem:s7+$0x14190];
	_ =	sdelay $0x4  }
0xe7: {  	[tilespmem:$0x1E910] =	vst @!p1 v1  }
0xe8: {  	v1 =	vld @!p1 [tilespmem:s7+$0x141A0];
	_ =	sdelay $0x4  }
0xe9: {  	[tilespmem:$0x1E920] =	vst @!p1 v1  }
0xea: {  	v1 =	vld @!p1 [tilespmem:s7+$0x141B0];
	_ =	sdelay $0x4  }
0xeb: {  	s28 =	simm.s32 @!p1 $0x1A800;
	s7 =	simm.s32 @!p1 $0x1E900;
	[tilespmem:$0x1E930] =	vst @!p1 v1  }
0xec: {  	[tilespmem:s28], [sflag:$0x3] =	stream.indirect.gather @!p1 [hbm4b:s1+s24], $0x80, s7, s24, $0xb8;
	[tilespmem:$0x1EC00] =	vst v63  }
0xed: {  	v1 =	vld [tilespmem:s26+$0x154C0];
	_ =	sdelay $0x4  }
0xee: {  	[tilespmem:$0x1EB80] =	vst v1  }
0xef: {  	v1 =	vld [tilespmem:s26+$0x154D0];
	_ =	sdelay $0x4  }
0xf0: {  	[tilespmem:$0x1EB90] =	vst v1  }
0xf1: {  	v1 =	vld [tilespmem:s26+$0x154E0];
	_ =	sdelay $0x4  }
0xf2: {  	[tilespmem:$0x1EBA0] =	vst v1  }
0xf3: {  	v1 =	vld [tilespmem:s26+$0x154F0];
	_ =	sdelay $0x4  }
0xf4: {  	s24 =	simm.s32 $0x400;
	s28 =	simm.s32 $0x240;
	[tilespmem:$0x1EBB0] =	vst v1  }
.LBB2_4:
0xf5: {  	[spmem:s3] =	stream.indirect.scatter.add.f32 [tilespmem:s11], [sflag:$0x8], $0x80, s21, s2, $0xb8;
	[tilespmem:$0x1EC00] =	vst v63  }
0xf6: {  	s6 =	smov.u32 s24;
	s24 =	sadd.s32 $0x400, s24;
	_ =	swait.ge [sflag:s9], $0x2000  }
0xf7: {  	p2 =	seq.s32 s6, $0x0;
	p1 =	sne.s32 s24, $0x2800;
	[sflag:s9] =	ssyncset.done $0x0  }
0xf8: {  	s7 =	simm.s32 @!p2 $0x8;
	[sflag:s9] =	ssyncadd.s32 $0xFFFFE000  }
0xf9: {  	_ =	swait.ge @!p2 [sflag:s7], $0x2000  }
0xfa: {  	[sflag:s7] =	ssyncset.done @!p2 $0x0  }
0xfb: {  	s29 =	sshra.s32 s6, $0x2;
	[sflag:s7] =	ssyncadd.s32 @!p2 $0xFFFFE000  }
0xfc: {  	v1 =	vld [tilespmem:s29+$0x140C0];
	_ =	sdelay $0x4  }
0xfd: {  	[tilespmem:$0x1E980] =	vst v1  }
0xfe: {  	v1 =	vld [tilespmem:s29+$0x140D0];
	_ =	sdelay $0x4  }
0xff: {  	[tilespmem:$0x1E990] =	vst v1  }
0x100: {  	v1 =	vld [tilespmem:s29+$0x140E0];
	_ =	sdelay $0x4  }
0x101: {  	[tilespmem:$0x1E9A0] =	vst v1  }
0x102: {  	v1 =	vld [tilespmem:s29+$0x140F0];
	_ =	sdelay $0x4  }
0x103: {  	[tilespmem:$0x1E9B0] =	vst v1  }
0x104: {  	[tilespmem:s11], [sflag:$0x4] =	stream.indirect.gather [hbm4b:s1+s2], $0x80, s10, s2, $0xb8;
	[tilespmem:$0x1EC00] =	vst v63  }
0x105: {  	v1 =	vld [tilespmem:s29+$0x15400];
	_ =	sdelay $0x4  }
0x106: {  	[tilespmem:$0x1EA00] =	vst v1  }
0x107: {  	v1 =	vld [tilespmem:s29+$0x15410];
	_ =	sdelay $0x4  }
0x108: {  	[tilespmem:$0x1EA10] =	vst v1  }
0x109: {  	v1 =	vld [tilespmem:s29+$0x15420];
	_ =	sdelay $0x4  }
0x10a: {  	[tilespmem:$0x1EA20] =	vst v1  }
0x10b: {  	v1 =	vld [tilespmem:s29+$0x15430];
	_ =	sdelay $0x4  }
0x10c: {  	[tilespmem:$0x1EA30] =	vst v1  }
0x10d: {  	[spmem:s3] =	stream.indirect.scatter.add.f32 [tilespmem:s30], [sflag:$0x5], $0x80, s12, s2, $0xb8;
	[tilespmem:$0x1EC00] =	vst v63  }
0x10e: {  	_ =	swait.ge [sflag:s13], $0x2000  }
0x10f: {  	[sflag:s13] =	ssyncset.done $0x0  }
0x110: {  	[sflag:s13] =	ssyncadd.s32 $0xFFFFE000  }
0x111: {  	_ =	swait.ge [sflag:s14], $0x2000  }
0x112: {  	p2 =	seq.s32 s6, $0x2400;
	[sflag:s14] =	ssyncset.done $0x0  }
0x113: {  	s6 =	sshra.s32 @!p2 s6, $0x2;
	[sflag:s14] =	ssyncadd.s32 $0xFFFFE000  }
0x114: {  	v1 =	vld @!p2 [tilespmem:s6+$0x14100];
	_ =	sdelay $0x4  }
0x115: {  	[tilespmem:$0x1E800] =	vst @!p2 v1  }
0x116: {  	v1 =	vld @!p2 [tilespmem:s6+$0x14110];
	_ =	sdelay $0x4  }
0x117: {  	[tilespmem:$0x1E810] =	vst @!p2 v1  }
0x118: {  	v1 =	vld @!p2 [tilespmem:s6+$0x14120];
	_ =	sdelay $0x4  }
0x119: {  	[tilespmem:$0x1E820] =	vst @!p2 v1  }
0x11a: {  	v1 =	vld @!p2 [tilespmem:s6+$0x14130];
	_ =	sdelay $0x4  }
0x11b: {  	s7 =	simm.s32 @!p2 $0x40;
	s25 =	simm.s32 @!p2 $0x1E800;
	s26 =	simm.s32 @!p2 $0x16800;
	[tilespmem:$0x1E830] =	vst @!p2 v1  }
0x11c: {  	[tilespmem:s26], [sflag:$0x1] =	stream.indirect.gather @!p2 [hbm4b:s1+s7], $0x80, s25, s7, $0xb8;
	[tilespmem:$0x1EC00] =	vst v63  }
0x11d: {  	v1 =	vld [tilespmem:s29+$0x15440];
	_ =	sdelay $0x4  }
0x11e: {  	[tilespmem:$0x1EA80] =	vst v1  }
0x11f: {  	v1 =	vld [tilespmem:s29+$0x15450];
	_ =	sdelay $0x4  }
0x120: {  	[tilespmem:$0x1EA90] =	vst v1  }
0x121: {  	v1 =	vld [tilespmem:s29+$0x15460];
	_ =	sdelay $0x4  }
0x122: {  	[tilespmem:$0x1EAA0] =	vst v1  }
0x123: {  	v1 =	vld [tilespmem:s29+$0x15470];
	_ =	sdelay $0x4  }
0x124: {  	[tilespmem:$0x1EAB0] =	vst v1  }
0x125: {  	[spmem:s3] =	stream.indirect.scatter.add.f32 [tilespmem:s5], [sflag:$0x6], $0x80, s15, s2, $0xb8;
	[tilespmem:$0x1EC00] =	vst v63  }
0x126: {  	_ =	swait.ge [sflag:s16], $0x2000  }
0x127: {  	[sflag:s16] =	ssyncset.done $0x0  }
0x128: {  	[sflag:s16] =	ssyncadd.s32 $0xFFFFE000  }
0x129: {  	_ =	swait.ge [sflag:s17], $0x2000  }
0x12a: {  	[sflag:s17] =	ssyncset.done $0x0  }
0x12b: {  	[sflag:s17] =	ssyncadd.s32 $0xFFFFE000  }
0x12c: {  	v1 =	vld @!p2 [tilespmem:s6+$0x14140];
	_ =	sdelay $0x4  }
0x12d: {  	s25 =	sor.u32 @!p2 $0x50, s28;
	[tilespmem:$0x1E880] =	vst @!p2 v1  }
0x12e: {  	v1 =	vld @!p2 [tilespmem:s25+$0x14000];
	_ =	sdelay $0x4  }
0x12f: {  	s25 =	sor.u32 @!p2 $0x60, s28;
	[tilespmem:$0x1E890] =	vst @!p2 v1  }
0x130: {  	v1 =	vld @!p2 [tilespmem:s25+$0x14000];
	_ =	sdelay $0x4  }
0x131: {  	s25 =	sor.u32 @!p2 $0x70, s28;
	[tilespmem:$0x1E8A0] =	vst @!p2 v1  }
0x132: {  	v1 =	vld @!p2 [tilespmem:s25+$0x14000];
	_ =	sdelay $0x4  }
0x133: {  	s26 =	simm.s32 @!p2 $0x18800;
	s25 =	simm.s32 @!p2 $0x1E880;
	[tilespmem:$0x1E8B0] =	vst @!p2 v1  }
0x134: {  	[tilespmem:s26], [sflag:$0x2] =	stream.indirect.gather @!p2 [hbm4b:s1+s7], $0x80, s25, s7, $0xb8;
	[tilespmem:$0x1EC00] =	vst v63  }
0x135: {  	v1 =	vld [tilespmem:s29+$0x15480];
	_ =	sdelay $0x4  }
0x136: {  	[tilespmem:$0x1EB00] =	vst v1  }
0x137: {  	v1 =	vld [tilespmem:s29+$0x15490];
	_ =	sdelay $0x4  }
0x138: {  	[tilespmem:$0x1EB10] =	vst v1  }
0x139: {  	v1 =	vld [tilespmem:s29+$0x154A0];
	_ =	sdelay $0x4  }
0x13a: {  	[tilespmem:$0x1EB20] =	vst v1  }
0x13b: {  	v1 =	vld [tilespmem:s29+$0x154B0];
	_ =	sdelay $0x4  }
0x13c: {  	[tilespmem:$0x1EB30] =	vst v1  }
0x13d: {  	[spmem:s3] =	stream.indirect.scatter.add.f32 [tilespmem:s8], [sflag:$0x7], $0x80, s18, s2, $0xb8;
	[tilespmem:$0x1EC00] =	vst v63  }
0x13e: {  	_ =	swait.ge [sflag:s19], $0x2000  }
0x13f: {  	[sflag:s19] =	ssyncset.done $0x0  }
0x140: {  	[sflag:s19] =	ssyncadd.s32 $0xFFFFE000  }
0x141: {  	_ =	swait.ge [sflag:s20], $0x2000  }
0x142: {  	[sflag:s20] =	ssyncset.done $0x0  }
0x143: {  	[sflag:s20] =	ssyncadd.s32 $0xFFFFE000  }
0x144: {  	v1 =	vld @!p2 [tilespmem:s6+$0x14180];
	_ =	sdelay $0x4  }
0x145: {  	[tilespmem:$0x1E900] =	vst @!p2 v1  }
0x146: {  	v1 =	vld @!p2 [tilespmem:s6+$0x14190];
	_ =	sdelay $0x4  }
0x147: {  	[tilespmem:$0x1E910] =	vst @!p2 v1  }
0x148: {  	v1 =	vld @!p2 [tilespmem:s6+$0x141A0];
	_ =	sdelay $0x4  }
0x149: {  	[tilespmem:$0x1E920] =	vst @!p2 v1  }
0x14a: {  	v1 =	vld @!p2 [tilespmem:s6+$0x141B0];
	_ =	sdelay $0x4  }
0x14b: {  	s25 =	simm.s32 @!p2 $0x1A800;
	s6 =	simm.s32 @!p2 $0x1E900;
	[tilespmem:$0x1E930] =	vst @!p2 v1  }
0x14c: {  	[tilespmem:s25], [sflag:$0x3] =	stream.indirect.gather @!p2 [hbm4b:s1+s7], $0x80, s6, s7, $0xb8;
	[tilespmem:$0x1EC00] =	vst v63  }
0x14d: {  	v1 =	vld [tilespmem:s29+$0x154C0];
	_ =	sdelay $0x4  }
0x14e: {  	[tilespmem:$0x1EB80] =	vst v1  }
0x14f: {  	v1 =	vld [tilespmem:s29+$0x154D0];
	_ =	sdelay $0x4  }
0x150: {  	[tilespmem:$0x1EB90] =	vst v1  }
0x151: {  	v1 =	vld [tilespmem:s29+$0x154E0];
	_ =	sdelay $0x4  }
0x152: {  	[tilespmem:$0x1EBA0] =	vst v1  }
0x153: {  	v1 =	vld [tilespmem:s29+$0x154F0]  }
.Ltmp3:
0x154: {  	(pc) =	sbr.rel @p1 .LBB2_4-.Ltmp3, $2  }
0x155: {  	_ =	sdelay $0x2  }
0x156: {  	s28 =	sadd.s32 $0x100, s28;
	[tilespmem:$0x1EBB0] =	vst v1  }
0x157: {  	[spmem:s3] =	stream.indirect.scatter.add.f32 [tilespmem:s11], [sflag:$0x8], $0x80, s21, s2, $0xb8;
	[tilespmem:$0x1EC00] =	vst v63  }
0x158: {  	_ =	swait.ge [sflag:s22], $0x2000  }
0x159: {  	[sflag:s22] =	ssyncset.done $0x0  }
0x15a: {  	[sflag:s22] =	ssyncadd.s32 $0xFFFFE000  }
0x15b: {  	_ =	swait.ge [sflag:s23], $0xA00  }
0x15c: {  	[sflag:s23] =	ssyncset.done $0x0  }
0x15d: {  	[sflag:s23] =	ssyncadd.s32 $0xFFFFF600  }
0x15e: {  	_ =	swait.ge [sflag:s23], $0xA00  }
0x15f: {  	s7 =	simm.s32 $0x80;
	s24 =	simm.s32 $0x100;
	[sflag:s23] =	ssyncset.done $0x0  }
0x160: {  	s25 =	simm.s32 $0x14000;
	s6 =	rddreg [dreg:$0xa];
	[sflag:s23] =	ssyncadd.s32 $0xFFFFF600  }
0x161: {  	[tilespmem:s25], [sflag:$0x9] =	stream.strided.gather [hbm4b:s6+s7], $0xA00, s24, s7, $0x38;
	[tilespmem:$0x1EC00] =	vst v63  }
0x162: {  	s29 =	simm.s32 $0x15400;
	s26 =	rddreg [dreg:$0xb]  }
0x163: {  	[tilespmem:s29], [sflag:$0x9] =	stream.strided.gather [hbm4b:s26+s7], $0xA00, s24, s7, $0x38;
	[tilespmem:$0x1EC00] =	vst v63  }
0x164: {  	v1 =	vld [tilespmem:$0x14A00]  }
0x165: {  	v2 =	vld [tilespmem:$0x14A10]  }
0x166: {  	v3 =	vld [tilespmem:$0x14A20]  }
0x167: {  	v4 =	vld [tilespmem:$0x14A30];
	_ =	sdelay $0x1  }
0x168: {  	[tilespmem:$0x1E800] =	vst v1  }
0x169: {  	[tilespmem:$0x1E810] =	vst v2  }
0x16a: {  	[tilespmem:$0x1E820] =	vst v3  }
0x16b: {  	s24 =	simm.s32 $0x1E800;
	[tilespmem:$0x1E830] =	vst v4  }
0x16c: {  	[tilespmem:s30], [sflag:$0x1] =	stream.indirect.gather [hbm4b:s1+s2], $0x80, s24, s2, $0xb8;
	[tilespmem:$0x1EC00] =	vst v63  }
0x16d: {  	v1 =	vld [tilespmem:$0x14A40]  }
0x16e: {  	v2 =	vld [tilespmem:$0x14A50]  }
0x16f: {  	v3 =	vld [tilespmem:$0x14A60]  }
0x170: {  	v62 =	vld [tilespmem:$0x14A70];
	_ =	sdelay $0x1  }
0x171: {  	[tilespmem:$0x1E880] =	vst v1  }
0x172: {  	[tilespmem:$0x1E890] =	vst v2  }
0x173: {  	[tilespmem:$0x1E8A0] =	vst v3  }
0x174: {  	s25 =	simm.s32 $0x1E880;
	[tilespmem:$0x1E8B0] =	vst v62  }
0x175: {  	[tilespmem:s5], [sflag:$0x2] =	stream.indirect.gather [hbm4b:s1+s2], $0x80, s25, s2, $0xb8;
	[tilespmem:$0x1EC00] =	vst v63  }
0x176: {  	v1 =	vld [tilespmem:$0x14A80]  }
0x177: {  	v2 =	vld [tilespmem:$0x14A90]  }
0x178: {  	v3 =	vld [tilespmem:$0x14AA0]  }
0x179: {  	v63 =	vld [tilespmem:$0x14AB0];
	_ =	sdelay $0x1  }
0x17a: {  	[tilespmem:$0x1E900] =	vst v1  }
0x17b: {  	[tilespmem:$0x1E910] =	vst v2  }
0x17c: {  	[tilespmem:$0x1E920] =	vst v3  }
0x17d: {  	s26 =	simm.s32 $0x1E900;
	[tilespmem:$0x1E930] =	vst v63  }
0x17e: {  	[tilespmem:s8], [sflag:$0x3] =	stream.indirect.gather [hbm4b:s1+s2], $0x80, s26, s2, $0xb8;
	[tilespmem:$0x1EC00] =	vst v63  }
0x17f: {  	_ =	swait.ge [sflag:s9], $0x2000  }
0x180: {  	p1 =	por $0x1, $0x1;
	[sflag:s9] =	ssyncset.done $0x0  }
0x181: {  	s6 =	simm.s32 @!p1 $0x8;
	[sflag:s9] =	ssyncadd.s32 $0xFFFFE000  }
0x182: {  	_ =	swait.ge @!p1 [sflag:s6], $0x2000  }
0x183: {  	[sflag:s6] =	ssyncset.done @!p1 $0x0  }
0x184: {  	s29 =	simm.s32 $0x0;
	[sflag:s6] =	ssyncadd.s32 @!p1 $0xFFFFE000  }
0x185: {  	v1 =	vld [tilespmem:s29+$0x14AC0];
	_ =	sdelay $0x4  }
0x186: {  	[tilespmem:$0x1E980] =	vst v1  }
0x187: {  	v1 =	vld [tilespmem:s29+$0x14AD0];
	_ =	sdelay $0x4  }
0x188: {  	[tilespmem:$0x1E990] =	vst v1  }
0x189: {  	v1 =	vld [tilespmem:s29+$0x14AE0];
	_ =	sdelay $0x4  }
0x18a: {  	[tilespmem:$0x1E9A0] =	vst v1  }
0x18b: {  	v1 =	vld [tilespmem:s29+$0x14AF0];
	_ =	sdelay $0x4  }
0x18c: {  	[tilespmem:$0x1E9B0] =	vst v1  }
0x18d: {  	[tilespmem:s11], [sflag:$0x4] =	stream.indirect.gather [hbm4b:s1+s2], $0x80, s10, s2, $0xb8;
	[tilespmem:$0x1EC00] =	vst v63  }
0x18e: {  	v1 =	vld [tilespmem:s29+$0x15E00];
	_ =	sdelay $0x4  }
0x18f: {  	[tilespmem:$0x1EA00] =	vst v1  }
0x190: {  	v1 =	vld [tilespmem:s29+$0x15E10];
	_ =	sdelay $0x4  }
0x191: {  	[tilespmem:$0x1EA10] =	vst v1  }
0x192: {  	v1 =	vld [tilespmem:s29+$0x15E20];
	_ =	sdelay $0x4  }
0x193: {  	[tilespmem:$0x1EA20] =	vst v1  }
0x194: {  	v1 =	vld [tilespmem:s29+$0x15E30];
	_ =	sdelay $0x4  }
0x195: {  	[tilespmem:$0x1EA30] =	vst v1  }
0x196: {  	[spmem:s3] =	stream.indirect.scatter.add.f32 [tilespmem:s30], [sflag:$0x5], $0x80, s12, s2, $0xb8;
	[tilespmem:$0x1EC00] =	vst v63  }
0x197: {  	_ =	swait.ge [sflag:s13], $0x2000  }
0x198: {  	[sflag:s13] =	ssyncset.done $0x0  }
0x199: {  	[sflag:s13] =	ssyncadd.s32 $0xFFFFE000  }
0x19a: {  	_ =	swait.ge [sflag:s14], $0x2000  }
0x19b: {  	p1 =	por $0x0, $0x0;
	[sflag:s14] =	ssyncset.done $0x0  }
0x19c: {  	s7 =	simm.s32 @!p1 $0x0;
	[sflag:s14] =	ssyncadd.s32 $0xFFFFE000  }
0x19d: {  	v1 =	vld @!p1 [tilespmem:s7+$0x14B00];
	_ =	sdelay $0x4  }
0x19e: {  	[tilespmem:$0x1E800] =	vst @!p1 v1  }
0x19f: {  	v1 =	vld @!p1 [tilespmem:s7+$0x14B10];
	_ =	sdelay $0x4  }
0x1a0: {  	[tilespmem:$0x1E810] =	vst @!p1 v1  }
0x1a1: {  	v1 =	vld @!p1 [tilespmem:s7+$0x14B20];
	_ =	sdelay $0x4  }
0x1a2: {  	[tilespmem:$0x1E820] =	vst @!p1 v1  }
0x1a3: {  	v1 =	vld @!p1 [tilespmem:s7+$0x14B30];
	_ =	sdelay $0x4  }
0x1a4: {  	s24 =	simm.s32 @!p1 $0x40;
	s25 =	simm.s32 @!p1 $0x1E800;
	s26 =	simm.s32 @!p1 $0x16800;
	[tilespmem:$0x1E830] =	vst @!p1 v1  }
0x1a5: {  	[tilespmem:s26], [sflag:$0x1] =	stream.indirect.gather @!p1 [hbm4b:s1+s24], $0x80, s25, s24, $0xb8;
	[tilespmem:$0x1EC00] =	vst v63  }
0x1a6: {  	v1 =	vld [tilespmem:s29+$0x15E40];
	_ =	sdelay $0x4  }
0x1a7: {  	[tilespmem:$0x1EA80] =	vst v1  }
0x1a8: {  	v1 =	vld [tilespmem:s29+$0x15E50];
	_ =	sdelay $0x4  }
0x1a9: {  	[tilespmem:$0x1EA90] =	vst v1  }
0x1aa: {  	v1 =	vld [tilespmem:s29+$0x15E60];
	_ =	sdelay $0x4  }
0x1ab: {  	[tilespmem:$0x1EAA0] =	vst v1  }
0x1ac: {  	v1 =	vld [tilespmem:s29+$0x15E70];
	_ =	sdelay $0x4  }
0x1ad: {  	[tilespmem:$0x1EAB0] =	vst v1  }
0x1ae: {  	[spmem:s3] =	stream.indirect.scatter.add.f32 [tilespmem:s5], [sflag:$0x6], $0x80, s15, s2, $0xb8;
	[tilespmem:$0x1EC00] =	vst v63  }
0x1af: {  	_ =	swait.ge [sflag:s16], $0x2000  }
0x1b0: {  	[sflag:s16] =	ssyncset.done $0x0  }
0x1b1: {  	[sflag:s16] =	ssyncadd.s32 $0xFFFFE000  }
0x1b2: {  	_ =	swait.ge [sflag:s17], $0x2000  }
0x1b3: {  	[sflag:s17] =	ssyncset.done $0x0  }
0x1b4: {  	[sflag:s17] =	ssyncadd.s32 $0xFFFFE000  }
0x1b5: {  	v1 =	vld @!p1 [tilespmem:s7+$0x14B40];
	_ =	sdelay $0x3  }
0x1b6: {  	s25 =	simm.s32 $0x140  }
0x1b7: {  	s26 =	sor.u32 @!p1 $0x50, s25;
	[tilespmem:$0x1E880] =	vst @!p1 v1  }
0x1b8: {  	v1 =	vld @!p1 [tilespmem:s26+$0x14A00];
	_ =	sdelay $0x4  }
0x1b9: {  	s26 =	sor.u32 @!p1 $0x60, s25;
	[tilespmem:$0x1E890] =	vst @!p1 v1  }
0x1ba: {  	v1 =	vld @!p1 [tilespmem:s26+$0x14A00];
	_ =	sdelay $0x4  }
0x1bb: {  	s25 =	sor.u32 @!p1 $0x70, s25;
	[tilespmem:$0x1E8A0] =	vst @!p1 v1  }
0x1bc: {  	v1 =	vld @!p1 [tilespmem:s25+$0x14A00];
	_ =	sdelay $0x4  }
0x1bd: {  	s26 =	simm.s32 @!p1 $0x18800;
	s25 =	simm.s32 @!p1 $0x1E880;
	[tilespmem:$0x1E8B0] =	vst @!p1 v1  }
0x1be: {  	[tilespmem:s26], [sflag:$0x2] =	stream.indirect.gather @!p1 [hbm4b:s1+s24], $0x80, s25, s24, $0xb8;
	[tilespmem:$0x1EC00] =	vst v63  }
0x1bf: {  	v1 =	vld [tilespmem:s29+$0x15E80];
	_ =	sdelay $0x4  }
0x1c0: {  	[tilespmem:$0x1EB00] =	vst v1  }
0x1c1: {  	v1 =	vld [tilespmem:s29+$0x15E90];
	_ =	sdelay $0x4  }
0x1c2: {  	[tilespmem:$0x1EB10] =	vst v1  }
0x1c3: {  	v1 =	vld [tilespmem:s29+$0x15EA0];
	_ =	sdelay $0x4  }
0x1c4: {  	[tilespmem:$0x1EB20] =	vst v1  }
0x1c5: {  	v1 =	vld [tilespmem:s29+$0x15EB0];
	_ =	sdelay $0x4  }
0x1c6: {  	[tilespmem:$0x1EB30] =	vst v1  }
0x1c7: {  	[spmem:s3] =	stream.indirect.scatter.add.f32 [tilespmem:s8], [sflag:$0x7], $0x80, s18, s2, $0xb8;
	[tilespmem:$0x1EC00] =	vst v63  }
0x1c8: {  	_ =	swait.ge [sflag:s19], $0x2000  }
0x1c9: {  	[sflag:s19] =	ssyncset.done $0x0  }
0x1ca: {  	[sflag:s19] =	ssyncadd.s32 $0xFFFFE000  }
0x1cb: {  	_ =	swait.ge [sflag:s20], $0x2000  }
0x1cc: {  	[sflag:s20] =	ssyncset.done $0x0  }
0x1cd: {  	[sflag:s20] =	ssyncadd.s32 $0xFFFFE000  }
0x1ce: {  	v1 =	vld @!p1 [tilespmem:s7+$0x14B80];
	_ =	sdelay $0x4  }
0x1cf: {  	[tilespmem:$0x1E900] =	vst @!p1 v1  }
0x1d0: {  	v1 =	vld @!p1 [tilespmem:s7+$0x14B90];
	_ =	sdelay $0x4  }
0x1d1: {  	[tilespmem:$0x1E910] =	vst @!p1 v1  }
0x1d2: {  	v1 =	vld @!p1 [tilespmem:s7+$0x14BA0];
	_ =	sdelay $0x4  }
0x1d3: {  	[tilespmem:$0x1E920] =	vst @!p1 v1  }
0x1d4: {  	v1 =	vld @!p1 [tilespmem:s7+$0x14BB0];
	_ =	sdelay $0x4  }
0x1d5: {  	s25 =	simm.s32 @!p1 $0x1A800;
	s7 =	simm.s32 @!p1 $0x1E900;
	[tilespmem:$0x1E930] =	vst @!p1 v1  }
0x1d6: {  	[tilespmem:s25], [sflag:$0x3] =	stream.indirect.gather @!p1 [hbm4b:s1+s24], $0x80, s7, s24, $0xb8;
	[tilespmem:$0x1EC00] =	vst v63  }
0x1d7: {  	v1 =	vld [tilespmem:s29+$0x15EC0];
	_ =	sdelay $0x4  }
0x1d8: {  	[tilespmem:$0x1EB80] =	vst v1  }
0x1d9: {  	v1 =	vld [tilespmem:s29+$0x15ED0];
	_ =	sdelay $0x4  }
0x1da: {  	[tilespmem:$0x1EB90] =	vst v1  }
0x1db: {  	v1 =	vld [tilespmem:s29+$0x15EE0];
	_ =	sdelay $0x4  }
0x1dc: {  	[tilespmem:$0x1EBA0] =	vst v1  }
0x1dd: {  	v1 =	vld [tilespmem:s29+$0x15EF0];
	_ =	sdelay $0x4  }
0x1de: {  	s28 =	simm.s32 $0x240;
	s24 =	simm.s32 $0x400;
	[tilespmem:$0x1EBB0] =	vst v1  }
.LBB2_6:
0x1df: {  	[spmem:s3] =	stream.indirect.scatter.add.f32 [tilespmem:s11], [sflag:$0x8], $0x80, s21, s2, $0xb8;
	[tilespmem:$0x1EC00] =	vst v63  }
0x1e0: {  	s6 =	smov.u32 s24;
	s24 =	sadd.s32 $0x400, s24;
	_ =	swait.ge [sflag:s9], $0x2000  }
0x1e1: {  	p2 =	seq.s32 s6, $0x0;
	p1 =	sne.s32 s24, $0x2800;
	[sflag:s9] =	ssyncset.done $0x0  }
0x1e2: {  	s7 =	simm.s32 @!p2 $0x8;
	[sflag:s9] =	ssyncadd.s32 $0xFFFFE000  }
0x1e3: {  	_ =	swait.ge @!p2 [sflag:s7], $0x2000  }
0x1e4: {  	[sflag:s7] =	ssyncset.done @!p2 $0x0  }
0x1e5: {  	s29 =	sshra.s32 s6, $0x2;
	[sflag:s7] =	ssyncadd.s32 @!p2 $0xFFFFE000  }
0x1e6: {  	v1 =	vld [tilespmem:s29+$0x14AC0];
	_ =	sdelay $0x4  }
0x1e7: {  	[tilespmem:$0x1E980] =	vst v1  }
0x1e8: {  	v1 =	vld [tilespmem:s29+$0x14AD0];
	_ =	sdelay $0x4  }
0x1e9: {  	[tilespmem:$0x1E990] =	vst v1  }
0x1ea: {  	v1 =	vld [tilespmem:s29+$0x14AE0];
	_ =	sdelay $0x4  }
0x1eb: {  	[tilespmem:$0x1E9A0] =	vst v1  }
0x1ec: {  	v1 =	vld [tilespmem:s29+$0x14AF0];
	_ =	sdelay $0x4  }
0x1ed: {  	[tilespmem:$0x1E9B0] =	vst v1  }
0x1ee: {  	[tilespmem:s11], [sflag:$0x4] =	stream.indirect.gather [hbm4b:s1+s2], $0x80, s10, s2, $0xb8;
	[tilespmem:$0x1EC00] =	vst v63  }
0x1ef: {  	v1 =	vld [tilespmem:s29+$0x15E00];
	_ =	sdelay $0x4  }
0x1f0: {  	[tilespmem:$0x1EA00] =	vst v1  }
0x1f1: {  	v1 =	vld [tilespmem:s29+$0x15E10];
	_ =	sdelay $0x4  }
0x1f2: {  	[tilespmem:$0x1EA10] =	vst v1  }
0x1f3: {  	v1 =	vld [tilespmem:s29+$0x15E20];
	_ =	sdelay $0x4  }
0x1f4: {  	[tilespmem:$0x1EA20] =	vst v1  }
0x1f5: {  	v1 =	vld [tilespmem:s29+$0x15E30];
	_ =	sdelay $0x4  }
0x1f6: {  	[tilespmem:$0x1EA30] =	vst v1  }
0x1f7: {  	[spmem:s3] =	stream.indirect.scatter.add.f32 [tilespmem:s30], [sflag:$0x5], $0x80, s12, s2, $0xb8;
	[tilespmem:$0x1EC00] =	vst v63  }
0x1f8: {  	_ =	swait.ge [sflag:s13], $0x2000  }
0x1f9: {  	[sflag:s13] =	ssyncset.done $0x0  }
0x1fa: {  	[sflag:s13] =	ssyncadd.s32 $0xFFFFE000  }
0x1fb: {  	_ =	swait.ge [sflag:s14], $0x2000  }
0x1fc: {  	p2 =	seq.s32 s6, $0x2400;
	[sflag:s14] =	ssyncset.done $0x0  }
0x1fd: {  	s6 =	sshra.s32 @!p2 s6, $0x2;
	[sflag:s14] =	ssyncadd.s32 $0xFFFFE000  }
0x1fe: {  	v1 =	vld @!p2 [tilespmem:s6+$0x14B00];
	_ =	sdelay $0x4  }
0x1ff: {  	[tilespmem:$0x1E800] =	vst @!p2 v1  }
0x200: {  	v1 =	vld @!p2 [tilespmem:s6+$0x14B10];
	_ =	sdelay $0x4  }
0x201: {  	[tilespmem:$0x1E810] =	vst @!p2 v1  }
0x202: {  	v1 =	vld @!p2 [tilespmem:s6+$0x14B20];
	_ =	sdelay $0x4  }
0x203: {  	[tilespmem:$0x1E820] =	vst @!p2 v1  }
0x204: {  	v1 =	vld @!p2 [tilespmem:s6+$0x14B30];
	_ =	sdelay $0x4  }
0x205: {  	s7 =	simm.s32 @!p2 $0x40;
	s25 =	simm.s32 @!p2 $0x1E800;
	s26 =	simm.s32 @!p2 $0x16800;
	[tilespmem:$0x1E830] =	vst @!p2 v1  }
0x206: {  	[tilespmem:s26], [sflag:$0x1] =	stream.indirect.gather @!p2 [hbm4b:s1+s7], $0x80, s25, s7, $0xb8;
	[tilespmem:$0x1EC00] =	vst v63  }
0x207: {  	v1 =	vld [tilespmem:s29+$0x15E40];
	_ =	sdelay $0x4  }
0x208: {  	[tilespmem:$0x1EA80] =	vst v1  }
0x209: {  	v1 =	vld [tilespmem:s29+$0x15E50];
	_ =	sdelay $0x4  }
0x20a: {  	[tilespmem:$0x1EA90] =	vst v1  }
0x20b: {  	v1 =	vld [tilespmem:s29+$0x15E60];
	_ =	sdelay $0x4  }
0x20c: {  	[tilespmem:$0x1EAA0] =	vst v1  }
0x20d: {  	v1 =	vld [tilespmem:s29+$0x15E70];
	_ =	sdelay $0x4  }
0x20e: {  	[tilespmem:$0x1EAB0] =	vst v1  }
0x20f: {  	[spmem:s3] =	stream.indirect.scatter.add.f32 [tilespmem:s5], [sflag:$0x6], $0x80, s15, s2, $0xb8;
	[tilespmem:$0x1EC00] =	vst v63  }
0x210: {  	_ =	swait.ge [sflag:s16], $0x2000  }
0x211: {  	[sflag:s16] =	ssyncset.done $0x0  }
0x212: {  	[sflag:s16] =	ssyncadd.s32 $0xFFFFE000  }
0x213: {  	_ =	swait.ge [sflag:s17], $0x2000  }
0x214: {  	[sflag:s17] =	ssyncset.done $0x0  }
0x215: {  	[sflag:s17] =	ssyncadd.s32 $0xFFFFE000  }
0x216: {  	v1 =	vld @!p2 [tilespmem:s6+$0x14B40];
	_ =	sdelay $0x4  }
0x217: {  	s25 =	sor.u32 @!p2 $0x50, s28;
	[tilespmem:$0x1E880] =	vst @!p2 v1  }
0x218: {  	v1 =	vld @!p2 [tilespmem:s25+$0x14A00];
	_ =	sdelay $0x4  }
0x219: {  	s25 =	sor.u32 @!p2 $0x60, s28;
	[tilespmem:$0x1E890] =	vst @!p2 v1  }
0x21a: {  	v1 =	vld @!p2 [tilespmem:s25+$0x14A00];
	_ =	sdelay $0x4  }
0x21b: {  	s25 =	sor.u32 @!p2 $0x70, s28;
	[tilespmem:$0x1E8A0] =	vst @!p2 v1  }
0x21c: {  	v1 =	vld @!p2 [tilespmem:s25+$0x14A00];
	_ =	sdelay $0x4  }
0x21d: {  	s26 =	simm.s32 @!p2 $0x18800;
	s25 =	simm.s32 @!p2 $0x1E880;
	[tilespmem:$0x1E8B0] =	vst @!p2 v1  }
0x21e: {  	[tilespmem:s26], [sflag:$0x2] =	stream.indirect.gather @!p2 [hbm4b:s1+s7], $0x80, s25, s7, $0xb8;
	[tilespmem:$0x1EC00] =	vst v63  }
0x21f: {  	v1 =	vld [tilespmem:s29+$0x15E80];
	_ =	sdelay $0x4  }
0x220: {  	[tilespmem:$0x1EB00] =	vst v1  }
0x221: {  	v1 =	vld [tilespmem:s29+$0x15E90];
	_ =	sdelay $0x4  }
0x222: {  	[tilespmem:$0x1EB10] =	vst v1  }
0x223: {  	v1 =	vld [tilespmem:s29+$0x15EA0];
	_ =	sdelay $0x4  }
0x224: {  	[tilespmem:$0x1EB20] =	vst v1  }
0x225: {  	v1 =	vld [tilespmem:s29+$0x15EB0];
	_ =	sdelay $0x4  }
0x226: {  	[tilespmem:$0x1EB30] =	vst v1  }
0x227: {  	[spmem:s3] =	stream.indirect.scatter.add.f32 [tilespmem:s8], [sflag:$0x7], $0x80, s18, s2, $0xb8;
	[tilespmem:$0x1EC00] =	vst v63  }
0x228: {  	_ =	swait.ge [sflag:s19], $0x2000  }
0x229: {  	[sflag:s19] =	ssyncset.done $0x0  }
0x22a: {  	[sflag:s19] =	ssyncadd.s32 $0xFFFFE000  }
0x22b: {  	_ =	swait.ge [sflag:s20], $0x2000  }
0x22c: {  	[sflag:s20] =	ssyncset.done $0x0  }
0x22d: {  	[sflag:s20] =	ssyncadd.s32 $0xFFFFE000  }
0x22e: {  	v1 =	vld @!p2 [tilespmem:s6+$0x14B80];
	_ =	sdelay $0x4  }
0x22f: {  	[tilespmem:$0x1E900] =	vst @!p2 v1  }
0x230: {  	v1 =	vld @!p2 [tilespmem:s6+$0x14B90];
	_ =	sdelay $0x4  }
0x231: {  	[tilespmem:$0x1E910] =	vst @!p2 v1  }
0x232: {  	v1 =	vld @!p2 [tilespmem:s6+$0x14BA0];
	_ =	sdelay $0x4  }
0x233: {  	[tilespmem:$0x1E920] =	vst @!p2 v1  }
0x234: {  	v1 =	vld @!p2 [tilespmem:s6+$0x14BB0];
	_ =	sdelay $0x4  }
0x235: {  	s25 =	simm.s32 @!p2 $0x1A800;
	s6 =	simm.s32 @!p2 $0x1E900;
	[tilespmem:$0x1E930] =	vst @!p2 v1  }
0x236: {  	[tilespmem:s25], [sflag:$0x3] =	stream.indirect.gather @!p2 [hbm4b:s1+s7], $0x80, s6, s7, $0xb8;
	[tilespmem:$0x1EC00] =	vst v63  }
0x237: {  	v1 =	vld [tilespmem:s29+$0x15EC0];
	_ =	sdelay $0x4  }
0x238: {  	[tilespmem:$0x1EB80] =	vst v1  }
0x239: {  	v1 =	vld [tilespmem:s29+$0x15ED0];
	_ =	sdelay $0x4  }
0x23a: {  	[tilespmem:$0x1EB90] =	vst v1  }
0x23b: {  	v1 =	vld [tilespmem:s29+$0x15EE0];
	_ =	sdelay $0x4  }
0x23c: {  	[tilespmem:$0x1EBA0] =	vst v1  }
0x23d: {  	v1 =	vld [tilespmem:s29+$0x15EF0]  }
.Ltmp4:
0x23e: {  	(pc) =	sbr.rel @p1 .LBB2_6-.Ltmp4, $2  }
0x23f: {  	_ =	sdelay $0x2  }
0x240: {  	s28 =	sadd.s32 $0x100, s28;
	[tilespmem:$0x1EBB0] =	vst v1  }
0x241: {  	[spmem:s3] =	stream.indirect.scatter.add.f32 [tilespmem:s11], [sflag:$0x8], $0x80, s21, s2, $0xb8;
	[tilespmem:$0x1EC00] =	vst v63  }
0x242: {  	_ =	swait.ge [sflag:s22], $0x2000  }
0x243: {  	[sflag:s22] =	ssyncset.done $0x0  }
0x244: {  	[sflag:s22] =	ssyncadd.s32 $0xFFFFE000  }
0x245: {  	_ =	swait.ge [sflag:s0], $0xA00  }
0x246: {  	[sflag:s0] =	ssyncset.done $0x0  }
0x247: {  	[sflag:s0] =	ssyncadd.s32 $0xFFFFF600  }
0x248: {  	_ =	swait.ge [sflag:s0], $0xA00  }
0x249: {  	s6 =	simm.s32 @!p0 $0x80;
	s7 =	simm.s32 @!p0 $0x100;
	[sflag:s0] =	ssyncset.done $0x0  }
0x24a: {  	s24 =	simm.s32 @!p0 $0x14A00;
	s25 =	rddreg [dreg:$0xc];
	[sflag:s0] =	ssyncadd.s32 $0xFFFFF600  }
0x24b: {  	[tilespmem:s24], [sflag:$0xA] =	stream.strided.gather @!p0 [hbm4b:s25+s6], $0xA00, s7, s6, $0x38;
	[tilespmem:$0x1EC00] =	vst v63  }
0x24c: {  	s24 =	simm.s32 @!p0 $0x15E00;
	s25 =	rddreg [dreg:$0xd]  }
0x24d: {  	[tilespmem:s24], [sflag:$0xA] =	stream.strided.gather @!p0 [hbm4b:s25+s6], $0xA00, s7, s6, $0x38;
	[tilespmem:$0x1EC00] =	vst v63  }
0x24e: {  	v1 =	vld [tilespmem:$0x14000]  }
0x24f: {  	v2 =	vld [tilespmem:$0x14010]  }
0x250: {  	v3 =	vld [tilespmem:$0x14020]  }
0x251: {  	v4 =	vld [tilespmem:$0x14030];
	_ =	sdelay $0x1  }
0x252: {  	[tilespmem:$0x1E800] =	vst v1  }
0x253: {  	[tilespmem:$0x1E810] =	vst v2  }
0x254: {  	[tilespmem:$0x1E820] =	vst v3  }
0x255: {  	s24 =	simm.s32 $0x1E800;
	[tilespmem:$0x1E830] =	vst v4  }
0x256: {  	[tilespmem:s30], [sflag:$0x1] =	stream.indirect.gather [hbm4b:s1+s2], $0x80, s24, s2, $0xb8;
	[tilespmem:$0x1EC00] =	vst v63  }
0x257: {  	v1 =	vld [tilespmem:$0x14040]  }
0x258: {  	v2 =	vld [tilespmem:$0x14050]  }
0x259: {  	v3 =	vld [tilespmem:$0x14060]  }
0x25a: {  	v62 =	vld [tilespmem:$0x14070];
	_ =	sdelay $0x1  }
0x25b: {  	[tilespmem:$0x1E880] =	vst v1  }
0x25c: {  	[tilespmem:$0x1E890] =	vst v2  }
0x25d: {  	[tilespmem:$0x1E8A0] =	vst v3  }
0x25e: {  	s25 =	simm.s32 $0x1E880;
	[tilespmem:$0x1E8B0] =	vst v62  }
0x25f: {  	[tilespmem:s5], [sflag:$0x2] =	stream.indirect.gather [hbm4b:s1+s2], $0x80, s25, s2, $0xb8;
	[tilespmem:$0x1EC00] =	vst v63  }
0x260: {  	v1 =	vld [tilespmem:$0x14080]  }
0x261: {  	v2 =	vld [tilespmem:$0x14090]  }
0x262: {  	v3 =	vld [tilespmem:$0x140A0]  }
0x263: {  	v63 =	vld [tilespmem:$0x140B0];
	_ =	sdelay $0x1  }
0x264: {  	[tilespmem:$0x1E900] =	vst v1  }
0x265: {  	[tilespmem:$0x1E910] =	vst v2  }
0x266: {  	[tilespmem:$0x1E920] =	vst v3  }
0x267: {  	s26 =	simm.s32 $0x1E900;
	[tilespmem:$0x1E930] =	vst v63  }
0x268: {  	[tilespmem:s8], [sflag:$0x3] =	stream.indirect.gather [hbm4b:s1+s2], $0x80, s26, s2, $0xb8;
	[tilespmem:$0x1EC00] =	vst v63  }
0x269: {  	_ =	swait.ge [sflag:s9], $0x2000  }
0x26a: {  	p1 =	por $0x1, $0x1;
	[sflag:s9] =	ssyncset.done $0x0  }
0x26b: {  	s6 =	simm.s32 @!p1 $0x8;
	[sflag:s9] =	ssyncadd.s32 $0xFFFFE000  }
0x26c: {  	_ =	swait.ge @!p1 [sflag:s6], $0x2000  }
0x26d: {  	[sflag:s6] =	ssyncset.done @!p1 $0x0  }
0x26e: {  	s29 =	simm.s32 $0x0;
	[sflag:s6] =	ssyncadd.s32 @!p1 $0xFFFFE000  }
0x26f: {  	v1 =	vld [tilespmem:s29+$0x140C0];
	_ =	sdelay $0x4  }
0x270: {  	[tilespmem:$0x1E980] =	vst v1  }
0x271: {  	v1 =	vld [tilespmem:s29+$0x140D0];
	_ =	sdelay $0x4  }
0x272: {  	[tilespmem:$0x1E990] =	vst v1  }
0x273: {  	v1 =	vld [tilespmem:s29+$0x140E0];
	_ =	sdelay $0x4  }
0x274: {  	[tilespmem:$0x1E9A0] =	vst v1  }
0x275: {  	v1 =	vld [tilespmem:s29+$0x140F0];
	_ =	sdelay $0x4  }
0x276: {  	[tilespmem:$0x1E9B0] =	vst v1  }
0x277: {  	[tilespmem:s11], [sflag:$0x4] =	stream.indirect.gather [hbm4b:s1+s2], $0x80, s10, s2, $0xb8;
	[tilespmem:$0x1EC00] =	vst v63  }
0x278: {  	v1 =	vld [tilespmem:s29+$0x15400];
	_ =	sdelay $0x4  }
0x279: {  	[tilespmem:$0x1EA00] =	vst v1  }
0x27a: {  	v1 =	vld [tilespmem:s29+$0x15410];
	_ =	sdelay $0x4  }
0x27b: {  	[tilespmem:$0x1EA10] =	vst v1  }
0x27c: {  	v1 =	vld [tilespmem:s29+$0x15420];
	_ =	sdelay $0x4  }
0x27d: {  	[tilespmem:$0x1EA20] =	vst v1  }
0x27e: {  	v1 =	vld [tilespmem:s29+$0x15430];
	_ =	sdelay $0x4  }
0x27f: {  	[tilespmem:$0x1EA30] =	vst v1  }
0x280: {  	[spmem:s3] =	stream.indirect.scatter.add.f32 [tilespmem:s30], [sflag:$0x5], $0x80, s12, s2, $0xb8;
	[tilespmem:$0x1EC00] =	vst v63  }
0x281: {  	_ =	swait.ge [sflag:s13], $0x2000  }
0x282: {  	[sflag:s13] =	ssyncset.done $0x0  }
0x283: {  	[sflag:s13] =	ssyncadd.s32 $0xFFFFE000  }
0x284: {  	_ =	swait.ge [sflag:s14], $0x2000  }
0x285: {  	p1 =	por $0x0, $0x0;
	[sflag:s14] =	ssyncset.done $0x0  }
0x286: {  	s7 =	simm.s32 @!p1 $0x0;
	[sflag:s14] =	ssyncadd.s32 $0xFFFFE000  }
0x287: {  	v1 =	vld @!p1 [tilespmem:s7+$0x14100];
	_ =	sdelay $0x4  }
0x288: {  	[tilespmem:$0x1E800] =	vst @!p1 v1  }
0x289: {  	v1 =	vld @!p1 [tilespmem:s7+$0x14110];
	_ =	sdelay $0x4  }
0x28a: {  	[tilespmem:$0x1E810] =	vst @!p1 v1  }
0x28b: {  	v1 =	vld @!p1 [tilespmem:s7+$0x14120];
	_ =	sdelay $0x4  }
0x28c: {  	[tilespmem:$0x1E820] =	vst @!p1 v1  }
0x28d: {  	v1 =	vld @!p1 [tilespmem:s7+$0x14130];
	_ =	sdelay $0x4  }
0x28e: {  	s24 =	simm.s32 @!p1 $0x40;
	s25 =	simm.s32 @!p1 $0x1E800;
	s26 =	simm.s32 @!p1 $0x16800;
	[tilespmem:$0x1E830] =	vst @!p1 v1  }
0x28f: {  	[tilespmem:s26], [sflag:$0x1] =	stream.indirect.gather @!p1 [hbm4b:s1+s24], $0x80, s25, s24, $0xb8;
	[tilespmem:$0x1EC00] =	vst v63  }
0x290: {  	v1 =	vld [tilespmem:s29+$0x15440];
	_ =	sdelay $0x4  }
0x291: {  	[tilespmem:$0x1EA80] =	vst v1  }
0x292: {  	v1 =	vld [tilespmem:s29+$0x15450];
	_ =	sdelay $0x4  }
0x293: {  	[tilespmem:$0x1EA90] =	vst v1  }
0x294: {  	v1 =	vld [tilespmem:s29+$0x15460];
	_ =	sdelay $0x4  }
0x295: {  	[tilespmem:$0x1EAA0] =	vst v1  }
0x296: {  	v1 =	vld [tilespmem:s29+$0x15470];
	_ =	sdelay $0x4  }
0x297: {  	[tilespmem:$0x1EAB0] =	vst v1  }
0x298: {  	[spmem:s3] =	stream.indirect.scatter.add.f32 [tilespmem:s5], [sflag:$0x6], $0x80, s15, s2, $0xb8;
	[tilespmem:$0x1EC00] =	vst v63  }
0x299: {  	_ =	swait.ge [sflag:s16], $0x2000  }
0x29a: {  	[sflag:s16] =	ssyncset.done $0x0  }
0x29b: {  	[sflag:s16] =	ssyncadd.s32 $0xFFFFE000  }
0x29c: {  	_ =	swait.ge [sflag:s17], $0x2000  }
0x29d: {  	[sflag:s17] =	ssyncset.done $0x0  }
0x29e: {  	[sflag:s17] =	ssyncadd.s32 $0xFFFFE000  }
0x29f: {  	v1 =	vld @!p1 [tilespmem:s7+$0x14140];
	_ =	sdelay $0x3  }
0x2a0: {  	s25 =	simm.s32 $0x140  }
0x2a1: {  	s26 =	sor.u32 @!p1 $0x50, s25;
	[tilespmem:$0x1E880] =	vst @!p1 v1  }
0x2a2: {  	v1 =	vld @!p1 [tilespmem:s26+$0x14000];
	_ =	sdelay $0x4  }
0x2a3: {  	s26 =	sor.u32 @!p1 $0x60, s25;
	[tilespmem:$0x1E890] =	vst @!p1 v1  }
0x2a4: {  	v1 =	vld @!p1 [tilespmem:s26+$0x14000];
	_ =	sdelay $0x4  }
0x2a5: {  	s25 =	sor.u32 @!p1 $0x70, s25;
	[tilespmem:$0x1E8A0] =	vst @!p1 v1  }
0x2a6: {  	v1 =	vld @!p1 [tilespmem:s25+$0x14000];
	_ =	sdelay $0x4  }
0x2a7: {  	s26 =	simm.s32 @!p1 $0x18800;
	s25 =	simm.s32 @!p1 $0x1E880;
	[tilespmem:$0x1E8B0] =	vst @!p1 v1  }
0x2a8: {  	[tilespmem:s26], [sflag:$0x2] =	stream.indirect.gather @!p1 [hbm4b:s1+s24], $0x80, s25, s24, $0xb8;
	[tilespmem:$0x1EC00] =	vst v63  }
0x2a9: {  	v1 =	vld [tilespmem:s29+$0x15480];
	_ =	sdelay $0x4  }
0x2aa: {  	[tilespmem:$0x1EB00] =	vst v1  }
0x2ab: {  	v1 =	vld [tilespmem:s29+$0x15490];
	_ =	sdelay $0x4  }
0x2ac: {  	[tilespmem:$0x1EB10] =	vst v1  }
0x2ad: {  	v1 =	vld [tilespmem:s29+$0x154A0];
	_ =	sdelay $0x4  }
0x2ae: {  	[tilespmem:$0x1EB20] =	vst v1  }
0x2af: {  	v1 =	vld [tilespmem:s29+$0x154B0];
	_ =	sdelay $0x4  }
0x2b0: {  	[tilespmem:$0x1EB30] =	vst v1  }
0x2b1: {  	[spmem:s3] =	stream.indirect.scatter.add.f32 [tilespmem:s8], [sflag:$0x7], $0x80, s18, s2, $0xb8;
	[tilespmem:$0x1EC00] =	vst v63  }
0x2b2: {  	_ =	swait.ge [sflag:s19], $0x2000  }
0x2b3: {  	[sflag:s19] =	ssyncset.done $0x0  }
0x2b4: {  	[sflag:s19] =	ssyncadd.s32 $0xFFFFE000  }
0x2b5: {  	_ =	swait.ge [sflag:s20], $0x2000  }
0x2b6: {  	[sflag:s20] =	ssyncset.done $0x0  }
0x2b7: {  	[sflag:s20] =	ssyncadd.s32 $0xFFFFE000  }
0x2b8: {  	v1 =	vld @!p1 [tilespmem:s7+$0x14180];
	_ =	sdelay $0x4  }
0x2b9: {  	[tilespmem:$0x1E900] =	vst @!p1 v1  }
0x2ba: {  	v1 =	vld @!p1 [tilespmem:s7+$0x14190];
	_ =	sdelay $0x4  }
0x2bb: {  	[tilespmem:$0x1E910] =	vst @!p1 v1  }
0x2bc: {  	v1 =	vld @!p1 [tilespmem:s7+$0x141A0];
	_ =	sdelay $0x4  }
0x2bd: {  	[tilespmem:$0x1E920] =	vst @!p1 v1  }
0x2be: {  	v1 =	vld @!p1 [tilespmem:s7+$0x141B0];
	_ =	sdelay $0x4  }
0x2bf: {  	s25 =	simm.s32 @!p1 $0x1A800;
	s7 =	simm.s32 @!p1 $0x1E900;
	[tilespmem:$0x1E930] =	vst @!p1 v1  }
0x2c0: {  	[tilespmem:s25], [sflag:$0x3] =	stream.indirect.gather @!p1 [hbm4b:s1+s24], $0x80, s7, s24, $0xb8;
	[tilespmem:$0x1EC00] =	vst v63  }
0x2c1: {  	v1 =	vld [tilespmem:s29+$0x154C0];
	_ =	sdelay $0x4  }
0x2c2: {  	[tilespmem:$0x1EB80] =	vst v1  }
0x2c3: {  	v1 =	vld [tilespmem:s29+$0x154D0];
	_ =	sdelay $0x4  }
0x2c4: {  	[tilespmem:$0x1EB90] =	vst v1  }
0x2c5: {  	v1 =	vld [tilespmem:s29+$0x154E0];
	_ =	sdelay $0x4  }
0x2c6: {  	[tilespmem:$0x1EBA0] =	vst v1  }
0x2c7: {  	v1 =	vld [tilespmem:s29+$0x154F0];
	_ =	sdelay $0x4  }
0x2c8: {  	s28 =	simm.s32 $0x240;
	s24 =	simm.s32 $0x400;
	[tilespmem:$0x1EBB0] =	vst v1  }
.LBB2_8:
0x2c9: {  	[spmem:s3] =	stream.indirect.scatter.add.f32 [tilespmem:s11], [sflag:$0x8], $0x80, s21, s2, $0xb8;
	[tilespmem:$0x1EC00] =	vst v63  }
0x2ca: {  	s6 =	smov.u32 s24;
	s24 =	sadd.s32 $0x400, s24;
	_ =	swait.ge [sflag:s9], $0x2000  }
0x2cb: {  	p2 =	seq.s32 s6, $0x0;
	p1 =	sne.s32 s24, $0x2800;
	[sflag:s9] =	ssyncset.done $0x0  }
0x2cc: {  	s7 =	simm.s32 @!p2 $0x8;
	[sflag:s9] =	ssyncadd.s32 $0xFFFFE000  }
0x2cd: {  	_ =	swait.ge @!p2 [sflag:s7], $0x2000  }
0x2ce: {  	[sflag:s7] =	ssyncset.done @!p2 $0x0  }
0x2cf: {  	s29 =	sshra.s32 s6, $0x2;
	[sflag:s7] =	ssyncadd.s32 @!p2 $0xFFFFE000  }
0x2d0: {  	v1 =	vld [tilespmem:s29+$0x140C0];
	_ =	sdelay $0x4  }
0x2d1: {  	[tilespmem:$0x1E980] =	vst v1  }
0x2d2: {  	v1 =	vld [tilespmem:s29+$0x140D0];
	_ =	sdelay $0x4  }
0x2d3: {  	[tilespmem:$0x1E990] =	vst v1  }
0x2d4: {  	v1 =	vld [tilespmem:s29+$0x140E0];
	_ =	sdelay $0x4  }
0x2d5: {  	[tilespmem:$0x1E9A0] =	vst v1  }
0x2d6: {  	v1 =	vld [tilespmem:s29+$0x140F0];
	_ =	sdelay $0x4  }
0x2d7: {  	[tilespmem:$0x1E9B0] =	vst v1  }
0x2d8: {  	[tilespmem:s11], [sflag:$0x4] =	stream.indirect.gather [hbm4b:s1+s2], $0x80, s10, s2, $0xb8;
	[tilespmem:$0x1EC00] =	vst v63  }
0x2d9: {  	v1 =	vld [tilespmem:s29+$0x15400];
	_ =	sdelay $0x4  }
0x2da: {  	[tilespmem:$0x1EA00] =	vst v1  }
0x2db: {  	v1 =	vld [tilespmem:s29+$0x15410];
	_ =	sdelay $0x4  }
0x2dc: {  	[tilespmem:$0x1EA10] =	vst v1  }
0x2dd: {  	v1 =	vld [tilespmem:s29+$0x15420];
	_ =	sdelay $0x4  }
0x2de: {  	[tilespmem:$0x1EA20] =	vst v1  }
0x2df: {  	v1 =	vld [tilespmem:s29+$0x15430];
	_ =	sdelay $0x4  }
0x2e0: {  	[tilespmem:$0x1EA30] =	vst v1  }
0x2e1: {  	[spmem:s3] =	stream.indirect.scatter.add.f32 [tilespmem:s30], [sflag:$0x5], $0x80, s12, s2, $0xb8;
	[tilespmem:$0x1EC00] =	vst v63  }
0x2e2: {  	_ =	swait.ge [sflag:s13], $0x2000  }
0x2e3: {  	[sflag:s13] =	ssyncset.done $0x0  }
0x2e4: {  	[sflag:s13] =	ssyncadd.s32 $0xFFFFE000  }
0x2e5: {  	_ =	swait.ge [sflag:s14], $0x2000  }
0x2e6: {  	p2 =	seq.s32 s6, $0x2400;
	[sflag:s14] =	ssyncset.done $0x0  }
0x2e7: {  	s6 =	sshra.s32 @!p2 s6, $0x2;
	[sflag:s14] =	ssyncadd.s32 $0xFFFFE000  }
0x2e8: {  	v1 =	vld @!p2 [tilespmem:s6+$0x14100];
	_ =	sdelay $0x4  }
0x2e9: {  	[tilespmem:$0x1E800] =	vst @!p2 v1  }
0x2ea: {  	v1 =	vld @!p2 [tilespmem:s6+$0x14110];
	_ =	sdelay $0x4  }
0x2eb: {  	[tilespmem:$0x1E810] =	vst @!p2 v1  }
0x2ec: {  	v1 =	vld @!p2 [tilespmem:s6+$0x14120];
	_ =	sdelay $0x4  }
0x2ed: {  	[tilespmem:$0x1E820] =	vst @!p2 v1  }
0x2ee: {  	v1 =	vld @!p2 [tilespmem:s6+$0x14130];
	_ =	sdelay $0x4  }
0x2ef: {  	s7 =	simm.s32 @!p2 $0x40;
	s25 =	simm.s32 @!p2 $0x1E800;
	s26 =	simm.s32 @!p2 $0x16800;
	[tilespmem:$0x1E830] =	vst @!p2 v1  }
0x2f0: {  	[tilespmem:s26], [sflag:$0x1] =	stream.indirect.gather @!p2 [hbm4b:s1+s7], $0x80, s25, s7, $0xb8;
	[tilespmem:$0x1EC00] =	vst v63  }
0x2f1: {  	v1 =	vld [tilespmem:s29+$0x15440];
	_ =	sdelay $0x4  }
0x2f2: {  	[tilespmem:$0x1EA80] =	vst v1  }
0x2f3: {  	v1 =	vld [tilespmem:s29+$0x15450];
	_ =	sdelay $0x4  }
0x2f4: {  	[tilespmem:$0x1EA90] =	vst v1  }
0x2f5: {  	v1 =	vld [tilespmem:s29+$0x15460];
	_ =	sdelay $0x4  }
0x2f6: {  	[tilespmem:$0x1EAA0] =	vst v1  }
0x2f7: {  	v1 =	vld [tilespmem:s29+$0x15470];
	_ =	sdelay $0x4  }
0x2f8: {  	[tilespmem:$0x1EAB0] =	vst v1  }
0x2f9: {  	[spmem:s3] =	stream.indirect.scatter.add.f32 [tilespmem:s5], [sflag:$0x6], $0x80, s15, s2, $0xb8;
	[tilespmem:$0x1EC00] =	vst v63  }
0x2fa: {  	_ =	swait.ge [sflag:s16], $0x2000  }
0x2fb: {  	[sflag:s16] =	ssyncset.done $0x0  }
0x2fc: {  	[sflag:s16] =	ssyncadd.s32 $0xFFFFE000  }
0x2fd: {  	_ =	swait.ge [sflag:s17], $0x2000  }
0x2fe: {  	[sflag:s17] =	ssyncset.done $0x0  }
0x2ff: {  	[sflag:s17] =	ssyncadd.s32 $0xFFFFE000  }
0x300: {  	v1 =	vld @!p2 [tilespmem:s6+$0x14140];
	_ =	sdelay $0x4  }
0x301: {  	s25 =	sor.u32 @!p2 $0x50, s28;
	[tilespmem:$0x1E880] =	vst @!p2 v1  }
0x302: {  	v1 =	vld @!p2 [tilespmem:s25+$0x14000];
	_ =	sdelay $0x4  }
0x303: {  	s25 =	sor.u32 @!p2 $0x60, s28;
	[tilespmem:$0x1E890] =	vst @!p2 v1  }
0x304: {  	v1 =	vld @!p2 [tilespmem:s25+$0x14000];
	_ =	sdelay $0x4  }
0x305: {  	s25 =	sor.u32 @!p2 $0x70, s28;
	[tilespmem:$0x1E8A0] =	vst @!p2 v1  }
0x306: {  	v1 =	vld @!p2 [tilespmem:s25+$0x14000];
	_ =	sdelay $0x4  }
0x307: {  	s26 =	simm.s32 @!p2 $0x18800;
	s25 =	simm.s32 @!p2 $0x1E880;
	[tilespmem:$0x1E8B0] =	vst @!p2 v1  }
0x308: {  	[tilespmem:s26], [sflag:$0x2] =	stream.indirect.gather @!p2 [hbm4b:s1+s7], $0x80, s25, s7, $0xb8;
	[tilespmem:$0x1EC00] =	vst v63  }
0x309: {  	v1 =	vld [tilespmem:s29+$0x15480];
	_ =	sdelay $0x4  }
0x30a: {  	[tilespmem:$0x1EB00] =	vst v1  }
0x30b: {  	v1 =	vld [tilespmem:s29+$0x15490];
	_ =	sdelay $0x4  }
0x30c: {  	[tilespmem:$0x1EB10] =	vst v1  }
0x30d: {  	v1 =	vld [tilespmem:s29+$0x154A0];
	_ =	sdelay $0x4  }
0x30e: {  	[tilespmem:$0x1EB20] =	vst v1  }
0x30f: {  	v1 =	vld [tilespmem:s29+$0x154B0];
	_ =	sdelay $0x4  }
0x310: {  	[tilespmem:$0x1EB30] =	vst v1  }
0x311: {  	[spmem:s3] =	stream.indirect.scatter.add.f32 [tilespmem:s8], [sflag:$0x7], $0x80, s18, s2, $0xb8;
	[tilespmem:$0x1EC00] =	vst v63  }
0x312: {  	_ =	swait.ge [sflag:s19], $0x2000  }
0x313: {  	[sflag:s19] =	ssyncset.done $0x0  }
0x314: {  	[sflag:s19] =	ssyncadd.s32 $0xFFFFE000  }
0x315: {  	_ =	swait.ge [sflag:s20], $0x2000  }
0x316: {  	[sflag:s20] =	ssyncset.done $0x0  }
0x317: {  	[sflag:s20] =	ssyncadd.s32 $0xFFFFE000  }
0x318: {  	v1 =	vld @!p2 [tilespmem:s6+$0x14180];
	_ =	sdelay $0x4  }
0x319: {  	[tilespmem:$0x1E900] =	vst @!p2 v1  }
0x31a: {  	v1 =	vld @!p2 [tilespmem:s6+$0x14190];
	_ =	sdelay $0x4  }
0x31b: {  	[tilespmem:$0x1E910] =	vst @!p2 v1  }
0x31c: {  	v1 =	vld @!p2 [tilespmem:s6+$0x141A0];
	_ =	sdelay $0x4  }
0x31d: {  	[tilespmem:$0x1E920] =	vst @!p2 v1  }
0x31e: {  	v1 =	vld @!p2 [tilespmem:s6+$0x141B0];
	_ =	sdelay $0x4  }
0x31f: {  	s25 =	simm.s32 @!p2 $0x1A800;
	s6 =	simm.s32 @!p2 $0x1E900;
	[tilespmem:$0x1E930] =	vst @!p2 v1  }
0x320: {  	[tilespmem:s25], [sflag:$0x3] =	stream.indirect.gather @!p2 [hbm4b:s1+s7], $0x80, s6, s7, $0xb8;
	[tilespmem:$0x1EC00] =	vst v63  }
0x321: {  	v1 =	vld [tilespmem:s29+$0x154C0];
	_ =	sdelay $0x4  }
0x322: {  	[tilespmem:$0x1EB80] =	vst v1  }
0x323: {  	v1 =	vld [tilespmem:s29+$0x154D0];
	_ =	sdelay $0x4  }
0x324: {  	[tilespmem:$0x1EB90] =	vst v1  }
0x325: {  	v1 =	vld [tilespmem:s29+$0x154E0];
	_ =	sdelay $0x4  }
0x326: {  	[tilespmem:$0x1EBA0] =	vst v1  }
0x327: {  	v1 =	vld [tilespmem:s29+$0x154F0]  }
.Ltmp5:
0x328: {  	(pc) =	sbr.rel @p1 .LBB2_8-.Ltmp5, $2  }
0x329: {  	_ =	sdelay $0x2  }
0x32a: {  	s28 =	sadd.s32 $0x100, s28;
	[tilespmem:$0x1EBB0] =	vst v1  }
.Ltmp6:
0x32b: {  	(pc) =	sbr.rel @p0 .LBB2_13-.Ltmp6, $4  }
0x32c: {  	[spmem:s3] =	stream.indirect.scatter.add.f32 [tilespmem:s11], [sflag:$0x8], $0x80, s21, s2, $0xb8;
	[tilespmem:$0x1EC00] =	vst v63  }
0x32d: {  	_ =	swait.ge [sflag:s22], $0x2000  }
0x32e: {  	[sflag:s22] =	ssyncset.done $0x0  }
0x32f: {  	[sflag:s22] =	ssyncadd.s32 $0xFFFFE000  }
0x330: {  	_ =	swait.ge [sflag:s23], $0xA00  }
0x331: {  	[sflag:s23] =	ssyncset.done $0x0  }
0x332: {  	[sflag:s23] =	ssyncadd.s32 $0xFFFFF600  }
0x333: {  	_ =	swait.ge [sflag:s23], $0xA00  }
0x334: {  	[sflag:s23] =	ssyncset.done $0x0  }
0x335: {  	[sflag:s23] =	ssyncadd.s32 $0xFFFFF600  }
0x336: {  	v1 =	vld [tilespmem:$0x14A00]  }
0x337: {  	v2 =	vld [tilespmem:$0x14A10]  }
0x338: {  	v3 =	vld [tilespmem:$0x14A20]  }
0x339: {  	v4 =	vld [tilespmem:$0x14A30];
	_ =	sdelay $0x1  }
0x33a: {  	[tilespmem:$0x1E800] =	vst v1  }
0x33b: {  	[tilespmem:$0x1E810] =	vst v2  }
0x33c: {  	[tilespmem:$0x1E820] =	vst v3  }
0x33d: {  	s6 =	simm.s32 $0x1E800;
	[tilespmem:$0x1E830] =	vst v4  }
0x33e: {  	[tilespmem:s30], [sflag:$0x1] =	stream.indirect.gather [hbm4b:s1+s2], $0x80, s6, s2, $0xb8;
	[tilespmem:$0x1EC00] =	vst v63  }
0x33f: {  	v1 =	vld [tilespmem:$0x14A40]  }
0x340: {  	v2 =	vld [tilespmem:$0x14A50]  }
0x341: {  	v3 =	vld [tilespmem:$0x14A60]  }
0x342: {  	v62 =	vld [tilespmem:$0x14A70];
	_ =	sdelay $0x1  }
0x343: {  	[tilespmem:$0x1E880] =	vst v1  }
0x344: {  	[tilespmem:$0x1E890] =	vst v2  }
0x345: {  	[tilespmem:$0x1E8A0] =	vst v3  }
0x346: {  	s25 =	simm.s32 $0x1E880;
	[tilespmem:$0x1E8B0] =	vst v62  }
0x347: {  	[tilespmem:s5], [sflag:$0x2] =	stream.indirect.gather [hbm4b:s1+s2], $0x80, s25, s2, $0xb8;
	[tilespmem:$0x1EC00] =	vst v63  }
0x348: {  	v1 =	vld [tilespmem:$0x14A80]  }
0x349: {  	v2 =	vld [tilespmem:$0x14A90]  }
0x34a: {  	v3 =	vld [tilespmem:$0x14AA0]  }
0x34b: {  	v63 =	vld [tilespmem:$0x14AB0];
	_ =	sdelay $0x1  }
0x34c: {  	[tilespmem:$0x1E900] =	vst v1  }
0x34d: {  	[tilespmem:$0x1E910] =	vst v2  }
0x34e: {  	[tilespmem:$0x1E920] =	vst v3  }
0x34f: {  	s26 =	simm.s32 $0x1E900;
	[tilespmem:$0x1E930] =	vst v63  }
0x350: {  	[tilespmem:s8], [sflag:$0x3] =	stream.indirect.gather [hbm4b:s1+s2], $0x80, s26, s2, $0xb8;
	[tilespmem:$0x1EC00] =	vst v63  }
0x351: {  	_ =	swait.ge [sflag:s9], $0x2000  }
0x352: {  	p1 =	por $0x1, $0x1;
	[sflag:s9] =	ssyncset.done $0x0  }
0x353: {  	s6 =	simm.s32 @!p1 $0x8;
	[sflag:s9] =	ssyncadd.s32 $0xFFFFE000  }
0x354: {  	_ =	swait.ge @!p1 [sflag:s6], $0x2000  }
0x355: {  	[sflag:s6] =	ssyncset.done @!p1 $0x0  }
0x356: {  	s29 =	simm.s32 $0x0;
	[sflag:s6] =	ssyncadd.s32 @!p1 $0xFFFFE000  }
0x357: {  	v1 =	vld [tilespmem:s29+$0x14AC0];
	_ =	sdelay $0x4  }
0x358: {  	[tilespmem:$0x1E980] =	vst v1  }
0x359: {  	v1 =	vld [tilespmem:s29+$0x14AD0];
	_ =	sdelay $0x4  }
0x35a: {  	[tilespmem:$0x1E990] =	vst v1  }
0x35b: {  	v1 =	vld [tilespmem:s29+$0x14AE0];
	_ =	sdelay $0x4  }
0x35c: {  	[tilespmem:$0x1E9A0] =	vst v1  }
0x35d: {  	v1 =	vld [tilespmem:s29+$0x14AF0];
	_ =	sdelay $0x4  }
0x35e: {  	[tilespmem:$0x1E9B0] =	vst v1  }
0x35f: {  	[tilespmem:s11], [sflag:$0x4] =	stream.indirect.gather [hbm4b:s1+s2], $0x80, s10, s2, $0xb8;
	[tilespmem:$0x1EC00] =	vst v63  }
0x360: {  	v1 =	vld [tilespmem:s29+$0x15E00];
	_ =	sdelay $0x4  }
0x361: {  	[tilespmem:$0x1EA00] =	vst v1  }
0x362: {  	v1 =	vld [tilespmem:s29+$0x15E10];
	_ =	sdelay $0x4  }
0x363: {  	[tilespmem:$0x1EA10] =	vst v1  }
0x364: {  	v1 =	vld [tilespmem:s29+$0x15E20];
	_ =	sdelay $0x4  }
0x365: {  	[tilespmem:$0x1EA20] =	vst v1  }
0x366: {  	v1 =	vld [tilespmem:s29+$0x15E30];
	_ =	sdelay $0x4  }
0x367: {  	[tilespmem:$0x1EA30] =	vst v1  }
0x368: {  	[spmem:s3] =	stream.indirect.scatter.add.f32 [tilespmem:s30], [sflag:$0x5], $0x80, s12, s2, $0xb8;
	[tilespmem:$0x1EC00] =	vst v63  }
0x369: {  	_ =	swait.ge [sflag:s13], $0x2000  }
0x36a: {  	[sflag:s13] =	ssyncset.done $0x0  }
0x36b: {  	[sflag:s13] =	ssyncadd.s32 $0xFFFFE000  }
0x36c: {  	_ =	swait.ge [sflag:s14], $0x2000  }
0x36d: {  	p1 =	por $0x0, $0x0;
	[sflag:s14] =	ssyncset.done $0x0  }
0x36e: {  	s7 =	simm.s32 @!p1 $0x0;
	[sflag:s14] =	ssyncadd.s32 $0xFFFFE000  }
0x36f: {  	v1 =	vld @!p1 [tilespmem:s7+$0x14B00];
	_ =	sdelay $0x4  }
0x370: {  	[tilespmem:$0x1E800] =	vst @!p1 v1  }
0x371: {  	v1 =	vld @!p1 [tilespmem:s7+$0x14B10];
	_ =	sdelay $0x4  }
0x372: {  	[tilespmem:$0x1E810] =	vst @!p1 v1  }
0x373: {  	v1 =	vld @!p1 [tilespmem:s7+$0x14B20];
	_ =	sdelay $0x4  }
0x374: {  	[tilespmem:$0x1E820] =	vst @!p1 v1  }
0x375: {  	v1 =	vld @!p1 [tilespmem:s7+$0x14B30];
	_ =	sdelay $0x4  }
0x376: {  	s24 =	simm.s32 @!p1 $0x40;
	s25 =	simm.s32 @!p1 $0x1E800;
	s26 =	simm.s32 @!p1 $0x16800;
	[tilespmem:$0x1E830] =	vst @!p1 v1  }
0x377: {  	[tilespmem:s26], [sflag:$0x1] =	stream.indirect.gather @!p1 [hbm4b:s1+s24], $0x80, s25, s24, $0xb8;
	[tilespmem:$0x1EC00] =	vst v63  }
0x378: {  	v1 =	vld [tilespmem:s29+$0x15E40];
	_ =	sdelay $0x4  }
0x379: {  	[tilespmem:$0x1EA80] =	vst v1  }
0x37a: {  	v1 =	vld [tilespmem:s29+$0x15E50];
	_ =	sdelay $0x4  }
0x37b: {  	[tilespmem:$0x1EA90] =	vst v1  }
0x37c: {  	v1 =	vld [tilespmem:s29+$0x15E60];
	_ =	sdelay $0x4  }
0x37d: {  	[tilespmem:$0x1EAA0] =	vst v1  }
0x37e: {  	v1 =	vld [tilespmem:s29+$0x15E70];
	_ =	sdelay $0x4  }
0x37f: {  	[tilespmem:$0x1EAB0] =	vst v1  }
0x380: {  	[spmem:s3] =	stream.indirect.scatter.add.f32 [tilespmem:s5], [sflag:$0x6], $0x80, s15, s2, $0xb8;
	[tilespmem:$0x1EC00] =	vst v63  }
0x381: {  	_ =	swait.ge [sflag:s16], $0x2000  }
0x382: {  	[sflag:s16] =	ssyncset.done $0x0  }
0x383: {  	[sflag:s16] =	ssyncadd.s32 $0xFFFFE000  }
0x384: {  	_ =	swait.ge [sflag:s17], $0x2000  }
0x385: {  	[sflag:s17] =	ssyncset.done $0x0  }
0x386: {  	[sflag:s17] =	ssyncadd.s32 $0xFFFFE000  }
0x387: {  	v1 =	vld @!p1 [tilespmem:s7+$0x14B40];
	_ =	sdelay $0x3  }
0x388: {  	s25 =	simm.s32 $0x140  }
0x389: {  	s26 =	sor.u32 @!p1 $0x50, s25;
	[tilespmem:$0x1E880] =	vst @!p1 v1  }
0x38a: {  	v1 =	vld @!p1 [tilespmem:s26+$0x14A00];
	_ =	sdelay $0x4  }
0x38b: {  	s26 =	sor.u32 @!p1 $0x60, s25;
	[tilespmem:$0x1E890] =	vst @!p1 v1  }
0x38c: {  	v1 =	vld @!p1 [tilespmem:s26+$0x14A00];
	_ =	sdelay $0x4  }
0x38d: {  	s25 =	sor.u32 @!p1 $0x70, s25;
	[tilespmem:$0x1E8A0] =	vst @!p1 v1  }
0x38e: {  	v1 =	vld @!p1 [tilespmem:s25+$0x14A00];
	_ =	sdelay $0x4  }
0x38f: {  	s26 =	simm.s32 @!p1 $0x18800;
	s25 =	simm.s32 @!p1 $0x1E880;
	[tilespmem:$0x1E8B0] =	vst @!p1 v1  }
0x390: {  	[tilespmem:s26], [sflag:$0x2] =	stream.indirect.gather @!p1 [hbm4b:s1+s24], $0x80, s25, s24, $0xb8;
	[tilespmem:$0x1EC00] =	vst v63  }
0x391: {  	v1 =	vld [tilespmem:s29+$0x15E80];
	_ =	sdelay $0x4  }
0x392: {  	[tilespmem:$0x1EB00] =	vst v1  }
0x393: {  	v1 =	vld [tilespmem:s29+$0x15E90];
	_ =	sdelay $0x4  }
0x394: {  	[tilespmem:$0x1EB10] =	vst v1  }
0x395: {  	v1 =	vld [tilespmem:s29+$0x15EA0];
	_ =	sdelay $0x4  }
0x396: {  	[tilespmem:$0x1EB20] =	vst v1  }
0x397: {  	v1 =	vld [tilespmem:s29+$0x15EB0];
	_ =	sdelay $0x4  }
0x398: {  	[tilespmem:$0x1EB30] =	vst v1  }
0x399: {  	[spmem:s3] =	stream.indirect.scatter.add.f32 [tilespmem:s8], [sflag:$0x7], $0x80, s18, s2, $0xb8;
	[tilespmem:$0x1EC00] =	vst v63  }
0x39a: {  	_ =	swait.ge [sflag:s19], $0x2000  }
0x39b: {  	[sflag:s19] =	ssyncset.done $0x0  }
0x39c: {  	[sflag:s19] =	ssyncadd.s32 $0xFFFFE000  }
0x39d: {  	_ =	swait.ge [sflag:s20], $0x2000  }
0x39e: {  	[sflag:s20] =	ssyncset.done $0x0  }
0x39f: {  	[sflag:s20] =	ssyncadd.s32 $0xFFFFE000  }
0x3a0: {  	v1 =	vld @!p1 [tilespmem:s7+$0x14B80];
	_ =	sdelay $0x4  }
0x3a1: {  	[tilespmem:$0x1E900] =	vst @!p1 v1  }
0x3a2: {  	v1 =	vld @!p1 [tilespmem:s7+$0x14B90];
	_ =	sdelay $0x4  }
0x3a3: {  	[tilespmem:$0x1E910] =	vst @!p1 v1  }
0x3a4: {  	v1 =	vld @!p1 [tilespmem:s7+$0x14BA0];
	_ =	sdelay $0x4  }
0x3a5: {  	[tilespmem:$0x1E920] =	vst @!p1 v1  }
0x3a6: {  	v1 =	vld @!p1 [tilespmem:s7+$0x14BB0];
	_ =	sdelay $0x4  }
0x3a7: {  	s25 =	simm.s32 @!p1 $0x1A800;
	s7 =	simm.s32 @!p1 $0x1E900;
	[tilespmem:$0x1E930] =	vst @!p1 v1  }
0x3a8: {  	[tilespmem:s25], [sflag:$0x3] =	stream.indirect.gather @!p1 [hbm4b:s1+s24], $0x80, s7, s24, $0xb8;
	[tilespmem:$0x1EC00] =	vst v63  }
0x3a9: {  	v1 =	vld [tilespmem:s29+$0x15EC0];
	_ =	sdelay $0x4  }
0x3aa: {  	[tilespmem:$0x1EB80] =	vst v1  }
0x3ab: {  	v1 =	vld [tilespmem:s29+$0x15ED0];
	_ =	sdelay $0x4  }
0x3ac: {  	[tilespmem:$0x1EB90] =	vst v1  }
0x3ad: {  	v1 =	vld [tilespmem:s29+$0x15EE0];
	_ =	sdelay $0x4  }
0x3ae: {  	[tilespmem:$0x1EBA0] =	vst v1  }
0x3af: {  	v1 =	vld [tilespmem:s29+$0x15EF0];
	_ =	sdelay $0x4  }
0x3b0: {  	s28 =	simm.s32 $0x240;
	s24 =	simm.s32 $0x400;
	[tilespmem:$0x1EBB0] =	vst v1  }
.LBB2_11:
0x3b1: {  	[spmem:s3] =	stream.indirect.scatter.add.f32 [tilespmem:s11], [sflag:$0x8], $0x80, s21, s2, $0xb8;
	[tilespmem:$0x1EC00] =	vst v63  }
0x3b2: {  	s6 =	smov.u32 s24;
	s24 =	sadd.s32 $0x400, s24;
	_ =	swait.ge [sflag:s9], $0x2000  }
0x3b3: {  	p2 =	seq.s32 s6, $0x0;
	p1 =	sne.s32 s24, $0x2800;
	[sflag:s9] =	ssyncset.done $0x0  }
0x3b4: {  	s7 =	simm.s32 @!p2 $0x8;
	[sflag:s9] =	ssyncadd.s32 $0xFFFFE000  }
0x3b5: {  	_ =	swait.ge @!p2 [sflag:s7], $0x2000  }
0x3b6: {  	[sflag:s7] =	ssyncset.done @!p2 $0x0  }
0x3b7: {  	s29 =	sshra.s32 s6, $0x2;
	[sflag:s7] =	ssyncadd.s32 @!p2 $0xFFFFE000  }
0x3b8: {  	v1 =	vld [tilespmem:s29+$0x14AC0];
	_ =	sdelay $0x4  }
0x3b9: {  	[tilespmem:$0x1E980] =	vst v1  }
0x3ba: {  	v1 =	vld [tilespmem:s29+$0x14AD0];
	_ =	sdelay $0x4  }
0x3bb: {  	[tilespmem:$0x1E990] =	vst v1  }
0x3bc: {  	v1 =	vld [tilespmem:s29+$0x14AE0];
	_ =	sdelay $0x4  }
0x3bd: {  	[tilespmem:$0x1E9A0] =	vst v1  }
0x3be: {  	v1 =	vld [tilespmem:s29+$0x14AF0];
	_ =	sdelay $0x4  }
0x3bf: {  	[tilespmem:$0x1E9B0] =	vst v1  }
0x3c0: {  	[tilespmem:s11], [sflag:$0x4] =	stream.indirect.gather [hbm4b:s1+s2], $0x80, s10, s2, $0xb8;
	[tilespmem:$0x1EC00] =	vst v63  }
0x3c1: {  	v1 =	vld [tilespmem:s29+$0x15E00];
	_ =	sdelay $0x4  }
0x3c2: {  	[tilespmem:$0x1EA00] =	vst v1  }
0x3c3: {  	v1 =	vld [tilespmem:s29+$0x15E10];
	_ =	sdelay $0x4  }
0x3c4: {  	[tilespmem:$0x1EA10] =	vst v1  }
0x3c5: {  	v1 =	vld [tilespmem:s29+$0x15E20];
	_ =	sdelay $0x4  }
0x3c6: {  	[tilespmem:$0x1EA20] =	vst v1  }
0x3c7: {  	v1 =	vld [tilespmem:s29+$0x15E30];
	_ =	sdelay $0x4  }
0x3c8: {  	[tilespmem:$0x1EA30] =	vst v1  }
0x3c9: {  	[spmem:s3] =	stream.indirect.scatter.add.f32 [tilespmem:s30], [sflag:$0x5], $0x80, s12, s2, $0xb8;
	[tilespmem:$0x1EC00] =	vst v63  }
0x3ca: {  	_ =	swait.ge [sflag:s13], $0x2000  }
0x3cb: {  	[sflag:s13] =	ssyncset.done $0x0  }
0x3cc: {  	[sflag:s13] =	ssyncadd.s32 $0xFFFFE000  }
0x3cd: {  	_ =	swait.ge [sflag:s14], $0x2000  }
0x3ce: {  	p2 =	seq.s32 s6, $0x2400;
	[sflag:s14] =	ssyncset.done $0x0  }
0x3cf: {  	s6 =	sshra.s32 @!p2 s6, $0x2;
	[sflag:s14] =	ssyncadd.s32 $0xFFFFE000  }
0x3d0: {  	v1 =	vld @!p2 [tilespmem:s6+$0x14B00];
	_ =	sdelay $0x4  }
0x3d1: {  	[tilespmem:$0x1E800] =	vst @!p2 v1  }
0x3d2: {  	v1 =	vld @!p2 [tilespmem:s6+$0x14B10];
	_ =	sdelay $0x4  }
0x3d3: {  	[tilespmem:$0x1E810] =	vst @!p2 v1  }
0x3d4: {  	v1 =	vld @!p2 [tilespmem:s6+$0x14B20];
	_ =	sdelay $0x4  }
0x3d5: {  	[tilespmem:$0x1E820] =	vst @!p2 v1  }
0x3d6: {  	v1 =	vld @!p2 [tilespmem:s6+$0x14B30];
	_ =	sdelay $0x4  }
0x3d7: {  	s7 =	simm.s32 @!p2 $0x40;
	s25 =	simm.s32 @!p2 $0x1E800;
	s26 =	simm.s32 @!p2 $0x16800;
	[tilespmem:$0x1E830] =	vst @!p2 v1  }
0x3d8: {  	[tilespmem:s26], [sflag:$0x1] =	stream.indirect.gather @!p2 [hbm4b:s1+s7], $0x80, s25, s7, $0xb8;
	[tilespmem:$0x1EC00] =	vst v63  }
0x3d9: {  	v1 =	vld [tilespmem:s29+$0x15E40];
	_ =	sdelay $0x4  }
0x3da: {  	[tilespmem:$0x1EA80] =	vst v1  }
0x3db: {  	v1 =	vld [tilespmem:s29+$0x15E50];
	_ =	sdelay $0x4  }
0x3dc: {  	[tilespmem:$0x1EA90] =	vst v1  }
0x3dd: {  	v1 =	vld [tilespmem:s29+$0x15E60];
	_ =	sdelay $0x4  }
0x3de: {  	[tilespmem:$0x1EAA0] =	vst v1  }
0x3df: {  	v1 =	vld [tilespmem:s29+$0x15E70];
	_ =	sdelay $0x4  }
0x3e0: {  	[tilespmem:$0x1EAB0] =	vst v1  }
0x3e1: {  	[spmem:s3] =	stream.indirect.scatter.add.f32 [tilespmem:s5], [sflag:$0x6], $0x80, s15, s2, $0xb8;
	[tilespmem:$0x1EC00] =	vst v63  }
0x3e2: {  	_ =	swait.ge [sflag:s16], $0x2000  }
0x3e3: {  	[sflag:s16] =	ssyncset.done $0x0  }
0x3e4: {  	[sflag:s16] =	ssyncadd.s32 $0xFFFFE000  }
0x3e5: {  	_ =	swait.ge [sflag:s17], $0x2000  }
0x3e6: {  	[sflag:s17] =	ssyncset.done $0x0  }
0x3e7: {  	[sflag:s17] =	ssyncadd.s32 $0xFFFFE000  }
0x3e8: {  	v1 =	vld @!p2 [tilespmem:s6+$0x14B40];
	_ =	sdelay $0x4  }
0x3e9: {  	s25 =	sor.u32 @!p2 $0x50, s28;
	[tilespmem:$0x1E880] =	vst @!p2 v1  }
0x3ea: {  	v1 =	vld @!p2 [tilespmem:s25+$0x14A00];
	_ =	sdelay $0x4  }
0x3eb: {  	s25 =	sor.u32 @!p2 $0x60, s28;
	[tilespmem:$0x1E890] =	vst @!p2 v1  }
0x3ec: {  	v1 =	vld @!p2 [tilespmem:s25+$0x14A00];
	_ =	sdelay $0x4  }
0x3ed: {  	s25 =	sor.u32 @!p2 $0x70, s28;
	[tilespmem:$0x1E8A0] =	vst @!p2 v1  }
0x3ee: {  	v1 =	vld @!p2 [tilespmem:s25+$0x14A00];
	_ =	sdelay $0x4  }
0x3ef: {  	s26 =	simm.s32 @!p2 $0x18800;
	s25 =	simm.s32 @!p2 $0x1E880;
	[tilespmem:$0x1E8B0] =	vst @!p2 v1  }
0x3f0: {  	[tilespmem:s26], [sflag:$0x2] =	stream.indirect.gather @!p2 [hbm4b:s1+s7], $0x80, s25, s7, $0xb8;
	[tilespmem:$0x1EC00] =	vst v63  }
0x3f1: {  	v1 =	vld [tilespmem:s29+$0x15E80];
	_ =	sdelay $0x4  }
0x3f2: {  	[tilespmem:$0x1EB00] =	vst v1  }
0x3f3: {  	v1 =	vld [tilespmem:s29+$0x15E90];
	_ =	sdelay $0x4  }
0x3f4: {  	[tilespmem:$0x1EB10] =	vst v1  }
0x3f5: {  	v1 =	vld [tilespmem:s29+$0x15EA0];
	_ =	sdelay $0x4  }
0x3f6: {  	[tilespmem:$0x1EB20] =	vst v1  }
0x3f7: {  	v1 =	vld [tilespmem:s29+$0x15EB0];
	_ =	sdelay $0x4  }
0x3f8: {  	[tilespmem:$0x1EB30] =	vst v1  }
0x3f9: {  	[spmem:s3] =	stream.indirect.scatter.add.f32 [tilespmem:s8], [sflag:$0x7], $0x80, s18, s2, $0xb8;
	[tilespmem:$0x1EC00] =	vst v63  }
0x3fa: {  	_ =	swait.ge [sflag:s19], $0x2000  }
0x3fb: {  	[sflag:s19] =	ssyncset.done $0x0  }
0x3fc: {  	[sflag:s19] =	ssyncadd.s32 $0xFFFFE000  }
0x3fd: {  	_ =	swait.ge [sflag:s20], $0x2000  }
0x3fe: {  	[sflag:s20] =	ssyncset.done $0x0  }
0x3ff: {  	[sflag:s20] =	ssyncadd.s32 $0xFFFFE000  }
0x400: {  	v1 =	vld @!p2 [tilespmem:s6+$0x14B80];
	_ =	sdelay $0x4  }
0x401: {  	[tilespmem:$0x1E900] =	vst @!p2 v1  }
0x402: {  	v1 =	vld @!p2 [tilespmem:s6+$0x14B90];
	_ =	sdelay $0x4  }
0x403: {  	[tilespmem:$0x1E910] =	vst @!p2 v1  }
0x404: {  	v1 =	vld @!p2 [tilespmem:s6+$0x14BA0];
	_ =	sdelay $0x4  }
0x405: {  	[tilespmem:$0x1E920] =	vst @!p2 v1  }
0x406: {  	v1 =	vld @!p2 [tilespmem:s6+$0x14BB0];
	_ =	sdelay $0x4  }
0x407: {  	s25 =	simm.s32 @!p2 $0x1A800;
	s6 =	simm.s32 @!p2 $0x1E900;
	[tilespmem:$0x1E930] =	vst @!p2 v1  }
0x408: {  	[tilespmem:s25], [sflag:$0x3] =	stream.indirect.gather @!p2 [hbm4b:s1+s7], $0x80, s6, s7, $0xb8;
	[tilespmem:$0x1EC00] =	vst v63  }
0x409: {  	v1 =	vld [tilespmem:s29+$0x15EC0];
	_ =	sdelay $0x4  }
0x40a: {  	[tilespmem:$0x1EB80] =	vst v1  }
0x40b: {  	v1 =	vld [tilespmem:s29+$0x15ED0];
	_ =	sdelay $0x4  }
0x40c: {  	[tilespmem:$0x1EB90] =	vst v1  }
0x40d: {  	v1 =	vld [tilespmem:s29+$0x15EE0];
	_ =	sdelay $0x4  }
0x40e: {  	[tilespmem:$0x1EBA0] =	vst v1  }
0x40f: {  	v1 =	vld [tilespmem:s29+$0x15EF0]  }
.Ltmp7:
0x410: {  	(pc) =	sbr.rel @p1 .LBB2_11-.Ltmp7, $2  }
0x411: {  	_ =	sdelay $0x2  }
0x412: {  	s28 =	sadd.s32 $0x100, s28;
	[tilespmem:$0x1EBB0] =	vst v1  }
.Ltmp8:
0x413: {  	_ = 	snop;
	(pc) =	sbr.rel .LBB2_12-.Ltmp8, $1  }
0x414: {  	_ =	sdelay $0x3  }
.LBB2_14:
0x415: {  	_ =	sfence.sel $0x180000  }
0x416: {  	[bflag:$0x0] =	sbarrier.arrive $0xFFFF  }
0x417: {  	_ =	strace $0x90000047  }
0x418: {  	s0 =	stileid.u32;
	[bflag:$0x2] =	sbarrier.arrive $0xFFFF  }
0x419: {  	p0 =	sne.s32 s0, $0x0;
	s0 =	rddreg [dreg:$0x4]  }
0x41a: {  	s0 =	sadd.s32 @!p0 $0x100000, s0  }
0x41b: {  	[sflag:s0] =	ssyncadd.tile.s32 @!p0 $0x1;
	_ =	shalt  }
.Lfunc_end2:
_tile_overlayer_lowered:
.L_overlay_start_2:
0x41c: {  	(tag) =	ssettag $0x2  }
0x41d: {  	s0 =	rddreg [dreg:$0x0];
	s2 =	stileid.u32  }
0x41e: {  	s1 =	rddreg [dreg:$0x1];
	p0 =	sne.s32 s2, $0x0  }
0x41f: {  	s3 =	rddreg [dreg:$0x2];
	[bflag:$0x3] =	sbarrier.arrive $0xFFFF;
	s2 =	simm.s32 @!p0 $0x1C0B  }
0x420: {  	[timem:s3], [sflag:s2] =	dma.local @!p0 [hbm:s0], s1  }
0x421: {  	s0 =	simm.s32 @!p0 $0xB  }
0x422: {  	_ =	swait.ge @!p0 [sflag:s0], s1  }
0x423: {  	s1 =	ssub.s32 @!p0 $0x0, s1;
	[sflag:s0] =	ssyncset.done @!p0 $0x0  }
0x424: {  	[sflag:s0] =	ssyncadd.s32 @!p0 s1  }
0x425: {  	[bflag:$0x3] =	sbarrier.arrive $0xFFFF  }
0x426: {  	_ =	shalt  }

</sc_bundles>
